<compile_context>
chip_gen: v7x
topology: tpu7x:2x2x1
jax: 0.10.2.dev20260603
libtpu: 0.0.44.dev20260713+nightly
codegen_flags: <defaults>
</compile_context>

<pallas_src>
import functools

import jax
import jax.numpy as jnp
from jax import lax
from jax.experimental import pallas as pl
from jax.experimental.pallas import tpu as pltpu
from jax.experimental.pallas import tpu_sc as plsc

N = 10000
E = 320000
D_IN = 128
D_HID = 128
C = 40
CP = 48

NC = 2
NS = 16
NW = NC * NS
EPT = E // NW
CHUNK = 80
CPT = EPT // CHUNK
IB = 25
NB = CPT // IB
NPT = N // NS
ZROWS = 25
DEGW = 16

_mesh = plsc.VectorSubcoreMesh(core_axis_name="c", subcore_axis_name="s")


def _zero_fill(zb_v, width):
    def zrow(i, carry):
        for j in range(width // 16):
            zb_v[i, pl.ds(j * 16, 16)] = jnp.zeros((16,), jnp.float32)
        return carry
    lax.fori_loop(0, ZROWS, zrow, 0)


def _zero_acc(acc_sh, zb_v, s):
    def zcp(t, carry):
        pltpu.sync_copy(zb_v, acc_sh.at[pl.ds(s * NPT + t * ZROWS, ZROWS)])
        return carry
    lax.fori_loop(0, NPT // ZROWS, zcp, 0)


def _make_edge_agg(D):
    NBUF = 3

    @functools.partial(
        pl.kernel,
        out_type=jax.ShapeDtypeStruct((NC, NS, NPT, D), jnp.float32),
        mesh=_mesh,
        scratch_types=[
            pltpu.VMEM((IB, CHUNK), jnp.int32),
            pltpu.VMEM((IB, CHUNK), jnp.int32),
            pltpu.VMEM((CHUNK, D), jnp.float32),
            pltpu.VMEM((CHUNK, D), jnp.float32),
            pltpu.VMEM((CHUNK, D), jnp.float32),
            pltpu.VMEM_SHARED((N, D), jnp.float32),
            pltpu.SemaphoreType.DMA,
            pltpu.SemaphoreType.DMA,
            pltpu.SemaphoreType.DMA,
            pltpu.SemaphoreType.DMA,
            pltpu.SemaphoreType.DMA,
            pltpu.SemaphoreType.DMA,
        ],
    )
    def agg(table_hbm, src_hbm, dst_hbm, out_hbm, src_v, dst_v, rows0_v,
            rows1_v, rows2_v, acc_sh, gs0, gs1, gs2, ss0, ss1, ss2):
        c = lax.axis_index("c")
        s = lax.axis_index("s")
        wid = c * NS + s
        bufs = (rows0_v, rows1_v, rows2_v)
        gsems = (gs0, gs1, gs2)
        ssems = (ss0, ss1, ss2)

        def zrow(i, carry):
            for cc in range(D // 16):
                rows0_v[i, pl.ds(cc * 16, 16)] = jnp.zeros((16,), jnp.float32)
            return carry
        lax.fori_loop(0, CHUNK, zrow, 0)
        for k in range(NPT // CHUNK):
            pltpu.sync_copy(rows0_v, acc_sh.at[pl.ds(s * NPT + k * CHUNK,
                                                     CHUNK)])
        rem = NPT - (NPT // CHUNK) * CHUNK
        if rem:
            pltpu.sync_copy(rows0_v.at[pl.ds(0, rem)],
                            acc_sh.at[pl.ds(s * NPT + NPT - rem, rem)])
        plsc.subcore_barrier()

        def block(b, carry):
            pltpu.sync_copy(src_hbm.at[wid, b], src_v)
            pltpu.sync_copy(dst_hbm.at[wid, b], dst_v)
            gd = {0: pltpu.async_copy(table_hbm.at[src_v.at[0]], bufs[0],
                                      gsems[0])}
            sd = {}
            for j in range(IB):
                if j - 2 >= 0:
                    sd[j - 2].wait()
                if j + 1 < IB:
                    gd[j + 1] = pltpu.async_copy(
                        table_hbm.at[src_v.at[j + 1]], bufs[(j + 1) % NBUF],
                        gsems[(j + 1) % NBUF])
                gd[j].wait()
                sd[j] = pltpu.async_copy(bufs[j % NBUF],
                                         acc_sh.at[dst_v.at[j]],
                                         ssems[j % NBUF], add=True)
            sd[IB - 2].wait()
            sd[IB - 1].wait()
            return carry
        lax.fori_loop(0, NB, block, 0)

        plsc.subcore_barrier()
        pltpu.sync_copy(acc_sh.at[pl.ds(s * NPT, NPT)], out_hbm.at[c, s])

    return agg


_edge_agg_hid = _make_edge_agg(D_HID)


@functools.partial(
    pl.kernel,
    out_type=jax.ShapeDtypeStruct((NC, NS, NPT, D_HID), jnp.float32),
    mesh=_mesh,
    scratch_types=[
        pltpu.VMEM((IB, CHUNK), jnp.int32),
        pltpu.VMEM((CHUNK, D_HID), jnp.float32),
        pltpu.VMEM((ZROWS, D_HID), jnp.float32),
        pltpu.VMEM_SHARED((N, D_HID), jnp.float32),
    ],
)
def _deg_hist(dst_hbm, out_hbm, dst_v, ones_v, zb_v, acc_sh):
    c = lax.axis_index("c")
    s = lax.axis_index("s")
    wid = c * NS + s

    def orow(i, carry):
        for cc in range(D_HID // 16):
            ones_v[i, pl.ds(cc * 16, 16)] = jnp.ones((16,), jnp.float32)
        return carry
    lax.fori_loop(0, CHUNK, orow, 0)
    _zero_fill(zb_v, D_HID)
    _zero_acc(acc_sh, zb_v, s)
    plsc.subcore_barrier()

    def block(b, carry):
        pltpu.sync_copy(dst_hbm.at[wid, b], dst_v)

        def chunk(j, carry2):
            pltpu.sync_copy(ones_v, acc_sh.at[dst_v.at[j]], add=True)
            return carry2
        lax.fori_loop(0, IB, chunk, 0)
        return carry
    lax.fori_loop(0, NB, block, 0)

    plsc.subcore_barrier()
    pltpu.sync_copy(acc_sh.at[pl.ds(s * NPT, NPT)], out_hbm.at[c, s])


R = 1000
G = N // R


def _tc1_body(degp_ref, x_ref, w1_ref, hs_ref, dinv_ref):
    degp = degp_ref[...]
    deg = degp[:, 0:1] + degp[:, 1:2] + 1.0
    dinv = lax.rsqrt(jnp.maximum(deg, 1.0))
    h = jnp.dot(x_ref[...], w1_ref[...], preferred_element_type=jnp.float32)
    hs_ref[...] = h * dinv
    dinv_ref[...] = dinv


_tc1 = pl.pallas_call(
    _tc1_body,
    grid=(G,),
    in_specs=[
        pl.BlockSpec((R, 2), lambda i: (i, 0)),
        pl.BlockSpec((R, D_IN), lambda i: (i, 0)),
        pl.BlockSpec((D_IN, D_HID), lambda i: (0, 0)),
    ],
    out_specs=[
        pl.BlockSpec((R, D_HID), lambda i: (i, 0)),
        pl.BlockSpec((R, 1), lambda i: (i, 0)),
    ],
    out_shape=[
        jax.ShapeDtypeStruct((N, D_HID), jnp.float32),
        jax.ShapeDtypeStruct((N, 1), jnp.float32),
    ],
)


def _tc2_body(aggp_ref, hs_ref, dinv_ref, b1_ref, u_ref):
    aggp = aggp_ref[...]
    dinv = dinv_ref[...]
    a = (aggp[0] + aggp[1] + hs_ref[...]) * dinv + b1_ref[...]
    u_ref[...] = jnp.maximum(a, 0.0) * dinv


_tc2 = pl.pallas_call(
    _tc2_body,
    grid=(G,),
    in_specs=[
        pl.BlockSpec((2, R, D_HID), lambda i: (0, i, 0)),
        pl.BlockSpec((R, D_HID), lambda i: (i, 0)),
        pl.BlockSpec((R, 1), lambda i: (i, 0)),
        pl.BlockSpec((1, D_HID), lambda i: (0, 0)),
    ],
    out_specs=pl.BlockSpec((R, D_HID), lambda i: (i, 0)),
    out_shape=jax.ShapeDtypeStruct((N, D_HID), jnp.float32),
)


def _tc3_body(ag2_ref, u_ref, dinv_ref, w2_ref, b2_ref, out_ref):
    ag2 = ag2_ref[...]
    v = (ag2[0] + ag2[1] + u_ref[...]) * dinv_ref[...]
    z = jnp.dot(v, w2_ref[...], preferred_element_type=jnp.float32) + b2_ref[...]
    col = lax.broadcasted_iota(jnp.int32, (R, CP), 1)
    valid = col < C
    zm = jnp.where(valid, z, -jnp.inf)
    mx = jnp.max(zm, axis=1, keepdims=True)
    ex = jnp.where(valid, jnp.exp(z - mx), 0.0)
    se = jnp.sum(ex, axis=1, keepdims=True)
    out_ref[...] = (z - mx - jnp.log(se))[:, :C]


_tc3 = pl.pallas_call(
    _tc3_body,
    grid=(G,),
    in_specs=[
        pl.BlockSpec((2, R, D_HID), lambda i: (0, i, 0)),
        pl.BlockSpec((R, D_HID), lambda i: (i, 0)),
        pl.BlockSpec((R, 1), lambda i: (i, 0)),
        pl.BlockSpec((D_HID, CP), lambda i: (0, 0)),
        pl.BlockSpec((1, CP), lambda i: (0, 0)),
    ],
    out_specs=pl.BlockSpec((R, C), lambda i: (i, 0)),
    out_shape=jax.ShapeDtypeStruct((N, C), jnp.float32),
)


def kernel(x, edge_index, W1, b1, W2, b2):
    src = edge_index[0].astype(jnp.int32).reshape(NW, NB, IB, CHUNK)
    dst = edge_index[1].astype(jnp.int32).reshape(NW, NB, IB, CHUNK)
    degp = _deg_hist(dst)[:, :, :, 0].reshape(NC, N).T
    hs, dinv = _tc1(degp, x, W1)
    aggp = _edge_agg_hid(hs, src, dst).reshape(NC, N, D_HID)
    u = _tc2(aggp, hs, dinv, b1.reshape(1, D_HID))
    ag2p = _edge_agg_hid(u, src, dst).reshape(NC, N, D_HID)
    w2p = jnp.pad(W2, ((0, 0), (0, CP - C)))
    b2p = jnp.pad(b2, (0, CP - C)).reshape(1, CP)
    return _tc3(ag2p, u, dinv, w2p, b2p)

# --- scband reference (transcript-rebuilt; emitter-appended) ---
"""Pipeline reference for scband-gcnnet-27187142983949 (READ-ONLY COPY).

The authoritative reference and input builder live on the scoring server;
editing this copy changes nothing except your own understanding.
"""

import jax, jax.numpy as jnp
import numpy as np

N_NODES = 10000
N_EDGES = 320000
D_IN = 128
D_HID = 128
N_CLASSES = 40


def gcn_conv(x, edge_index, W, b):
    N = x.shape[0]
    loop = jnp.arange(N, dtype=edge_index.dtype)
    src = jnp.concatenate([edge_index[0], loop])
    dst = jnp.concatenate([edge_index[1], loop])
    ones = jnp.ones(src.shape[0], dtype=x.dtype)
    deg = jax.ops.segment_sum(ones, dst, num_segments=N)
    dinv = jax.lax.rsqrt(jnp.maximum(deg, 1.0))
    h = x @ W
    norm = dinv[src] * dinv[dst]
    msg = h[src] * norm[:, None]
    out = jax.ops.segment_sum(msg, dst, num_segments=N)
    return out + b


def setup_inputs(seed: int = 0) -> dict:
    key = jax.random.key(seed)
    k1, k2, k3, k4, k5 = jax.random.split(key, 5)
    x = jax.random.normal(k1, (N_NODES, D_IN), dtype=jnp.float32)
    edge_index = jax.random.randint(k2, (2, N_EDGES), 0, N_NODES, dtype=jnp.int64)
    s1 = 1.0 / np.sqrt(D_IN)
    s2 = 1.0 / np.sqrt(D_HID)
    W1 = jax.random.uniform(k3, (D_IN, D_HID), jnp.float32, -s1, s1)
    b1 = jnp.zeros((D_HID,), dtype=jnp.float32)
    W2 = jax.random.uniform(k4, (D_HID, N_CLASSES), jnp.float32, -s2, s2)
    b2 = jnp.zeros((N_CLASSES,), dtype=jnp.float32)
    return {"x": x, "edge_index": edge_index, "W1": W1, "b1": b1, "W2": W2, "b2": b2}


def reference(x, edge_index, W1, b1, W2, b2):
    h = gcn_conv(x, edge_index, W1, b1)
    h = jax.nn.relu(h)
    # F.dropout(training=self.training): evaluated in eval mode -> identity
    h = gcn_conv(h, edge_index, W2, b2)
    return jax.nn.log_softmax(h, axis=1)

if __name__ == "__main__":
    import jax
    _d = setup_inputs()
    print(jax.jit(kernel)(*tuple(_d.values())))

</pallas_src>

<mosaic_0001>
#map = affine_map<(d0, d1) -> (0, 0)>
#map1 = affine_map<(d0, d1) -> (0, 0, 0, 0)>
module attributes {stable_mosaic.version = 14 : i64} {
  func.func @agg(%arg0: i32, %arg1: i32, %arg2: memref<10000x128xf32, #tpu.memory_space<hbm>>, %arg3: memref<32x5x25x80xi32, #tpu.memory_space<hbm>>, %arg4: memref<32x5x25x80xi32, #tpu.memory_space<hbm>>, %arg5: memref<2x16x625x128xf32, #tpu.memory_space<hbm>>, %arg6: memref<25x80xi32, #tpu.memory_space<vmem>>, %arg7: memref<25x80xi32, #tpu.memory_space<vmem>>, %arg8: memref<80x128xf32, #tpu.memory_space<vmem>>, %arg9: memref<80x128xf32, #tpu.memory_space<vmem>>, %arg10: memref<80x128xf32, #tpu.memory_space<vmem>>, %arg11: memref<10000x128xf32, #tpu.memory_space<vmem_shared>>, %arg12: memref<!tpu.dma_semaphore, #tpu.memory_space<semaphore_mem>>, %arg13: memref<!tpu.dma_semaphore, #tpu.memory_space<semaphore_mem>>, %arg14: memref<!tpu.dma_semaphore, #tpu.memory_space<semaphore_mem>>, %arg15: memref<!tpu.dma_semaphore, #tpu.memory_space<semaphore_mem>>, %arg16: memref<!tpu.dma_semaphore, #tpu.memory_space<semaphore_mem>>, %arg17: memref<!tpu.dma_semaphore, #tpu.memory_space<semaphore_mem>>) attributes {dimension_semantics = [#tpu.dimension_semantics<core_parallel>, #tpu.dimension_semantics<subcore_parallel>], iteration_bounds = array<i64: 2, 16>, scalar_prefetch = 0 : i64, scratch_operands = 12 : i64, tpu.core_type = #tpu.core_type<sc_vector_subcore>, window_params = [{transform_indices = #map}, {transform_indices = #map1}, {transform_indices = #map1}, {transform_indices = #map1}]} {
    %mul3A = arith.constant 16 : i32
    %mul3A_0 = arith.muli %arg0, %mul3A : i32
    %add3A = arith.addi %mul3A_0, %arg1 : i32
    %scan3A = arith.constant 0 : i32
    %scan3A_1 = arith.constant 0 : i32
    %scan3A_2 = arith.constant 80 : i32
    %scan3A_3 = arith.addi %scan3A_1, %scan3A_2 : i32
    %scan3A_4 = arith.constant 1 : i32
    scf.for %scan3A_48 = %scan3A_1 to %scan3A_3 step %scan3A_4  : i32 {
      %broadcast_in_dim3A = arith.constant 0.000000e+00 : f32
      %broadcast_in_dim3A_49 = vector.broadcast %broadcast_in_dim3A : f32 to vector<16xf32>
      %swap3A = arith.index_cast %scan3A_48 : i32 to index
      %swap3A_50 = arith.constant 0 : index
      %swap3A_51 = tpu.vector_load %arg8[%swap3A, %swap3A_50] {strides = array<i32>} : memref<80x128xf32, #tpu.memory_space<vmem>>, vector<1x16xf32>,
      %swap3A_52 = vector.shape_cast %swap3A_51 : vector<1x16xf32> to vector<16xf32>
      %swap3A_53 = vector.shape_cast %broadcast_in_dim3A_49 : vector<16xf32> to vector<1x16xf32>
      tpu.vector_store %arg8[%swap3A, %swap3A_50], %swap3A_53 {strides = array<i32>} : memref<80x128xf32, #tpu.memory_space<vmem>>, vector<1x16xf32>,
      %broadcast_in_dim3A_54 = arith.constant 0.000000e+00 : f32
      %broadcast_in_dim3A_55 = vector.broadcast %broadcast_in_dim3A_54 : f32 to vector<16xf32>
      %swap3A_56 = arith.index_cast %scan3A_48 : i32 to index
      %swap3A_57 = arith.constant 16 : index
      %swap3A_58 = tpu.vector_load %arg8[%swap3A_56, %swap3A_57] {strides = array<i32>} : memref<80x128xf32, #tpu.memory_space<vmem>>, vector<1x16xf32>,
      %swap3A_59 = vector.shape_cast %swap3A_58 : vector<1x16xf32> to vector<16xf32>
      %swap3A_60 = vector.shape_cast %broadcast_in_dim3A_55 : vector<16xf32> to vector<1x16xf32>
      tpu.vector_store %arg8[%swap3A_56, %swap3A_57], %swap3A_60 {strides = array<i32>} : memref<80x128xf32, #tpu.memory_space<vmem>>, vector<1x16xf32>,
      %broadcast_in_dim3A_61 = arith.constant 0.000000e+00 : f32
      %broadcast_in_dim3A_62 = vector.broadcast %broadcast_in_dim3A_61 : f32 to vector<16xf32>
      %swap3A_63 = arith.index_cast %scan3A_48 : i32 to index
      %swap3A_64 = arith.constant 32 : index
      %swap3A_65 = tpu.vector_load %arg8[%swap3A_63, %swap3A_64] {strides = array<i32>} : memref<80x128xf32, #tpu.memory_space<vmem>>, vector<1x16xf32>,
      %swap3A_66 = vector.shape_cast %swap3A_65 : vector<1x16xf32> to vector<16xf32>
      %swap3A_67 = vector.shape_cast %broadcast_in_dim3A_62 : vector<16xf32> to vector<1x16xf32>
      tpu.vector_store %arg8[%swap3A_63, %swap3A_64], %swap3A_67 {strides = array<i32>} : memref<80x128xf32, #tpu.memory_space<vmem>>, vector<1x16xf32>,
      %broadcast_in_dim3A_68 = arith.constant 0.000000e+00 : f32
      %broadcast_in_dim3A_69 = vector.broadcast %broadcast_in_dim3A_68 : f32 to vector<16xf32>
      %swap3A_70 = arith.index_cast %scan3A_48 : i32 to index
      %swap3A_71 = arith.constant 48 : index
      %swap3A_72 = tpu.vector_load %arg8[%swap3A_70, %swap3A_71] {strides = array<i32>} : memref<80x128xf32, #tpu.memory_space<vmem>>, vector<1x16xf32>,
      %swap3A_73 = vector.shape_cast %swap3A_72 : vector<1x16xf32> to vector<16xf32>
      %swap3A_74 = vector.shape_cast %broadcast_in_dim3A_69 : vector<16xf32> to vector<1x16xf32>
      tpu.vector_store %arg8[%swap3A_70, %swap3A_71], %swap3A_74 {strides = array<i32>} : memref<80x128xf32, #tpu.memory_space<vmem>>, vector<1x16xf32>,
      %broadcast_in_dim3A_75 = arith.constant 0.000000e+00 : f32
      %broadcast_in_dim3A_76 = vector.broadcast %broadcast_in_dim3A_75 : f32 to vector<16xf32>
      %swap3A_77 = arith.index_cast %scan3A_48 : i32 to index
      %swap3A_78 = arith.constant 64 : index
      %swap3A_79 = tpu.vector_load %arg8[%swap3A_77, %swap3A_78] {strides = array<i32>} : memref<80x128xf32, #tpu.memory_space<vmem>>, vector<1x16xf32>,
      %swap3A_80 = vector.shape_cast %swap3A_79 : vector<1x16xf32> to vector<16xf32>
      %swap3A_81 = vector.shape_cast %broadcast_in_dim3A_76 : vector<16xf32> to vector<1x16xf32>
      tpu.vector_store %arg8[%swap3A_77, %swap3A_78], %swap3A_81 {strides = array<i32>} : memref<80x128xf32, #tpu.memory_space<vmem>>, vector<1x16xf32>,
      %broadcast_in_dim3A_82 = arith.constant 0.000000e+00 : f32
      %broadcast_in_dim3A_83 = vector.broadcast %broadcast_in_dim3A_82 : f32 to vector<16xf32>
      %swap3A_84 = arith.index_cast %scan3A_48 : i32 to index
      %swap3A_85 = arith.constant 80 : index
      %swap3A_86 = tpu.vector_load %arg8[%swap3A_84, %swap3A_85] {strides = array<i32>} : memref<80x128xf32, #tpu.memory_space<vmem>>, vector<1x16xf32>,
      %swap3A_87 = vector.shape_cast %swap3A_86 : vector<1x16xf32> to vector<16xf32>
      %swap3A_88 = vector.shape_cast %broadcast_in_dim3A_83 : vector<16xf32> to vector<1x16xf32>
      tpu.vector_store %arg8[%swap3A_84, %swap3A_85], %swap3A_88 {strides = array<i32>} : memref<80x128xf32, #tpu.memory_space<vmem>>, vector<1x16xf32>,
      %broadcast_in_dim3A_89 = arith.constant 0.000000e+00 : f32
      %broadcast_in_dim3A_90 = vector.broadcast %broadcast_in_dim3A_89 : f32 to vector<16xf32>
      %swap3A_91 = arith.index_cast %scan3A_48 : i32 to index
      %swap3A_92 = arith.constant 96 : index
      %swap3A_93 = tpu.vector_load %arg8[%swap3A_91, %swap3A_92] {strides = array<i32>} : memref<80x128xf32, #tpu.memory_space<vmem>>, vector<1x16xf32>,
      %swap3A_94 = vector.shape_cast %swap3A_93 : vector<1x16xf32> to vector<16xf32>
      %swap3A_95 = vector.shape_cast %broadcast_in_dim3A_90 : vector<16xf32> to vector<1x16xf32>
      tpu.vector_store %arg8[%swap3A_91, %swap3A_92], %swap3A_95 {strides = array<i32>} : memref<80x128xf32, #tpu.memory_space<vmem>>, vector<1x16xf32>,
      %broadcast_in_dim3A_96 = arith.constant 0.000000e+00 : f32
      %broadcast_in_dim3A_97 = vector.broadcast %broadcast_in_dim3A_96 : f32 to vector<16xf32>
      %swap3A_98 = arith.index_cast %scan3A_48 : i32 to index
      %swap3A_99 = arith.constant 112 : index
      %swap3A_100 = tpu.vector_load %arg8[%swap3A_98, %swap3A_99] {strides = array<i32>} : memref<80x128xf32, #tpu.memory_space<vmem>>, vector<1x16xf32>,
      %swap3A_101 = vector.shape_cast %swap3A_100 : vector<1x16xf32> to vector<16xf32>
      %swap3A_102 = vector.shape_cast %broadcast_in_dim3A_97 : vector<16xf32> to vector<1x16xf32>
      tpu.vector_store %arg8[%swap3A_98, %swap3A_99], %swap3A_102 {strides = array<i32>} : memref<80x128xf32, #tpu.memory_space<vmem>>, vector<1x16xf32>,
    }
    %scan3A_5 = arith.constant 80 : i32
    %mul3A_6 = arith.constant 625 : i32
    %mul3A_7 = arith.muli %arg1, %mul3A_6 : i32
    %add3A_8 = arith.constant 0 : i32
    %add3A_9 = arith.addi %mul3A_7, %add3A_8 : i32
    "tpu.region"() ({
      %run_scoped3A = tpu.sem_alloc : memref<!tpu.dma_semaphore, #tpu.memory_space<semaphore_mem>>
      %dma_start3A = arith.constant 0 : i32
      %dma_start3A_48 = tpu.memref_slice %arg11[%add3A_9, %dma_start3A] : memref<10000x128xf32, #tpu.memory_space<vmem_shared>> -> memref<80x128xf32, #tpu.memory_space<vmem_shared>>
      %dma_start3A_49 = arith.constant 0 : i32
      %dma_start3A_50 = tpu.memref_slice %arg11[%add3A_9, %dma_start3A_49] : memref<10000x128xf32, #tpu.memory_space<vmem_shared>> -> memref<80x128xf32, #tpu.memory_space<vmem_shared>>
      tpu.enqueue_dma source(%arg8 : memref<80x128xf32, #tpu.memory_space<vmem>>) target(%dma_start3A_50 : memref<80x128xf32, #tpu.memory_space<vmem_shared>>) target_semaphore(%run_scoped3A : memref<!tpu.dma_semaphore, #tpu.memory_space<semaphore_mem>>)
      %dma_wait3A = arith.constant 0 : i32
      %dma_wait3A_51 = tpu.memref_slice %arg11[%add3A_9, %dma_wait3A] : memref<10000x128xf32, #tpu.memory_space<vmem_shared>> -> memref<80x128xf32, #tpu.memory_space<vmem_shared>>
      %dma_wait3A_52 = arith.constant 0 : i32
      %dma_wait3A_53 = tpu.memref_slice %arg11[%add3A_9, %dma_wait3A_52] : memref<10000x128xf32, #tpu.memory_space<vmem_shared>> -> memref<80x128xf32, #tpu.memory_space<vmem_shared>>
      tpu.wait_dma2 semaphore(%run_scoped3A : memref<!tpu.dma_semaphore, #tpu.memory_space<semaphore_mem>>) src(%arg8 : memref<80x128xf32, #tpu.memory_space<vmem>>) dst(%dma_wait3A_53 : memref<80x128xf32, #tpu.memory_space<vmem_shared>>)
      tpu.yield
    }) : () -> ()
    %mul3A_10 = arith.constant 625 : i32
    %mul3A_11 = arith.muli %arg1, %mul3A_10 : i32
    %add3A_12 = arith.constant 80 : i32
    %add3A_13 = arith.addi %mul3A_11, %add3A_12 : i32
    "tpu.region"() ({
      %run_scoped3A = tpu.sem_alloc : memref<!tpu.dma_semaphore, #tpu.memory_space<semaphore_mem>>
      %dma_start3A = arith.constant 0 : i32
      %dma_start3A_48 = tpu.memref_slice %arg11[%add3A_13, %dma_start3A] : memref<10000x128xf32, #tpu.memory_space<vmem_shared>> -> memref<80x128xf32, #tpu.memory_space<vmem_shared>>
      %dma_start3A_49 = arith.constant 0 : i32
      %dma_start3A_50 = tpu.memref_slice %arg11[%add3A_13, %dma_start3A_49] : memref<10000x128xf32, #tpu.memory_space<vmem_shared>> -> memref<80x128xf32, #tpu.memory_space<vmem_shared>>
      tpu.enqueue_dma source(%arg8 : memref<80x128xf32, #tpu.memory_space<vmem>>) target(%dma_start3A_50 : memref<80x128xf32, #tpu.memory_space<vmem_shared>>) target_semaphore(%run_scoped3A : memref<!tpu.dma_semaphore, #tpu.memory_space<semaphore_mem>>)
      %dma_wait3A = arith.constant 0 : i32
      %dma_wait3A_51 = tpu.memref_slice %arg11[%add3A_13, %dma_wait3A] : memref<10000x128xf32, #tpu.memory_space<vmem_shared>> -> memref<80x128xf32, #tpu.memory_space<vmem_shared>>
      %dma_wait3A_52 = arith.constant 0 : i32
      %dma_wait3A_53 = tpu.memref_slice %arg11[%add3A_13, %dma_wait3A_52] : memref<10000x128xf32, #tpu.memory_space<vmem_shared>> -> memref<80x128xf32, #tpu.memory_space<vmem_shared>>
      tpu.wait_dma2 semaphore(%run_scoped3A : memref<!tpu.dma_semaphore, #tpu.memory_space<semaphore_mem>>) src(%arg8 : memref<80x128xf32, #tpu.memory_space<vmem>>) dst(%dma_wait3A_53 : memref<80x128xf32, #tpu.memory_space<vmem_shared>>)
      tpu.yield
    }) : () -> ()
    %mul3A_14 = arith.constant 625 : i32
    %mul3A_15 = arith.muli %arg1, %mul3A_14 : i32
    %add3A_16 = arith.constant 160 : i32
    %add3A_17 = arith.addi %mul3A_15, %add3A_16 : i32
    "tpu.region"() ({
      %run_scoped3A = tpu.sem_alloc : memref<!tpu.dma_semaphore, #tpu.memory_space<semaphore_mem>>
      %dma_start3A = arith.constant 0 : i32
      %dma_start3A_48 = tpu.memref_slice %arg11[%add3A_17, %dma_start3A] : memref<10000x128xf32, #tpu.memory_space<vmem_shared>> -> memref<80x128xf32, #tpu.memory_space<vmem_shared>>
      %dma_start3A_49 = arith.constant 0 : i32
      %dma_start3A_50 = tpu.memref_slice %arg11[%add3A_17, %dma_start3A_49] : memref<10000x128xf32, #tpu.memory_space<vmem_shared>> -> memref<80x128xf32, #tpu.memory_space<vmem_shared>>
      tpu.enqueue_dma source(%arg8 : memref<80x128xf32, #tpu.memory_space<vmem>>) target(%dma_start3A_50 : memref<80x128xf32, #tpu.memory_space<vmem_shared>>) target_semaphore(%run_scoped3A : memref<!tpu.dma_semaphore, #tpu.memory_space<semaphore_mem>>)
      %dma_wait3A = arith.constant 0 : i32
      %dma_wait3A_51 = tpu.memref_slice %arg11[%add3A_17, %dma_wait3A] : memref<10000x128xf32, #tpu.memory_space<vmem_shared>> -> memref<80x128xf32, #tpu.memory_space<vmem_shared>>
      %dma_wait3A_52 = arith.constant 0 : i32
      %dma_wait3A_53 = tpu.memref_slice %arg11[%add3A_17, %dma_wait3A_52] : memref<10000x128xf32, #tpu.memory_space<vmem_shared>> -> memref<80x128xf32, #tpu.memory_space<vmem_shared>>
      tpu.wait_dma2 semaphore(%run_scoped3A : memref<!tpu.dma_semaphore, #tpu.memory_space<semaphore_mem>>) src(%arg8 : memref<80x128xf32, #tpu.memory_space<vmem>>) dst(%dma_wait3A_53 : memref<80x128xf32, #tpu.memory_space<vmem_shared>>)
      tpu.yield
    }) : () -> ()
    %mul3A_18 = arith.constant 625 : i32
    %mul3A_19 = arith.muli %arg1, %mul3A_18 : i32
    %add3A_20 = arith.constant 240 : i32
    %add3A_21 = arith.addi %mul3A_19, %add3A_20 : i32
    "tpu.region"() ({
      %run_scoped3A = tpu.sem_alloc : memref<!tpu.dma_semaphore, #tpu.memory_space<semaphore_mem>>
      %dma_start3A = arith.constant 0 : i32
      %dma_start3A_48 = tpu.memref_slice %arg11[%add3A_21, %dma_start3A] : memref<10000x128xf32, #tpu.memory_space<vmem_shared>> -> memref<80x128xf32, #tpu.memory_space<vmem_shared>>
      %dma_start3A_49 = arith.constant 0 : i32
      %dma_start3A_50 = tpu.memref_slice %arg11[%add3A_21, %dma_start3A_49] : memref<10000x128xf32, #tpu.memory_space<vmem_shared>> -> memref<80x128xf32, #tpu.memory_space<vmem_shared>>
      tpu.enqueue_dma source(%arg8 : memref<80x128xf32, #tpu.memory_space<vmem>>) target(%dma_start3A_50 : memref<80x128xf32, #tpu.memory_space<vmem_shared>>) target_semaphore(%run_scoped3A : memref<!tpu.dma_semaphore, #tpu.memory_space<semaphore_mem>>)
      %dma_wait3A = arith.constant 0 : i32
      %dma_wait3A_51 = tpu.memref_slice %arg11[%add3A_21, %dma_wait3A] : memref<10000x128xf32, #tpu.memory_space<vmem_shared>> -> memref<80x128xf32, #tpu.memory_space<vmem_shared>>
      %dma_wait3A_52 = arith.constant 0 : i32
      %dma_wait3A_53 = tpu.memref_slice %arg11[%add3A_21, %dma_wait3A_52] : memref<10000x128xf32, #tpu.memory_space<vmem_shared>> -> memref<80x128xf32, #tpu.memory_space<vmem_shared>>
      tpu.wait_dma2 semaphore(%run_scoped3A : memref<!tpu.dma_semaphore, #tpu.memory_space<semaphore_mem>>) src(%arg8 : memref<80x128xf32, #tpu.memory_space<vmem>>) dst(%dma_wait3A_53 : memref<80x128xf32, #tpu.memory_space<vmem_shared>>)
      tpu.yield
    }) : () -> ()
    %mul3A_22 = arith.constant 625 : i32
    %mul3A_23 = arith.muli %arg1, %mul3A_22 : i32
    %add3A_24 = arith.constant 320 : i32
    %add3A_25 = arith.addi %mul3A_23, %add3A_24 : i32
    "tpu.region"() ({
      %run_scoped3A = tpu.sem_alloc : memref<!tpu.dma_semaphore, #tpu.memory_space<semaphore_mem>>
      %dma_start3A = arith.constant 0 : i32
      %dma_start3A_48 = tpu.memref_slice %arg11[%add3A_25, %dma_start3A] : memref<10000x128xf32, #tpu.memory_space<vmem_shared>> -> memref<80x128xf32, #tpu.memory_space<vmem_shared>>
      %dma_start3A_49 = arith.constant 0 : i32
      %dma_start3A_50 = tpu.memref_slice %arg11[%add3A_25, %dma_start3A_49] : memref<10000x128xf32, #tpu.memory_space<vmem_shared>> -> memref<80x128xf32, #tpu.memory_space<vmem_shared>>
      tpu.enqueue_dma source(%arg8 : memref<80x128xf32, #tpu.memory_space<vmem>>) target(%dma_start3A_50 : memref<80x128xf32, #tpu.memory_space<vmem_shared>>) target_semaphore(%run_scoped3A : memref<!tpu.dma_semaphore, #tpu.memory_space<semaphore_mem>>)
      %dma_wait3A = arith.constant 0 : i32
      %dma_wait3A_51 = tpu.memref_slice %arg11[%add3A_25, %dma_wait3A] : memref<10000x128xf32, #tpu.memory_space<vmem_shared>> -> memref<80x128xf32, #tpu.memory_space<vmem_shared>>
      %dma_wait3A_52 = arith.constant 0 : i32
      %dma_wait3A_53 = tpu.memref_slice %arg11[%add3A_25, %dma_wait3A_52] : memref<10000x128xf32, #tpu.memory_space<vmem_shared>> -> memref<80x128xf32, #tpu.memory_space<vmem_shared>>
      tpu.wait_dma2 semaphore(%run_scoped3A : memref<!tpu.dma_semaphore, #tpu.memory_space<semaphore_mem>>) src(%arg8 : memref<80x128xf32, #tpu.memory_space<vmem>>) dst(%dma_wait3A_53 : memref<80x128xf32, #tpu.memory_space<vmem_shared>>)
      tpu.yield
    }) : () -> ()
    %mul3A_26 = arith.constant 625 : i32
    %mul3A_27 = arith.muli %arg1, %mul3A_26 : i32
    %add3A_28 = arith.constant 400 : i32
    %add3A_29 = arith.addi %mul3A_27, %add3A_28 : i32
    "tpu.region"() ({
      %run_scoped3A = tpu.sem_alloc : memref<!tpu.dma_semaphore, #tpu.memory_space<semaphore_mem>>
      %dma_start3A = arith.constant 0 : i32
      %dma_start3A_48 = tpu.memref_slice %arg11[%add3A_29, %dma_start3A] : memref<10000x128xf32, #tpu.memory_space<vmem_shared>> -> memref<80x128xf32, #tpu.memory_space<vmem_shared>>
      %dma_start3A_49 = arith.constant 0 : i32
      %dma_start3A_50 = tpu.memref_slice %arg11[%add3A_29, %dma_start3A_49] : memref<10000x128xf32, #tpu.memory_space<vmem_shared>> -> memref<80x128xf32, #tpu.memory_space<vmem_shared>>
      tpu.enqueue_dma source(%arg8 : memref<80x128xf32, #tpu.memory_space<vmem>>) target(%dma_start3A_50 : memref<80x128xf32, #tpu.memory_space<vmem_shared>>) target_semaphore(%run_scoped3A : memref<!tpu.dma_semaphore, #tpu.memory_space<semaphore_mem>>)
      %dma_wait3A = arith.constant 0 : i32
      %dma_wait3A_51 = tpu.memref_slice %arg11[%add3A_29, %dma_wait3A] : memref<10000x128xf32, #tpu.memory_space<vmem_shared>> -> memref<80x128xf32, #tpu.memory_space<vmem_shared>>
      %dma_wait3A_52 = arith.constant 0 : i32
      %dma_wait3A_53 = tpu.memref_slice %arg11[%add3A_29, %dma_wait3A_52] : memref<10000x128xf32, #tpu.memory_space<vmem_shared>> -> memref<80x128xf32, #tpu.memory_space<vmem_shared>>
      tpu.wait_dma2 semaphore(%run_scoped3A : memref<!tpu.dma_semaphore, #tpu.memory_space<semaphore_mem>>) src(%arg8 : memref<80x128xf32, #tpu.memory_space<vmem>>) dst(%dma_wait3A_53 : memref<80x128xf32, #tpu.memory_space<vmem_shared>>)
      tpu.yield
    }) : () -> ()
    %mul3A_30 = arith.constant 625 : i32
    %mul3A_31 = arith.muli %arg1, %mul3A_30 : i32
    %add3A_32 = arith.constant 480 : i32
    %add3A_33 = arith.addi %mul3A_31, %add3A_32 : i32
    "tpu.region"() ({
      %run_scoped3A = tpu.sem_alloc : memref<!tpu.dma_semaphore, #tpu.memory_space<semaphore_mem>>
      %dma_start3A = arith.constant 0 : i32
      %dma_start3A_48 = tpu.memref_slice %arg11[%add3A_33, %dma_start3A] : memref<10000x128xf32, #tpu.memory_space<vmem_shared>> -> memref<80x128xf32, #tpu.memory_space<vmem_shared>>
      %dma_start3A_49 = arith.constant 0 : i32
      %dma_start3A_50 = tpu.memref_slice %arg11[%add3A_33, %dma_start3A_49] : memref<10000x128xf32, #tpu.memory_space<vmem_shared>> -> memref<80x128xf32, #tpu.memory_space<vmem_shared>>
      tpu.enqueue_dma source(%arg8 : memref<80x128xf32, #tpu.memory_space<vmem>>) target(%dma_start3A_50 : memref<80x128xf32, #tpu.memory_space<vmem_shared>>) target_semaphore(%run_scoped3A : memref<!tpu.dma_semaphore, #tpu.memory_space<semaphore_mem>>)
      %dma_wait3A = arith.constant 0 : i32
      %dma_wait3A_51 = tpu.memref_slice %arg11[%add3A_33, %dma_wait3A] : memref<10000x128xf32, #tpu.memory_space<vmem_shared>> -> memref<80x128xf32, #tpu.memory_space<vmem_shared>>
      %dma_wait3A_52 = arith.constant 0 : i32
      %dma_wait3A_53 = tpu.memref_slice %arg11[%add3A_33, %dma_wait3A_52] : memref<10000x128xf32, #tpu.memory_space<vmem_shared>> -> memref<80x128xf32, #tpu.memory_space<vmem_shared>>
      tpu.wait_dma2 semaphore(%run_scoped3A : memref<!tpu.dma_semaphore, #tpu.memory_space<semaphore_mem>>) src(%arg8 : memref<80x128xf32, #tpu.memory_space<vmem>>) dst(%dma_wait3A_53 : memref<80x128xf32, #tpu.memory_space<vmem_shared>>)
      tpu.yield
    }) : () -> ()
    %mul3A_34 = arith.constant 625 : i32
    %mul3A_35 = arith.muli %arg1, %mul3A_34 : i32
    %add3A_36 = arith.constant 625 : i32
    %add3A_37 = arith.addi %mul3A_35, %add3A_36 : i32
    %sub3A = arith.constant 65 : i32
    %sub3A_38 = arith.subi %add3A_37, %sub3A : i32
    "tpu.region"() ({
      %run_scoped3A = tpu.sem_alloc : memref<!tpu.dma_semaphore, #tpu.memory_space<semaphore_mem>>
      %dma_start3A = arith.constant 0 : i32
      %dma_start3A_48 = arith.constant 0 : i32
      %dma_start3A_49 = tpu.memref_slice %arg8[%dma_start3A, %dma_start3A_48] : memref<80x128xf32, #tpu.memory_space<vmem>> -> memref<65x128xf32, #tpu.memory_space<vmem>>
      %dma_start3A_50 = arith.constant 0 : i32
      %dma_start3A_51 = tpu.memref_slice %arg11[%sub3A_38, %dma_start3A_50] : memref<10000x128xf32, #tpu.memory_space<vmem_shared>> -> memref<65x128xf32, #tpu.memory_space<vmem_shared>>
      %dma_start3A_52 = arith.constant 0 : i32
      %dma_start3A_53 = tpu.memref_slice %arg11[%sub3A_38, %dma_start3A_52] : memref<10000x128xf32, #tpu.memory_space<vmem_shared>> -> memref<65x128xf32, #tpu.memory_space<vmem_shared>>
      %dma_start3A_54 = arith.constant 0 : i32
      %dma_start3A_55 = arith.constant 0 : i32
      %dma_start3A_56 = tpu.memref_slice %arg8[%dma_start3A_54, %dma_start3A_55] : memref<80x128xf32, #tpu.memory_space<vmem>> -> memref<65x128xf32, #tpu.memory_space<vmem>>
      tpu.enqueue_dma source(%dma_start3A_56 : memref<65x128xf32, #tpu.memory_space<vmem>>) target(%dma_start3A_53 : memref<65x128xf32, #tpu.memory_space<vmem_shared>>) target_semaphore(%run_scoped3A : memref<!tpu.dma_semaphore, #tpu.memory_space<semaphore_mem>>)
      %dma_wait3A = arith.constant 0 : i32
      %dma_wait3A_57 = arith.constant 0 : i32
      %dma_wait3A_58 = tpu.memref_slice %arg8[%dma_wait3A, %dma_wait3A_57] : memref<80x128xf32, #tpu.memory_space<vmem>> -> memref<65x128xf32, #tpu.memory_space<vmem>>
      %dma_wait3A_59 = arith.constant 0 : i32
      %dma_wait3A_60 = tpu.memref_slice %arg11[%sub3A_38, %dma_wait3A_59] : memref<10000x128xf32, #tpu.memory_space<vmem_shared>> -> memref<65x128xf32, #tpu.memory_space<vmem_shared>>
      %dma_wait3A_61 = arith.constant 0 : i32
      %dma_wait3A_62 = tpu.memref_slice %arg11[%sub3A_38, %dma_wait3A_61] : memref<10000x128xf32, #tpu.memory_space<vmem_shared>> -> memref<65x128xf32, #tpu.memory_space<vmem_shared>>
      %dma_wait3A_63 = arith.constant 0 : i32
      %dma_wait3A_64 = arith.constant 0 : i32
      %dma_wait3A_65 = tpu.memref_slice %arg8[%dma_wait3A_63, %dma_wait3A_64] : memref<80x128xf32, #tpu.memory_space<vmem>> -> memref<65x128xf32, #tpu.memory_space<vmem>>
      tpu.wait_dma2 semaphore(%run_scoped3A : memref<!tpu.dma_semaphore, #tpu.memory_space<semaphore_mem>>) src(%dma_wait3A_65 : memref<65x128xf32, #tpu.memory_space<vmem>>) dst(%dma_wait3A_62 : memref<65x128xf32, #tpu.memory_space<vmem_shared>>)
      tpu.yield
    }) : () -> ()
    %barrier3A = arith.constant 0 : index
    tpu.barrier barrier_id(%barrier3A)
    %scan3A_39 = arith.constant 0 : i32
    %scan3A_40 = arith.constant 0 : i32
    %scan3A_41 = arith.constant 5 : i32
    %scan3A_42 = arith.addi %scan3A_40, %scan3A_41 : i32
    %scan3A_43 = arith.constant 1 : i32
    scf.for %scan3A_48 = %scan3A_40 to %scan3A_42 step %scan3A_43  : i32 {
      "tpu.region"() ({
        %run_scoped3A = tpu.sem_alloc : memref<!tpu.dma_semaphore, #tpu.memory_space<semaphore_mem>>
        %dma_start3A_747 = arith.constant 0 : i32
        %dma_start3A_748 = arith.constant 0 : i32
        %dma_start3A_749 = tpu.memref_slice %arg3[%add3A, %scan3A_48, %dma_start3A_747, %dma_start3A_748] : memref<32x5x25x80xi32, #tpu.memory_space<hbm>> -> memref<1x1x25x80xi32, #tpu.memory_space<hbm>>
        %dma_start3A_750 = tpu.memref_squeeze %dma_start3A_749 : memref<1x1x25x80xi32, #tpu.memory_space<hbm>> -> memref<25x80xi32, #tpu.memory_space<hbm>>
        %dma_start3A_751 = arith.constant 0 : i32
        %dma_start3A_752 = arith.constant 0 : i32
        %dma_start3A_753 = tpu.memref_slice %arg3[%add3A, %scan3A_48, %dma_start3A_751, %dma_start3A_752] : memref<32x5x25x80xi32, #tpu.memory_space<hbm>> -> memref<1x1x25x80xi32, #tpu.memory_space<hbm>>
        %dma_start3A_754 = tpu.memref_squeeze %dma_start3A_753 : memref<1x1x25x80xi32, #tpu.memory_space<hbm>> -> memref<25x80xi32, #tpu.memory_space<hbm>>
        tpu.enqueue_dma source(%dma_start3A_754 : memref<25x80xi32, #tpu.memory_space<hbm>>) target(%arg6 : memref<25x80xi32, #tpu.memory_space<vmem>>) target_semaphore(%run_scoped3A : memref<!tpu.dma_semaphore, #tpu.memory_space<semaphore_mem>>)
        %dma_wait3A_755 = arith.constant 0 : i32
        %dma_wait3A_756 = arith.constant 0 : i32
        %dma_wait3A_757 = tpu.memref_slice %arg3[%add3A, %scan3A_48, %dma_wait3A_755, %dma_wait3A_756] : memref<32x5x25x80xi32, #tpu.memory_space<hbm>> -> memref<1x1x25x80xi32, #tpu.memory_space<hbm>>
        %dma_wait3A_758 = tpu.memref_squeeze %dma_wait3A_757 : memref<1x1x25x80xi32, #tpu.memory_space<hbm>> -> memref<25x80xi32, #tpu.memory_space<hbm>>
        %dma_wait3A_759 = arith.constant 0 : i32
        %dma_wait3A_760 = arith.constant 0 : i32
        %dma_wait3A_761 = tpu.memref_slice %arg3[%add3A, %scan3A_48, %dma_wait3A_759, %dma_wait3A_760] : memref<32x5x25x80xi32, #tpu.memory_space<hbm>> -> memref<1x1x25x80xi32, #tpu.memory_space<hbm>>
        %dma_wait3A_762 = tpu.memref_squeeze %dma_wait3A_761 : memref<1x1x25x80xi32, #tpu.memory_space<hbm>> -> memref<25x80xi32, #tpu.memory_space<hbm>>
        tpu.wait_dma2 semaphore(%run_scoped3A : memref<!tpu.dma_semaphore, #tpu.memory_space<semaphore_mem>>) src(%dma_wait3A_762 : memref<25x80xi32, #tpu.memory_space<hbm>>) dst(%arg6 : memref<25x80xi32, #tpu.memory_space<vmem>>)
        tpu.yield
      }) : () -> ()
      "tpu.region"() ({
        %run_scoped3A = tpu.sem_alloc : memref<!tpu.dma_semaphore, #tpu.memory_space<semaphore_mem>>
        %dma_start3A_747 = arith.constant 0 : i32
        %dma_start3A_748 = arith.constant 0 : i32
        %dma_start3A_749 = tpu.memref_slice %arg4[%add3A, %scan3A_48, %dma_start3A_747, %dma_start3A_748] : memref<32x5x25x80xi32, #tpu.memory_space<hbm>> -> memref<1x1x25x80xi32, #tpu.memory_space<hbm>>
        %dma_start3A_750 = tpu.memref_squeeze %dma_start3A_749 : memref<1x1x25x80xi32, #tpu.memory_space<hbm>> -> memref<25x80xi32, #tpu.memory_space<hbm>>
        %dma_start3A_751 = arith.constant 0 : i32
        %dma_start3A_752 = arith.constant 0 : i32
        %dma_start3A_753 = tpu.memref_slice %arg4[%add3A, %scan3A_48, %dma_start3A_751, %dma_start3A_752] : memref<32x5x25x80xi32, #tpu.memory_space<hbm>> -> memref<1x1x25x80xi32, #tpu.memory_space<hbm>>
        %dma_start3A_754 = tpu.memref_squeeze %dma_start3A_753 : memref<1x1x25x80xi32, #tpu.memory_space<hbm>> -> memref<25x80xi32, #tpu.memory_space<hbm>>
        tpu.enqueue_dma source(%dma_start3A_754 : memref<25x80xi32, #tpu.memory_space<hbm>>) target(%arg7 : memref<25x80xi32, #tpu.memory_space<vmem>>) target_semaphore(%run_scoped3A : memref<!tpu.dma_semaphore, #tpu.memory_space<semaphore_mem>>)
        %dma_wait3A_755 = arith.constant 0 : i32
        %dma_wait3A_756 = arith.constant 0 : i32
        %dma_wait3A_757 = tpu.memref_slice %arg4[%add3A, %scan3A_48, %dma_wait3A_755, %dma_wait3A_756] : memref<32x5x25x80xi32, #tpu.memory_space<hbm>> -> memref<1x1x25x80xi32, #tpu.memory_space<hbm>>
        %dma_wait3A_758 = tpu.memref_squeeze %dma_wait3A_757 : memref<1x1x25x80xi32, #tpu.memory_space<hbm>> -> memref<25x80xi32, #tpu.memory_space<hbm>>
        %dma_wait3A_759 = arith.constant 0 : i32
        %dma_wait3A_760 = arith.constant 0 : i32
        %dma_wait3A_761 = tpu.memref_slice %arg4[%add3A, %scan3A_48, %dma_wait3A_759, %dma_wait3A_760] : memref<32x5x25x80xi32, #tpu.memory_space<hbm>> -> memref<1x1x25x80xi32, #tpu.memory_space<hbm>>
        %dma_wait3A_762 = tpu.memref_squeeze %dma_wait3A_761 : memref<1x1x25x80xi32, #tpu.memory_space<hbm>> -> memref<25x80xi32, #tpu.memory_space<hbm>>
        tpu.wait_dma2 semaphore(%run_scoped3A : memref<!tpu.dma_semaphore, #tpu.memory_space<semaphore_mem>>) src(%dma_wait3A_762 : memref<25x80xi32, #tpu.memory_space<hbm>>) dst(%arg7 : memref<25x80xi32, #tpu.memory_space<vmem>>)
        tpu.yield
      }) : () -> ()
      %dma_start3A = arith.constant 0 : i32
      %dma_start3A_49 = arith.constant 0 : i32
      %dma_start3A_50 = tpu.memref_slice %arg6[%dma_start3A, %dma_start3A_49] : memref<25x80xi32, #tpu.memory_space<vmem>> -> memref<1x80xi32, #tpu.memory_space<vmem>>
      %dma_start3A_51 = tpu.memref_squeeze %dma_start3A_50 : memref<1x80xi32, #tpu.memory_space<vmem>> -> memref<80xi32, #tpu.memory_space<vmem>>
      %dma_start3A_52 = arith.constant 0 : i32
      %dma_start3A_53 = arith.constant 0 : i32
      %dma_start3A_54 = tpu.memref_slice %arg2[%dma_start3A_52, %dma_start3A_53] : memref<10000x128xf32, #tpu.memory_space<hbm>> -> memref<10000x128xf32, #tpu.memory_space<hbm>>
      tpu.enqueue_indirect_dma source(%dma_start3A_54 : memref<10000x128xf32, #tpu.memory_space<hbm>>) target(%arg8 : memref<80x128xf32, #tpu.memory_space<vmem>>) offsets(%dma_start3A_51 : memref<80xi32, #tpu.memory_space<vmem>>) semaphore(%arg12 : memref<!tpu.dma_semaphore, #tpu.memory_space<semaphore_mem>>)
      %dma_start3A_55 = arith.constant 1 : i32
      %dma_start3A_56 = arith.constant 0 : i32
      %dma_start3A_57 = tpu.memref_slice %arg6[%dma_start3A_55, %dma_start3A_56] : memref<25x80xi32, #tpu.memory_space<vmem>> -> memref<1x80xi32, #tpu.memory_space<vmem>>
      %dma_start3A_58 = tpu.memref_squeeze %dma_start3A_57 : memref<1x80xi32, #tpu.memory_space<vmem>> -> memref<80xi32, #tpu.memory_space<vmem>>
      %dma_start3A_59 = arith.constant 0 : i32
      %dma_start3A_60 = arith.constant 0 : i32
      %dma_start3A_61 = tpu.memref_slice %arg2[%dma_start3A_59, %dma_start3A_60] : memref<10000x128xf32, #tpu.memory_space<hbm>> -> memref<10000x128xf32, #tpu.memory_space<hbm>>
      tpu.enqueue_indirect_dma source(%dma_start3A_61 : memref<10000x128xf32, #tpu.memory_space<hbm>>) target(%arg9 : memref<80x128xf32, #tpu.memory_space<vmem>>) offsets(%dma_start3A_58 : memref<80xi32, #tpu.memory_space<vmem>>) semaphore(%arg13 : memref<!tpu.dma_semaphore, #tpu.memory_space<semaphore_mem>>)
      %dma_wait3A = arith.constant 0 : i32
      %dma_wait3A_62 = arith.constant 0 : i32
      %dma_wait3A_63 = tpu.memref_slice %arg6[%dma_wait3A, %dma_wait3A_62] : memref<25x80xi32, #tpu.memory_space<vmem>> -> memref<1x80xi32, #tpu.memory_space<vmem>>
      %dma_wait3A_64 = tpu.memref_squeeze %dma_wait3A_63 : memref<1x80xi32, #tpu.memory_space<vmem>> -> memref<80xi32, #tpu.memory_space<vmem>>
      %dma_wait3A_65 = arith.constant 0 : i32
      %dma_wait3A_66 = arith.constant 0 : i32
      %dma_wait3A_67 = tpu.memref_slice %arg2[%dma_wait3A_65, %dma_wait3A_66] : memref<10000x128xf32, #tpu.memory_space<hbm>> -> memref<10000x128xf32, #tpu.memory_space<hbm>>
      tpu.wait_indirect_dma semaphore(%arg12 : memref<!tpu.dma_semaphore, #tpu.memory_space<semaphore_mem>>) src(%dma_wait3A_67 : memref<10000x128xf32, #tpu.memory_space<hbm>>) dst(%arg8 : memref<80x128xf32, #tpu.memory_space<vmem>>)
      %dma_start3A_68 = arith.constant 0 : i32
      %dma_start3A_69 = arith.constant 0 : i32
      %dma_start3A_70 = tpu.memref_slice %arg7[%dma_start3A_68, %dma_start3A_69] : memref<25x80xi32, #tpu.memory_space<vmem>> -> memref<1x80xi32, #tpu.memory_space<vmem>>
      %dma_start3A_71 = tpu.memref_squeeze %dma_start3A_70 : memref<1x80xi32, #tpu.memory_space<vmem>> -> memref<80xi32, #tpu.memory_space<vmem>>
      %dma_start3A_72 = arith.constant 0 : i32
      %dma_start3A_73 = arith.constant 0 : i32
      %dma_start3A_74 = tpu.memref_slice %arg11[%dma_start3A_72, %dma_start3A_73] : memref<10000x128xf32, #tpu.memory_space<vmem_shared>> -> memref<10000x128xf32, #tpu.memory_space<vmem_shared>>
      tpu.enqueue_indirect_dma source(%arg8 : memref<80x128xf32, #tpu.memory_space<vmem>>) target(%dma_start3A_74 : memref<10000x128xf32, #tpu.memory_space<vmem_shared>>) offsets(%dma_start3A_71 : memref<80xi32, #tpu.memory_space<vmem>>) semaphore(%arg15 : memref<!tpu.dma_semaphore, #tpu.memory_space<semaphore_mem>>) {add = true}
      %dma_start3A_75 = arith.constant 2 : i32
      %dma_start3A_76 = arith.constant 0 : i32
      %dma_start3A_77 = tpu.memref_slice %arg6[%dma_start3A_75, %dma_start3A_76] : memref<25x80xi32, #tpu.memory_space<vmem>> -> memref<1x80xi32, #tpu.memory_space<vmem>>
      %dma_start3A_78 = tpu.memref_squeeze %dma_start3A_77 : memref<1x80xi32, #tpu.memory_space<vmem>> -> memref<80xi32, #tpu.memory_space<vmem>>
      %dma_start3A_79 = arith.constant 0 : i32
      %dma_start3A_80 = arith.constant 0 : i32
      %dma_start3A_81 = tpu.memref_slice %arg2[%dma_start3A_79, %dma_start3A_80] : memref<10000x128xf32, #tpu.memory_space<hbm>> -> memref<10000x128xf32, #tpu.memory_space<hbm>>
      tpu.enqueue_indirect_dma source(%dma_start3A_81 : memref<10000x128xf32, #tpu.memory_space<hbm>>) target(%arg10 : memref<80x128xf32, #tpu.memory_space<vmem>>) offsets(%dma_start3A_78 : memref<80xi32, #tpu.memory_space<vmem>>) semaphore(%arg14 : memref<!tpu.dma_semaphore, #tpu.memory_space<semaphore_mem>>)
      %dma_wait3A_82 = arith.constant 1 : i32
      %dma_wait3A_83 = arith.constant 0 : i32
      %dma_wait3A_84 = tpu.memref_slice %arg6[%dma_wait3A_82, %dma_wait3A_83] : memref<25x80xi32, #tpu.memory_space<vmem>> -> memref<1x80xi32, #tpu.memory_space<vmem>>
      %dma_wait3A_85 = tpu.memref_squeeze %dma_wait3A_84 : memref<1x80xi32, #tpu.memory_space<vmem>> -> memref<80xi32, #tpu.memory_space<vmem>>
      %dma_wait3A_86 = arith.constant 0 : i32
      %dma_wait3A_87 = arith.constant 0 : i32
      %dma_wait3A_88 = tpu.memref_slice %arg2[%dma_wait3A_86, %dma_wait3A_87] : memref<10000x128xf32, #tpu.memory_space<hbm>> -> memref<10000x128xf32, #tpu.memory_space<hbm>>
      tpu.wait_indirect_dma semaphore(%arg13 : memref<!tpu.dma_semaphore, #tpu.memory_space<semaphore_mem>>) src(%dma_wait3A_88 : memref<10000x128xf32, #tpu.memory_space<hbm>>) dst(%arg9 : memref<80x128xf32, #tpu.memory_space<vmem>>)
      %dma_start3A_89 = arith.constant 1 : i32
      %dma_start3A_90 = arith.constant 0 : i32
      %dma_start3A_91 = tpu.memref_slice %arg7[%dma_start3A_89, %dma_start3A_90] : memref<25x80xi32, #tpu.memory_space<vmem>> -> memref<1x80xi32, #tpu.memory_space<vmem>>
      %dma_start3A_92 = tpu.memref_squeeze %dma_start3A_91 : memref<1x80xi32, #tpu.memory_space<vmem>> -> memref<80xi32, #tpu.memory_space<vmem>>
      %dma_start3A_93 = arith.constant 0 : i32
      %dma_start3A_94 = arith.constant 0 : i32
      %dma_start3A_95 = tpu.memref_slice %arg11[%dma_start3A_93, %dma_start3A_94] : memref<10000x128xf32, #tpu.memory_space<vmem_shared>> -> memref<10000x128xf32, #tpu.memory_space<vmem_shared>>
      tpu.enqueue_indirect_dma source(%arg9 : memref<80x128xf32, #tpu.memory_space<vmem>>) target(%dma_start3A_95 : memref<10000x128xf32, #tpu.memory_space<vmem_shared>>) offsets(%dma_start3A_92 : memref<80xi32, #tpu.memory_space<vmem>>) semaphore(%arg16 : memref<!tpu.dma_semaphore, #tpu.memory_space<semaphore_mem>>) {add = true}
      %dma_wait3A_96 = arith.constant 0 : i32
      %dma_wait3A_97 = arith.constant 0 : i32
      %dma_wait3A_98 = tpu.memref_slice %arg7[%dma_wait3A_96, %dma_wait3A_97] : memref<25x80xi32, #tpu.memory_space<vmem>> -> memref<1x80xi32, #tpu.memory_space<vmem>>
      %dma_wait3A_99 = tpu.memref_squeeze %dma_wait3A_98 : memref<1x80xi32, #tpu.memory_space<vmem>> -> memref<80xi32, #tpu.memory_space<vmem>>
      %dma_wait3A_100 = arith.constant 0 : i32
      %dma_wait3A_101 = arith.constant 0 : i32
      %dma_wait3A_102 = tpu.memref_slice %arg11[%dma_wait3A_100, %dma_wait3A_101] : memref<10000x128xf32, #tpu.memory_space<vmem_shared>> -> memref<10000x128xf32, #tpu.memory_space<vmem_shared>>
      tpu.wait_indirect_dma semaphore(%arg15 : memref<!tpu.dma_semaphore, #tpu.memory_space<semaphore_mem>>) src(%arg8 : memref<80x128xf32, #tpu.memory_space<vmem>>) dst(%dma_wait3A_102 : memref<10000x128xf32, #tpu.memory_space<vmem_shared>>)
      %dma_start3A_103 = arith.constant 3 : i32
      %dma_start3A_104 = arith.constant 0 : i32
      %dma_start3A_105 = tpu.memref_slice %arg6[%dma_start3A_103, %dma_start3A_104] : memref<25x80xi32, #tpu.memory_space<vmem>> -> memref<1x80xi32, #tpu.memory_space<vmem>>
      %dma_start3A_106 = tpu.memref_squeeze %dma_start3A_105 : memref<1x80xi32, #tpu.memory_space<vmem>> -> memref<80xi32, #tpu.memory_space<vmem>>
      %dma_start3A_107 = arith.constant 0 : i32
      %dma_start3A_108 = arith.constant 0 : i32
      %dma_start3A_109 = tpu.memref_slice %arg2[%dma_start3A_107, %dma_start3A_108] : memref<10000x128xf32, #tpu.memory_space<hbm>> -> memref<10000x128xf32, #tpu.memory_space<hbm>>
      tpu.enqueue_indirect_dma source(%dma_start3A_109 : memref<10000x128xf32, #tpu.memory_space<hbm>>) target(%arg8 : memref<80x128xf32, #tpu.memory_space<vmem>>) offsets(%dma_start3A_106 : memref<80xi32, #tpu.memory_space<vmem>>) semaphore(%arg12 : memref<!tpu.dma_semaphore, #tpu.memory_space<semaphore_mem>>)
      %dma_wait3A_110 = arith.constant 2 : i32
      %dma_wait3A_111 = arith.constant 0 : i32
      %dma_wait3A_112 = tpu.memref_slice %arg6[%dma_wait3A_110, %dma_wait3A_111] : memref<25x80xi32, #tpu.memory_space<vmem>> -> memref<1x80xi32, #tpu.memory_space<vmem>>
      %dma_wait3A_113 = tpu.memref_squeeze %dma_wait3A_112 : memref<1x80xi32, #tpu.memory_space<vmem>> -> memref<80xi32, #tpu.memory_space<vmem>>
      %dma_wait3A_114 = arith.constant 0 : i32
      %dma_wait3A_115 = arith.constant 0 : i32
      %dma_wait3A_116 = tpu.memref_slice %arg2[%dma_wait3A_114, %dma_wait3A_115] : memref<10000x128xf32, #tpu.memory_space<hbm>> -> memref<10000x128xf32, #tpu.memory_space<hbm>>
      tpu.wait_indirect_dma semaphore(%arg14 : memref<!tpu.dma_semaphore, #tpu.memory_space<semaphore_mem>>) src(%dma_wait3A_116 : memref<10000x128xf32, #tpu.memory_space<hbm>>) dst(%arg10 : memref<80x128xf32, #tpu.memory_space<vmem>>)
      %dma_start3A_117 = arith.constant 2 : i32
      %dma_start3A_118 = arith.constant 0 : i32
      %dma_start3A_119 = tpu.memref_slice %arg7[%dma_start3A_117, %dma_start3A_118] : memref<25x80xi32, #tpu.memory_space<vmem>> -> memref<1x80xi32, #tpu.memory_space<vmem>>
      %dma_start3A_120 = tpu.memref_squeeze %dma_start3A_119 : memref<1x80xi32, #tpu.memory_space<vmem>> -> memref<80xi32, #tpu.memory_space<vmem>>
      %dma_start3A_121 = arith.constant 0 : i32
      %dma_start3A_122 = arith.constant 0 : i32
      %dma_start3A_123 = tpu.memref_slice %arg11[%dma_start3A_121, %dma_start3A_122] : memref<10000x128xf32, #tpu.memory_space<vmem_shared>> -> memref<10000x128xf32, #tpu.memory_space<vmem_shared>>
      tpu.enqueue_indirect_dma source(%arg10 : memref<80x128xf32, #tpu.memory_space<vmem>>) target(%dma_start3A_123 : memref<10000x128xf32, #tpu.memory_space<vmem_shared>>) offsets(%dma_start3A_120 : memref<80xi32, #tpu.memory_space<vmem>>) semaphore(%arg17 : memref<!tpu.dma_semaphore, #tpu.memory_space<semaphore_mem>>) {add = true}
      %dma_wait3A_124 = arith.constant 1 : i32
      %dma_wait3A_125 = arith.constant 0 : i32
      %dma_wait3A_126 = tpu.memref_slice %arg7[%dma_wait3A_124, %dma_wait3A_125] : memref<25x80xi32, #tpu.memory_space<vmem>> -> memref<1x80xi32, #tpu.memory_space<vmem>>
      %dma_wait3A_127 = tpu.memref_squeeze %dma_wait3A_126 : memref<1x80xi32, #tpu.memory_space<vmem>> -> memref<80xi32, #tpu.memory_space<vmem>>
      %dma_wait3A_128 = arith.constant 0 : i32
      %dma_wait3A_129 = arith.constant 0 : i32
      %dma_wait3A_130 = tpu.memref_slice %arg11[%dma_wait3A_128, %dma_wait3A_129] : memref<10000x128xf32, #tpu.memory_space<vmem_shared>> -> memref<10000x128xf32, #tpu.memory_space<vmem_shared>>
      tpu.wait_indirect_dma semaphore(%arg16 : memref<!tpu.dma_semaphore, #tpu.memory_space<semaphore_mem>>) src(%arg9 : memref<80x128xf32, #tpu.memory_space<vmem>>) dst(%dma_wait3A_130 : memref<10000x128xf32, #tpu.memory_space<vmem_shared>>)
      %dma_start3A_131 = arith.constant 4 : i32
      %dma_start3A_132 = arith.constant 0 : i32
      %dma_start3A_133 = tpu.memref_slice %arg6[%dma_start3A_131, %dma_start3A_132] : memref<25x80xi32, #tpu.memory_space<vmem>> -> memref<1x80xi32, #tpu.memory_space<vmem>>
      %dma_start3A_134 = tpu.memref_squeeze %dma_start3A_133 : memref<1x80xi32, #tpu.memory_space<vmem>> -> memref<80xi32, #tpu.memory_space<vmem>>
      %dma_start3A_135 = arith.constant 0 : i32
      %dma_start3A_136 = arith.constant 0 : i32
      %dma_start3A_137 = tpu.memref_slice %arg2[%dma_start3A_135, %dma_start3A_136] : memref<10000x128xf32, #tpu.memory_space<hbm>> -> memref<10000x128xf32, #tpu.memory_space<hbm>>
      tpu.enqueue_indirect_dma source(%dma_start3A_137 : memref<10000x128xf32, #tpu.memory_space<hbm>>) target(%arg9 : memref<80x128xf32, #tpu.memory_space<vmem>>) offsets(%dma_start3A_134 : memref<80xi32, #tpu.memory_space<vmem>>) semaphore(%arg13 : memref<!tpu.dma_semaphore, #tpu.memory_space<semaphore_mem>>)
      %dma_wait3A_138 = arith.constant 3 : i32
      %dma_wait3A_139 = arith.constant 0 : i32
      %dma_wait3A_140 = tpu.memref_slice %arg6[%dma_wait3A_138, %dma_wait3A_139] : memref<25x80xi32, #tpu.memory_space<vmem>> -> memref<1x80xi32, #tpu.memory_space<vmem>>
      %dma_wait3A_141 = tpu.memref_squeeze %dma_wait3A_140 : memref<1x80xi32, #tpu.memory_space<vmem>> -> memref<80xi32, #tpu.memory_space<vmem>>
      %dma_wait3A_142 = arith.constant 0 : i32
      %dma_wait3A_143 = arith.constant 0 : i32
      %dma_wait3A_144 = tpu.memref_slice %arg2[%dma_wait3A_142, %dma_wait3A_143] : memref<10000x128xf32, #tpu.memory_space<hbm>> -> memref<10000x128xf32, #tpu.memory_space<hbm>>
      tpu.wait_indirect_dma semaphore(%arg12 : memref<!tpu.dma_semaphore, #tpu.memory_space<semaphore_mem>>) src(%dma_wait3A_144 : memref<10000x128xf32, #tpu.memory_space<hbm>>) dst(%arg8 : memref<80x128xf32, #tpu.memory_space<vmem>>)
      %dma_start3A_145 = arith.constant 3 : i32
      %dma_start3A_146 = arith.constant 0 : i32
      %dma_start3A_147 = tpu.memref_slice %arg7[%dma_start3A_145, %dma_start3A_146] : memref<25x80xi32, #tpu.memory_space<vmem>> -> memref<1x80xi32, #tpu.memory_space<vmem>>
      %dma_start3A_148 = tpu.memref_squeeze %dma_start3A_147 : memref<1x80xi32, #tpu.memory_space<vmem>> -> memref<80xi32, #tpu.memory_space<vmem>>
      %dma_start3A_149 = arith.constant 0 : i32
      %dma_start3A_150 = arith.constant 0 : i32
      %dma_start3A_151 = tpu.memref_slice %arg11[%dma_start3A_149, %dma_start3A_150] : memref<10000x128xf32, #tpu.memory_space<vmem_shared>> -> memref<10000x128xf32, #tpu.memory_space<vmem_shared>>
      tpu.enqueue_indirect_dma source(%arg8 : memref<80x128xf32, #tpu.memory_space<vmem>>) target(%dma_start3A_151 : memref<10000x128xf32, #tpu.memory_space<vmem_shared>>) offsets(%dma_start3A_148 : memref<80xi32, #tpu.memory_space<vmem>>) semaphore(%arg15 : memref<!tpu.dma_semaphore, #tpu.memory_space<semaphore_mem>>) {add = true}
      %dma_wait3A_152 = arith.constant 2 : i32
      %dma_wait3A_153 = arith.constant 0 : i32
      %dma_wait3A_154 = tpu.memref_slice %arg7[%dma_wait3A_152, %dma_wait3A_153] : memref<25x80xi32, #tpu.memory_space<vmem>> -> memref<1x80xi32, #tpu.memory_space<vmem>>
      %dma_wait3A_155 = tpu.memref_squeeze %dma_wait3A_154 : memref<1x80xi32, #tpu.memory_space<vmem>> -> memref<80xi32, #tpu.memory_space<vmem>>
      %dma_wait3A_156 = arith.constant 0 : i32
      %dma_wait3A_157 = arith.constant 0 : i32
      %dma_wait3A_158 = tpu.memref_slice %arg11[%dma_wait3A_156, %dma_wait3A_157] : memref<10000x128xf32, #tpu.memory_space<vmem_shared>> -> memref<10000x128xf32, #tpu.memory_space<vmem_shared>>
      tpu.wait_indirect_dma semaphore(%arg17 : memref<!tpu.dma_semaphore, #tpu.memory_space<semaphore_mem>>) src(%arg10 : memref<80x128xf32, #tpu.memory_space<vmem>>) dst(%dma_wait3A_158 : memref<10000x128xf32, #tpu.memory_space<vmem_shared>>)
      %dma_start3A_159 = arith.constant 5 : i32
      %dma_start3A_160 = arith.constant 0 : i32
      %dma_start3A_161 = tpu.memref_slice %arg6[%dma_start3A_159, %dma_start3A_160] : memref<25x80xi32, #tpu.memory_space<vmem>> -> memref<1x80xi32, #tpu.memory_space<vmem>>
      %dma_start3A_162 = tpu.memref_squeeze %dma_start3A_161 : memref<1x80xi32, #tpu.memory_space<vmem>> -> memref<80xi32, #tpu.memory_space<vmem>>
      %dma_start3A_163 = arith.constant 0 : i32
      %dma_start3A_164 = arith.constant 0 : i32
      %dma_start3A_165 = tpu.memref_slice %arg2[%dma_start3A_163, %dma_start3A_164] : memref<10000x128xf32, #tpu.memory_space<hbm>> -> memref<10000x128xf32, #tpu.memory_space<hbm>>
      tpu.enqueue_indirect_dma source(%dma_start3A_165 : memref<10000x128xf32, #tpu.memory_space<hbm>>) target(%arg10 : memref<80x128xf32, #tpu.memory_space<vmem>>) offsets(%dma_start3A_162 : memref<80xi32, #tpu.memory_space<vmem>>) semaphore(%arg14 : memref<!tpu.dma_semaphore, #tpu.memory_space<semaphore_mem>>)
      %dma_wait3A_166 = arith.constant 4 : i32
      %dma_wait3A_167 = arith.constant 0 : i32
      %dma_wait3A_168 = tpu.memref_slice %arg6[%dma_wait3A_166, %dma_wait3A_167] : memref<25x80xi32, #tpu.memory_space<vmem>> -> memref<1x80xi32, #tpu.memory_space<vmem>>
      %dma_wait3A_169 = tpu.memref_squeeze %dma_wait3A_168 : memref<1x80xi32, #tpu.memory_space<vmem>> -> memref<80xi32, #tpu.memory_space<vmem>>
      %dma_wait3A_170 = arith.constant 0 : i32
      %dma_wait3A_171 = arith.constant 0 : i32
      %dma_wait3A_172 = tpu.memref_slice %arg2[%dma_wait3A_170, %dma_wait3A_171] : memref<10000x128xf32, #tpu.memory_space<hbm>> -> memref<10000x128xf32, #tpu.memory_space<hbm>>
      tpu.wait_indirect_dma semaphore(%arg13 : memref<!tpu.dma_semaphore, #tpu.memory_space<semaphore_mem>>) src(%dma_wait3A_172 : memref<10000x128xf32, #tpu.memory_space<hbm>>) dst(%arg9 : memref<80x128xf32, #tpu.memory_space<vmem>>)
      %dma_start3A_173 = arith.constant 4 : i32
      %dma_start3A_174 = arith.constant 0 : i32
      %dma_start3A_175 = tpu.memref_slice %arg7[%dma_start3A_173, %dma_start3A_174] : memref<25x80xi32, #tpu.memory_space<vmem>> -> memref<1x80xi32, #tpu.memory_space<vmem>>
      %dma_start3A_176 = tpu.memref_squeeze %dma_start3A_175 : memref<1x80xi32, #tpu.memory_space<vmem>> -> memref<80xi32, #tpu.memory_space<vmem>>
      %dma_start3A_177 = arith.constant 0 : i32
      %dma_start3A_178 = arith.constant 0 : i32
      %dma_start3A_179 = tpu.memref_slice %arg11[%dma_start3A_177, %dma_start3A_178] : memref<10000x128xf32, #tpu.memory_space<vmem_shared>> -> memref<10000x128xf32, #tpu.memory_space<vmem_shared>>
      tpu.enqueue_indirect_dma source(%arg9 : memref<80x128xf32, #tpu.memory_space<vmem>>) target(%dma_start3A_179 : memref<10000x128xf32, #tpu.memory_space<vmem_shared>>) offsets(%dma_start3A_176 : memref<80xi32, #tpu.memory_space<vmem>>) semaphore(%arg16 : memref<!tpu.dma_semaphore, #tpu.memory_space<semaphore_mem>>) {add = true}
      %dma_wait3A_180 = arith.constant 3 : i32
      %dma_wait3A_181 = arith.constant 0 : i32
      %dma_wait3A_182 = tpu.memref_slice %arg7[%dma_wait3A_180, %dma_wait3A_181] : memref<25x80xi32, #tpu.memory_space<vmem>> -> memref<1x80xi32, #tpu.memory_space<vmem>>
      %dma_wait3A_183 = tpu.memref_squeeze %dma_wait3A_182 : memref<1x80xi32, #tpu.memory_space<vmem>> -> memref<80xi32, #tpu.memory_space<vmem>>
      %dma_wait3A_184 = arith.constant 0 : i32
      %dma_wait3A_185 = arith.constant 0 : i32
      %dma_wait3A_186 = tpu.memref_slice %arg11[%dma_wait3A_184, %dma_wait3A_185] : memref<10000x128xf32, #tpu.memory_space<vmem_shared>> -> memref<10000x128xf32, #tpu.memory_space<vmem_shared>>
      tpu.wait_indirect_dma semaphore(%arg15 : memref<!tpu.dma_semaphore, #tpu.memory_space<semaphore_mem>>) src(%arg8 : memref<80x128xf32, #tpu.memory_space<vmem>>) dst(%dma_wait3A_186 : memref<10000x128xf32, #tpu.memory_space<vmem_shared>>)
      %dma_start3A_187 = arith.constant 6 : i32
      %dma_start3A_188 = arith.constant 0 : i32
      %dma_start3A_189 = tpu.memref_slice %arg6[%dma_start3A_187, %dma_start3A_188] : memref<25x80xi32, #tpu.memory_space<vmem>> -> memref<1x80xi32, #tpu.memory_space<vmem>>
      %dma_start3A_190 = tpu.memref_squeeze %dma_start3A_189 : memref<1x80xi32, #tpu.memory_space<vmem>> -> memref<80xi32, #tpu.memory_space<vmem>>
      %dma_start3A_191 = arith.constant 0 : i32
      %dma_start3A_192 = arith.constant 0 : i32
      %dma_start3A_193 = tpu.memref_slice %arg2[%dma_start3A_191, %dma_start3A_192] : memref<10000x128xf32, #tpu.memory_space<hbm>> -> memref<10000x128xf32, #tpu.memory_space<hbm>>
      tpu.enqueue_indirect_dma source(%dma_start3A_193 : memref<10000x128xf32, #tpu.memory_space<hbm>>) target(%arg8 : memref<80x128xf32, #tpu.memory_space<vmem>>) offsets(%dma_start3A_190 : memref<80xi32, #tpu.memory_space<vmem>>) semaphore(%arg12 : memref<!tpu.dma_semaphore, #tpu.memory_space<semaphore_mem>>)
      %dma_wait3A_194 = arith.constant 5 : i32
      %dma_wait3A_195 = arith.constant 0 : i32
      %dma_wait3A_196 = tpu.memref_slice %arg6[%dma_wait3A_194, %dma_wait3A_195] : memref<25x80xi32, #tpu.memory_space<vmem>> -> memref<1x80xi32, #tpu.memory_space<vmem>>
      %dma_wait3A_197 = tpu.memref_squeeze %dma_wait3A_196 : memref<1x80xi32, #tpu.memory_space<vmem>> -> memref<80xi32, #tpu.memory_space<vmem>>
      %dma_wait3A_198 = arith.constant 0 : i32
      %dma_wait3A_199 = arith.constant 0 : i32
      %dma_wait3A_200 = tpu.memref_slice %arg2[%dma_wait3A_198, %dma_wait3A_199] : memref<10000x128xf32, #tpu.memory_space<hbm>> -> memref<10000x128xf32, #tpu.memory_space<hbm>>
      tpu.wait_indirect_dma semaphore(%arg14 : memref<!tpu.dma_semaphore, #tpu.memory_space<semaphore_mem>>) src(%dma_wait3A_200 : memref<10000x128xf32, #tpu.memory_space<hbm>>) dst(%arg10 : memref<80x128xf32, #tpu.memory_space<vmem>>)
      %dma_start3A_201 = arith.constant 5 : i32
      %dma_start3A_202 = arith.constant 0 : i32
      %dma_start3A_203 = tpu.memref_slice %arg7[%dma_start3A_201, %dma_start3A_202] : memref<25x80xi32, #tpu.memory_space<vmem>> -> memref<1x80xi32, #tpu.memory_space<vmem>>
      %dma_start3A_204 = tpu.memref_squeeze %dma_start3A_203 : memref<1x80xi32, #tpu.memory_space<vmem>> -> memref<80xi32, #tpu.memory_space<vmem>>
      %dma_start3A_205 = arith.constant 0 : i32
      %dma_start3A_206 = arith.constant 0 : i32
      %dma_start3A_207 = tpu.memref_slice %arg11[%dma_start3A_205, %dma_start3A_206] : memref<10000x128xf32, #tpu.memory_space<vmem_shared>> -> memref<10000x128xf32, #tpu.memory_space<vmem_shared>>
      tpu.enqueue_indirect_dma source(%arg10 : memref<80x128xf32, #tpu.memory_space<vmem>>) target(%dma_start3A_207 : memref<10000x128xf32, #tpu.memory_space<vmem_shared>>) offsets(%dma_start3A_204 : memref<80xi32, #tpu.memory_space<vmem>>) semaphore(%arg17 : memref<!tpu.dma_semaphore, #tpu.memory_space<semaphore_mem>>) {add = true}
      %dma_wait3A_208 = arith.constant 4 : i32
      %dma_wait3A_209 = arith.constant 0 : i32
      %dma_wait3A_210 = tpu.memref_slice %arg7[%dma_wait3A_208, %dma_wait3A_209] : memref<25x80xi32, #tpu.memory_space<vmem>> -> memref<1x80xi32, #tpu.memory_space<vmem>>
      %dma_wait3A_211 = tpu.memref_squeeze %dma_wait3A_210 : memref<1x80xi32, #tpu.memory_space<vmem>> -> memref<80xi32, #tpu.memory_space<vmem>>
      %dma_wait3A_212 = arith.constant 0 : i32
      %dma_wait3A_213 = arith.constant 0 : i32
      %dma_wait3A_214 = tpu.memref_slice %arg11[%dma_wait3A_212, %dma_wait3A_213] : memref<10000x128xf32, #tpu.memory_space<vmem_shared>> -> memref<10000x128xf32, #tpu.memory_space<vmem_shared>>
      tpu.wait_indirect_dma semaphore(%arg16 : memref<!tpu.dma_semaphore, #tpu.memory_space<semaphore_mem>>) src(%arg9 : memref<80x128xf32, #tpu.memory_space<vmem>>) dst(%dma_wait3A_214 : memref<10000x128xf32, #tpu.memory_space<vmem_shared>>)
      %dma_start3A_215 = arith.constant 7 : i32
      %dma_start3A_216 = arith.constant 0 : i32
      %dma_start3A_217 = tpu.memref_slice %arg6[%dma_start3A_215, %dma_start3A_216] : memref<25x80xi32, #tpu.memory_space<vmem>> -> memref<1x80xi32, #tpu.memory_space<vmem>>
      %dma_start3A_218 = tpu.memref_squeeze %dma_start3A_217 : memref<1x80xi32, #tpu.memory_space<vmem>> -> memref<80xi32, #tpu.memory_space<vmem>>
      %dma_start3A_219 = arith.constant 0 : i32
      %dma_start3A_220 = arith.constant 0 : i32
      %dma_start3A_221 = tpu.memref_slice %arg2[%dma_start3A_219, %dma_start3A_220] : memref<10000x128xf32, #tpu.memory_space<hbm>> -> memref<10000x128xf32, #tpu.memory_space<hbm>>
      tpu.enqueue_indirect_dma source(%dma_start3A_221 : memref<10000x128xf32, #tpu.memory_space<hbm>>) target(%arg9 : memref<80x128xf32, #tpu.memory_space<vmem>>) offsets(%dma_start3A_218 : memref<80xi32, #tpu.memory_space<vmem>>) semaphore(%arg13 : memref<!tpu.dma_semaphore, #tpu.memory_space<semaphore_mem>>)
      %dma_wait3A_222 = arith.constant 6 : i32
      %dma_wait3A_223 = arith.constant 0 : i32
      %dma_wait3A_224 = tpu.memref_slice %arg6[%dma_wait3A_222, %dma_wait3A_223] : memref<25x80xi32, #tpu.memory_space<vmem>> -> memref<1x80xi32, #tpu.memory_space<vmem>>
      %dma_wait3A_225 = tpu.memref_squeeze %dma_wait3A_224 : memref<1x80xi32, #tpu.memory_space<vmem>> -> memref<80xi32, #tpu.memory_space<vmem>>
      %dma_wait3A_226 = arith.constant 0 : i32
      %dma_wait3A_227 = arith.constant 0 : i32
      %dma_wait3A_228 = tpu.memref_slice %arg2[%dma_wait3A_226, %dma_wait3A_227] : memref<10000x128xf32, #tpu.memory_space<hbm>> -> memref<10000x128xf32, #tpu.memory_space<hbm>>
      tpu.wait_indirect_dma semaphore(%arg12 : memref<!tpu.dma_semaphore, #tpu.memory_space<semaphore_mem>>) src(%dma_wait3A_228 : memref<10000x128xf32, #tpu.memory_space<hbm>>) dst(%arg8 : memref<80x128xf32, #tpu.memory_space<vmem>>)
      %dma_start3A_229 = arith.constant 6 : i32
      %dma_start3A_230 = arith.constant 0 : i32
      %dma_start3A_231 = tpu.memref_slice %arg7[%dma_start3A_229, %dma_start3A_230] : memref<25x80xi32, #tpu.memory_space<vmem>> -> memref<1x80xi32, #tpu.memory_space<vmem>>
      %dma_start3A_232 = tpu.memref_squeeze %dma_start3A_231 : memref<1x80xi32, #tpu.memory_space<vmem>> -> memref<80xi32, #tpu.memory_space<vmem>>
      %dma_start3A_233 = arith.constant 0 : i32
      %dma_start3A_234 = arith.constant 0 : i32
      %dma_start3A_235 = tpu.memref_slice %arg11[%dma_start3A_233, %dma_start3A_234] : memref<10000x128xf32, #tpu.memory_space<vmem_shared>> -> memref<10000x128xf32, #tpu.memory_space<vmem_shared>>
      tpu.enqueue_indirect_dma source(%arg8 : memref<80x128xf32, #tpu.memory_space<vmem>>) target(%dma_start3A_235 : memref<10000x128xf32, #tpu.memory_space<vmem_shared>>) offsets(%dma_start3A_232 : memref<80xi32, #tpu.memory_space<vmem>>) semaphore(%arg15 : memref<!tpu.dma_semaphore, #tpu.memory_space<semaphore_mem>>) {add = true}
      %dma_wait3A_236 = arith.constant 5 : i32
      %dma_wait3A_237 = arith.constant 0 : i32
      %dma_wait3A_238 = tpu.memref_slice %arg7[%dma_wait3A_236, %dma_wait3A_237] : memref<25x80xi32, #tpu.memory_space<vmem>> -> memref<1x80xi32, #tpu.memory_space<vmem>>
      %dma_wait3A_239 = tpu.memref_squeeze %dma_wait3A_238 : memref<1x80xi32, #tpu.memory_space<vmem>> -> memref<80xi32, #tpu.memory_space<vmem>>
      %dma_wait3A_240 = arith.constant 0 : i32
      %dma_wait3A_241 = arith.constant 0 : i32
      %dma_wait3A_242 = tpu.memref_slice %arg11[%dma_wait3A_240, %dma_wait3A_241] : memref<10000x128xf32, #tpu.memory_space<vmem_shared>> -> memref<10000x128xf32, #tpu.memory_space<vmem_shared>>
      tpu.wait_indirect_dma semaphore(%arg17 : memref<!tpu.dma_semaphore, #tpu.memory_space<semaphore_mem>>) src(%arg10 : memref<80x128xf32, #tpu.memory_space<vmem>>) dst(%dma_wait3A_242 : memref<10000x128xf32, #tpu.memory_space<vmem_shared>>)
      %dma_start3A_243 = arith.constant 8 : i32
      %dma_start3A_244 = arith.constant 0 : i32
      %dma_start3A_245 = tpu.memref_slice %arg6[%dma_start3A_243, %dma_start3A_244] : memref<25x80xi32, #tpu.memory_space<vmem>> -> memref<1x80xi32, #tpu.memory_space<vmem>>
      %dma_start3A_246 = tpu.memref_squeeze %dma_start3A_245 : memref<1x80xi32, #tpu.memory_space<vmem>> -> memref<80xi32, #tpu.memory_space<vmem>>
      %dma_start3A_247 = arith.constant 0 : i32
      %dma_start3A_248 = arith.constant 0 : i32
      %dma_start3A_249 = tpu.memref_slice %arg2[%dma_start3A_247, %dma_start3A_248] : memref<10000x128xf32, #tpu.memory_space<hbm>> -> memref<10000x128xf32, #tpu.memory_space<hbm>>
      tpu.enqueue_indirect_dma source(%dma_start3A_249 : memref<10000x128xf32, #tpu.memory_space<hbm>>) target(%arg10 : memref<80x128xf32, #tpu.memory_space<vmem>>) offsets(%dma_start3A_246 : memref<80xi32, #tpu.memory_space<vmem>>) semaphore(%arg14 : memref<!tpu.dma_semaphore, #tpu.memory_space<semaphore_mem>>)
      %dma_wait3A_250 = arith.constant 7 : i32
      %dma_wait3A_251 = arith.constant 0 : i32
      %dma_wait3A_252 = tpu.memref_slice %arg6[%dma_wait3A_250, %dma_wait3A_251] : memref<25x80xi32, #tpu.memory_space<vmem>> -> memref<1x80xi32, #tpu.memory_space<vmem>>
      %dma_wait3A_253 = tpu.memref_squeeze %dma_wait3A_252 : memref<1x80xi32, #tpu.memory_space<vmem>> -> memref<80xi32, #tpu.memory_space<vmem>>
      %dma_wait3A_254 = arith.constant 0 : i32
      %dma_wait3A_255 = arith.constant 0 : i32
      %dma_wait3A_256 = tpu.memref_slice %arg2[%dma_wait3A_254, %dma_wait3A_255] : memref<10000x128xf32, #tpu.memory_space<hbm>> -> memref<10000x128xf32, #tpu.memory_space<hbm>>
      tpu.wait_indirect_dma semaphore(%arg13 : memref<!tpu.dma_semaphore, #tpu.memory_space<semaphore_mem>>) src(%dma_wait3A_256 : memref<10000x128xf32, #tpu.memory_space<hbm>>) dst(%arg9 : memref<80x128xf32, #tpu.memory_space<vmem>>)
      %dma_start3A_257 = arith.constant 7 : i32
      %dma_start3A_258 = arith.constant 0 : i32
      %dma_start3A_259 = tpu.memref_slice %arg7[%dma_start3A_257, %dma_start3A_258] : memref<25x80xi32, #tpu.memory_space<vmem>> -> memref<1x80xi32, #tpu.memory_space<vmem>>
      %dma_start3A_260 = tpu.memref_squeeze %dma_start3A_259 : memref<1x80xi32, #tpu.memory_space<vmem>> -> memref<80xi32, #tpu.memory_space<vmem>>
      %dma_start3A_261 = arith.constant 0 : i32
      %dma_start3A_262 = arith.constant 0 : i32
      %dma_start3A_263 = tpu.memref_slice %arg11[%dma_start3A_261, %dma_start3A_262] : memref<10000x128xf32, #tpu.memory_space<vmem_shared>> -> memref<10000x128xf32, #tpu.memory_space<vmem_shared>>
      tpu.enqueue_indirect_dma source(%arg9 : memref<80x128xf32, #tpu.memory_space<vmem>>) target(%dma_start3A_263 : memref<10000x128xf32, #tpu.memory_space<vmem_shared>>) offsets(%dma_start3A_260 : memref<80xi32, #tpu.memory_space<vmem>>) semaphore(%arg16 : memref<!tpu.dma_semaphore, #tpu.memory_space<semaphore_mem>>) {add = true}
      %dma_wait3A_264 = arith.constant 6 : i32
      %dma_wait3A_265 = arith.constant 0 : i32
      %dma_wait3A_266 = tpu.memref_slice %arg7[%dma_wait3A_264, %dma_wait3A_265] : memref<25x80xi32, #tpu.memory_space<vmem>> -> memref<1x80xi32, #tpu.memory_space<vmem>>
      %dma_wait3A_267 = tpu.memref_squeeze %dma_wait3A_266 : memref<1x80xi32, #tpu.memory_space<vmem>> -> memref<80xi32, #tpu.memory_space<vmem>>
      %dma_wait3A_268 = arith.constant 0 : i32
      %dma_wait3A_269 = arith.constant 0 : i32
      %dma_wait3A_270 = tpu.memref_slice %arg11[%dma_wait3A_268, %dma_wait3A_269] : memref<10000x128xf32, #tpu.memory_space<vmem_shared>> -> memref<10000x128xf32, #tpu.memory_space<vmem_shared>>
      tpu.wait_indirect_dma semaphore(%arg15 : memref<!tpu.dma_semaphore, #tpu.memory_space<semaphore_mem>>) src(%arg8 : memref<80x128xf32, #tpu.memory_space<vmem>>) dst(%dma_wait3A_270 : memref<10000x128xf32, #tpu.memory_space<vmem_shared>>)
      %dma_start3A_271 = arith.constant 9 : i32
      %dma_start3A_272 = arith.constant 0 : i32
      %dma_start3A_273 = tpu.memref_slice %arg6[%dma_start3A_271, %dma_start3A_272] : memref<25x80xi32, #tpu.memory_space<vmem>> -> memref<1x80xi32, #tpu.memory_space<vmem>>
      %dma_start3A_274 = tpu.memref_squeeze %dma_start3A_273 : memref<1x80xi32, #tpu.memory_space<vmem>> -> memref<80xi32, #tpu.memory_space<vmem>>
      %dma_start3A_275 = arith.constant 0 : i32
      %dma_start3A_276 = arith.constant 0 : i32
      %dma_start3A_277 = tpu.memref_slice %arg2[%dma_start3A_275, %dma_start3A_276] : memref<10000x128xf32, #tpu.memory_space<hbm>> -> memref<10000x128xf32, #tpu.memory_space<hbm>>
      tpu.enqueue_indirect_dma source(%dma_start3A_277 : memref<10000x128xf32, #tpu.memory_space<hbm>>) target(%arg8 : memref<80x128xf32, #tpu.memory_space<vmem>>) offsets(%dma_start3A_274 : memref<80xi32, #tpu.memory_space<vmem>>) semaphore(%arg12 : memref<!tpu.dma_semaphore, #tpu.memory_space<semaphore_mem>>)
      %dma_wait3A_278 = arith.constant 8 : i32
      %dma_wait3A_279 = arith.constant 0 : i32
      %dma_wait3A_280 = tpu.memref_slice %arg6[%dma_wait3A_278, %dma_wait3A_279] : memref<25x80xi32, #tpu.memory_space<vmem>> -> memref<1x80xi32, #tpu.memory_space<vmem>>
      %dma_wait3A_281 = tpu.memref_squeeze %dma_wait3A_280 : memref<1x80xi32, #tpu.memory_space<vmem>> -> memref<80xi32, #tpu.memory_space<vmem>>
      %dma_wait3A_282 = arith.constant 0 : i32
      %dma_wait3A_283 = arith.constant 0 : i32
      %dma_wait3A_284 = tpu.memref_slice %arg2[%dma_wait3A_282, %dma_wait3A_283] : memref<10000x128xf32, #tpu.memory_space<hbm>> -> memref<10000x128xf32, #tpu.memory_space<hbm>>
      tpu.wait_indirect_dma semaphore(%arg14 : memref<!tpu.dma_semaphore, #tpu.memory_space<semaphore_mem>>) src(%dma_wait3A_284 : memref<10000x128xf32, #tpu.memory_space<hbm>>) dst(%arg10 : memref<80x128xf32, #tpu.memory_space<vmem>>)
      %dma_start3A_285 = arith.constant 8 : i32
      %dma_start3A_286 = arith.constant 0 : i32
      %dma_start3A_287 = tpu.memref_slice %arg7[%dma_start3A_285, %dma_start3A_286] : memref<25x80xi32, #tpu.memory_space<vmem>> -> memref<1x80xi32, #tpu.memory_space<vmem>>
      %dma_start3A_288 = tpu.memref_squeeze %dma_start3A_287 : memref<1x80xi32, #tpu.memory_space<vmem>> -> memref<80xi32, #tpu.memory_space<vmem>>
      %dma_start3A_289 = arith.constant 0 : i32
      %dma_start3A_290 = arith.constant 0 : i32
      %dma_start3A_291 = tpu.memref_slice %arg11[%dma_start3A_289, %dma_start3A_290] : memref<10000x128xf32, #tpu.memory_space<vmem_shared>> -> memref<10000x128xf32, #tpu.memory_space<vmem_shared>>
      tpu.enqueue_indirect_dma source(%arg10 : memref<80x128xf32, #tpu.memory_space<vmem>>) target(%dma_start3A_291 : memref<10000x128xf32, #tpu.memory_space<vmem_shared>>) offsets(%dma_start3A_288 : memref<80xi32, #tpu.memory_space<vmem>>) semaphore(%arg17 : memref<!tpu.dma_semaphore, #tpu.memory_space<semaphore_mem>>) {add = true}
      %dma_wait3A_292 = arith.constant 7 : i32
      %dma_wait3A_293 = arith.constant 0 : i32
      %dma_wait3A_294 = tpu.memref_slice %arg7[%dma_wait3A_292, %dma_wait3A_293] : memref<25x80xi32, #tpu.memory_space<vmem>> -> memref<1x80xi32, #tpu.memory_space<vmem>>
      %dma_wait3A_295 = tpu.memref_squeeze %dma_wait3A_294 : memref<1x80xi32, #tpu.memory_space<vmem>> -> memref<80xi32, #tpu.memory_space<vmem>>
      %dma_wait3A_296 = arith.constant 0 : i32
      %dma_wait3A_297 = arith.constant 0 : i32
      %dma_wait3A_298 = tpu.memref_slice %arg11[%dma_wait3A_296, %dma_wait3A_297] : memref<10000x128xf32, #tpu.memory_space<vmem_shared>> -> memref<10000x128xf32, #tpu.memory_space<vmem_shared>>
      tpu.wait_indirect_dma semaphore(%arg16 : memref<!tpu.dma_semaphore, #tpu.memory_space<semaphore_mem>>) src(%arg9 : memref<80x128xf32, #tpu.memory_space<vmem>>) dst(%dma_wait3A_298 : memref<10000x128xf32, #tpu.memory_space<vmem_shared>>)
      %dma_start3A_299 = arith.constant 10 : i32
      %dma_start3A_300 = arith.constant 0 : i32
      %dma_start3A_301 = tpu.memref_slice %arg6[%dma_start3A_299, %dma_start3A_300] : memref<25x80xi32, #tpu.memory_space<vmem>> -> memref<1x80xi32, #tpu.memory_space<vmem>>
      %dma_start3A_302 = tpu.memref_squeeze %dma_start3A_301 : memref<1x80xi32, #tpu.memory_space<vmem>> -> memref<80xi32, #tpu.memory_space<vmem>>
      %dma_start3A_303 = arith.constant 0 : i32
      %dma_start3A_304 = arith.constant 0 : i32
      %dma_start3A_305 = tpu.memref_slice %arg2[%dma_start3A_303, %dma_start3A_304] : memref<10000x128xf32, #tpu.memory_space<hbm>> -> memref<10000x128xf32, #tpu.memory_space<hbm>>
      tpu.enqueue_indirect_dma source(%dma_start3A_305 : memref<10000x128xf32, #tpu.memory_space<hbm>>) target(%arg9 : memref<80x128xf32, #tpu.memory_space<vmem>>) offsets(%dma_start3A_302 : memref<80xi32, #tpu.memory_space<vmem>>) semaphore(%arg13 : memref<!tpu.dma_semaphore, #tpu.memory_space<semaphore_mem>>)
      %dma_wait3A_306 = arith.constant 9 : i32
      %dma_wait3A_307 = arith.constant 0 : i32
      %dma_wait3A_308 = tpu.memref_slice %arg6[%dma_wait3A_306, %dma_wait3A_307] : memref<25x80xi32, #tpu.memory_space<vmem>> -> memref<1x80xi32, #tpu.memory_space<vmem>>
      %dma_wait3A_309 = tpu.memref_squeeze %dma_wait3A_308 : memref<1x80xi32, #tpu.memory_space<vmem>> -> memref<80xi32, #tpu.memory_space<vmem>>
      %dma_wait3A_310 = arith.constant 0 : i32
      %dma_wait3A_311 = arith.constant 0 : i32
      %dma_wait3A_312 = tpu.memref_slice %arg2[%dma_wait3A_310, %dma_wait3A_311] : memref<10000x128xf32, #tpu.memory_space<hbm>> -> memref<10000x128xf32, #tpu.memory_space<hbm>>
      tpu.wait_indirect_dma semaphore(%arg12 : memref<!tpu.dma_semaphore, #tpu.memory_space<semaphore_mem>>) src(%dma_wait3A_312 : memref<10000x128xf32, #tpu.memory_space<hbm>>) dst(%arg8 : memref<80x128xf32, #tpu.memory_space<vmem>>)
      %dma_start3A_313 = arith.constant 9 : i32
      %dma_start3A_314 = arith.constant 0 : i32
      %dma_start3A_315 = tpu.memref_slice %arg7[%dma_start3A_313, %dma_start3A_314] : memref<25x80xi32, #tpu.memory_space<vmem>> -> memref<1x80xi32, #tpu.memory_space<vmem>>
      %dma_start3A_316 = tpu.memref_squeeze %dma_start3A_315 : memref<1x80xi32, #tpu.memory_space<vmem>> -> memref<80xi32, #tpu.memory_space<vmem>>
      %dma_start3A_317 = arith.constant 0 : i32
      %dma_start3A_318 = arith.constant 0 : i32
      %dma_start3A_319 = tpu.memref_slice %arg11[%dma_start3A_317, %dma_start3A_318] : memref<10000x128xf32, #tpu.memory_space<vmem_shared>> -> memref<10000x128xf32, #tpu.memory_space<vmem_shared>>
      tpu.enqueue_indirect_dma source(%arg8 : memref<80x128xf32, #tpu.memory_space<vmem>>) target(%dma_start3A_319 : memref<10000x128xf32, #tpu.memory_space<vmem_shared>>) offsets(%dma_start3A_316 : memref<80xi32, #tpu.memory_space<vmem>>) semaphore(%arg15 : memref<!tpu.dma_semaphore, #tpu.memory_space<semaphore_mem>>) {add = true}
      %dma_wait3A_320 = arith.constant 8 : i32
      %dma_wait3A_321 = arith.constant 0 : i32
      %dma_wait3A_322 = tpu.memref_slice %arg7[%dma_wait3A_320, %dma_wait3A_321] : memref<25x80xi32, #tpu.memory_space<vmem>> -> memref<1x80xi32, #tpu.memory_space<vmem>>
      %dma_wait3A_323 = tpu.memref_squeeze %dma_wait3A_322 : memref<1x80xi32, #tpu.memory_space<vmem>> -> memref<80xi32, #tpu.memory_space<vmem>>
      %dma_wait3A_324 = arith.constant 0 : i32
      %dma_wait3A_325 = arith.constant 0 : i32
      %dma_wait3A_326 = tpu.memref_slice %arg11[%dma_wait3A_324, %dma_wait3A_325] : memref<10000x128xf32, #tpu.memory_space<vmem_shared>> -> memref<10000x128xf32, #tpu.memory_space<vmem_shared>>
      tpu.wait_indirect_dma semaphore(%arg17 : memref<!tpu.dma_semaphore, #tpu.memory_space<semaphore_mem>>) src(%arg10 : memref<80x128xf32, #tpu.memory_space<vmem>>) dst(%dma_wait3A_326 : memref<10000x128xf32, #tpu.memory_space<vmem_shared>>)
      %dma_start3A_327 = arith.constant 11 : i32
      %dma_start3A_328 = arith.constant 0 : i32
      %dma_start3A_329 = tpu.memref_slice %arg6[%dma_start3A_327, %dma_start3A_328] : memref<25x80xi32, #tpu.memory_space<vmem>> -> memref<1x80xi32, #tpu.memory_space<vmem>>
      %dma_start3A_330 = tpu.memref_squeeze %dma_start3A_329 : memref<1x80xi32, #tpu.memory_space<vmem>> -> memref<80xi32, #tpu.memory_space<vmem>>
      %dma_start3A_331 = arith.constant 0 : i32
      %dma_start3A_332 = arith.constant 0 : i32
      %dma_start3A_333 = tpu.memref_slice %arg2[%dma_start3A_331, %dma_start3A_332] : memref<10000x128xf32, #tpu.memory_space<hbm>> -> memref<10000x128xf32, #tpu.memory_space<hbm>>
      tpu.enqueue_indirect_dma source(%dma_start3A_333 : memref<10000x128xf32, #tpu.memory_space<hbm>>) target(%arg10 : memref<80x128xf32, #tpu.memory_space<vmem>>) offsets(%dma_start3A_330 : memref<80xi32, #tpu.memory_space<vmem>>) semaphore(%arg14 : memref<!tpu.dma_semaphore, #tpu.memory_space<semaphore_mem>>)
      %dma_wait3A_334 = arith.constant 10 : i32
      %dma_wait3A_335 = arith.constant 0 : i32
      %dma_wait3A_336 = tpu.memref_slice %arg6[%dma_wait3A_334, %dma_wait3A_335] : memref<25x80xi32, #tpu.memory_space<vmem>> -> memref<1x80xi32, #tpu.memory_space<vmem>>
      %dma_wait3A_337 = tpu.memref_squeeze %dma_wait3A_336 : memref<1x80xi32, #tpu.memory_space<vmem>> -> memref<80xi32, #tpu.memory_space<vmem>>
      %dma_wait3A_338 = arith.constant 0 : i32
      %dma_wait3A_339 = arith.constant 0 : i32
      %dma_wait3A_340 = tpu.memref_slice %arg2[%dma_wait3A_338, %dma_wait3A_339] : memref<10000x128xf32, #tpu.memory_space<hbm>> -> memref<10000x128xf32, #tpu.memory_space<hbm>>
      tpu.wait_indirect_dma semaphore(%arg13 : memref<!tpu.dma_semaphore, #tpu.memory_space<semaphore_mem>>) src(%dma_wait3A_340 : memref<10000x128xf32, #tpu.memory_space<hbm>>) dst(%arg9 : memref<80x128xf32, #tpu.memory_space<vmem>>)
      %dma_start3A_341 = arith.constant 10 : i32
      %dma_start3A_342 = arith.constant 0 : i32
      %dma_start3A_343 = tpu.memref_slice %arg7[%dma_start3A_341, %dma_start3A_342] : memref<25x80xi32, #tpu.memory_space<vmem>> -> memref<1x80xi32, #tpu.memory_space<vmem>>
      %dma_start3A_344 = tpu.memref_squeeze %dma_start3A_343 : memref<1x80xi32, #tpu.memory_space<vmem>> -> memref<80xi32, #tpu.memory_space<vmem>>
      %dma_start3A_345 = arith.constant 0 : i32
      %dma_start3A_346 = arith.constant 0 : i32
      %dma_start3A_347 = tpu.memref_slice %arg11[%dma_start3A_345, %dma_start3A_346] : memref<10000x128xf32, #tpu.memory_space<vmem_shared>> -> memref<10000x128xf32, #tpu.memory_space<vmem_shared>>
      tpu.enqueue_indirect_dma source(%arg9 : memref<80x128xf32, #tpu.memory_space<vmem>>) target(%dma_start3A_347 : memref<10000x128xf32, #tpu.memory_space<vmem_shared>>) offsets(%dma_start3A_344 : memref<80xi32, #tpu.memory_space<vmem>>) semaphore(%arg16 : memref<!tpu.dma_semaphore, #tpu.memory_space<semaphore_mem>>) {add = true}
      %dma_wait3A_348 = arith.constant 9 : i32
      %dma_wait3A_349 = arith.constant 0 : i32
      %dma_wait3A_350 = tpu.memref_slice %arg7[%dma_wait3A_348, %dma_wait3A_349] : memref<25x80xi32, #tpu.memory_space<vmem>> -> memref<1x80xi32, #tpu.memory_space<vmem>>
      %dma_wait3A_351 = tpu.memref_squeeze %dma_wait3A_350 : memref<1x80xi32, #tpu.memory_space<vmem>> -> memref<80xi32, #tpu.memory_space<vmem>>
      %dma_wait3A_352 = arith.constant 0 : i32
      %dma_wait3A_353 = arith.constant 0 : i32
      %dma_wait3A_354 = tpu.memref_slice %arg11[%dma_wait3A_352, %dma_wait3A_353] : memref<10000x128xf32, #tpu.memory_space<vmem_shared>> -> memref<10000x128xf32, #tpu.memory_space<vmem_shared>>
      tpu.wait_indirect_dma semaphore(%arg15 : memref<!tpu.dma_semaphore, #tpu.memory_space<semaphore_mem>>) src(%arg8 : memref<80x128xf32, #tpu.memory_space<vmem>>) dst(%dma_wait3A_354 : memref<10000x128xf32, #tpu.memory_space<vmem_shared>>)
      %dma_start3A_355 = arith.constant 12 : i32
      %dma_start3A_356 = arith.constant 0 : i32
      %dma_start3A_357 = tpu.memref_slice %arg6[%dma_start3A_355, %dma_start3A_356] : memref<25x80xi32, #tpu.memory_space<vmem>> -> memref<1x80xi32, #tpu.memory_space<vmem>>
      %dma_start3A_358 = tpu.memref_squeeze %dma_start3A_357 : memref<1x80xi32, #tpu.memory_space<vmem>> -> memref<80xi32, #tpu.memory_space<vmem>>
      %dma_start3A_359 = arith.constant 0 : i32
      %dma_start3A_360 = arith.constant 0 : i32
      %dma_start3A_361 = tpu.memref_slice %arg2[%dma_start3A_359, %dma_start3A_360] : memref<10000x128xf32, #tpu.memory_space<hbm>> -> memref<10000x128xf32, #tpu.memory_space<hbm>>
      tpu.enqueue_indirect_dma source(%dma_start3A_361 : memref<10000x128xf32, #tpu.memory_space<hbm>>) target(%arg8 : memref<80x128xf32, #tpu.memory_space<vmem>>) offsets(%dma_start3A_358 : memref<80xi32, #tpu.memory_space<vmem>>) semaphore(%arg12 : memref<!tpu.dma_semaphore, #tpu.memory_space<semaphore_mem>>)
      %dma_wait3A_362 = arith.constant 11 : i32
      %dma_wait3A_363 = arith.constant 0 : i32
      %dma_wait3A_364 = tpu.memref_slice %arg6[%dma_wait3A_362, %dma_wait3A_363] : memref<25x80xi32, #tpu.memory_space<vmem>> -> memref<1x80xi32, #tpu.memory_space<vmem>>
      %dma_wait3A_365 = tpu.memref_squeeze %dma_wait3A_364 : memref<1x80xi32, #tpu.memory_space<vmem>> -> memref<80xi32, #tpu.memory_space<vmem>>
      %dma_wait3A_366 = arith.constant 0 : i32
      %dma_wait3A_367 = arith.constant 0 : i32
      %dma_wait3A_368 = tpu.memref_slice %arg2[%dma_wait3A_366, %dma_wait3A_367] : memref<10000x128xf32, #tpu.memory_space<hbm>> -> memref<10000x128xf32, #tpu.memory_space<hbm>>
      tpu.wait_indirect_dma semaphore(%arg14 : memref<!tpu.dma_semaphore, #tpu.memory_space<semaphore_mem>>) src(%dma_wait3A_368 : memref<10000x128xf32, #tpu.memory_space<hbm>>) dst(%arg10 : memref<80x128xf32, #tpu.memory_space<vmem>>)
      %dma_start3A_369 = arith.constant 11 : i32
      %dma_start3A_370 = arith.constant 0 : i32
      %dma_start3A_371 = tpu.memref_slice %arg7[%dma_start3A_369, %dma_start3A_370] : memref<25x80xi32, #tpu.memory_space<vmem>> -> memref<1x80xi32, #tpu.memory_space<vmem>>
      %dma_start3A_372 = tpu.memref_squeeze %dma_start3A_371 : memref<1x80xi32, #tpu.memory_space<vmem>> -> memref<80xi32, #tpu.memory_space<vmem>>
      %dma_start3A_373 = arith.constant 0 : i32
      %dma_start3A_374 = arith.constant 0 : i32
      %dma_start3A_375 = tpu.memref_slice %arg11[%dma_start3A_373, %dma_start3A_374] : memref<10000x128xf32, #tpu.memory_space<vmem_shared>> -> memref<10000x128xf32, #tpu.memory_space<vmem_shared>>
      tpu.enqueue_indirect_dma source(%arg10 : memref<80x128xf32, #tpu.memory_space<vmem>>) target(%dma_start3A_375 : memref<10000x128xf32, #tpu.memory_space<vmem_shared>>) offsets(%dma_start3A_372 : memref<80xi32, #tpu.memory_space<vmem>>) semaphore(%arg17 : memref<!tpu.dma_semaphore, #tpu.memory_space<semaphore_mem>>) {add = true}
      %dma_wait3A_376 = arith.constant 10 : i32
      %dma_wait3A_377 = arith.constant 0 : i32
      %dma_wait3A_378 = tpu.memref_slice %arg7[%dma_wait3A_376, %dma_wait3A_377] : memref<25x80xi32, #tpu.memory_space<vmem>> -> memref<1x80xi32, #tpu.memory_space<vmem>>
      %dma_wait3A_379 = tpu.memref_squeeze %dma_wait3A_378 : memref<1x80xi32, #tpu.memory_space<vmem>> -> memref<80xi32, #tpu.memory_space<vmem>>
      %dma_wait3A_380 = arith.constant 0 : i32
      %dma_wait3A_381 = arith.constant 0 : i32
      %dma_wait3A_382 = tpu.memref_slice %arg11[%dma_wait3A_380, %dma_wait3A_381] : memref<10000x128xf32, #tpu.memory_space<vmem_shared>> -> memref<10000x128xf32, #tpu.memory_space<vmem_shared>>
      tpu.wait_indirect_dma semaphore(%arg16 : memref<!tpu.dma_semaphore, #tpu.memory_space<semaphore_mem>>) src(%arg9 : memref<80x128xf32, #tpu.memory_space<vmem>>) dst(%dma_wait3A_382 : memref<10000x128xf32, #tpu.memory_space<vmem_shared>>)
      %dma_start3A_383 = arith.constant 13 : i32
      %dma_start3A_384 = arith.constant 0 : i32
      %dma_start3A_385 = tpu.memref_slice %arg6[%dma_start3A_383, %dma_start3A_384] : memref<25x80xi32, #tpu.memory_space<vmem>> -> memref<1x80xi32, #tpu.memory_space<vmem>>
      %dma_start3A_386 = tpu.memref_squeeze %dma_start3A_385 : memref<1x80xi32, #tpu.memory_space<vmem>> -> memref<80xi32, #tpu.memory_space<vmem>>
      %dma_start3A_387 = arith.constant 0 : i32
      %dma_start3A_388 = arith.constant 0 : i32
      %dma_start3A_389 = tpu.memref_slice %arg2[%dma_start3A_387, %dma_start3A_388] : memref<10000x128xf32, #tpu.memory_space<hbm>> -> memref<10000x128xf32, #tpu.memory_space<hbm>>
      tpu.enqueue_indirect_dma source(%dma_start3A_389 : memref<10000x128xf32, #tpu.memory_space<hbm>>) target(%arg9 : memref<80x128xf32, #tpu.memory_space<vmem>>) offsets(%dma_start3A_386 : memref<80xi32, #tpu.memory_space<vmem>>) semaphore(%arg13 : memref<!tpu.dma_semaphore, #tpu.memory_space<semaphore_mem>>)
      %dma_wait3A_390 = arith.constant 12 : i32
      %dma_wait3A_391 = arith.constant 0 : i32
      %dma_wait3A_392 = tpu.memref_slice %arg6[%dma_wait3A_390, %dma_wait3A_391] : memref<25x80xi32, #tpu.memory_space<vmem>> -> memref<1x80xi32, #tpu.memory_space<vmem>>
      %dma_wait3A_393 = tpu.memref_squeeze %dma_wait3A_392 : memref<1x80xi32, #tpu.memory_space<vmem>> -> memref<80xi32, #tpu.memory_space<vmem>>
      %dma_wait3A_394 = arith.constant 0 : i32
      %dma_wait3A_395 = arith.constant 0 : i32
      %dma_wait3A_396 = tpu.memref_slice %arg2[%dma_wait3A_394, %dma_wait3A_395] : memref<10000x128xf32, #tpu.memory_space<hbm>> -> memref<10000x128xf32, #tpu.memory_space<hbm>>
      tpu.wait_indirect_dma semaphore(%arg12 : memref<!tpu.dma_semaphore, #tpu.memory_space<semaphore_mem>>) src(%dma_wait3A_396 : memref<10000x128xf32, #tpu.memory_space<hbm>>) dst(%arg8 : memref<80x128xf32, #tpu.memory_space<vmem>>)
      %dma_start3A_397 = arith.constant 12 : i32
      %dma_start3A_398 = arith.constant 0 : i32
      %dma_start3A_399 = tpu.memref_slice %arg7[%dma_start3A_397, %dma_start3A_398] : memref<25x80xi32, #tpu.memory_space<vmem>> -> memref<1x80xi32, #tpu.memory_space<vmem>>
      %dma_start3A_400 = tpu.memref_squeeze %dma_start3A_399 : memref<1x80xi32, #tpu.memory_space<vmem>> -> memref<80xi32, #tpu.memory_space<vmem>>
      %dma_start3A_401 = arith.constant 0 : i32
      %dma_start3A_402 = arith.constant 0 : i32
      %dma_start3A_403 = tpu.memref_slice %arg11[%dma_start3A_401, %dma_start3A_402] : memref<10000x128xf32, #tpu.memory_space<vmem_shared>> -> memref<10000x128xf32, #tpu.memory_space<vmem_shared>>
      tpu.enqueue_indirect_dma source(%arg8 : memref<80x128xf32, #tpu.memory_space<vmem>>) target(%dma_start3A_403 : memref<10000x128xf32, #tpu.memory_space<vmem_shared>>) offsets(%dma_start3A_400 : memref<80xi32, #tpu.memory_space<vmem>>) semaphore(%arg15 : memref<!tpu.dma_semaphore, #tpu.memory_space<semaphore_mem>>) {add = true}
      %dma_wait3A_404 = arith.constant 11 : i32
      %dma_wait3A_405 = arith.constant 0 : i32
      %dma_wait3A_406 = tpu.memref_slice %arg7[%dma_wait3A_404, %dma_wait3A_405] : memref<25x80xi32, #tpu.memory_space<vmem>> -> memref<1x80xi32, #tpu.memory_space<vmem>>
      %dma_wait3A_407 = tpu.memref_squeeze %dma_wait3A_406 : memref<1x80xi32, #tpu.memory_space<vmem>> -> memref<80xi32, #tpu.memory_space<vmem>>
      %dma_wait3A_408 = arith.constant 0 : i32
      %dma_wait3A_409 = arith.constant 0 : i32
      %dma_wait3A_410 = tpu.memref_slice %arg11[%dma_wait3A_408, %dma_wait3A_409] : memref<10000x128xf32, #tpu.memory_space<vmem_shared>> -> memref<10000x128xf32, #tpu.memory_space<vmem_shared>>
      tpu.wait_indirect_dma semaphore(%arg17 : memref<!tpu.dma_semaphore, #tpu.memory_space<semaphore_mem>>) src(%arg10 : memref<80x128xf32, #tpu.memory_space<vmem>>) dst(%dma_wait3A_410 : memref<10000x128xf32, #tpu.memory_space<vmem_shared>>)
      %dma_start3A_411 = arith.constant 14 : i32
      %dma_start3A_412 = arith.constant 0 : i32
      %dma_start3A_413 = tpu.memref_slice %arg6[%dma_start3A_411, %dma_start3A_412] : memref<25x80xi32, #tpu.memory_space<vmem>> -> memref<1x80xi32, #tpu.memory_space<vmem>>
      %dma_start3A_414 = tpu.memref_squeeze %dma_start3A_413 : memref<1x80xi32, #tpu.memory_space<vmem>> -> memref<80xi32, #tpu.memory_space<vmem>>
      %dma_start3A_415 = arith.constant 0 : i32
      %dma_start3A_416 = arith.constant 0 : i32
      %dma_start3A_417 = tpu.memref_slice %arg2[%dma_start3A_415, %dma_start3A_416] : memref<10000x128xf32, #tpu.memory_space<hbm>> -> memref<10000x128xf32, #tpu.memory_space<hbm>>
      tpu.enqueue_indirect_dma source(%dma_start3A_417 : memref<10000x128xf32, #tpu.memory_space<hbm>>) target(%arg10 : memref<80x128xf32, #tpu.memory_space<vmem>>) offsets(%dma_start3A_414 : memref<80xi32, #tpu.memory_space<vmem>>) semaphore(%arg14 : memref<!tpu.dma_semaphore, #tpu.memory_space<semaphore_mem>>)
      %dma_wait3A_418 = arith.constant 13 : i32
      %dma_wait3A_419 = arith.constant 0 : i32
      %dma_wait3A_420 = tpu.memref_slice %arg6[%dma_wait3A_418, %dma_wait3A_419] : memref<25x80xi32, #tpu.memory_space<vmem>> -> memref<1x80xi32, #tpu.memory_space<vmem>>
      %dma_wait3A_421 = tpu.memref_squeeze %dma_wait3A_420 : memref<1x80xi32, #tpu.memory_space<vmem>> -> memref<80xi32, #tpu.memory_space<vmem>>
      %dma_wait3A_422 = arith.constant 0 : i32
      %dma_wait3A_423 = arith.constant 0 : i32
      %dma_wait3A_424 = tpu.memref_slice %arg2[%dma_wait3A_422, %dma_wait3A_423] : memref<10000x128xf32, #tpu.memory_space<hbm>> -> memref<10000x128xf32, #tpu.memory_space<hbm>>
      tpu.wait_indirect_dma semaphore(%arg13 : memref<!tpu.dma_semaphore, #tpu.memory_space<semaphore_mem>>) src(%dma_wait3A_424 : memref<10000x128xf32, #tpu.memory_space<hbm>>) dst(%arg9 : memref<80x128xf32, #tpu.memory_space<vmem>>)
      %dma_start3A_425 = arith.constant 13 : i32
      %dma_start3A_426 = arith.constant 0 : i32
      %dma_start3A_427 = tpu.memref_slice %arg7[%dma_start3A_425, %dma_start3A_426] : memref<25x80xi32, #tpu.memory_space<vmem>> -> memref<1x80xi32, #tpu.memory_space<vmem>>
      %dma_start3A_428 = tpu.memref_squeeze %dma_start3A_427 : memref<1x80xi32, #tpu.memory_space<vmem>> -> memref<80xi32, #tpu.memory_space<vmem>>
      %dma_start3A_429 = arith.constant 0 : i32
      %dma_start3A_430 = arith.constant 0 : i32
      %dma_start3A_431 = tpu.memref_slice %arg11[%dma_start3A_429, %dma_start3A_430] : memref<10000x128xf32, #tpu.memory_space<vmem_shared>> -> memref<10000x128xf32, #tpu.memory_space<vmem_shared>>
      tpu.enqueue_indirect_dma source(%arg9 : memref<80x128xf32, #tpu.memory_space<vmem>>) target(%dma_start3A_431 : memref<10000x128xf32, #tpu.memory_space<vmem_shared>>) offsets(%dma_start3A_428 : memref<80xi32, #tpu.memory_space<vmem>>) semaphore(%arg16 : memref<!tpu.dma_semaphore, #tpu.memory_space<semaphore_mem>>) {add = true}
      %dma_wait3A_432 = arith.constant 12 : i32
      %dma_wait3A_433 = arith.constant 0 : i32
      %dma_wait3A_434 = tpu.memref_slice %arg7[%dma_wait3A_432, %dma_wait3A_433] : memref<25x80xi32, #tpu.memory_space<vmem>> -> memref<1x80xi32, #tpu.memory_space<vmem>>
      %dma_wait3A_435 = tpu.memref_squeeze %dma_wait3A_434 : memref<1x80xi32, #tpu.memory_space<vmem>> -> memref<80xi32, #tpu.memory_space<vmem>>
      %dma_wait3A_436 = arith.constant 0 : i32
      %dma_wait3A_437 = arith.constant 0 : i32
      %dma_wait3A_438 = tpu.memref_slice %arg11[%dma_wait3A_436, %dma_wait3A_437] : memref<10000x128xf32, #tpu.memory_space<vmem_shared>> -> memref<10000x128xf32, #tpu.memory_space<vmem_shared>>
      tpu.wait_indirect_dma semaphore(%arg15 : memref<!tpu.dma_semaphore, #tpu.memory_space<semaphore_mem>>) src(%arg8 : memref<80x128xf32, #tpu.memory_space<vmem>>) dst(%dma_wait3A_438 : memref<10000x128xf32, #tpu.memory_space<vmem_shared>>)
      %dma_start3A_439 = arith.constant 15 : i32
      %dma_start3A_440 = arith.constant 0 : i32
      %dma_start3A_441 = tpu.memref_slice %arg6[%dma_start3A_439, %dma_start3A_440] : memref<25x80xi32, #tpu.memory_space<vmem>> -> memref<1x80xi32, #tpu.memory_space<vmem>>
      %dma_start3A_442 = tpu.memref_squeeze %dma_start3A_441 : memref<1x80xi32, #tpu.memory_space<vmem>> -> memref<80xi32, #tpu.memory_space<vmem>>
      %dma_start3A_443 = arith.constant 0 : i32
      %dma_start3A_444 = arith.constant 0 : i32
      %dma_start3A_445 = tpu.memref_slice %arg2[%dma_start3A_443, %dma_start3A_444] : memref<10000x128xf32, #tpu.memory_space<hbm>> -> memref<10000x128xf32, #tpu.memory_space<hbm>>
      tpu.enqueue_indirect_dma source(%dma_start3A_445 : memref<10000x128xf32, #tpu.memory_space<hbm>>) target(%arg8 : memref<80x128xf32, #tpu.memory_space<vmem>>) offsets(%dma_start3A_442 : memref<80xi32, #tpu.memory_space<vmem>>) semaphore(%arg12 : memref<!tpu.dma_semaphore, #tpu.memory_space<semaphore_mem>>)
      %dma_wait3A_446 = arith.constant 14 : i32
      %dma_wait3A_447 = arith.constant 0 : i32
      %dma_wait3A_448 = tpu.memref_slice %arg6[%dma_wait3A_446, %dma_wait3A_447] : memref<25x80xi32, #tpu.memory_space<vmem>> -> memref<1x80xi32, #tpu.memory_space<vmem>>
      %dma_wait3A_449 = tpu.memref_squeeze %dma_wait3A_448 : memref<1x80xi32, #tpu.memory_space<vmem>> -> memref<80xi32, #tpu.memory_space<vmem>>
      %dma_wait3A_450 = arith.constant 0 : i32
      %dma_wait3A_451 = arith.constant 0 : i32
      %dma_wait3A_452 = tpu.memref_slice %arg2[%dma_wait3A_450, %dma_wait3A_451] : memref<10000x128xf32, #tpu.memory_space<hbm>> -> memref<10000x128xf32, #tpu.memory_space<hbm>>
      tpu.wait_indirect_dma semaphore(%arg14 : memref<!tpu.dma_semaphore, #tpu.memory_space<semaphore_mem>>) src(%dma_wait3A_452 : memref<10000x128xf32, #tpu.memory_space<hbm>>) dst(%arg10 : memref<80x128xf32, #tpu.memory_space<vmem>>)
      %dma_start3A_453 = arith.constant 14 : i32
      %dma_start3A_454 = arith.constant 0 : i32
      %dma_start3A_455 = tpu.memref_slice %arg7[%dma_start3A_453, %dma_start3A_454] : memref<25x80xi32, #tpu.memory_space<vmem>> -> memref<1x80xi32, #tpu.memory_space<vmem>>
      %dma_start3A_456 = tpu.memref_squeeze %dma_start3A_455 : memref<1x80xi32, #tpu.memory_space<vmem>> -> memref<80xi32, #tpu.memory_space<vmem>>
      %dma_start3A_457 = arith.constant 0 : i32
      %dma_start3A_458 = arith.constant 0 : i32
      %dma_start3A_459 = tpu.memref_slice %arg11[%dma_start3A_457, %dma_start3A_458] : memref<10000x128xf32, #tpu.memory_space<vmem_shared>> -> memref<10000x128xf32, #tpu.memory_space<vmem_shared>>
      tpu.enqueue_indirect_dma source(%arg10 : memref<80x128xf32, #tpu.memory_space<vmem>>) target(%dma_start3A_459 : memref<10000x128xf32, #tpu.memory_space<vmem_shared>>) offsets(%dma_start3A_456 : memref<80xi32, #tpu.memory_space<vmem>>) semaphore(%arg17 : memref<!tpu.dma_semaphore, #tpu.memory_space<semaphore_mem>>) {add = true}
      %dma_wait3A_460 = arith.constant 13 : i32
      %dma_wait3A_461 = arith.constant 0 : i32
      %dma_wait3A_462 = tpu.memref_slice %arg7[%dma_wait3A_460, %dma_wait3A_461] : memref<25x80xi32, #tpu.memory_space<vmem>> -> memref<1x80xi32, #tpu.memory_space<vmem>>
      %dma_wait3A_463 = tpu.memref_squeeze %dma_wait3A_462 : memref<1x80xi32, #tpu.memory_space<vmem>> -> memref<80xi32, #tpu.memory_space<vmem>>
      %dma_wait3A_464 = arith.constant 0 : i32
      %dma_wait3A_465 = arith.constant 0 : i32
      %dma_wait3A_466 = tpu.memref_slice %arg11[%dma_wait3A_464, %dma_wait3A_465] : memref<10000x128xf32, #tpu.memory_space<vmem_shared>> -> memref<10000x128xf32, #tpu.memory_space<vmem_shared>>
      tpu.wait_indirect_dma semaphore(%arg16 : memref<!tpu.dma_semaphore, #tpu.memory_space<semaphore_mem>>) src(%arg9 : memref<80x128xf32, #tpu.memory_space<vmem>>) dst(%dma_wait3A_466 : memref<10000x128xf32, #tpu.memory_space<vmem_shared>>)
      %dma_start3A_467 = arith.constant 16 : i32
      %dma_start3A_468 = arith.constant 0 : i32
      %dma_start3A_469 = tpu.memref_slice %arg6[%dma_start3A_467, %dma_start3A_468] : memref<25x80xi32, #tpu.memory_space<vmem>> -> memref<1x80xi32, #tpu.memory_space<vmem>>
      %dma_start3A_470 = tpu.memref_squeeze %dma_start3A_469 : memref<1x80xi32, #tpu.memory_space<vmem>> -> memref<80xi32, #tpu.memory_space<vmem>>
      %dma_start3A_471 = arith.constant 0 : i32
      %dma_start3A_472 = arith.constant 0 : i32
      %dma_start3A_473 = tpu.memref_slice %arg2[%dma_start3A_471, %dma_start3A_472] : memref<10000x128xf32, #tpu.memory_space<hbm>> -> memref<10000x128xf32, #tpu.memory_space<hbm>>
      tpu.enqueue_indirect_dma source(%dma_start3A_473 : memref<10000x128xf32, #tpu.memory_space<hbm>>) target(%arg9 : memref<80x128xf32, #tpu.memory_space<vmem>>) offsets(%dma_start3A_470 : memref<80xi32, #tpu.memory_space<vmem>>) semaphore(%arg13 : memref<!tpu.dma_semaphore, #tpu.memory_space<semaphore_mem>>)
      %dma_wait3A_474 = arith.constant 15 : i32
      %dma_wait3A_475 = arith.constant 0 : i32
      %dma_wait3A_476 = tpu.memref_slice %arg6[%dma_wait3A_474, %dma_wait3A_475] : memref<25x80xi32, #tpu.memory_space<vmem>> -> memref<1x80xi32, #tpu.memory_space<vmem>>
      %dma_wait3A_477 = tpu.memref_squeeze %dma_wait3A_476 : memref<1x80xi32, #tpu.memory_space<vmem>> -> memref<80xi32, #tpu.memory_space<vmem>>
      %dma_wait3A_478 = arith.constant 0 : i32
      %dma_wait3A_479 = arith.constant 0 : i32
      %dma_wait3A_480 = tpu.memref_slice %arg2[%dma_wait3A_478, %dma_wait3A_479] : memref<10000x128xf32, #tpu.memory_space<hbm>> -> memref<10000x128xf32, #tpu.memory_space<hbm>>
      tpu.wait_indirect_dma semaphore(%arg12 : memref<!tpu.dma_semaphore, #tpu.memory_space<semaphore_mem>>) src(%dma_wait3A_480 : memref<10000x128xf32, #tpu.memory_space<hbm>>) dst(%arg8 : memref<80x128xf32, #tpu.memory_space<vmem>>)
      %dma_start3A_481 = arith.constant 15 : i32
      %dma_start3A_482 = arith.constant 0 : i32
      %dma_start3A_483 = tpu.memref_slice %arg7[%dma_start3A_481, %dma_start3A_482] : memref<25x80xi32, #tpu.memory_space<vmem>> -> memref<1x80xi32, #tpu.memory_space<vmem>>
      %dma_start3A_484 = tpu.memref_squeeze %dma_start3A_483 : memref<1x80xi32, #tpu.memory_space<vmem>> -> memref<80xi32, #tpu.memory_space<vmem>>
      %dma_start3A_485 = arith.constant 0 : i32
      %dma_start3A_486 = arith.constant 0 : i32
      %dma_start3A_487 = tpu.memref_slice %arg11[%dma_start3A_485, %dma_start3A_486] : memref<10000x128xf32, #tpu.memory_space<vmem_shared>> -> memref<10000x128xf32, #tpu.memory_space<vmem_shared>>
      tpu.enqueue_indirect_dma source(%arg8 : memref<80x128xf32, #tpu.memory_space<vmem>>) target(%dma_start3A_487 : memref<10000x128xf32, #tpu.memory_space<vmem_shared>>) offsets(%dma_start3A_484 : memref<80xi32, #tpu.memory_space<vmem>>) semaphore(%arg15 : memref<!tpu.dma_semaphore, #tpu.memory_space<semaphore_mem>>) {add = true}
      %dma_wait3A_488 = arith.constant 14 : i32
      %dma_wait3A_489 = arith.constant 0 : i32
      %dma_wait3A_490 = tpu.memref_slice %arg7[%dma_wait3A_488, %dma_wait3A_489] : memref<25x80xi32, #tpu.memory_space<vmem>> -> memref<1x80xi32, #tpu.memory_space<vmem>>
      %dma_wait3A_491 = tpu.memref_squeeze %dma_wait3A_490 : memref<1x80xi32, #tpu.memory_space<vmem>> -> memref<80xi32, #tpu.memory_space<vmem>>
      %dma_wait3A_492 = arith.constant 0 : i32
      %dma_wait3A_493 = arith.constant 0 : i32
      %dma_wait3A_494 = tpu.memref_slice %arg11[%dma_wait3A_492, %dma_wait3A_493] : memref<10000x128xf32, #tpu.memory_space<vmem_shared>> -> memref<10000x128xf32, #tpu.memory_space<vmem_shared>>
      tpu.wait_indirect_dma semaphore(%arg17 : memref<!tpu.dma_semaphore, #tpu.memory_space<semaphore_mem>>) src(%arg10 : memref<80x128xf32, #tpu.memory_space<vmem>>) dst(%dma_wait3A_494 : memref<10000x128xf32, #tpu.memory_space<vmem_shared>>)
      %dma_start3A_495 = arith.constant 17 : i32
      %dma_start3A_496 = arith.constant 0 : i32
      %dma_start3A_497 = tpu.memref_slice %arg6[%dma_start3A_495, %dma_start3A_496] : memref<25x80xi32, #tpu.memory_space<vmem>> -> memref<1x80xi32, #tpu.memory_space<vmem>>
      %dma_start3A_498 = tpu.memref_squeeze %dma_start3A_497 : memref<1x80xi32, #tpu.memory_space<vmem>> -> memref<80xi32, #tpu.memory_space<vmem>>
      %dma_start3A_499 = arith.constant 0 : i32
      %dma_start3A_500 = arith.constant 0 : i32
      %dma_start3A_501 = tpu.memref_slice %arg2[%dma_start3A_499, %dma_start3A_500] : memref<10000x128xf32, #tpu.memory_space<hbm>> -> memref<10000x128xf32, #tpu.memory_space<hbm>>
      tpu.enqueue_indirect_dma source(%dma_start3A_501 : memref<10000x128xf32, #tpu.memory_space<hbm>>) target(%arg10 : memref<80x128xf32, #tpu.memory_space<vmem>>) offsets(%dma_start3A_498 : memref<80xi32, #tpu.memory_space<vmem>>) semaphore(%arg14 : memref<!tpu.dma_semaphore, #tpu.memory_space<semaphore_mem>>)
      %dma_wait3A_502 = arith.constant 16 : i32
      %dma_wait3A_503 = arith.constant 0 : i32
      %dma_wait3A_504 = tpu.memref_slice %arg6[%dma_wait3A_502, %dma_wait3A_503] : memref<25x80xi32, #tpu.memory_space<vmem>> -> memref<1x80xi32, #tpu.memory_space<vmem>>
      %dma_wait3A_505 = tpu.memref_squeeze %dma_wait3A_504 : memref<1x80xi32, #tpu.memory_space<vmem>> -> memref<80xi32, #tpu.memory_space<vmem>>
      %dma_wait3A_506 = arith.constant 0 : i32
      %dma_wait3A_507 = arith.constant 0 : i32
      %dma_wait3A_508 = tpu.memref_slice %arg2[%dma_wait3A_506, %dma_wait3A_507] : memref<10000x128xf32, #tpu.memory_space<hbm>> -> memref<10000x128xf32, #tpu.memory_space<hbm>>
      tpu.wait_indirect_dma semaphore(%arg13 : memref<!tpu.dma_semaphore, #tpu.memory_space<semaphore_mem>>) src(%dma_wait3A_508 : memref<10000x128xf32, #tpu.memory_space<hbm>>) dst(%arg9 : memref<80x128xf32, #tpu.memory_space<vmem>>)
      %dma_start3A_509 = arith.constant 16 : i32
      %dma_start3A_510 = arith.constant 0 : i32
      %dma_start3A_511 = tpu.memref_slice %arg7[%dma_start3A_509, %dma_start3A_510] : memref<25x80xi32, #tpu.memory_space<vmem>> -> memref<1x80xi32, #tpu.memory_space<vmem>>
      %dma_start3A_512 = tpu.memref_squeeze %dma_start3A_511 : memref<1x80xi32, #tpu.memory_space<vmem>> -> memref<80xi32, #tpu.memory_space<vmem>>
      %dma_start3A_513 = arith.constant 0 : i32
      %dma_start3A_514 = arith.constant 0 : i32
      %dma_start3A_515 = tpu.memref_slice %arg11[%dma_start3A_513, %dma_start3A_514] : memref<10000x128xf32, #tpu.memory_space<vmem_shared>> -> memref<10000x128xf32, #tpu.memory_space<vmem_shared>>
      tpu.enqueue_indirect_dma source(%arg9 : memref<80x128xf32, #tpu.memory_space<vmem>>) target(%dma_start3A_515 : memref<10000x128xf32, #tpu.memory_space<vmem_shared>>) offsets(%dma_start3A_512 : memref<80xi32, #tpu.memory_space<vmem>>) semaphore(%arg16 : memref<!tpu.dma_semaphore, #tpu.memory_space<semaphore_mem>>) {add = true}
      %dma_wait3A_516 = arith.constant 15 : i32
      %dma_wait3A_517 = arith.constant 0 : i32
      %dma_wait3A_518 = tpu.memref_slice %arg7[%dma_wait3A_516, %dma_wait3A_517] : memref<25x80xi32, #tpu.memory_space<vmem>> -> memref<1x80xi32, #tpu.memory_space<vmem>>
      %dma_wait3A_519 = tpu.memref_squeeze %dma_wait3A_518 : memref<1x80xi32, #tpu.memory_space<vmem>> -> memref<80xi32, #tpu.memory_space<vmem>>
      %dma_wait3A_520 = arith.constant 0 : i32
      %dma_wait3A_521 = arith.constant 0 : i32
      %dma_wait3A_522 = tpu.memref_slice %arg11[%dma_wait3A_520, %dma_wait3A_521] : memref<10000x128xf32, #tpu.memory_space<vmem_shared>> -> memref<10000x128xf32, #tpu.memory_space<vmem_shared>>
      tpu.wait_indirect_dma semaphore(%arg15 : memref<!tpu.dma_semaphore, #tpu.memory_space<semaphore_mem>>) src(%arg8 : memref<80x128xf32, #tpu.memory_space<vmem>>) dst(%dma_wait3A_522 : memref<10000x128xf32, #tpu.memory_space<vmem_shared>>)
      %dma_start3A_523 = arith.constant 18 : i32
      %dma_start3A_524 = arith.constant 0 : i32
      %dma_start3A_525 = tpu.memref_slice %arg6[%dma_start3A_523, %dma_start3A_524] : memref<25x80xi32, #tpu.memory_space<vmem>> -> memref<1x80xi32, #tpu.memory_space<vmem>>
      %dma_start3A_526 = tpu.memref_squeeze %dma_start3A_525 : memref<1x80xi32, #tpu.memory_space<vmem>> -> memref<80xi32, #tpu.memory_space<vmem>>
      %dma_start3A_527 = arith.constant 0 : i32
      %dma_start3A_528 = arith.constant 0 : i32
      %dma_start3A_529 = tpu.memref_slice %arg2[%dma_start3A_527, %dma_start3A_528] : memref<10000x128xf32, #tpu.memory_space<hbm>> -> memref<10000x128xf32, #tpu.memory_space<hbm>>
      tpu.enqueue_indirect_dma source(%dma_start3A_529 : memref<10000x128xf32, #tpu.memory_space<hbm>>) target(%arg8 : memref<80x128xf32, #tpu.memory_space<vmem>>) offsets(%dma_start3A_526 : memref<80xi32, #tpu.memory_space<vmem>>) semaphore(%arg12 : memref<!tpu.dma_semaphore, #tpu.memory_space<semaphore_mem>>)
      %dma_wait3A_530 = arith.constant 17 : i32
      %dma_wait3A_531 = arith.constant 0 : i32
      %dma_wait3A_532 = tpu.memref_slice %arg6[%dma_wait3A_530, %dma_wait3A_531] : memref<25x80xi32, #tpu.memory_space<vmem>> -> memref<1x80xi32, #tpu.memory_space<vmem>>
      %dma_wait3A_533 = tpu.memref_squeeze %dma_wait3A_532 : memref<1x80xi32, #tpu.memory_space<vmem>> -> memref<80xi32, #tpu.memory_space<vmem>>
      %dma_wait3A_534 = arith.constant 0 : i32
      %dma_wait3A_535 = arith.constant 0 : i32
      %dma_wait3A_536 = tpu.memref_slice %arg2[%dma_wait3A_534, %dma_wait3A_535] : memref<10000x128xf32, #tpu.memory_space<hbm>> -> memref<10000x128xf32, #tpu.memory_space<hbm>>
      tpu.wait_indirect_dma semaphore(%arg14 : memref<!tpu.dma_semaphore, #tpu.memory_space<semaphore_mem>>) src(%dma_wait3A_536 : memref<10000x128xf32, #tpu.memory_space<hbm>>) dst(%arg10 : memref<80x128xf32, #tpu.memory_space<vmem>>)
      %dma_start3A_537 = arith.constant 17 : i32
      %dma_start3A_538 = arith.constant 0 : i32
      %dma_start3A_539 = tpu.memref_slice %arg7[%dma_start3A_537, %dma_start3A_538] : memref<25x80xi32, #tpu.memory_space<vmem>> -> memref<1x80xi32, #tpu.memory_space<vmem>>
      %dma_start3A_540 = tpu.memref_squeeze %dma_start3A_539 : memref<1x80xi32, #tpu.memory_space<vmem>> -> memref<80xi32, #tpu.memory_space<vmem>>
      %dma_start3A_541 = arith.constant 0 : i32
      %dma_start3A_542 = arith.constant 0 : i32
      %dma_start3A_543 = tpu.memref_slice %arg11[%dma_start3A_541, %dma_start3A_542] : memref<10000x128xf32, #tpu.memory_space<vmem_shared>> -> memref<10000x128xf32, #tpu.memory_space<vmem_shared>>
      tpu.enqueue_indirect_dma source(%arg10 : memref<80x128xf32, #tpu.memory_space<vmem>>) target(%dma_start3A_543 : memref<10000x128xf32, #tpu.memory_space<vmem_shared>>) offsets(%dma_start3A_540 : memref<80xi32, #tpu.memory_space<vmem>>) semaphore(%arg17 : memref<!tpu.dma_semaphore, #tpu.memory_space<semaphore_mem>>) {add = true}
      %dma_wait3A_544 = arith.constant 16 : i32
      %dma_wait3A_545 = arith.constant 0 : i32
      %dma_wait3A_546 = tpu.memref_slice %arg7[%dma_wait3A_544, %dma_wait3A_545] : memref<25x80xi32, #tpu.memory_space<vmem>> -> memref<1x80xi32, #tpu.memory_space<vmem>>
      %dma_wait3A_547 = tpu.memref_squeeze %dma_wait3A_546 : memref<1x80xi32, #tpu.memory_space<vmem>> -> memref<80xi32, #tpu.memory_space<vmem>>
      %dma_wait3A_548 = arith.constant 0 : i32
      %dma_wait3A_549 = arith.constant 0 : i32
      %dma_wait3A_550 = tpu.memref_slice %arg11[%dma_wait3A_548, %dma_wait3A_549] : memref<10000x128xf32, #tpu.memory_space<vmem_shared>> -> memref<10000x128xf32, #tpu.memory_space<vmem_shared>>
      tpu.wait_indirect_dma semaphore(%arg16 : memref<!tpu.dma_semaphore, #tpu.memory_space<semaphore_mem>>) src(%arg9 : memref<80x128xf32, #tpu.memory_space<vmem>>) dst(%dma_wait3A_550 : memref<10000x128xf32, #tpu.memory_space<vmem_shared>>)
      %dma_start3A_551 = arith.constant 19 : i32
      %dma_start3A_552 = arith.constant 0 : i32
      %dma_start3A_553 = tpu.memref_slice %arg6[%dma_start3A_551, %dma_start3A_552] : memref<25x80xi32, #tpu.memory_space<vmem>> -> memref<1x80xi32, #tpu.memory_space<vmem>>
      %dma_start3A_554 = tpu.memref_squeeze %dma_start3A_553 : memref<1x80xi32, #tpu.memory_space<vmem>> -> memref<80xi32, #tpu.memory_space<vmem>>
      %dma_start3A_555 = arith.constant 0 : i32
      %dma_start3A_556 = arith.constant 0 : i32
      %dma_start3A_557 = tpu.memref_slice %arg2[%dma_start3A_555, %dma_start3A_556] : memref<10000x128xf32, #tpu.memory_space<hbm>> -> memref<10000x128xf32, #tpu.memory_space<hbm>>
      tpu.enqueue_indirect_dma source(%dma_start3A_557 : memref<10000x128xf32, #tpu.memory_space<hbm>>) target(%arg9 : memref<80x128xf32, #tpu.memory_space<vmem>>) offsets(%dma_start3A_554 : memref<80xi32, #tpu.memory_space<vmem>>) semaphore(%arg13 : memref<!tpu.dma_semaphore, #tpu.memory_space<semaphore_mem>>)
      %dma_wait3A_558 = arith.constant 18 : i32
      %dma_wait3A_559 = arith.constant 0 : i32
      %dma_wait3A_560 = tpu.memref_slice %arg6[%dma_wait3A_558, %dma_wait3A_559] : memref<25x80xi32, #tpu.memory_space<vmem>> -> memref<1x80xi32, #tpu.memory_space<vmem>>
      %dma_wait3A_561 = tpu.memref_squeeze %dma_wait3A_560 : memref<1x80xi32, #tpu.memory_space<vmem>> -> memref<80xi32, #tpu.memory_space<vmem>>
      %dma_wait3A_562 = arith.constant 0 : i32
      %dma_wait3A_563 = arith.constant 0 : i32
      %dma_wait3A_564 = tpu.memref_slice %arg2[%dma_wait3A_562, %dma_wait3A_563] : memref<10000x128xf32, #tpu.memory_space<hbm>> -> memref<10000x128xf32, #tpu.memory_space<hbm>>
      tpu.wait_indirect_dma semaphore(%arg12 : memref<!tpu.dma_semaphore, #tpu.memory_space<semaphore_mem>>) src(%dma_wait3A_564 : memref<10000x128xf32, #tpu.memory_space<hbm>>) dst(%arg8 : memref<80x128xf32, #tpu.memory_space<vmem>>)
      %dma_start3A_565 = arith.constant 18 : i32
      %dma_start3A_566 = arith.constant 0 : i32
      %dma_start3A_567 = tpu.memref_slice %arg7[%dma_start3A_565, %dma_start3A_566] : memref<25x80xi32, #tpu.memory_space<vmem>> -> memref<1x80xi32, #tpu.memory_space<vmem>>
      %dma_start3A_568 = tpu.memref_squeeze %dma_start3A_567 : memref<1x80xi32, #tpu.memory_space<vmem>> -> memref<80xi32, #tpu.memory_space<vmem>>
      %dma_start3A_569 = arith.constant 0 : i32
      %dma_start3A_570 = arith.constant 0 : i32
      %dma_start3A_571 = tpu.memref_slice %arg11[%dma_start3A_569, %dma_start3A_570] : memref<10000x128xf32, #tpu.memory_space<vmem_shared>> -> memref<10000x128xf32, #tpu.memory_space<vmem_shared>>
      tpu.enqueue_indirect_dma source(%arg8 : memref<80x128xf32, #tpu.memory_space<vmem>>) target(%dma_start3A_571 : memref<10000x128xf32, #tpu.memory_space<vmem_shared>>) offsets(%dma_start3A_568 : memref<80xi32, #tpu.memory_space<vmem>>) semaphore(%arg15 : memref<!tpu.dma_semaphore, #tpu.memory_space<semaphore_mem>>) {add = true}
      %dma_wait3A_572 = arith.constant 17 : i32
      %dma_wait3A_573 = arith.constant 0 : i32
      %dma_wait3A_574 = tpu.memref_slice %arg7[%dma_wait3A_572, %dma_wait3A_573] : memref<25x80xi32, #tpu.memory_space<vmem>> -> memref<1x80xi32, #tpu.memory_space<vmem>>
      %dma_wait3A_575 = tpu.memref_squeeze %dma_wait3A_574 : memref<1x80xi32, #tpu.memory_space<vmem>> -> memref<80xi32, #tpu.memory_space<vmem>>
      %dma_wait3A_576 = arith.constant 0 : i32
      %dma_wait3A_577 = arith.constant 0 : i32
      %dma_wait3A_578 = tpu.memref_slice %arg11[%dma_wait3A_576, %dma_wait3A_577] : memref<10000x128xf32, #tpu.memory_space<vmem_shared>> -> memref<10000x128xf32, #tpu.memory_space<vmem_shared>>
      tpu.wait_indirect_dma semaphore(%arg17 : memref<!tpu.dma_semaphore, #tpu.memory_space<semaphore_mem>>) src(%arg10 : memref<80x128xf32, #tpu.memory_space<vmem>>) dst(%dma_wait3A_578 : memref<10000x128xf32, #tpu.memory_space<vmem_shared>>)
      %dma_start3A_579 = arith.constant 20 : i32
      %dma_start3A_580 = arith.constant 0 : i32
      %dma_start3A_581 = tpu.memref_slice %arg6[%dma_start3A_579, %dma_start3A_580] : memref<25x80xi32, #tpu.memory_space<vmem>> -> memref<1x80xi32, #tpu.memory_space<vmem>>
      %dma_start3A_582 = tpu.memref_squeeze %dma_start3A_581 : memref<1x80xi32, #tpu.memory_space<vmem>> -> memref<80xi32, #tpu.memory_space<vmem>>
      %dma_start3A_583 = arith.constant 0 : i32
      %dma_start3A_584 = arith.constant 0 : i32
      %dma_start3A_585 = tpu.memref_slice %arg2[%dma_start3A_583, %dma_start3A_584] : memref<10000x128xf32, #tpu.memory_space<hbm>> -> memref<10000x128xf32, #tpu.memory_space<hbm>>
      tpu.enqueue_indirect_dma source(%dma_start3A_585 : memref<10000x128xf32, #tpu.memory_space<hbm>>) target(%arg10 : memref<80x128xf32, #tpu.memory_space<vmem>>) offsets(%dma_start3A_582 : memref<80xi32, #tpu.memory_space<vmem>>) semaphore(%arg14 : memref<!tpu.dma_semaphore, #tpu.memory_space<semaphore_mem>>)
      %dma_wait3A_586 = arith.constant 19 : i32
      %dma_wait3A_587 = arith.constant 0 : i32
      %dma_wait3A_588 = tpu.memref_slice %arg6[%dma_wait3A_586, %dma_wait3A_587] : memref<25x80xi32, #tpu.memory_space<vmem>> -> memref<1x80xi32, #tpu.memory_space<vmem>>
      %dma_wait3A_589 = tpu.memref_squeeze %dma_wait3A_588 : memref<1x80xi32, #tpu.memory_space<vmem>> -> memref<80xi32, #tpu.memory_space<vmem>>
      %dma_wait3A_590 = arith.constant 0 : i32
      %dma_wait3A_591 = arith.constant 0 : i32
      %dma_wait3A_592 = tpu.memref_slice %arg2[%dma_wait3A_590, %dma_wait3A_591] : memref<10000x128xf32, #tpu.memory_space<hbm>> -> memref<10000x128xf32, #tpu.memory_space<hbm>>
      tpu.wait_indirect_dma semaphore(%arg13 : memref<!tpu.dma_semaphore, #tpu.memory_space<semaphore_mem>>) src(%dma_wait3A_592 : memref<10000x128xf32, #tpu.memory_space<hbm>>) dst(%arg9 : memref<80x128xf32, #tpu.memory_space<vmem>>)
      %dma_start3A_593 = arith.constant 19 : i32
      %dma_start3A_594 = arith.constant 0 : i32
      %dma_start3A_595 = tpu.memref_slice %arg7[%dma_start3A_593, %dma_start3A_594] : memref<25x80xi32, #tpu.memory_space<vmem>> -> memref<1x80xi32, #tpu.memory_space<vmem>>
      %dma_start3A_596 = tpu.memref_squeeze %dma_start3A_595 : memref<1x80xi32, #tpu.memory_space<vmem>> -> memref<80xi32, #tpu.memory_space<vmem>>
      %dma_start3A_597 = arith.constant 0 : i32
      %dma_start3A_598 = arith.constant 0 : i32
      %dma_start3A_599 = tpu.memref_slice %arg11[%dma_start3A_597, %dma_start3A_598] : memref<10000x128xf32, #tpu.memory_space<vmem_shared>> -> memref<10000x128xf32, #tpu.memory_space<vmem_shared>>
      tpu.enqueue_indirect_dma source(%arg9 : memref<80x128xf32, #tpu.memory_space<vmem>>) target(%dma_start3A_599 : memref<10000x128xf32, #tpu.memory_space<vmem_shared>>) offsets(%dma_start3A_596 : memref<80xi32, #tpu.memory_space<vmem>>) semaphore(%arg16 : memref<!tpu.dma_semaphore, #tpu.memory_space<semaphore_mem>>) {add = true}
      %dma_wait3A_600 = arith.constant 18 : i32
      %dma_wait3A_601 = arith.constant 0 : i32
      %dma_wait3A_602 = tpu.memref_slice %arg7[%dma_wait3A_600, %dma_wait3A_601] : memref<25x80xi32, #tpu.memory_space<vmem>> -> memref<1x80xi32, #tpu.memory_space<vmem>>
      %dma_wait3A_603 = tpu.memref_squeeze %dma_wait3A_602 : memref<1x80xi32, #tpu.memory_space<vmem>> -> memref<80xi32, #tpu.memory_space<vmem>>
      %dma_wait3A_604 = arith.constant 0 : i32
      %dma_wait3A_605 = arith.constant 0 : i32
      %dma_wait3A_606 = tpu.memref_slice %arg11[%dma_wait3A_604, %dma_wait3A_605] : memref<10000x128xf32, #tpu.memory_space<vmem_shared>> -> memref<10000x128xf32, #tpu.memory_space<vmem_shared>>
      tpu.wait_indirect_dma semaphore(%arg15 : memref<!tpu.dma_semaphore, #tpu.memory_space<semaphore_mem>>) src(%arg8 : memref<80x128xf32, #tpu.memory_space<vmem>>) dst(%dma_wait3A_606 : memref<10000x128xf32, #tpu.memory_space<vmem_shared>>)
      %dma_start3A_607 = arith.constant 21 : i32
      %dma_start3A_608 = arith.constant 0 : i32
      %dma_start3A_609 = tpu.memref_slice %arg6[%dma_start3A_607, %dma_start3A_608] : memref<25x80xi32, #tpu.memory_space<vmem>> -> memref<1x80xi32, #tpu.memory_space<vmem>>
      %dma_start3A_610 = tpu.memref_squeeze %dma_start3A_609 : memref<1x80xi32, #tpu.memory_space<vmem>> -> memref<80xi32, #tpu.memory_space<vmem>>
      %dma_start3A_611 = arith.constant 0 : i32
      %dma_start3A_612 = arith.constant 0 : i32
      %dma_start3A_613 = tpu.memref_slice %arg2[%dma_start3A_611, %dma_start3A_612] : memref<10000x128xf32, #tpu.memory_space<hbm>> -> memref<10000x128xf32, #tpu.memory_space<hbm>>
      tpu.enqueue_indirect_dma source(%dma_start3A_613 : memref<10000x128xf32, #tpu.memory_space<hbm>>) target(%arg8 : memref<80x128xf32, #tpu.memory_space<vmem>>) offsets(%dma_start3A_610 : memref<80xi32, #tpu.memory_space<vmem>>) semaphore(%arg12 : memref<!tpu.dma_semaphore, #tpu.memory_space<semaphore_mem>>)
      %dma_wait3A_614 = arith.constant 20 : i32
      %dma_wait3A_615 = arith.constant 0 : i32
      %dma_wait3A_616 = tpu.memref_slice %arg6[%dma_wait3A_614, %dma_wait3A_615] : memref<25x80xi32, #tpu.memory_space<vmem>> -> memref<1x80xi32, #tpu.memory_space<vmem>>
      %dma_wait3A_617 = tpu.memref_squeeze %dma_wait3A_616 : memref<1x80xi32, #tpu.memory_space<vmem>> -> memref<80xi32, #tpu.memory_space<vmem>>
      %dma_wait3A_618 = arith.constant 0 : i32
      %dma_wait3A_619 = arith.constant 0 : i32
      %dma_wait3A_620 = tpu.memref_slice %arg2[%dma_wait3A_618, %dma_wait3A_619] : memref<10000x128xf32, #tpu.memory_space<hbm>> -> memref<10000x128xf32, #tpu.memory_space<hbm>>
      tpu.wait_indirect_dma semaphore(%arg14 : memref<!tpu.dma_semaphore, #tpu.memory_space<semaphore_mem>>) src(%dma_wait3A_620 : memref<10000x128xf32, #tpu.memory_space<hbm>>) dst(%arg10 : memref<80x128xf32, #tpu.memory_space<vmem>>)
      %dma_start3A_621 = arith.constant 20 : i32
      %dma_start3A_622 = arith.constant 0 : i32
      %dma_start3A_623 = tpu.memref_slice %arg7[%dma_start3A_621, %dma_start3A_622] : memref<25x80xi32, #tpu.memory_space<vmem>> -> memref<1x80xi32, #tpu.memory_space<vmem>>
      %dma_start3A_624 = tpu.memref_squeeze %dma_start3A_623 : memref<1x80xi32, #tpu.memory_space<vmem>> -> memref<80xi32, #tpu.memory_space<vmem>>
      %dma_start3A_625 = arith.constant 0 : i32
      %dma_start3A_626 = arith.constant 0 : i32
      %dma_start3A_627 = tpu.memref_slice %arg11[%dma_start3A_625, %dma_start3A_626] : memref<10000x128xf32, #tpu.memory_space<vmem_shared>> -> memref<10000x128xf32, #tpu.memory_space<vmem_shared>>
      tpu.enqueue_indirect_dma source(%arg10 : memref<80x128xf32, #tpu.memory_space<vmem>>) target(%dma_start3A_627 : memref<10000x128xf32, #tpu.memory_space<vmem_shared>>) offsets(%dma_start3A_624 : memref<80xi32, #tpu.memory_space<vmem>>) semaphore(%arg17 : memref<!tpu.dma_semaphore, #tpu.memory_space<semaphore_mem>>) {add = true}
      %dma_wait3A_628 = arith.constant 19 : i32
      %dma_wait3A_629 = arith.constant 0 : i32
      %dma_wait3A_630 = tpu.memref_slice %arg7[%dma_wait3A_628, %dma_wait3A_629] : memref<25x80xi32, #tpu.memory_space<vmem>> -> memref<1x80xi32, #tpu.memory_space<vmem>>
      %dma_wait3A_631 = tpu.memref_squeeze %dma_wait3A_630 : memref<1x80xi32, #tpu.memory_space<vmem>> -> memref<80xi32, #tpu.memory_space<vmem>>
      %dma_wait3A_632 = arith.constant 0 : i32
      %dma_wait3A_633 = arith.constant 0 : i32
      %dma_wait3A_634 = tpu.memref_slice %arg11[%dma_wait3A_632, %dma_wait3A_633] : memref<10000x128xf32, #tpu.memory_space<vmem_shared>> -> memref<10000x128xf32, #tpu.memory_space<vmem_shared>>
      tpu.wait_indirect_dma semaphore(%arg16 : memref<!tpu.dma_semaphore, #tpu.memory_space<semaphore_mem>>) src(%arg9 : memref<80x128xf32, #tpu.memory_space<vmem>>) dst(%dma_wait3A_634 : memref<10000x128xf32, #tpu.memory_space<vmem_shared>>)
      %dma_start3A_635 = arith.constant 22 : i32
      %dma_start3A_636 = arith.constant 0 : i32
      %dma_start3A_637 = tpu.memref_slice %arg6[%dma_start3A_635, %dma_start3A_636] : memref<25x80xi32, #tpu.memory_space<vmem>> -> memref<1x80xi32, #tpu.memory_space<vmem>>
      %dma_start3A_638 = tpu.memref_squeeze %dma_start3A_637 : memref<1x80xi32, #tpu.memory_space<vmem>> -> memref<80xi32, #tpu.memory_space<vmem>>
      %dma_start3A_639 = arith.constant 0 : i32
      %dma_start3A_640 = arith.constant 0 : i32
      %dma_start3A_641 = tpu.memref_slice %arg2[%dma_start3A_639, %dma_start3A_640] : memref<10000x128xf32, #tpu.memory_space<hbm>> -> memref<10000x128xf32, #tpu.memory_space<hbm>>
      tpu.enqueue_indirect_dma source(%dma_start3A_641 : memref<10000x128xf32, #tpu.memory_space<hbm>>) target(%arg9 : memref<80x128xf32, #tpu.memory_space<vmem>>) offsets(%dma_start3A_638 : memref<80xi32, #tpu.memory_space<vmem>>) semaphore(%arg13 : memref<!tpu.dma_semaphore, #tpu.memory_space<semaphore_mem>>)
      %dma_wait3A_642 = arith.constant 21 : i32
      %dma_wait3A_643 = arith.constant 0 : i32
      %dma_wait3A_644 = tpu.memref_slice %arg6[%dma_wait3A_642, %dma_wait3A_643] : memref<25x80xi32, #tpu.memory_space<vmem>> -> memref<1x80xi32, #tpu.memory_space<vmem>>
      %dma_wait3A_645 = tpu.memref_squeeze %dma_wait3A_644 : memref<1x80xi32, #tpu.memory_space<vmem>> -> memref<80xi32, #tpu.memory_space<vmem>>
      %dma_wait3A_646 = arith.constant 0 : i32
      %dma_wait3A_647 = arith.constant 0 : i32
      %dma_wait3A_648 = tpu.memref_slice %arg2[%dma_wait3A_646, %dma_wait3A_647] : memref<10000x128xf32, #tpu.memory_space<hbm>> -> memref<10000x128xf32, #tpu.memory_space<hbm>>
      tpu.wait_indirect_dma semaphore(%arg12 : memref<!tpu.dma_semaphore, #tpu.memory_space<semaphore_mem>>) src(%dma_wait3A_648 : memref<10000x128xf32, #tpu.memory_space<hbm>>) dst(%arg8 : memref<80x128xf32, #tpu.memory_space<vmem>>)
      %dma_start3A_649 = arith.constant 21 : i32
      %dma_start3A_650 = arith.constant 0 : i32
      %dma_start3A_651 = tpu.memref_slice %arg7[%dma_start3A_649, %dma_start3A_650] : memref<25x80xi32, #tpu.memory_space<vmem>> -> memref<1x80xi32, #tpu.memory_space<vmem>>
      %dma_start3A_652 = tpu.memref_squeeze %dma_start3A_651 : memref<1x80xi32, #tpu.memory_space<vmem>> -> memref<80xi32, #tpu.memory_space<vmem>>
      %dma_start3A_653 = arith.constant 0 : i32
      %dma_start3A_654 = arith.constant 0 : i32
      %dma_start3A_655 = tpu.memref_slice %arg11[%dma_start3A_653, %dma_start3A_654] : memref<10000x128xf32, #tpu.memory_space<vmem_shared>> -> memref<10000x128xf32, #tpu.memory_space<vmem_shared>>
      tpu.enqueue_indirect_dma source(%arg8 : memref<80x128xf32, #tpu.memory_space<vmem>>) target(%dma_start3A_655 : memref<10000x128xf32, #tpu.memory_space<vmem_shared>>) offsets(%dma_start3A_652 : memref<80xi32, #tpu.memory_space<vmem>>) semaphore(%arg15 : memref<!tpu.dma_semaphore, #tpu.memory_space<semaphore_mem>>) {add = true}
      %dma_wait3A_656 = arith.constant 20 : i32
      %dma_wait3A_657 = arith.constant 0 : i32
      %dma_wait3A_658 = tpu.memref_slice %arg7[%dma_wait3A_656, %dma_wait3A_657] : memref<25x80xi32, #tpu.memory_space<vmem>> -> memref<1x80xi32, #tpu.memory_space<vmem>>
      %dma_wait3A_659 = tpu.memref_squeeze %dma_wait3A_658 : memref<1x80xi32, #tpu.memory_space<vmem>> -> memref<80xi32, #tpu.memory_space<vmem>>
      %dma_wait3A_660 = arith.constant 0 : i32
      %dma_wait3A_661 = arith.constant 0 : i32
      %dma_wait3A_662 = tpu.memref_slice %arg11[%dma_wait3A_660, %dma_wait3A_661] : memref<10000x128xf32, #tpu.memory_space<vmem_shared>> -> memref<10000x128xf32, #tpu.memory_space<vmem_shared>>
      tpu.wait_indirect_dma semaphore(%arg17 : memref<!tpu.dma_semaphore, #tpu.memory_space<semaphore_mem>>) src(%arg10 : memref<80x128xf32, #tpu.memory_space<vmem>>) dst(%dma_wait3A_662 : memref<10000x128xf32, #tpu.memory_space<vmem_shared>>)
      %dma_start3A_663 = arith.constant 23 : i32
      %dma_start3A_664 = arith.constant 0 : i32
      %dma_start3A_665 = tpu.memref_slice %arg6[%dma_start3A_663, %dma_start3A_664] : memref<25x80xi32, #tpu.memory_space<vmem>> -> memref<1x80xi32, #tpu.memory_space<vmem>>
      %dma_start3A_666 = tpu.memref_squeeze %dma_start3A_665 : memref<1x80xi32, #tpu.memory_space<vmem>> -> memref<80xi32, #tpu.memory_space<vmem>>
      %dma_start3A_667 = arith.constant 0 : i32
      %dma_start3A_668 = arith.constant 0 : i32
      %dma_start3A_669 = tpu.memref_slice %arg2[%dma_start3A_667, %dma_start3A_668] : memref<10000x128xf32, #tpu.memory_space<hbm>> -> memref<10000x128xf32, #tpu.memory_space<hbm>>
      tpu.enqueue_indirect_dma source(%dma_start3A_669 : memref<10000x128xf32, #tpu.memory_space<hbm>>) target(%arg10 : memref<80x128xf32, #tpu.memory_space<vmem>>) offsets(%dma_start3A_666 : memref<80xi32, #tpu.memory_space<vmem>>) semaphore(%arg14 : memref<!tpu.dma_semaphore, #tpu.memory_space<semaphore_mem>>)
      %dma_wait3A_670 = arith.constant 22 : i32
      %dma_wait3A_671 = arith.constant 0 : i32
      %dma_wait3A_672 = tpu.memref_slice %arg6[%dma_wait3A_670, %dma_wait3A_671] : memref<25x80xi32, #tpu.memory_space<vmem>> -> memref<1x80xi32, #tpu.memory_space<vmem>>
      %dma_wait3A_673 = tpu.memref_squeeze %dma_wait3A_672 : memref<1x80xi32, #tpu.memory_space<vmem>> -> memref<80xi32, #tpu.memory_space<vmem>>
      %dma_wait3A_674 = arith.constant 0 : i32
      %dma_wait3A_675 = arith.constant 0 : i32
      %dma_wait3A_676 = tpu.memref_slice %arg2[%dma_wait3A_674, %dma_wait3A_675] : memref<10000x128xf32, #tpu.memory_space<hbm>> -> memref<10000x128xf32, #tpu.memory_space<hbm>>
      tpu.wait_indirect_dma semaphore(%arg13 : memref<!tpu.dma_semaphore, #tpu.memory_space<semaphore_mem>>) src(%dma_wait3A_676 : memref<10000x128xf32, #tpu.memory_space<hbm>>) dst(%arg9 : memref<80x128xf32, #tpu.memory_space<vmem>>)
      %dma_start3A_677 = arith.constant 22 : i32
      %dma_start3A_678 = arith.constant 0 : i32
      %dma_start3A_679 = tpu.memref_slice %arg7[%dma_start3A_677, %dma_start3A_678] : memref<25x80xi32, #tpu.memory_space<vmem>> -> memref<1x80xi32, #tpu.memory_space<vmem>>
      %dma_start3A_680 = tpu.memref_squeeze %dma_start3A_679 : memref<1x80xi32, #tpu.memory_space<vmem>> -> memref<80xi32, #tpu.memory_space<vmem>>
      %dma_start3A_681 = arith.constant 0 : i32
      %dma_start3A_682 = arith.constant 0 : i32
      %dma_start3A_683 = tpu.memref_slice %arg11[%dma_start3A_681, %dma_start3A_682] : memref<10000x128xf32, #tpu.memory_space<vmem_shared>> -> memref<10000x128xf32, #tpu.memory_space<vmem_shared>>
      tpu.enqueue_indirect_dma source(%arg9 : memref<80x128xf32, #tpu.memory_space<vmem>>) target(%dma_start3A_683 : memref<10000x128xf32, #tpu.memory_space<vmem_shared>>) offsets(%dma_start3A_680 : memref<80xi32, #tpu.memory_space<vmem>>) semaphore(%arg16 : memref<!tpu.dma_semaphore, #tpu.memory_space<semaphore_mem>>) {add = true}
      %dma_wait3A_684 = arith.constant 21 : i32
      %dma_wait3A_685 = arith.constant 0 : i32
      %dma_wait3A_686 = tpu.memref_slice %arg7[%dma_wait3A_684, %dma_wait3A_685] : memref<25x80xi32, #tpu.memory_space<vmem>> -> memref<1x80xi32, #tpu.memory_space<vmem>>
      %dma_wait3A_687 = tpu.memref_squeeze %dma_wait3A_686 : memref<1x80xi32, #tpu.memory_space<vmem>> -> memref<80xi32, #tpu.memory_space<vmem>>
      %dma_wait3A_688 = arith.constant 0 : i32
      %dma_wait3A_689 = arith.constant 0 : i32
      %dma_wait3A_690 = tpu.memref_slice %arg11[%dma_wait3A_688, %dma_wait3A_689] : memref<10000x128xf32, #tpu.memory_space<vmem_shared>> -> memref<10000x128xf32, #tpu.memory_space<vmem_shared>>
      tpu.wait_indirect_dma semaphore(%arg15 : memref<!tpu.dma_semaphore, #tpu.memory_space<semaphore_mem>>) src(%arg8 : memref<80x128xf32, #tpu.memory_space<vmem>>) dst(%dma_wait3A_690 : memref<10000x128xf32, #tpu.memory_space<vmem_shared>>)
      %dma_start3A_691 = arith.constant 24 : i32
      %dma_start3A_692 = arith.constant 0 : i32
      %dma_start3A_693 = tpu.memref_slice %arg6[%dma_start3A_691, %dma_start3A_692] : memref<25x80xi32, #tpu.memory_space<vmem>> -> memref<1x80xi32, #tpu.memory_space<vmem>>
      %dma_start3A_694 = tpu.memref_squeeze %dma_start3A_693 : memref<1x80xi32, #tpu.memory_space<vmem>> -> memref<80xi32, #tpu.memory_space<vmem>>
      %dma_start3A_695 = arith.constant 0 : i32
      %dma_start3A_696 = arith.constant 0 : i32
      %dma_start3A_697 = tpu.memref_slice %arg2[%dma_start3A_695, %dma_start3A_696] : memref<10000x128xf32, #tpu.memory_space<hbm>> -> memref<10000x128xf32, #tpu.memory_space<hbm>>
      tpu.enqueue_indirect_dma source(%dma_start3A_697 : memref<10000x128xf32, #tpu.memory_space<hbm>>) target(%arg8 : memref<80x128xf32, #tpu.memory_space<vmem>>) offsets(%dma_start3A_694 : memref<80xi32, #tpu.memory_space<vmem>>) semaphore(%arg12 : memref<!tpu.dma_semaphore, #tpu.memory_space<semaphore_mem>>)
      %dma_wait3A_698 = arith.constant 23 : i32
      %dma_wait3A_699 = arith.constant 0 : i32
      %dma_wait3A_700 = tpu.memref_slice %arg6[%dma_wait3A_698, %dma_wait3A_699] : memref<25x80xi32, #tpu.memory_space<vmem>> -> memref<1x80xi32, #tpu.memory_space<vmem>>
      %dma_wait3A_701 = tpu.memref_squeeze %dma_wait3A_700 : memref<1x80xi32, #tpu.memory_space<vmem>> -> memref<80xi32, #tpu.memory_space<vmem>>
      %dma_wait3A_702 = arith.constant 0 : i32
      %dma_wait3A_703 = arith.constant 0 : i32
      %dma_wait3A_704 = tpu.memref_slice %arg2[%dma_wait3A_702, %dma_wait3A_703] : memref<10000x128xf32, #tpu.memory_space<hbm>> -> memref<10000x128xf32, #tpu.memory_space<hbm>>
      tpu.wait_indirect_dma semaphore(%arg14 : memref<!tpu.dma_semaphore, #tpu.memory_space<semaphore_mem>>) src(%dma_wait3A_704 : memref<10000x128xf32, #tpu.memory_space<hbm>>) dst(%arg10 : memref<80x128xf32, #tpu.memory_space<vmem>>)
      %dma_start3A_705 = arith.constant 23 : i32
      %dma_start3A_706 = arith.constant 0 : i32
      %dma_start3A_707 = tpu.memref_slice %arg7[%dma_start3A_705, %dma_start3A_706] : memref<25x80xi32, #tpu.memory_space<vmem>> -> memref<1x80xi32, #tpu.memory_space<vmem>>
      %dma_start3A_708 = tpu.memref_squeeze %dma_start3A_707 : memref<1x80xi32, #tpu.memory_space<vmem>> -> memref<80xi32, #tpu.memory_space<vmem>>
      %dma_start3A_709 = arith.constant 0 : i32
      %dma_start3A_710 = arith.constant 0 : i32
      %dma_start3A_711 = tpu.memref_slice %arg11[%dma_start3A_709, %dma_start3A_710] : memref<10000x128xf32, #tpu.memory_space<vmem_shared>> -> memref<10000x128xf32, #tpu.memory_space<vmem_shared>>
      tpu.enqueue_indirect_dma source(%arg10 : memref<80x128xf32, #tpu.memory_space<vmem>>) target(%dma_start3A_711 : memref<10000x128xf32, #tpu.memory_space<vmem_shared>>) offsets(%dma_start3A_708 : memref<80xi32, #tpu.memory_space<vmem>>) semaphore(%arg17 : memref<!tpu.dma_semaphore, #tpu.memory_space<semaphore_mem>>) {add = true}
      %dma_wait3A_712 = arith.constant 22 : i32
      %dma_wait3A_713 = arith.constant 0 : i32
      %dma_wait3A_714 = tpu.memref_slice %arg7[%dma_wait3A_712, %dma_wait3A_713] : memref<25x80xi32, #tpu.memory_space<vmem>> -> memref<1x80xi32, #tpu.memory_space<vmem>>
      %dma_wait3A_715 = tpu.memref_squeeze %dma_wait3A_714 : memref<1x80xi32, #tpu.memory_space<vmem>> -> memref<80xi32, #tpu.memory_space<vmem>>
      %dma_wait3A_716 = arith.constant 0 : i32
      %dma_wait3A_717 = arith.constant 0 : i32
      %dma_wait3A_718 = tpu.memref_slice %arg11[%dma_wait3A_716, %dma_wait3A_717] : memref<10000x128xf32, #tpu.memory_space<vmem_shared>> -> memref<10000x128xf32, #tpu.memory_space<vmem_shared>>
      tpu.wait_indirect_dma semaphore(%arg16 : memref<!tpu.dma_semaphore, #tpu.memory_space<semaphore_mem>>) src(%arg9 : memref<80x128xf32, #tpu.memory_space<vmem>>) dst(%dma_wait3A_718 : memref<10000x128xf32, #tpu.memory_space<vmem_shared>>)
      %dma_wait3A_719 = arith.constant 24 : i32
      %dma_wait3A_720 = arith.constant 0 : i32
      %dma_wait3A_721 = tpu.memref_slice %arg6[%dma_wait3A_719, %dma_wait3A_720] : memref<25x80xi32, #tpu.memory_space<vmem>> -> memref<1x80xi32, #tpu.memory_space<vmem>>
      %dma_wait3A_722 = tpu.memref_squeeze %dma_wait3A_721 : memref<1x80xi32, #tpu.memory_space<vmem>> -> memref<80xi32, #tpu.memory_space<vmem>>
      %dma_wait3A_723 = arith.constant 0 : i32
      %dma_wait3A_724 = arith.constant 0 : i32
      %dma_wait3A_725 = tpu.memref_slice %arg2[%dma_wait3A_723, %dma_wait3A_724] : memref<10000x128xf32, #tpu.memory_space<hbm>> -> memref<10000x128xf32, #tpu.memory_space<hbm>>
      tpu.wait_indirect_dma semaphore(%arg12 : memref<!tpu.dma_semaphore, #tpu.memory_space<semaphore_mem>>) src(%dma_wait3A_725 : memref<10000x128xf32, #tpu.memory_space<hbm>>) dst(%arg8 : memref<80x128xf32, #tpu.memory_space<vmem>>)
      %dma_start3A_726 = arith.constant 24 : i32
      %dma_start3A_727 = arith.constant 0 : i32
      %dma_start3A_728 = tpu.memref_slice %arg7[%dma_start3A_726, %dma_start3A_727] : memref<25x80xi32, #tpu.memory_space<vmem>> -> memref<1x80xi32, #tpu.memory_space<vmem>>
      %dma_start3A_729 = tpu.memref_squeeze %dma_start3A_728 : memref<1x80xi32, #tpu.memory_space<vmem>> -> memref<80xi32, #tpu.memory_space<vmem>>
      %dma_start3A_730 = arith.constant 0 : i32
      %dma_start3A_731 = arith.constant 0 : i32
      %dma_start3A_732 = tpu.memref_slice %arg11[%dma_start3A_730, %dma_start3A_731] : memref<10000x128xf32, #tpu.memory_space<vmem_shared>> -> memref<10000x128xf32, #tpu.memory_space<vmem_shared>>
      tpu.enqueue_indirect_dma source(%arg8 : memref<80x128xf32, #tpu.memory_space<vmem>>) target(%dma_start3A_732 : memref<10000x128xf32, #tpu.memory_space<vmem_shared>>) offsets(%dma_start3A_729 : memref<80xi32, #tpu.memory_space<vmem>>) semaphore(%arg15 : memref<!tpu.dma_semaphore, #tpu.memory_space<semaphore_mem>>) {add = true}
      %dma_wait3A_733 = arith.constant 23 : i32
      %dma_wait3A_734 = arith.constant 0 : i32
      %dma_wait3A_735 = tpu.memref_slice %arg7[%dma_wait3A_733, %dma_wait3A_734] : memref<25x80xi32, #tpu.memory_space<vmem>> -> memref<1x80xi32, #tpu.memory_space<vmem>>
      %dma_wait3A_736 = tpu.memref_squeeze %dma_wait3A_735 : memref<1x80xi32, #tpu.memory_space<vmem>> -> memref<80xi32, #tpu.memory_space<vmem>>
      %dma_wait3A_737 = arith.constant 0 : i32
      %dma_wait3A_738 = arith.constant 0 : i32
      %dma_wait3A_739 = tpu.memref_slice %arg11[%dma_wait3A_737, %dma_wait3A_738] : memref<10000x128xf32, #tpu.memory_space<vmem_shared>> -> memref<10000x128xf32, #tpu.memory_space<vmem_shared>>
      tpu.wait_indirect_dma semaphore(%arg17 : memref<!tpu.dma_semaphore, #tpu.memory_space<semaphore_mem>>) src(%arg10 : memref<80x128xf32, #tpu.memory_space<vmem>>) dst(%dma_wait3A_739 : memref<10000x128xf32, #tpu.memory_space<vmem_shared>>)
      %dma_wait3A_740 = arith.constant 24 : i32
      %dma_wait3A_741 = arith.constant 0 : i32
      %dma_wait3A_742 = tpu.memref_slice %arg7[%dma_wait3A_740, %dma_wait3A_741] : memref<25x80xi32, #tpu.memory_space<vmem>> -> memref<1x80xi32, #tpu.memory_space<vmem>>
      %dma_wait3A_743 = tpu.memref_squeeze %dma_wait3A_742 : memref<1x80xi32, #tpu.memory_space<vmem>> -> memref<80xi32, #tpu.memory_space<vmem>>
      %dma_wait3A_744 = arith.constant 0 : i32
      %dma_wait3A_745 = arith.constant 0 : i32
      %dma_wait3A_746 = tpu.memref_slice %arg11[%dma_wait3A_744, %dma_wait3A_745] : memref<10000x128xf32, #tpu.memory_space<vmem_shared>> -> memref<10000x128xf32, #tpu.memory_space<vmem_shared>>
      tpu.wait_indirect_dma semaphore(%arg15 : memref<!tpu.dma_semaphore, #tpu.memory_space<semaphore_mem>>) src(%arg8 : memref<80x128xf32, #tpu.memory_space<vmem>>) dst(%dma_wait3A_746 : memref<10000x128xf32, #tpu.memory_space<vmem_shared>>)
    }
    %scan3A_44 = arith.constant 5 : i32
    %barrier3A_45 = arith.constant 0 : index
    tpu.barrier barrier_id(%barrier3A_45)
    %mul3A_46 = arith.constant 625 : i32
    %mul3A_47 = arith.muli %arg1, %mul3A_46 : i32
    "tpu.region"() ({
      %run_scoped3A = tpu.sem_alloc : memref<!tpu.dma_semaphore, #tpu.memory_space<semaphore_mem>>
      %dma_start3A = arith.constant 0 : i32
      %dma_start3A_48 = arith.constant 0 : i32
      %dma_start3A_49 = tpu.memref_slice %arg5[%arg0, %arg1, %dma_start3A, %dma_start3A_48] : memref<2x16x625x128xf32, #tpu.memory_space<hbm>> -> memref<1x1x625x128xf32, #tpu.memory_space<hbm>>
      %dma_start3A_50 = tpu.memref_squeeze %dma_start3A_49 : memref<1x1x625x128xf32, #tpu.memory_space<hbm>> -> memref<625x128xf32, #tpu.memory_space<hbm>>
      %dma_start3A_51 = arith.constant 0 : i32
      %dma_start3A_52 = tpu.memref_slice %arg11[%mul3A_47, %dma_start3A_51] : memref<10000x128xf32, #tpu.memory_space<vmem_shared>> -> memref<625x128xf32, #tpu.memory_space<vmem_shared>>
      tpu.enqueue_dma source(%dma_start3A_52 : memref<625x128xf32, #tpu.memory_space<vmem_shared>>) target(%dma_start3A_50 : memref<625x128xf32, #tpu.memory_space<hbm>>) target_semaphore(%run_scoped3A : memref<!tpu.dma_semaphore, #tpu.memory_space<semaphore_mem>>)
      %dma_wait3A = arith.constant 0 : i32
      %dma_wait3A_53 = arith.constant 0 : i32
      %dma_wait3A_54 = tpu.memref_slice %arg5[%arg0, %arg1, %dma_wait3A, %dma_wait3A_53] : memref<2x16x625x128xf32, #tpu.memory_space<hbm>> -> memref<1x1x625x128xf32, #tpu.memory_space<hbm>>
      %dma_wait3A_55 = tpu.memref_squeeze %dma_wait3A_54 : memref<1x1x625x128xf32, #tpu.memory_space<hbm>> -> memref<625x128xf32, #tpu.memory_space<hbm>>
      %dma_wait3A_56 = arith.constant 0 : i32
      %dma_wait3A_57 = tpu.memref_slice %arg11[%mul3A_47, %dma_wait3A_56] : memref<10000x128xf32, #tpu.memory_space<vmem_shared>> -> memref<625x128xf32, #tpu.memory_space<vmem_shared>>
      tpu.wait_dma2 semaphore(%run_scoped3A : memref<!tpu.dma_semaphore, #tpu.memory_space<semaphore_mem>>) src(%dma_wait3A_57 : memref<625x128xf32, #tpu.memory_space<vmem_shared>>) dst(%dma_wait3A_55 : memref<625x128xf32, #tpu.memory_space<hbm>>)
      tpu.yield
    }) : () -> ()
    return
  }
}

#map = affine_map<(d0, d1) -> (0, 0)>
#map1 = affine_map<(d0, d1) -> (0, 0, 0, 0)>
module attributes {stable_mosaic.version = 14 : i64} {
  func.func @agg(%arg0: i32, %arg1: i32, %arg2: memref<10000x128xf32, #tpu.memory_space<hbm>>, %arg3: memref<32x5x25x80xi32, #tpu.memory_space<hbm>>, %arg4: memref<32x5x25x80xi32, #tpu.memory_space<hbm>>, %arg5: memref<2x16x625x128xf32, #tpu.memory_space<hbm>>, %arg6: memref<25x80xi32, #tpu.memory_space<vmem>>, %arg7: memref<25x80xi32, #tpu.memory_space<vmem>>, %arg8: memref<80x128xf32, #tpu.memory_space<vmem>>, %arg9: memref<80x128xf32, #tpu.memory_space<vmem>>, %arg10: memref<80x128xf32, #tpu.memory_space<vmem>>, %arg11: memref<10000x128xf32, #tpu.memory_space<vmem_shared>>, %arg12: memref<!tpu.dma_semaphore, #tpu.memory_space<semaphore_mem>>, %arg13: memref<!tpu.dma_semaphore, #tpu.memory_space<semaphore_mem>>, %arg14: memref<!tpu.dma_semaphore, #tpu.memory_space<semaphore_mem>>, %arg15: memref<!tpu.dma_semaphore, #tpu.memory_space<semaphore_mem>>, %arg16: memref<!tpu.dma_semaphore, #tpu.memory_space<semaphore_mem>>, %arg17: memref<!tpu.dma_semaphore, #tpu.memory_space<semaphore_mem>>) attributes {dimension_semantics = [#tpu.dimension_semantics<core_parallel>, #tpu.dimension_semantics<subcore_parallel>], iteration_bounds = array<i64: 2, 16>, scalar_prefetch = 0 : i64, scratch_operands = 12 : i64, tpu.core_type = #tpu.core_type<sc_vector_subcore>, window_params = [{transform_indices = #map}, {transform_indices = #map1}, {transform_indices = #map1}, {transform_indices = #map1}]} {
    %mul3A = arith.constant 16 : i32
    %mul3A_0 = arith.muli %arg0, %mul3A : i32
    %add3A = arith.addi %mul3A_0, %arg1 : i32
    %scan3A = arith.constant 0 : i32
    %scan3A_1 = arith.constant 0 : i32
    %scan3A_2 = arith.constant 80 : i32
    %scan3A_3 = arith.addi %scan3A_1, %scan3A_2 : i32
    %scan3A_4 = arith.constant 1 : i32
    scf.for %scan3A_48 = %scan3A_1 to %scan3A_3 step %scan3A_4  : i32 {
      %broadcast_in_dim3A = arith.constant 0.000000e+00 : f32
      %broadcast_in_dim3A_49 = vector.broadcast %broadcast_in_dim3A : f32 to vector<16xf32>
      %swap3A = arith.index_cast %scan3A_48 : i32 to index
      %swap3A_50 = arith.constant 0 : index
      %swap3A_51 = tpu.vector_load %arg8[%swap3A, %swap3A_50] {strides = array<i32>} : memref<80x128xf32, #tpu.memory_space<vmem>>, vector<1x16xf32>,
      %swap3A_52 = vector.shape_cast %swap3A_51 : vector<1x16xf32> to vector<16xf32>
      %swap3A_53 = vector.shape_cast %broadcast_in_dim3A_49 : vector<16xf32> to vector<1x16xf32>
      tpu.vector_store %arg8[%swap3A, %swap3A_50], %swap3A_53 {strides = array<i32>} : memref<80x128xf32, #tpu.memory_space<vmem>>, vector<1x16xf32>,
      %broadcast_in_dim3A_54 = arith.constant 0.000000e+00 : f32
      %broadcast_in_dim3A_55 = vector.broadcast %broadcast_in_dim3A_54 : f32 to vector<16xf32>
      %swap3A_56 = arith.index_cast %scan3A_48 : i32 to index
      %swap3A_57 = arith.constant 16 : index
      %swap3A_58 = tpu.vector_load %arg8[%swap3A_56, %swap3A_57] {strides = array<i32>} : memref<80x128xf32, #tpu.memory_space<vmem>>, vector<1x16xf32>,
      %swap3A_59 = vector.shape_cast %swap3A_58 : vector<1x16xf32> to vector<16xf32>
      %swap3A_60 = vector.shape_cast %broadcast_in_dim3A_55 : vector<16xf32> to vector<1x16xf32>
      tpu.vector_store %arg8[%swap3A_56, %swap3A_57], %swap3A_60 {strides = array<i32>} : memref<80x128xf32, #tpu.memory_space<vmem>>, vector<1x16xf32>,
      %broadcast_in_dim3A_61 = arith.constant 0.000000e+00 : f32
      %broadcast_in_dim3A_62 = vector.broadcast %broadcast_in_dim3A_61 : f32 to vector<16xf32>
      %swap3A_63 = arith.index_cast %scan3A_48 : i32 to index
      %swap3A_64 = arith.constant 32 : index
      %swap3A_65 = tpu.vector_load %arg8[%swap3A_63, %swap3A_64] {strides = array<i32>} : memref<80x128xf32, #tpu.memory_space<vmem>>, vector<1x16xf32>,
      %swap3A_66 = vector.shape_cast %swap3A_65 : vector<1x16xf32> to vector<16xf32>
      %swap3A_67 = vector.shape_cast %broadcast_in_dim3A_62 : vector<16xf32> to vector<1x16xf32>
      tpu.vector_store %arg8[%swap3A_63, %swap3A_64], %swap3A_67 {strides = array<i32>} : memref<80x128xf32, #tpu.memory_space<vmem>>, vector<1x16xf32>,
      %broadcast_in_dim3A_68 = arith.constant 0.000000e+00 : f32
      %broadcast_in_dim3A_69 = vector.broadcast %broadcast_in_dim3A_68 : f32 to vector<16xf32>
      %swap3A_70 = arith.index_cast %scan3A_48 : i32 to index
      %swap3A_71 = arith.constant 48 : index
      %swap3A_72 = tpu.vector_load %arg8[%swap3A_70, %swap3A_71] {strides = array<i32>} : memref<80x128xf32, #tpu.memory_space<vmem>>, vector<1x16xf32>,
      %swap3A_73 = vector.shape_cast %swap3A_72 : vector<1x16xf32> to vector<16xf32>
      %swap3A_74 = vector.shape_cast %broadcast_in_dim3A_69 : vector<16xf32> to vector<1x16xf32>
      tpu.vector_store %arg8[%swap3A_70, %swap3A_71], %swap3A_74 {strides = array<i32>} : memref<80x128xf32, #tpu.memory_space<vmem>>, vector<1x16xf32>,
      %broadcast_in_dim3A_75 = arith.constant 0.000000e+00 : f32
      %broadcast_in_dim3A_76 = vector.broadcast %broadcast_in_dim3A_75 : f32 to vector<16xf32>
      %swap3A_77 = arith.index_cast %scan3A_48 : i32 to index
      %swap3A_78 = arith.constant 64 : index
      %swap3A_79 = tpu.vector_load %arg8[%swap3A_77, %swap3A_78] {strides = array<i32>} : memref<80x128xf32, #tpu.memory_space<vmem>>, vector<1x16xf32>,
      %swap3A_80 = vector.shape_cast %swap3A_79 : vector<1x16xf32> to vector<16xf32>
      %swap3A_81 = vector.shape_cast %broadcast_in_dim3A_76 : vector<16xf32> to vector<1x16xf32>
      tpu.vector_store %arg8[%swap3A_77, %swap3A_78], %swap3A_81 {strides = array<i32>} : memref<80x128xf32, #tpu.memory_space<vmem>>, vector<1x16xf32>,
      %broadcast_in_dim3A_82 = arith.constant 0.000000e+00 : f32
      %broadcast_in_dim3A_83 = vector.broadcast %broadcast_in_dim3A_82 : f32 to vector<16xf32>
      %swap3A_84 = arith.index_cast %scan3A_48 : i32 to index
      %swap3A_85 = arith.constant 80 : index
      %swap3A_86 = tpu.vector_load %arg8[%swap3A_84, %swap3A_85] {strides = array<i32>} : memref<80x128xf32, #tpu.memory_space<vmem>>, vector<1x16xf32>,
      %swap3A_87 = vector.shape_cast %swap3A_86 : vector<1x16xf32> to vector<16xf32>
      %swap3A_88 = vector.shape_cast %broadcast_in_dim3A_83 : vector<16xf32> to vector<1x16xf32>
      tpu.vector_store %arg8[%swap3A_84, %swap3A_85], %swap3A_88 {strides = array<i32>} : memref<80x128xf32, #tpu.memory_space<vmem>>, vector<1x16xf32>,
      %broadcast_in_dim3A_89 = arith.constant 0.000000e+00 : f32
      %broadcast_in_dim3A_90 = vector.broadcast %broadcast_in_dim3A_89 : f32 to vector<16xf32>
      %swap3A_91 = arith.index_cast %scan3A_48 : i32 to index
      %swap3A_92 = arith.constant 96 : index
      %swap3A_93 = tpu.vector_load %arg8[%swap3A_91, %swap3A_92] {strides = array<i32>} : memref<80x128xf32, #tpu.memory_space<vmem>>, vector<1x16xf32>,
      %swap3A_94 = vector.shape_cast %swap3A_93 : vector<1x16xf32> to vector<16xf32>
      %swap3A_95 = vector.shape_cast %broadcast_in_dim3A_90 : vector<16xf32> to vector<1x16xf32>
      tpu.vector_store %arg8[%swap3A_91, %swap3A_92], %swap3A_95 {strides = array<i32>} : memref<80x128xf32, #tpu.memory_space<vmem>>, vector<1x16xf32>,
      %broadcast_in_dim3A_96 = arith.constant 0.000000e+00 : f32
      %broadcast_in_dim3A_97 = vector.broadcast %broadcast_in_dim3A_96 : f32 to vector<16xf32>
      %swap3A_98 = arith.index_cast %scan3A_48 : i32 to index
      %swap3A_99 = arith.constant 112 : index
      %swap3A_100 = tpu.vector_load %arg8[%swap3A_98, %swap3A_99] {strides = array<i32>} : memref<80x128xf32, #tpu.memory_space<vmem>>, vector<1x16xf32>,
      %swap3A_101 = vector.shape_cast %swap3A_100 : vector<1x16xf32> to vector<16xf32>
      %swap3A_102 = vector.shape_cast %broadcast_in_dim3A_97 : vector<16xf32> to vector<1x16xf32>
      tpu.vector_store %arg8[%swap3A_98, %swap3A_99], %swap3A_102 {strides = array<i32>} : memref<80x128xf32, #tpu.memory_space<vmem>>, vector<1x16xf32>,
    }
    %scan3A_5 = arith.constant 80 : i32
    %mul3A_6 = arith.constant 625 : i32
    %mul3A_7 = arith.muli %arg1, %mul3A_6 : i32
    %add3A_8 = arith.constant 0 : i32
    %add3A_9 = arith.addi %mul3A_7, %add3A_8 : i32
    "tpu.region"() ({
      %run_scoped3A = tpu.sem_alloc : memref<!tpu.dma_semaphore, #tpu.memory_space<semaphore_mem>>
      %dma_start3A = arith.constant 0 : i32
      %dma_start3A_48 = tpu.memref_slice %arg11[%add3A_9, %dma_start3A] : memref<10000x128xf32, #tpu.memory_space<vmem_shared>> -> memref<80x128xf32, #tpu.memory_space<vmem_shared>>
      %dma_start3A_49 = arith.constant 0 : i32
      %dma_start3A_50 = tpu.memref_slice %arg11[%add3A_9, %dma_start3A_49] : memref<10000x128xf32, #tpu.memory_space<vmem_shared>> -> memref<80x128xf32, #tpu.memory_space<vmem_shared>>
      tpu.enqueue_dma source(%arg8 : memref<80x128xf32, #tpu.memory_space<vmem>>) target(%dma_start3A_50 : memref<80x128xf32, #tpu.memory_space<vmem_shared>>) target_semaphore(%run_scoped3A : memref<!tpu.dma_semaphore, #tpu.memory_space<semaphore_mem>>)
      %dma_wait3A = arith.constant 0 : i32
      %dma_wait3A_51 = tpu.memref_slice %arg11[%add3A_9, %dma_wait3A] : memref<10000x128xf32, #tpu.memory_space<vmem_shared>> -> memref<80x128xf32, #tpu.memory_space<vmem_shared>>
      %dma_wait3A_52 = arith.constant 0 : i32
      %dma_wait3A_53 = tpu.memref_slice %arg11[%add3A_9, %dma_wait3A_52] : memref<10000x128xf32, #tpu.memory_space<vmem_shared>> -> memref<80x128xf32, #tpu.memory_space<vmem_shared>>
      tpu.wait_dma2 semaphore(%run_scoped3A : memref<!tpu.dma_semaphore, #tpu.memory_space<semaphore_mem>>) src(%arg8 : memref<80x128xf32, #tpu.memory_space<vmem>>) dst(%dma_wait3A_53 : memref<80x128xf32, #tpu.memory_space<vmem_shared>>)
      tpu.yield
    }) : () -> ()
    %mul3A_10 = arith.constant 625 : i32
    %mul3A_11 = arith.muli %arg1, %mul3A_10 : i32
    %add3A_12 = arith.constant 80 : i32
    %add3A_13 = arith.addi %mul3A_11, %add3A_12 : i32
    "tpu.region"() ({
      %run_scoped3A = tpu.sem_alloc : memref<!tpu.dma_semaphore, #tpu.memory_space<semaphore_mem>>
      %dma_start3A = arith.constant 0 : i32
      %dma_start3A_48 = tpu.memref_slice %arg11[%add3A_13, %dma_start3A] : memref<10000x128xf32, #tpu.memory_space<vmem_shared>> -> memref<80x128xf32, #tpu.memory_space<vmem_shared>>
      %dma_start3A_49 = arith.constant 0 : i32
      %dma_start3A_50 = tpu.memref_slice %arg11[%add3A_13, %dma_start3A_49] : memref<10000x128xf32, #tpu.memory_space<vmem_shared>> -> memref<80x128xf32, #tpu.memory_space<vmem_shared>>
      tpu.enqueue_dma source(%arg8 : memref<80x128xf32, #tpu.memory_space<vmem>>) target(%dma_start3A_50 : memref<80x128xf32, #tpu.memory_space<vmem_shared>>) target_semaphore(%run_scoped3A : memref<!tpu.dma_semaphore, #tpu.memory_space<semaphore_mem>>)
      %dma_wait3A = arith.constant 0 : i32
      %dma_wait3A_51 = tpu.memref_slice %arg11[%add3A_13, %dma_wait3A] : memref<10000x128xf32, #tpu.memory_space<vmem_shared>> -> memref<80x128xf32, #tpu.memory_space<vmem_shared>>
      %dma_wait3A_52 = arith.constant 0 : i32
      %dma_wait3A_53 = tpu.memref_slice %arg11[%add3A_13, %dma_wait3A_52] : memref<10000x128xf32, #tpu.memory_space<vmem_shared>> -> memref<80x128xf32, #tpu.memory_space<vmem_shared>>
      tpu.wait_dma2 semaphore(%run_scoped3A : memref<!tpu.dma_semaphore, #tpu.memory_space<semaphore_mem>>) src(%arg8 : memref<80x128xf32, #tpu.memory_space<vmem>>) dst(%dma_wait3A_53 : memref<80x128xf32, #tpu.memory_space<vmem_shared>>)
      tpu.yield
    }) : () -> ()
    %mul3A_14 = arith.constant 625 : i32
    %mul3A_15 = arith.muli %arg1, %mul3A_14 : i32
    %add3A_16 = arith.constant 160 : i32
    %add3A_17 = arith.addi %mul3A_15, %add3A_16 : i32
    "tpu.region"() ({
      %run_scoped3A = tpu.sem_alloc : memref<!tpu.dma_semaphore, #tpu.memory_space<semaphore_mem>>
      %dma_start3A = arith.constant 0 : i32
      %dma_start3A_48 = tpu.memref_slice %arg11[%add3A_17, %dma_start3A] : memref<10000x128xf32, #tpu.memory_space<vmem_shared>> -> memref<80x128xf32, #tpu.memory_space<vmem_shared>>
      %dma_start3A_49 = arith.constant 0 : i32
      %dma_start3A_50 = tpu.memref_slice %arg11[%add3A_17, %dma_start3A_49] : memref<10000x128xf32, #tpu.memory_space<vmem_shared>> -> memref<80x128xf32, #tpu.memory_space<vmem_shared>>
      tpu.enqueue_dma source(%arg8 : memref<80x128xf32, #tpu.memory_space<vmem>>) target(%dma_start3A_50 : memref<80x128xf32, #tpu.memory_space<vmem_shared>>) target_semaphore(%run_scoped3A : memref<!tpu.dma_semaphore, #tpu.memory_space<semaphore_mem>>)
      %dma_wait3A = arith.constant 0 : i32
      %dma_wait3A_51 = tpu.memref_slice %arg11[%add3A_17, %dma_wait3A] : memref<10000x128xf32, #tpu.memory_space<vmem_shared>> -> memref<80x128xf32, #tpu.memory_space<vmem_shared>>
      %dma_wait3A_52 = arith.constant 0 : i32
      %dma_wait3A_53 = tpu.memref_slice %arg11[%add3A_17, %dma_wait3A_52] : memref<10000x128xf32, #tpu.memory_space<vmem_shared>> -> memref<80x128xf32, #tpu.memory_space<vmem_shared>>
      tpu.wait_dma2 semaphore(%run_scoped3A : memref<!tpu.dma_semaphore, #tpu.memory_space<semaphore_mem>>) src(%arg8 : memref<80x128xf32, #tpu.memory_space<vmem>>) dst(%dma_wait3A_53 : memref<80x128xf32, #tpu.memory_space<vmem_shared>>)
      tpu.yield
    }) : () -> ()
    %mul3A_18 = arith.constant 625 : i32
    %mul3A_19 = arith.muli %arg1, %mul3A_18 : i32
    %add3A_20 = arith.constant 240 : i32
    %add3A_21 = arith.addi %mul3A_19, %add3A_20 : i32
    "tpu.region"() ({
      %run_scoped3A = tpu.sem_alloc : memref<!tpu.dma_semaphore, #tpu.memory_space<semaphore_mem>>
      %dma_start3A = arith.constant 0 : i32
      %dma_start3A_48 = tpu.memref_slice %arg11[%add3A_21, %dma_start3A] : memref<10000x128xf32, #tpu.memory_space<vmem_shared>> -> memref<80x128xf32, #tpu.memory_space<vmem_shared>>
      %dma_start3A_49 = arith.constant 0 : i32
      %dma_start3A_50 = tpu.memref_slice %arg11[%add3A_21, %dma_start3A_49] : memref<10000x128xf32, #tpu.memory_space<vmem_shared>> -> memref<80x128xf32, #tpu.memory_space<vmem_shared>>
      tpu.enqueue_dma source(%arg8 : memref<80x128xf32, #tpu.memory_space<vmem>>) target(%dma_start3A_50 : memref<80x128xf32, #tpu.memory_space<vmem_shared>>) target_semaphore(%run_scoped3A : memref<!tpu.dma_semaphore, #tpu.memory_space<semaphore_mem>>)
      %dma_wait3A = arith.constant 0 : i32
      %dma_wait3A_51 = tpu.memref_slice %arg11[%add3A_21, %dma_wait3A] : memref<10000x128xf32, #tpu.memory_space<vmem_shared>> -> memref<80x128xf32, #tpu.memory_space<vmem_shared>>
      %dma_wait3A_52 = arith.constant 0 : i32
      %dma_wait3A_53 = tpu.memref_slice %arg11[%add3A_21, %dma_wait3A_52] : memref<10000x128xf32, #tpu.memory_space<vmem_shared>> -> memref<80x128xf32, #tpu.memory_space<vmem_shared>>
      tpu.wait_dma2 semaphore(%run_scoped3A : memref<!tpu.dma_semaphore, #tpu.memory_space<semaphore_mem>>) src(%arg8 : memref<80x128xf32, #tpu.memory_space<vmem>>) dst(%dma_wait3A_53 : memref<80x128xf32, #tpu.memory_space<vmem_shared>>)
      tpu.yield
    }) : () -> ()
    %mul3A_22 = arith.constant 625 : i32
    %mul3A_23 = arith.muli %arg1, %mul3A_22 : i32
    %add3A_24 = arith.constant 320 : i32
    %add3A_25 = arith.addi %mul3A_23, %add3A_24 : i32
    "tpu.region"() ({
      %run_scoped3A = tpu.sem_alloc : memref<!tpu.dma_semaphore, #tpu.memory_space<semaphore_mem>>
      %dma_start3A = arith.constant 0 : i32
      %dma_start3A_48 = tpu.memref_slice %arg11[%add3A_25, %dma_start3A] : memref<10000x128xf32, #tpu.memory_space<vmem_shared>> -> memref<80x128xf32, #tpu.memory_space<vmem_shared>>
      %dma_start3A_49 = arith.constant 0 : i32
      %dma_start3A_50 = tpu.memref_slice %arg11[%add3A_25, %dma_start3A_49] : memref<10000x128xf32, #tpu.memory_space<vmem_shared>> -> memref<80x128xf32, #tpu.memory_space<vmem_shared>>
      tpu.enqueue_dma source(%arg8 : memref<80x128xf32, #tpu.memory_space<vmem>>) target(%dma_start3A_50 : memref<80x128xf32, #tpu.memory_space<vmem_shared>>) target_semaphore(%run_scoped3A : memref<!tpu.dma_semaphore, #tpu.memory_space<semaphore_mem>>)
      %dma_wait3A = arith.constant 0 : i32
      %dma_wait3A_51 = tpu.memref_slice %arg11[%add3A_25, %dma_wait3A] : memref<10000x128xf32, #tpu.memory_space<vmem_shared>> -> memref<80x128xf32, #tpu.memory_space<vmem_shared>>
      %dma_wait3A_52 = arith.constant 0 : i32
      %dma_wait3A_53 = tpu.memref_slice %arg11[%add3A_25, %dma_wait3A_52] : memref<10000x128xf32, #tpu.memory_space<vmem_shared>> -> memref<80x128xf32, #tpu.memory_space<vmem_shared>>
      tpu.wait_dma2 semaphore(%run_scoped3A : memref<!tpu.dma_semaphore, #tpu.memory_space<semaphore_mem>>) src(%arg8 : memref<80x128xf32, #tpu.memory_space<vmem>>) dst(%dma_wait3A_53 : memref<80x128xf32, #tpu.memory_space<vmem_shared>>)
      tpu.yield
    }) : () -> ()
    %mul3A_26 = arith.constant 625 : i32
    %mul3A_27 = arith.muli %arg1, %mul3A_26 : i32
    %add3A_28 = arith.constant 400 : i32
    %add3A_29 = arith.addi %mul3A_27, %add3A_28 : i32
    "tpu.region"() ({
      %run_scoped3A = tpu.sem_alloc : memref<!tpu.dma_semaphore, #tpu.memory_space<semaphore_mem>>
      %dma_start3A = arith.constant 0 : i32
      %dma_start3A_48 = tpu.memref_slice %arg11[%add3A_29, %dma_start3A] : memref<10000x128xf32, #tpu.memory_space<vmem_shared>> -> memref<80x128xf32, #tpu.memory_space<vmem_shared>>
      %dma_start3A_49 = arith.constant 0 : i32
      %dma_start3A_50 = tpu.memref_slice %arg11[%add3A_29, %dma_start3A_49] : memref<10000x128xf32, #tpu.memory_space<vmem_shared>> -> memref<80x128xf32, #tpu.memory_space<vmem_shared>>
      tpu.enqueue_dma source(%arg8 : memref<80x128xf32, #tpu.memory_space<vmem>>) target(%dma_start3A_50 : memref<80x128xf32, #tpu.memory_space<vmem_shared>>) target_semaphore(%run_scoped3A : memref<!tpu.dma_semaphore, #tpu.memory_space<semaphore_mem>>)
      %dma_wait3A = arith.constant 0 : i32
      %dma_wait3A_51 = tpu.memref_slice %arg11[%add3A_29, %dma_wait3A] : memref<10000x128xf32, #tpu.memory_space<vmem_shared>> -> memref<80x128xf32, #tpu.memory_space<vmem_shared>>
      %dma_wait3A_52 = arith.constant 0 : i32
      %dma_wait3A_53 = tpu.memref_slice %arg11[%add3A_29, %dma_wait3A_52] : memref<10000x128xf32, #tpu.memory_space<vmem_shared>> -> memref<80x128xf32, #tpu.memory_space<vmem_shared>>
      tpu.wait_dma2 semaphore(%run_scoped3A : memref<!tpu.dma_semaphore, #tpu.memory_space<semaphore_mem>>) src(%arg8 : memref<80x128xf32, #tpu.memory_space<vmem>>) dst(%dma_wait3A_53 : memref<80x128xf32, #tpu.memory_space<vmem_shared>>)
      tpu.yield
    }) : () -> ()
    %mul3A_30 = arith.constant 625 : i32
    %mul3A_31 = arith.muli %arg1, %mul3A_30 : i32
    %add3A_32 = arith.constant 480 : i32
    %add3A_33 = arith.addi %mul3A_31, %add3A_32 : i32
    "tpu.region"() ({
      %run_scoped3A = tpu.sem_alloc : memref<!tpu.dma_semaphore, #tpu.memory_space<semaphore_mem>>
      %dma_start3A = arith.constant 0 : i32
      %dma_start3A_48 = tpu.memref_slice %arg11[%add3A_33, %dma_start3A] : memref<10000x128xf32, #tpu.memory_space<vmem_shared>> -> memref<80x128xf32, #tpu.memory_space<vmem_shared>>
      %dma_start3A_49 = arith.constant 0 : i32
      %dma_start3A_50 = tpu.memref_slice %arg11[%add3A_33, %dma_start3A_49] : memref<10000x128xf32, #tpu.memory_space<vmem_shared>> -> memref<80x128xf32, #tpu.memory_space<vmem_shared>>
      tpu.enqueue_dma source(%arg8 : memref<80x128xf32, #tpu.memory_space<vmem>>) target(%dma_start3A_50 : memref<80x128xf32, #tpu.memory_space<vmem_shared>>) target_semaphore(%run_scoped3A : memref<!tpu.dma_semaphore, #tpu.memory_space<semaphore_mem>>)
      %dma_wait3A = arith.constant 0 : i32
      %dma_wait3A_51 = tpu.memref_slice %arg11[%add3A_33, %dma_wait3A] : memref<10000x128xf32, #tpu.memory_space<vmem_shared>> -> memref<80x128xf32, #tpu.memory_space<vmem_shared>>
      %dma_wait3A_52 = arith.constant 0 : i32
      %dma_wait3A_53 = tpu.memref_slice %arg11[%add3A_33, %dma_wait3A_52] : memref<10000x128xf32, #tpu.memory_space<vmem_shared>> -> memref<80x128xf32, #tpu.memory_space<vmem_shared>>
      tpu.wait_dma2 semaphore(%run_scoped3A : memref<!tpu.dma_semaphore, #tpu.memory_space<semaphore_mem>>) src(%arg8 : memref<80x128xf32, #tpu.memory_space<vmem>>) dst(%dma_wait3A_53 : memref<80x128xf32, #tpu.memory_space<vmem_shared>>)
      tpu.yield
    }) : () -> ()
    %mul3A_34 = arith.constant 625 : i32
    %mul3A_35 = arith.muli %arg1, %mul3A_34 : i32
    %add3A_36 = arith.constant 625 : i32
    %add3A_37 = arith.addi %mul3A_35, %add3A_36 : i32
    %sub3A = arith.constant 65 : i32
    %sub3A_38 = arith.subi %add3A_37, %sub3A : i32
    "tpu.region"() ({
      %run_scoped3A = tpu.sem_alloc : memref<!tpu.dma_semaphore, #tpu.memory_space<semaphore_mem>>
      %dma_start3A = arith.constant 0 : i32
      %dma_start3A_48 = arith.constant 0 : i32
      %dma_start3A_49 = tpu.memref_slice %arg8[%dma_start3A, %dma_start3A_48] : memref<80x128xf32, #tpu.memory_space<vmem>> -> memref<65x128xf32, #tpu.memory_space<vmem>>
      %dma_start3A_50 = arith.constant 0 : i32
      %dma_start3A_51 = tpu.memref_slice %arg11[%sub3A_38, %dma_start3A_50] : memref<10000x128xf32, #tpu.memory_space<vmem_shared>> -> memref<65x128xf32, #tpu.memory_space<vmem_shared>>
      %dma_start3A_52 = arith.constant 0 : i32
      %dma_start3A_53 = tpu.memref_slice %arg11[%sub3A_38, %dma_start3A_52] : memref<10000x128xf32, #tpu.memory_space<vmem_shared>> -> memref<65x128xf32, #tpu.memory_space<vmem_shared>>
      %dma_start3A_54 = arith.constant 0 : i32
      %dma_start3A_55 = arith.constant 0 : i32
      %dma_start3A_56 = tpu.memref_slice %arg8[%dma_start3A_54, %dma_start3A_55] : memref<80x128xf32, #tpu.memory_space<vmem>> -> memref<65x128xf32, #tpu.memory_space<vmem>>
      tpu.enqueue_dma source(%dma_start3A_56 : memref<65x128xf32, #tpu.memory_space<vmem>>) target(%dma_start3A_53 : memref<65x128xf32, #tpu.memory_space<vmem_shared>>) target_semaphore(%run_scoped3A : memref<!tpu.dma_semaphore, #tpu.memory_space<semaphore_mem>>)
      %dma_wait3A = arith.constant 0 : i32
      %dma_wait3A_57 = arith.constant 0 : i32
      %dma_wait3A_58 = tpu.memref_slice %arg8[%dma_wait3A, %dma_wait3A_57] : memref<80x128xf32, #tpu.memory_space<vmem>> -> memref<65x128xf32, #tpu.memory_space<vmem>>
      %dma_wait3A_59 = arith.constant 0 : i32
      %dma_wait3A_60 = tpu.memref_slice %arg11[%sub3A_38, %dma_wait3A_59] : memref<10000x128xf32, #tpu.memory_space<vmem_shared>> -> memref<65x128xf32, #tpu.memory_space<vmem_shared>>
      %dma_wait3A_61 = arith.constant 0 : i32
      %dma_wait3A_62 = tpu.memref_slice %arg11[%sub3A_38, %dma_wait3A_61] : memref<10000x128xf32, #tpu.memory_space<vmem_shared>> -> memref<65x128xf32, #tpu.memory_space<vmem_shared>>
      %dma_wait3A_63 = arith.constant 0 : i32
      %dma_wait3A_64 = arith.constant 0 : i32
      %dma_wait3A_65 = tpu.memref_slice %arg8[%dma_wait3A_63, %dma_wait3A_64] : memref<80x128xf32, #tpu.memory_space<vmem>> -> memref<65x128xf32, #tpu.memory_space<vmem>>
      tpu.wait_dma2 semaphore(%run_scoped3A : memref<!tpu.dma_semaphore, #tpu.memory_space<semaphore_mem>>) src(%dma_wait3A_65 : memref<65x128xf32, #tpu.memory_space<vmem>>) dst(%dma_wait3A_62 : memref<65x128xf32, #tpu.memory_space<vmem_shared>>)
      tpu.yield
    }) : () -> ()
    %barrier3A = arith.constant 0 : index
    tpu.barrier barrier_id(%barrier3A)
    %scan3A_39 = arith.constant 0 : i32
    %scan3A_40 = arith.constant 0 : i32
    %scan3A_41 = arith.constant 5 : i32
    %scan3A_42 = arith.addi %scan3A_40, %scan3A_41 : i32
    %scan3A_43 = arith.constant 1 : i32
    scf.for %scan3A_48 = %scan3A_40 to %scan3A_42 step %scan3A_43  : i32 {
      "tpu.region"() ({
        %run_scoped3A = tpu.sem_alloc : memref<!tpu.dma_semaphore, #tpu.memory_space<semaphore_mem>>
        %dma_start3A_747 = arith.constant 0 : i32
        %dma_start3A_748 = arith.constant 0 : i32
        %dma_start3A_749 = tpu.memref_slice %arg3[%add3A, %scan3A_48, %dma_start3A_747, %dma_start3A_748] : memref<32x5x25x80xi32, #tpu.memory_space<hbm>> -> memref<1x1x25x80xi32, #tpu.memory_space<hbm>>
        %dma_start3A_750 = tpu.memref_squeeze %dma_start3A_749 : memref<1x1x25x80xi32, #tpu.memory_space<hbm>> -> memref<25x80xi32, #tpu.memory_space<hbm>>
        %dma_start3A_751 = arith.constant 0 : i32
        %dma_start3A_752 = arith.constant 0 : i32
        %dma_start3A_753 = tpu.memref_slice %arg3[%add3A, %scan3A_48, %dma_start3A_751, %dma_start3A_752] : memref<32x5x25x80xi32, #tpu.memory_space<hbm>> -> memref<1x1x25x80xi32, #tpu.memory_space<hbm>>
        %dma_start3A_754 = tpu.memref_squeeze %dma_start3A_753 : memref<1x1x25x80xi32, #tpu.memory_space<hbm>> -> memref<25x80xi32, #tpu.memory_space<hbm>>
        tpu.enqueue_dma source(%dma_start3A_754 : memref<25x80xi32, #tpu.memory_space<hbm>>) target(%arg6 : memref<25x80xi32, #tpu.memory_space<vmem>>) target_semaphore(%run_scoped3A : memref<!tpu.dma_semaphore, #tpu.memory_space<semaphore_mem>>)
        %dma_wait3A_755 = arith.constant 0 : i32
        %dma_wait3A_756 = arith.constant 0 : i32
        %dma_wait3A_757 = tpu.memref_slice %arg3[%add3A, %scan3A_48, %dma_wait3A_755, %dma_wait3A_756] : memref<32x5x25x80xi32, #tpu.memory_space<hbm>> -> memref<1x1x25x80xi32, #tpu.memory_space<hbm>>
        %dma_wait3A_758 = tpu.memref_squeeze %dma_wait3A_757 : memref<1x1x25x80xi32, #tpu.memory_space<hbm>> -> memref<25x80xi32, #tpu.memory_space<hbm>>
        %dma_wait3A_759 = arith.constant 0 : i32
        %dma_wait3A_760 = arith.constant 0 : i32
        %dma_wait3A_761 = tpu.memref_slice %arg3[%add3A, %scan3A_48, %dma_wait3A_759, %dma_wait3A_760] : memref<32x5x25x80xi32, #tpu.memory_space<hbm>> -> memref<1x1x25x80xi32, #tpu.memory_space<hbm>>
        %dma_wait3A_762 = tpu.memref_squeeze %dma_wait3A_761 : memref<1x1x25x80xi32, #tpu.memory_space<hbm>> -> memref<25x80xi32, #tpu.memory_space<hbm>>
        tpu.wait_dma2 semaphore(%run_scoped3A : memref<!tpu.dma_semaphore, #tpu.memory_space<semaphore_mem>>) src(%dma_wait3A_762 : memref<25x80xi32, #tpu.memory_space<hbm>>) dst(%arg6 : memref<25x80xi32, #tpu.memory_space<vmem>>)
        tpu.yield
      }) : () -> ()
      "tpu.region"() ({
        %run_scoped3A = tpu.sem_alloc : memref<!tpu.dma_semaphore, #tpu.memory_space<semaphore_mem>>
        %dma_start3A_747 = arith.constant 0 : i32
        %dma_start3A_748 = arith.constant 0 : i32
        %dma_start3A_749 = tpu.memref_slice %arg4[%add3A, %scan3A_48, %dma_start3A_747, %dma_start3A_748] : memref<32x5x25x80xi32, #tpu.memory_space<hbm>> -> memref<1x1x25x80xi32, #tpu.memory_space<hbm>>
        %dma_start3A_750 = tpu.memref_squeeze %dma_start3A_749 : memref<1x1x25x80xi32, #tpu.memory_space<hbm>> -> memref<25x80xi32, #tpu.memory_space<hbm>>
        %dma_start3A_751 = arith.constant 0 : i32
        %dma_start3A_752 = arith.constant 0 : i32
        %dma_start3A_753 = tpu.memref_slice %arg4[%add3A, %scan3A_48, %dma_start3A_751, %dma_start3A_752] : memref<32x5x25x80xi32, #tpu.memory_space<hbm>> -> memref<1x1x25x80xi32, #tpu.memory_space<hbm>>
        %dma_start3A_754 = tpu.memref_squeeze %dma_start3A_753 : memref<1x1x25x80xi32, #tpu.memory_space<hbm>> -> memref<25x80xi32, #tpu.memory_space<hbm>>
        tpu.enqueue_dma source(%dma_start3A_754 : memref<25x80xi32, #tpu.memory_space<hbm>>) target(%arg7 : memref<25x80xi32, #tpu.memory_space<vmem>>) target_semaphore(%run_scoped3A : memref<!tpu.dma_semaphore, #tpu.memory_space<semaphore_mem>>)
        %dma_wait3A_755 = arith.constant 0 : i32
        %dma_wait3A_756 = arith.constant 0 : i32
        %dma_wait3A_757 = tpu.memref_slice %arg4[%add3A, %scan3A_48, %dma_wait3A_755, %dma_wait3A_756] : memref<32x5x25x80xi32, #tpu.memory_space<hbm>> -> memref<1x1x25x80xi32, #tpu.memory_space<hbm>>
        %dma_wait3A_758 = tpu.memref_squeeze %dma_wait3A_757 : memref<1x1x25x80xi32, #tpu.memory_space<hbm>> -> memref<25x80xi32, #tpu.memory_space<hbm>>
        %dma_wait3A_759 = arith.constant 0 : i32
        %dma_wait3A_760 = arith.constant 0 : i32
        %dma_wait3A_761 = tpu.memref_slice %arg4[%add3A, %scan3A_48, %dma_wait3A_759, %dma_wait3A_760] : memref<32x5x25x80xi32, #tpu.memory_space<hbm>> -> memref<1x1x25x80xi32, #tpu.memory_space<hbm>>
        %dma_wait3A_762 = tpu.memref_squeeze %dma_wait3A_761 : memref<1x1x25x80xi32, #tpu.memory_space<hbm>> -> memref<25x80xi32, #tpu.memory_space<hbm>>
        tpu.wait_dma2 semaphore(%run_scoped3A : memref<!tpu.dma_semaphore, #tpu.memory_space<semaphore_mem>>) src(%dma_wait3A_762 : memref<25x80xi32, #tpu.memory_space<hbm>>) dst(%arg7 : memref<25x80xi32, #tpu.memory_space<vmem>>)
        tpu.yield
      }) : () -> ()
      %dma_start3A = arith.constant 0 : i32
      %dma_start3A_49 = arith.constant 0 : i32
      %dma_start3A_50 = tpu.memref_slice %arg6[%dma_start3A, %dma_start3A_49] : memref<25x80xi32, #tpu.memory_space<vmem>> -> memref<1x80xi32, #tpu.memory_space<vmem>>
      %dma_start3A_51 = tpu.memref_squeeze %dma_start3A_50 : memref<1x80xi32, #tpu.memory_space<vmem>> -> memref<80xi32, #tpu.memory_space<vmem>>
      %dma_start3A_52 = arith.constant 0 : i32
      %dma_start3A_53 = arith.constant 0 : i32
      %dma_start3A_54 = tpu.memref_slice %arg2[%dma_start3A_52, %dma_start3A_53] : memref<10000x128xf32, #tpu.memory_space<hbm>> -> memref<10000x128xf32, #tpu.memory_space<hbm>>
      tpu.enqueue_indirect_dma source(%dma_start3A_54 : memref<10000x128xf32, #tpu.memory_space<hbm>>) target(%arg8 : memref<80x128xf32, #tpu.memory_space<vmem>>) offsets(%dma_start3A_51 : memref<80xi32, #tpu.memory_space<vmem>>) semaphore(%arg12 : memref<!tpu.dma_semaphore, #tpu.memory_space<semaphore_mem>>)
      %dma_start3A_55 = arith.constant 1 : i32
      %dma_start3A_56 = arith.constant 0 : i32
      %dma_start3A_57 = tpu.memref_slice %arg6[%dma_start3A_55, %dma_start3A_56] : memref<25x80xi32, #tpu.memory_space<vmem>> -> memref<1x80xi32, #tpu.memory_space<vmem>>
      %dma_start3A_58 = tpu.memref_squeeze %dma_start3A_57 : memref<1x80xi32, #tpu.memory_space<vmem>> -> memref<80xi32, #tpu.memory_space<vmem>>
      %dma_start3A_59 = arith.constant 0 : i32
      %dma_start3A_60 = arith.constant 0 : i32
      %dma_start3A_61 = tpu.memref_slice %arg2[%dma_start3A_59, %dma_start3A_60] : memref<10000x128xf32, #tpu.memory_space<hbm>> -> memref<10000x128xf32, #tpu.memory_space<hbm>>
      tpu.enqueue_indirect_dma source(%dma_start3A_61 : memref<10000x128xf32, #tpu.memory_space<hbm>>) target(%arg9 : memref<80x128xf32, #tpu.memory_space<vmem>>) offsets(%dma_start3A_58 : memref<80xi32, #tpu.memory_space<vmem>>) semaphore(%arg13 : memref<!tpu.dma_semaphore, #tpu.memory_space<semaphore_mem>>)
      %dma_wait3A = arith.constant 0 : i32
      %dma_wait3A_62 = arith.constant 0 : i32
      %dma_wait3A_63 = tpu.memref_slice %arg6[%dma_wait3A, %dma_wait3A_62] : memref<25x80xi32, #tpu.memory_space<vmem>> -> memref<1x80xi32, #tpu.memory_space<vmem>>
      %dma_wait3A_64 = tpu.memref_squeeze %dma_wait3A_63 : memref<1x80xi32, #tpu.memory_space<vmem>> -> memref<80xi32, #tpu.memory_space<vmem>>
      %dma_wait3A_65 = arith.constant 0 : i32
      %dma_wait3A_66 = arith.constant 0 : i32
      %dma_wait3A_67 = tpu.memref_slice %arg2[%dma_wait3A_65, %dma_wait3A_66] : memref<10000x128xf32, #tpu.memory_space<hbm>> -> memref<10000x128xf32, #tpu.memory_space<hbm>>
      tpu.wait_indirect_dma semaphore(%arg12 : memref<!tpu.dma_semaphore, #tpu.memory_space<semaphore_mem>>) src(%dma_wait3A_67 : memref<10000x128xf32, #tpu.memory_space<hbm>>) dst(%arg8 : memref<80x128xf32, #tpu.memory_space<vmem>>)
      %dma_start3A_68 = arith.constant 0 : i32
      %dma_start3A_69 = arith.constant 0 : i32
      %dma_start3A_70 = tpu.memref_slice %arg7[%dma_start3A_68, %dma_start3A_69] : memref<25x80xi32, #tpu.memory_space<vmem>> -> memref<1x80xi32, #tpu.memory_space<vmem>>
      %dma_start3A_71 = tpu.memref_squeeze %dma_start3A_70 : memref<1x80xi32, #tpu.memory_space<vmem>> -> memref<80xi32, #tpu.memory_space<vmem>>
      %dma_start3A_72 = arith.constant 0 : i32
      %dma_start3A_73 = arith.constant 0 : i32
      %dma_start3A_74 = tpu.memref_slice %arg11[%dma_start3A_72, %dma_start3A_73] : memref<10000x128xf32, #tpu.memory_space<vmem_shared>> -> memref<10000x128xf32, #tpu.memory_space<vmem_shared>>
      tpu.enqueue_indirect_dma source(%arg8 : memref<80x128xf32, #tpu.memory_space<vmem>>) target(%dma_start3A_74 : memref<10000x128xf32, #tpu.memory_space<vmem_shared>>) offsets(%dma_start3A_71 : memref<80xi32, #tpu.memory_space<vmem>>) semaphore(%arg15 : memref<!tpu.dma_semaphore, #tpu.memory_space<semaphore_mem>>) {add = true}
      %dma_start3A_75 = arith.constant 2 : i32
      %dma_start3A_76 = arith.constant 0 : i32
      %dma_start3A_77 = tpu.memref_slice %arg6[%dma_start3A_75, %dma_start3A_76] : memref<25x80xi32, #tpu.memory_space<vmem>> -> memref<1x80xi32, #tpu.memory_space<vmem>>
      %dma_start3A_78 = tpu.memref_squeeze %dma_start3A_77 : memref<1x80xi32, #tpu.memory_space<vmem>> -> memref<80xi32, #tpu.memory_space<vmem>>
      %dma_start3A_79 = arith.constant 0 : i32
      %dma_start3A_80 = arith.constant 0 : i32
      %dma_start3A_81 = tpu.memref_slice %arg2[%dma_start3A_79, %dma_start3A_80] : memref<10000x128xf32, #tpu.memory_space<hbm>> -> memref<10000x128xf32, #tpu.memory_space<hbm>>
      tpu.enqueue_indirect_dma source(%dma_start3A_81 : memref<10000x128xf32, #tpu.memory_space<hbm>>) target(%arg10 : memref<80x128xf32, #tpu.memory_space<vmem>>) offsets(%dma_start3A_78 : memref<80xi32, #tpu.memory_space<vmem>>) semaphore(%arg14 : memref<!tpu.dma_semaphore, #tpu.memory_space<semaphore_mem>>)
      %dma_wait3A_82 = arith.constant 1 : i32
      %dma_wait3A_83 = arith.constant 0 : i32
      %dma_wait3A_84 = tpu.memref_slice %arg6[%dma_wait3A_82, %dma_wait3A_83] : memref<25x80xi32, #tpu.memory_space<vmem>> -> memref<1x80xi32, #tpu.memory_space<vmem>>
      %dma_wait3A_85 = tpu.memref_squeeze %dma_wait3A_84 : memref<1x80xi32, #tpu.memory_space<vmem>> -> memref<80xi32, #tpu.memory_space<vmem>>
      %dma_wait3A_86 = arith.constant 0 : i32
      %dma_wait3A_87 = arith.constant 0 : i32
      %dma_wait3A_88 = tpu.memref_slice %arg2[%dma_wait3A_86, %dma_wait3A_87] : memref<10000x128xf32, #tpu.memory_space<hbm>> -> memref<10000x128xf32, #tpu.memory_space<hbm>>
      tpu.wait_indirect_dma semaphore(%arg13 : memref<!tpu.dma_semaphore, #tpu.memory_space<semaphore_mem>>) src(%dma_wait3A_88 : memref<10000x128xf32, #tpu.memory_space<hbm>>) dst(%arg9 : memref<80x128xf32, #tpu.memory_space<vmem>>)
      %dma_start3A_89 = arith.constant 1 : i32
      %dma_start3A_90 = arith.constant 0 : i32
      %dma_start3A_91 = tpu.memref_slice %arg7[%dma_start3A_89, %dma_start3A_90] : memref<25x80xi32, #tpu.memory_space<vmem>> -> memref<1x80xi32, #tpu.memory_space<vmem>>
      %dma_start3A_92 = tpu.memref_squeeze %dma_start3A_91 : memref<1x80xi32, #tpu.memory_space<vmem>> -> memref<80xi32, #tpu.memory_space<vmem>>
      %dma_start3A_93 = arith.constant 0 : i32
      %dma_start3A_94 = arith.constant 0 : i32
      %dma_start3A_95 = tpu.memref_slice %arg11[%dma_start3A_93, %dma_start3A_94] : memref<10000x128xf32, #tpu.memory_space<vmem_shared>> -> memref<10000x128xf32, #tpu.memory_space<vmem_shared>>
      tpu.enqueue_indirect_dma source(%arg9 : memref<80x128xf32, #tpu.memory_space<vmem>>) target(%dma_start3A_95 : memref<10000x128xf32, #tpu.memory_space<vmem_shared>>) offsets(%dma_start3A_92 : memref<80xi32, #tpu.memory_space<vmem>>) semaphore(%arg16 : memref<!tpu.dma_semaphore, #tpu.memory_space<semaphore_mem>>) {add = true}
      %dma_wait3A_96 = arith.constant 0 : i32
      %dma_wait3A_97 = arith.constant 0 : i32
      %dma_wait3A_98 = tpu.memref_slice %arg7[%dma_wait3A_96, %dma_wait3A_97] : memref<25x80xi32, #tpu.memory_space<vmem>> -> memref<1x80xi32, #tpu.memory_space<vmem>>
      %dma_wait3A_99 = tpu.memref_squeeze %dma_wait3A_98 : memref<1x80xi32, #tpu.memory_space<vmem>> -> memref<80xi32, #tpu.memory_space<vmem>>
      %dma_wait3A_100 = arith.constant 0 : i32
      %dma_wait3A_101 = arith.constant 0 : i32
      %dma_wait3A_102 = tpu.memref_slice %arg11[%dma_wait3A_100, %dma_wait3A_101] : memref<10000x128xf32, #tpu.memory_space<vmem_shared>> -> memref<10000x128xf32, #tpu.memory_space<vmem_shared>>
      tpu.wait_indirect_dma semaphore(%arg15 : memref<!tpu.dma_semaphore, #tpu.memory_space<semaphore_mem>>) src(%arg8 : memref<80x128xf32, #tpu.memory_space<vmem>>) dst(%dma_wait3A_102 : memref<10000x128xf32, #tpu.memory_space<vmem_shared>>)
      %dma_start3A_103 = arith.constant 3 : i32
      %dma_start3A_104 = arith.constant 0 : i32
      %dma_start3A_105 = tpu.memref_slice %arg6[%dma_start3A_103, %dma_start3A_104] : memref<25x80xi32, #tpu.memory_space<vmem>> -> memref<1x80xi32, #tpu.memory_space<vmem>>
      %dma_start3A_106 = tpu.memref_squeeze %dma_start3A_105 : memref<1x80xi32, #tpu.memory_space<vmem>> -> memref<80xi32, #tpu.memory_space<vmem>>
      %dma_start3A_107 = arith.constant 0 : i32
      %dma_start3A_108 = arith.constant 0 : i32
      %dma_start3A_109 = tpu.memref_slice %arg2[%dma_start3A_107, %dma_start3A_108] : memref<10000x128xf32, #tpu.memory_space<hbm>> -> memref<10000x128xf32, #tpu.memory_space<hbm>>
      tpu.enqueue_indirect_dma source(%dma_start3A_109 : memref<10000x128xf32, #tpu.memory_space<hbm>>) target(%arg8 : memref<80x128xf32, #tpu.memory_space<vmem>>) offsets(%dma_start3A_106 : memref<80xi32, #tpu.memory_space<vmem>>) semaphore(%arg12 : memref<!tpu.dma_semaphore, #tpu.memory_space<semaphore_mem>>)
      %dma_wait3A_110 = arith.constant 2 : i32
      %dma_wait3A_111 = arith.constant 0 : i32
      %dma_wait3A_112 = tpu.memref_slice %arg6[%dma_wait3A_110, %dma_wait3A_111] : memref<25x80xi32, #tpu.memory_space<vmem>> -> memref<1x80xi32, #tpu.memory_space<vmem>>
      %dma_wait3A_113 = tpu.memref_squeeze %dma_wait3A_112 : memref<1x80xi32, #tpu.memory_space<vmem>> -> memref<80xi32, #tpu.memory_space<vmem>>
      %dma_wait3A_114 = arith.constant 0 : i32
      %dma_wait3A_115 = arith.constant 0 : i32
      %dma_wait3A_116 = tpu.memref_slice %arg2[%dma_wait3A_114, %dma_wait3A_115] : memref<10000x128xf32, #tpu.memory_space<hbm>> -> memref<10000x128xf32, #tpu.memory_space<hbm>>
      tpu.wait_indirect_dma semaphore(%arg14 : memref<!tpu.dma_semaphore, #tpu.memory_space<semaphore_mem>>) src(%dma_wait3A_116 : memref<10000x128xf32, #tpu.memory_space<hbm>>) dst(%arg10 : memref<80x128xf32, #tpu.memory_space<vmem>>)
      %dma_start3A_117 = arith.constant 2 : i32
      %dma_start3A_118 = arith.constant 0 : i32
      %dma_start3A_119 = tpu.memref_slice %arg7[%dma_start3A_117, %dma_start3A_118] : memref<25x80xi32, #tpu.memory_space<vmem>> -> memref<1x80xi32, #tpu.memory_space<vmem>>
      %dma_start3A_120 = tpu.memref_squeeze %dma_start3A_119 : memref<1x80xi32, #tpu.memory_space<vmem>> -> memref<80xi32, #tpu.memory_space<vmem>>
      %dma_start3A_121 = arith.constant 0 : i32
      %dma_start3A_122 = arith.constant 0 : i32
      %dma_start3A_123 = tpu.memref_slice %arg11[%dma_start3A_121, %dma_start3A_122] : memref<10000x128xf32, #tpu.memory_space<vmem_shared>> -> memref<10000x128xf32, #tpu.memory_space<vmem_shared>>
      tpu.enqueue_indirect_dma source(%arg10 : memref<80x128xf32, #tpu.memory_space<vmem>>) target(%dma_start3A_123 : memref<10000x128xf32, #tpu.memory_space<vmem_shared>>) offsets(%dma_start3A_120 : memref<80xi32, #tpu.memory_space<vmem>>) semaphore(%arg17 : memref<!tpu.dma_semaphore, #tpu.memory_space<semaphore_mem>>) {add = true}
      %dma_wait3A_124 = arith.constant 1 : i32
      %dma_wait3A_125 = arith.constant 0 : i32
      %dma_wait3A_126 = tpu.memref_slice %arg7[%dma_wait3A_124, %dma_wait3A_125] : memref<25x80xi32, #tpu.memory_space<vmem>> -> memref<1x80xi32, #tpu.memory_space<vmem>>
      %dma_wait3A_127 = tpu.memref_squeeze %dma_wait3A_126 : memref<1x80xi32, #tpu.memory_space<vmem>> -> memref<80xi32, #tpu.memory_space<vmem>>
      %dma_wait3A_128 = arith.constant 0 : i32
      %dma_wait3A_129 = arith.constant 0 : i32
      %dma_wait3A_130 = tpu.memref_slice %arg11[%dma_wait3A_128, %dma_wait3A_129] : memref<10000x128xf32, #tpu.memory_space<vmem_shared>> -> memref<10000x128xf32, #tpu.memory_space<vmem_shared>>
      tpu.wait_indirect_dma semaphore(%arg16 : memref<!tpu.dma_semaphore, #tpu.memory_space<semaphore_mem>>) src(%arg9 : memref<80x128xf32, #tpu.memory_space<vmem>>) dst(%dma_wait3A_130 : memref<10000x128xf32, #tpu.memory_space<vmem_shared>>)
      %dma_start3A_131 = arith.constant 4 : i32
      %dma_start3A_132 = arith.constant 0 : i32
      %dma_start3A_133 = tpu.memref_slice %arg6[%dma_start3A_131, %dma_start3A_132] : memref<25x80xi32, #tpu.memory_space<vmem>> -> memref<1x80xi32, #tpu.memory_space<vmem>>
      %dma_start3A_134 = tpu.memref_squeeze %dma_start3A_133 : memref<1x80xi32, #tpu.memory_space<vmem>> -> memref<80xi32, #tpu.memory_space<vmem>>
      %dma_start3A_135 = arith.constant 0 : i32
      %dma_start3A_136 = arith.constant 0 : i32
      %dma_start3A_137 = tpu.memref_slice %arg2[%dma_start3A_135, %dma_start3A_136] : memref<10000x128xf32, #tpu.memory_space<hbm>> -> memref<10000x128xf32, #tpu.memory_space<hbm>>
      tpu.enqueue_indirect_dma source(%dma_start3A_137 : memref<10000x128xf32, #tpu.memory_space<hbm>>) target(%arg9 : memref<80x128xf32, #tpu.memory_space<vmem>>) offsets(%dma_start3A_134 : memref<80xi32, #tpu.memory_space<vmem>>) semaphore(%arg13 : memref<!tpu.dma_semaphore, #tpu.memory_space<semaphore_mem>>)
      %dma_wait3A_138 = arith.constant 3 : i32
      %dma_wait3A_139 = arith.constant 0 : i32
      %dma_wait3A_140 = tpu.memref_slice %arg6[%dma_wait3A_138, %dma_wait3A_139] : memref<25x80xi32, #tpu.memory_space<vmem>> -> memref<1x80xi32, #tpu.memory_space<vmem>>
      %dma_wait3A_141 = tpu.memref_squeeze %dma_wait3A_140 : memref<1x80xi32, #tpu.memory_space<vmem>> -> memref<80xi32, #tpu.memory_space<vmem>>
      %dma_wait3A_142 = arith.constant 0 : i32
      %dma_wait3A_143 = arith.constant 0 : i32
      %dma_wait3A_144 = tpu.memref_slice %arg2[%dma_wait3A_142, %dma_wait3A_143] : memref<10000x128xf32, #tpu.memory_space<hbm>> -> memref<10000x128xf32, #tpu.memory_space<hbm>>
      tpu.wait_indirect_dma semaphore(%arg12 : memref<!tpu.dma_semaphore, #tpu.memory_space<semaphore_mem>>) src(%dma_wait3A_144 : memref<10000x128xf32, #tpu.memory_space<hbm>>) dst(%arg8 : memref<80x128xf32, #tpu.memory_space<vmem>>)
      %dma_start3A_145 = arith.constant 3 : i32
      %dma_start3A_146 = arith.constant 0 : i32
      %dma_start3A_147 = tpu.memref_slice %arg7[%dma_start3A_145, %dma_start3A_146] : memref<25x80xi32, #tpu.memory_space<vmem>> -> memref<1x80xi32, #tpu.memory_space<vmem>>
      %dma_start3A_148 = tpu.memref_squeeze %dma_start3A_147 : memref<1x80xi32, #tpu.memory_space<vmem>> -> memref<80xi32, #tpu.memory_space<vmem>>
      %dma_start3A_149 = arith.constant 0 : i32
      %dma_start3A_150 = arith.constant 0 : i32
      %dma_start3A_151 = tpu.memref_slice %arg11[%dma_start3A_149, %dma_start3A_150] : memref<10000x128xf32, #tpu.memory_space<vmem_shared>> -> memref<10000x128xf32, #tpu.memory_space<vmem_shared>>
      tpu.enqueue_indirect_dma source(%arg8 : memref<80x128xf32, #tpu.memory_space<vmem>>) target(%dma_start3A_151 : memref<10000x128xf32, #tpu.memory_space<vmem_shared>>) offsets(%dma_start3A_148 : memref<80xi32, #tpu.memory_space<vmem>>) semaphore(%arg15 : memref<!tpu.dma_semaphore, #tpu.memory_space<semaphore_mem>>) {add = true}
      %dma_wait3A_152 = arith.constant 2 : i32
      %dma_wait3A_153 = arith.constant 0 : i32
      %dma_wait3A_154 = tpu.memref_slice %arg7[%dma_wait3A_152, %dma_wait3A_153] : memref<25x80xi32, #tpu.memory_space<vmem>> -> memref<1x80xi32, #tpu.memory_space<vmem>>
      %dma_wait3A_155 = tpu.memref_squeeze %dma_wait3A_154 : memref<1x80xi32, #tpu.memory_space<vmem>> -> memref<80xi32, #tpu.memory_space<vmem>>
      %dma_wait3A_156 = arith.constant 0 : i32
      %dma_wait3A_157 = arith.constant 0 : i32
      %dma_wait3A_158 = tpu.memref_slice %arg11[%dma_wait3A_156, %dma_wait3A_157] : memref<10000x128xf32, #tpu.memory_space<vmem_shared>> -> memref<10000x128xf32, #tpu.memory_space<vmem_shared>>
      tpu.wait_indirect_dma semaphore(%arg17 : memref<!tpu.dma_semaphore, #tpu.memory_space<semaphore_mem>>) src(%arg10 : memref<80x128xf32, #tpu.memory_space<vmem>>) dst(%dma_wait3A_158 : memref<10000x128xf32, #tpu.memory_space<vmem_shared>>)
      %dma_start3A_159 = arith.constant 5 : i32
      %dma_start3A_160 = arith.constant 0 : i32
      %dma_start3A_161 = tpu.memref_slice %arg6[%dma_start3A_159, %dma_start3A_160] : memref<25x80xi32, #tpu.memory_space<vmem>> -> memref<1x80xi32, #tpu.memory_space<vmem>>
      %dma_start3A_162 = tpu.memref_squeeze %dma_start3A_161 : memref<1x80xi32, #tpu.memory_space<vmem>> -> memref<80xi32, #tpu.memory_space<vmem>>
      %dma_start3A_163 = arith.constant 0 : i32
      %dma_start3A_164 = arith.constant 0 : i32
      %dma_start3A_165 = tpu.memref_slice %arg2[%dma_start3A_163, %dma_start3A_164] : memref<10000x128xf32, #tpu.memory_space<hbm>> -> memref<10000x128xf32, #tpu.memory_space<hbm>>
      tpu.enqueue_indirect_dma source(%dma_start3A_165 : memref<10000x128xf32, #tpu.memory_space<hbm>>) target(%arg10 : memref<80x128xf32, #tpu.memory_space<vmem>>) offsets(%dma_start3A_162 : memref<80xi32, #tpu.memory_space<vmem>>) semaphore(%arg14 : memref<!tpu.dma_semaphore, #tpu.memory_space<semaphore_mem>>)
      %dma_wait3A_166 = arith.constant 4 : i32
      %dma_wait3A_167 = arith.constant 0 : i32
      %dma_wait3A_168 = tpu.memref_slice %arg6[%dma_wait3A_166, %dma_wait3A_167] : memref<25x80xi32, #tpu.memory_space<vmem>> -> memref<1x80xi32, #tpu.memory_space<vmem>>
      %dma_wait3A_169 = tpu.memref_squeeze %dma_wait3A_168 : memref<1x80xi32, #tpu.memory_space<vmem>> -> memref<80xi32, #tpu.memory_space<vmem>>
      %dma_wait3A_170 = arith.constant 0 : i32
      %dma_wait3A_171 = arith.constant 0 : i32
      %dma_wait3A_172 = tpu.memref_slice %arg2[%dma_wait3A_170, %dma_wait3A_171] : memref<10000x128xf32, #tpu.memory_space<hbm>> -> memref<10000x128xf32, #tpu.memory_space<hbm>>
      tpu.wait_indirect_dma semaphore(%arg13 : memref<!tpu.dma_semaphore, #tpu.memory_space<semaphore_mem>>) src(%dma_wait3A_172 : memref<10000x128xf32, #tpu.memory_space<hbm>>) dst(%arg9 : memref<80x128xf32, #tpu.memory_space<vmem>>)
      %dma_start3A_173 = arith.constant 4 : i32
      %dma_start3A_174 = arith.constant 0 : i32
      %dma_start3A_175 = tpu.memref_slice %arg7[%dma_start3A_173, %dma_start3A_174] : memref<25x80xi32, #tpu.memory_space<vmem>> -> memref<1x80xi32, #tpu.memory_space<vmem>>
      %dma_start3A_176 = tpu.memref_squeeze %dma_start3A_175 : memref<1x80xi32, #tpu.memory_space<vmem>> -> memref<80xi32, #tpu.memory_space<vmem>>
      %dma_start3A_177 = arith.constant 0 : i32
      %dma_start3A_178 = arith.constant 0 : i32
      %dma_start3A_179 = tpu.memref_slice %arg11[%dma_start3A_177, %dma_start3A_178] : memref<10000x128xf32, #tpu.memory_space<vmem_shared>> -> memref<10000x128xf32, #tpu.memory_space<vmem_shared>>
      tpu.enqueue_indirect_dma source(%arg9 : memref<80x128xf32, #tpu.memory_space<vmem>>) target(%dma_start3A_179 : memref<10000x128xf32, #tpu.memory_space<vmem_shared>>) offsets(%dma_start3A_176 : memref<80xi32, #tpu.memory_space<vmem>>) semaphore(%arg16 : memref<!tpu.dma_semaphore, #tpu.memory_space<semaphore_mem>>) {add = true}
      %dma_wait3A_180 = arith.constant 3 : i32
      %dma_wait3A_181 = arith.constant 0 : i32
      %dma_wait3A_182 = tpu.memref_slice %arg7[%dma_wait3A_180, %dma_wait3A_181] : memref<25x80xi32, #tpu.memory_space<vmem>> -> memref<1x80xi32, #tpu.memory_space<vmem>>
      %dma_wait3A_183 = tpu.memref_squeeze %dma_wait3A_182 : memref<1x80xi32, #tpu.memory_space<vmem>> -> memref<80xi32, #tpu.memory_space<vmem>>
      %dma_wait3A_184 = arith.constant 0 : i32
      %dma_wait3A_185 = arith.constant 0 : i32
      %dma_wait3A_186 = tpu.memref_slice %arg11[%dma_wait3A_184, %dma_wait3A_185] : memref<10000x128xf32, #tpu.memory_space<vmem_shared>> -> memref<10000x128xf32, #tpu.memory_space<vmem_shared>>
      tpu.wait_indirect_dma semaphore(%arg15 : memref<!tpu.dma_semaphore, #tpu.memory_space<semaphore_mem>>) src(%arg8 : memref<80x128xf32, #tpu.memory_space<vmem>>) dst(%dma_wait3A_186 : memref<10000x128xf32, #tpu.memory_space<vmem_shared>>)
      %dma_start3A_187 = arith.constant 6 : i32
      %dma_start3A_188 = arith.constant 0 : i32
      %dma_start3A_189 = tpu.memref_slice %arg6[%dma_start3A_187, %dma_start3A_188] : memref<25x80xi32, #tpu.memory_space<vmem>> -> memref<1x80xi32, #tpu.memory_space<vmem>>
      %dma_start3A_190 = tpu.memref_squeeze %dma_start3A_189 : memref<1x80xi32, #tpu.memory_space<vmem>> -> memref<80xi32, #tpu.memory_space<vmem>>
      %dma_start3A_191 = arith.constant 0 : i32
      %dma_start3A_192 = arith.constant 0 : i32
      %dma_start3A_193 = tpu.memref_slice %arg2[%dma_start3A_191, %dma_start3A_192] : memref<10000x128xf32, #tpu.memory_space<hbm>> -> memref<10000x128xf32, #tpu.memory_space<hbm>>
      tpu.enqueue_indirect_dma source(%dma_start3A_193 : memref<10000x128xf32, #tpu.memory_space<hbm>>) target(%arg8 : memref<80x128xf32, #tpu.memory_space<vmem>>) offsets(%dma_start3A_190 : memref<80xi32, #tpu.memory_space<vmem>>) semaphore(%arg12 : memref<!tpu.dma_semaphore, #tpu.memory_space<semaphore_mem>>)
      %dma_wait3A_194 = arith.constant 5 : i32
      %dma_wait3A_195 = arith.constant 0 : i32
      %dma_wait3A_196 = tpu.memref_slice %arg6[%dma_wait3A_194, %dma_wait3A_195] : memref<25x80xi32, #tpu.memory_space<vmem>> -> memref<1x80xi32, #tpu.memory_space<vmem>>
      %dma_wait3A_197 = tpu.memref_squeeze %dma_wait3A_196 : memref<1x80xi32, #tpu.memory_space<vmem>> -> memref<80xi32, #tpu.memory_space<vmem>>
      %dma_wait3A_198 = arith.constant 0 : i32
      %dma_wait3A_199 = arith.constant 0 : i32
      %dma_wait3A_200 = tpu.memref_slice %arg2[%dma_wait3A_198, %dma_wait3A_199] : memref<10000x128xf32, #tpu.memory_space<hbm>> -> memref<10000x128xf32, #tpu.memory_space<hbm>>
      tpu.wait_indirect_dma semaphore(%arg14 : memref<!tpu.dma_semaphore, #tpu.memory_space<semaphore_mem>>) src(%dma_wait3A_200 : memref<10000x128xf32, #tpu.memory_space<hbm>>) dst(%arg10 : memref<80x128xf32, #tpu.memory_space<vmem>>)
      %dma_start3A_201 = arith.constant 5 : i32
      %dma_start3A_202 = arith.constant 0 : i32
      %dma_start3A_203 = tpu.memref_slice %arg7[%dma_start3A_201, %dma_start3A_202] : memref<25x80xi32, #tpu.memory_space<vmem>> -> memref<1x80xi32, #tpu.memory_space<vmem>>
      %dma_start3A_204 = tpu.memref_squeeze %dma_start3A_203 : memref<1x80xi32, #tpu.memory_space<vmem>> -> memref<80xi32, #tpu.memory_space<vmem>>
      %dma_start3A_205 = arith.constant 0 : i32
      %dma_start3A_206 = arith.constant 0 : i32
      %dma_start3A_207 = tpu.memref_slice %arg11[%dma_start3A_205, %dma_start3A_206] : memref<10000x128xf32, #tpu.memory_space<vmem_shared>> -> memref<10000x128xf32, #tpu.memory_space<vmem_shared>>
      tpu.enqueue_indirect_dma source(%arg10 : memref<80x128xf32, #tpu.memory_space<vmem>>) target(%dma_start3A_207 : memref<10000x128xf32, #tpu.memory_space<vmem_shared>>) offsets(%dma_start3A_204 : memref<80xi32, #tpu.memory_space<vmem>>) semaphore(%arg17 : memref<!tpu.dma_semaphore, #tpu.memory_space<semaphore_mem>>) {add = true}
      %dma_wait3A_208 = arith.constant 4 : i32
      %dma_wait3A_209 = arith.constant 0 : i32
      %dma_wait3A_210 = tpu.memref_slice %arg7[%dma_wait3A_208, %dma_wait3A_209] : memref<25x80xi32, #tpu.memory_space<vmem>> -> memref<1x80xi32, #tpu.memory_space<vmem>>
      %dma_wait3A_211 = tpu.memref_squeeze %dma_wait3A_210 : memref<1x80xi32, #tpu.memory_space<vmem>> -> memref<80xi32, #tpu.memory_space<vmem>>
      %dma_wait3A_212 = arith.constant 0 : i32
      %dma_wait3A_213 = arith.constant 0 : i32
      %dma_wait3A_214 = tpu.memref_slice %arg11[%dma_wait3A_212, %dma_wait3A_213] : memref<10000x128xf32, #tpu.memory_space<vmem_shared>> -> memref<10000x128xf32, #tpu.memory_space<vmem_shared>>
      tpu.wait_indirect_dma semaphore(%arg16 : memref<!tpu.dma_semaphore, #tpu.memory_space<semaphore_mem>>) src(%arg9 : memref<80x128xf32, #tpu.memory_space<vmem>>) dst(%dma_wait3A_214 : memref<10000x128xf32, #tpu.memory_space<vmem_shared>>)
      %dma_start3A_215 = arith.constant 7 : i32
      %dma_start3A_216 = arith.constant 0 : i32
      %dma_start3A_217 = tpu.memref_slice %arg6[%dma_start3A_215, %dma_start3A_216] : memref<25x80xi32, #tpu.memory_space<vmem>> -> memref<1x80xi32, #tpu.memory_space<vmem>>
      %dma_start3A_218 = tpu.memref_squeeze %dma_start3A_217 : memref<1x80xi32, #tpu.memory_space<vmem>> -> memref<80xi32, #tpu.memory_space<vmem>>
      %dma_start3A_219 = arith.constant 0 : i32
      %dma_start3A_220 = arith.constant 0 : i32
      %dma_start3A_221 = tpu.memref_slice %arg2[%dma_start3A_219, %dma_start3A_220] : memref<10000x128xf32, #tpu.memory_space<hbm>> -> memref<10000x128xf32, #tpu.memory_space<hbm>>
      tpu.enqueue_indirect_dma source(%dma_start3A_221 : memref<10000x128xf32, #tpu.memory_space<hbm>>) target(%arg9 : memref<80x128xf32, #tpu.memory_space<vmem>>) offsets(%dma_start3A_218 : memref<80xi32, #tpu.memory_space<vmem>>) semaphore(%arg13 : memref<!tpu.dma_semaphore, #tpu.memory_space<semaphore_mem>>)
      %dma_wait3A_222 = arith.constant 6 : i32
      %dma_wait3A_223 = arith.constant 0 : i32
      %dma_wait3A_224 = tpu.memref_slice %arg6[%dma_wait3A_222, %dma_wait3A_223] : memref<25x80xi32, #tpu.memory_space<vmem>> -> memref<1x80xi32, #tpu.memory_space<vmem>>
      %dma_wait3A_225 = tpu.memref_squeeze %dma_wait3A_224 : memref<1x80xi32, #tpu.memory_space<vmem>> -> memref<80xi32, #tpu.memory_space<vmem>>
      %dma_wait3A_226 = arith.constant 0 : i32
      %dma_wait3A_227 = arith.constant 0 : i32
      %dma_wait3A_228 = tpu.memref_slice %arg2[%dma_wait3A_226, %dma_wait3A_227] : memref<10000x128xf32, #tpu.memory_space<hbm>> -> memref<10000x128xf32, #tpu.memory_space<hbm>>
      tpu.wait_indirect_dma semaphore(%arg12 : memref<!tpu.dma_semaphore, #tpu.memory_space<semaphore_mem>>) src(%dma_wait3A_228 : memref<10000x128xf32, #tpu.memory_space<hbm>>) dst(%arg8 : memref<80x128xf32, #tpu.memory_space<vmem>>)
      %dma_start3A_229 = arith.constant 6 : i32
      %dma_start3A_230 = arith.constant 0 : i32
      %dma_start3A_231 = tpu.memref_slice %arg7[%dma_start3A_229, %dma_start3A_230] : memref<25x80xi32, #tpu.memory_space<vmem>> -> memref<1x80xi32, #tpu.memory_space<vmem>>
      %dma_start3A_232 = tpu.memref_squeeze %dma_start3A_231 : memref<1x80xi32, #tpu.memory_space<vmem>> -> memref<80xi32, #tpu.memory_space<vmem>>
      %dma_start3A_233 = arith.constant 0 : i32
      %dma_start3A_234 = arith.constant 0 : i32
      %dma_start3A_235 = tpu.memref_slice %arg11[%dma_start3A_233, %dma_start3A_234] : memref<10000x128xf32, #tpu.memory_space<vmem_shared>> -> memref<10000x128xf32, #tpu.memory_space<vmem_shared>>
      tpu.enqueue_indirect_dma source(%arg8 : memref<80x128xf32, #tpu.memory_space<vmem>>) target(%dma_start3A_235 : memref<10000x128xf32, #tpu.memory_space<vmem_shared>>) offsets(%dma_start3A_232 : memref<80xi32, #tpu.memory_space<vmem>>) semaphore(%arg15 : memref<!tpu.dma_semaphore, #tpu.memory_space<semaphore_mem>>) {add = true}
      %dma_wait3A_236 = arith.constant 5 : i32
      %dma_wait3A_237 = arith.constant 0 : i32
      %dma_wait3A_238 = tpu.memref_slice %arg7[%dma_wait3A_236, %dma_wait3A_237] : memref<25x80xi32, #tpu.memory_space<vmem>> -> memref<1x80xi32, #tpu.memory_space<vmem>>
      %dma_wait3A_239 = tpu.memref_squeeze %dma_wait3A_238 : memref<1x80xi32, #tpu.memory_space<vmem>> -> memref<80xi32, #tpu.memory_space<vmem>>
      %dma_wait3A_240 = arith.constant 0 : i32
      %dma_wait3A_241 = arith.constant 0 : i32
      %dma_wait3A_242 = tpu.memref_slice %arg11[%dma_wait3A_240, %dma_wait3A_241] : memref<10000x128xf32, #tpu.memory_space<vmem_shared>> -> memref<10000x128xf32, #tpu.memory_space<vmem_shared>>
      tpu.wait_indirect_dma semaphore(%arg17 : memref<!tpu.dma_semaphore, #tpu.memory_space<semaphore_mem>>) src(%arg10 : memref<80x128xf32, #tpu.memory_space<vmem>>) dst(%dma_wait3A_242 : memref<10000x128xf32, #tpu.memory_space<vmem_shared>>)
      %dma_start3A_243 = arith.constant 8 : i32
      %dma_start3A_244 = arith.constant 0 : i32
      %dma_start3A_245 = tpu.memref_slice %arg6[%dma_start3A_243, %dma_start3A_244] : memref<25x80xi32, #tpu.memory_space<vmem>> -> memref<1x80xi32, #tpu.memory_space<vmem>>
      %dma_start3A_246 = tpu.memref_squeeze %dma_start3A_245 : memref<1x80xi32, #tpu.memory_space<vmem>> -> memref<80xi32, #tpu.memory_space<vmem>>
      %dma_start3A_247 = arith.constant 0 : i32
      %dma_start3A_248 = arith.constant 0 : i32
      %dma_start3A_249 = tpu.memref_slice %arg2[%dma_start3A_247, %dma_start3A_248] : memref<10000x128xf32, #tpu.memory_space<hbm>> -> memref<10000x128xf32, #tpu.memory_space<hbm>>
      tpu.enqueue_indirect_dma source(%dma_start3A_249 : memref<10000x128xf32, #tpu.memory_space<hbm>>) target(%arg10 : memref<80x128xf32, #tpu.memory_space<vmem>>) offsets(%dma_start3A_246 : memref<80xi32, #tpu.memory_space<vmem>>) semaphore(%arg14 : memref<!tpu.dma_semaphore, #tpu.memory_space<semaphore_mem>>)
      %dma_wait3A_250 = arith.constant 7 : i32
      %dma_wait3A_251 = arith.constant 0 : i32
      %dma_wait3A_252 = tpu.memref_slice %arg6[%dma_wait3A_250, %dma_wait3A_251] : memref<25x80xi32, #tpu.memory_space<vmem>> -> memref<1x80xi32, #tpu.memory_space<vmem>>
      %dma_wait3A_253 = tpu.memref_squeeze %dma_wait3A_252 : memref<1x80xi32, #tpu.memory_space<vmem>> -> memref<80xi32, #tpu.memory_space<vmem>>
      %dma_wait3A_254 = arith.constant 0 : i32
      %dma_wait3A_255 = arith.constant 0 : i32
      %dma_wait3A_256 = tpu.memref_slice %arg2[%dma_wait3A_254, %dma_wait3A_255] : memref<10000x128xf32, #tpu.memory_space<hbm>> -> memref<10000x128xf32, #tpu.memory_space<hbm>>
      tpu.wait_indirect_dma semaphore(%arg13 : memref<!tpu.dma_semaphore, #tpu.memory_space<semaphore_mem>>) src(%dma_wait3A_256 : memref<10000x128xf32, #tpu.memory_space<hbm>>) dst(%arg9 : memref<80x128xf32, #tpu.memory_space<vmem>>)
      %dma_start3A_257 = arith.constant 7 : i32
      %dma_start3A_258 = arith.constant 0 : i32
      %dma_start3A_259 = tpu.memref_slice %arg7[%dma_start3A_257, %dma_start3A_258] : memref<25x80xi32, #tpu.memory_space<vmem>> -> memref<1x80xi32, #tpu.memory_space<vmem>>
      %dma_start3A_260 = tpu.memref_squeeze %dma_start3A_259 : memref<1x80xi32, #tpu.memory_space<vmem>> -> memref<80xi32, #tpu.memory_space<vmem>>
      %dma_start3A_261 = arith.constant 0 : i32
      %dma_start3A_262 = arith.constant 0 : i32
      %dma_start3A_263 = tpu.memref_slice %arg11[%dma_start3A_261, %dma_start3A_262] : memref<10000x128xf32, #tpu.memory_space<vmem_shared>> -> memref<10000x128xf32, #tpu.memory_space<vmem_shared>>
      tpu.enqueue_indirect_dma source(%arg9 : memref<80x128xf32, #tpu.memory_space<vmem>>) target(%dma_start3A_263 : memref<10000x128xf32, #tpu.memory_space<vmem_shared>>) offsets(%dma_start3A_260 : memref<80xi32, #tpu.memory_space<vmem>>) semaphore(%arg16 : memref<!tpu.dma_semaphore, #tpu.memory_space<semaphore_mem>>) {add = true}
      %dma_wait3A_264 = arith.constant 6 : i32
      %dma_wait3A_265 = arith.constant 0 : i32
      %dma_wait3A_266 = tpu.memref_slice %arg7[%dma_wait3A_264, %dma_wait3A_265] : memref<25x80xi32, #tpu.memory_space<vmem>> -> memref<1x80xi32, #tpu.memory_space<vmem>>
      %dma_wait3A_267 = tpu.memref_squeeze %dma_wait3A_266 : memref<1x80xi32, #tpu.memory_space<vmem>> -> memref<80xi32, #tpu.memory_space<vmem>>
      %dma_wait3A_268 = arith.constant 0 : i32
      %dma_wait3A_269 = arith.constant 0 : i32
      %dma_wait3A_270 = tpu.memref_slice %arg11[%dma_wait3A_268, %dma_wait3A_269] : memref<10000x128xf32, #tpu.memory_space<vmem_shared>> -> memref<10000x128xf32, #tpu.memory_space<vmem_shared>>
      tpu.wait_indirect_dma semaphore(%arg15 : memref<!tpu.dma_semaphore, #tpu.memory_space<semaphore_mem>>) src(%arg8 : memref<80x128xf32, #tpu.memory_space<vmem>>) dst(%dma_wait3A_270 : memref<10000x128xf32, #tpu.memory_space<vmem_shared>>)
      %dma_start3A_271 = arith.constant 9 : i32
      %dma_start3A_272 = arith.constant 0 : i32
      %dma_start3A_273 = tpu.memref_slice %arg6[%dma_start3A_271, %dma_start3A_272] : memref<25x80xi32, #tpu.memory_space<vmem>> -> memref<1x80xi32, #tpu.memory_space<vmem>>
      %dma_start3A_274 = tpu.memref_squeeze %dma_start3A_273 : memref<1x80xi32, #tpu.memory_space<vmem>> -> memref<80xi32, #tpu.memory_space<vmem>>
      %dma_start3A_275 = arith.constant 0 : i32
      %dma_start3A_276 = arith.constant 0 : i32
      %dma_start3A_277 = tpu.memref_slice %arg2[%dma_start3A_275, %dma_start3A_276] : memref<10000x128xf32, #tpu.memory_space<hbm>> -> memref<10000x128xf32, #tpu.memory_space<hbm>>
      tpu.enqueue_indirect_dma source(%dma_start3A_277 : memref<10000x128xf32, #tpu.memory_space<hbm>>) target(%arg8 : memref<80x128xf32, #tpu.memory_space<vmem>>) offsets(%dma_start3A_274 : memref<80xi32, #tpu.memory_space<vmem>>) semaphore(%arg12 : memref<!tpu.dma_semaphore, #tpu.memory_space<semaphore_mem>>)
      %dma_wait3A_278 = arith.constant 8 : i32
      %dma_wait3A_279 = arith.constant 0 : i32
      %dma_wait3A_280 = tpu.memref_slice %arg6[%dma_wait3A_278, %dma_wait3A_279] : memref<25x80xi32, #tpu.memory_space<vmem>> -> memref<1x80xi32, #tpu.memory_space<vmem>>
      %dma_wait3A_281 = tpu.memref_squeeze %dma_wait3A_280 : memref<1x80xi32, #tpu.memory_space<vmem>> -> memref<80xi32, #tpu.memory_space<vmem>>
      %dma_wait3A_282 = arith.constant 0 : i32
      %dma_wait3A_283 = arith.constant 0 : i32
      %dma_wait3A_284 = tpu.memref_slice %arg2[%dma_wait3A_282, %dma_wait3A_283] : memref<10000x128xf32, #tpu.memory_space<hbm>> -> memref<10000x128xf32, #tpu.memory_space<hbm>>
      tpu.wait_indirect_dma semaphore(%arg14 : memref<!tpu.dma_semaphore, #tpu.memory_space<semaphore_mem>>) src(%dma_wait3A_284 : memref<10000x128xf32, #tpu.memory_space<hbm>>) dst(%arg10 : memref<80x128xf32, #tpu.memory_space<vmem>>)
      %dma_start3A_285 = arith.constant 8 : i32
      %dma_start3A_286 = arith.constant 0 : i32
      %dma_start3A_287 = tpu.memref_slice %arg7[%dma_start3A_285, %dma_start3A_286] : memref<25x80xi32, #tpu.memory_space<vmem>> -> memref<1x80xi32, #tpu.memory_space<vmem>>
      %dma_start3A_288 = tpu.memref_squeeze %dma_start3A_287 : memref<1x80xi32, #tpu.memory_space<vmem>> -> memref<80xi32, #tpu.memory_space<vmem>>
      %dma_start3A_289 = arith.constant 0 : i32
      %dma_start3A_290 = arith.constant 0 : i32
      %dma_start3A_291 = tpu.memref_slice %arg11[%dma_start3A_289, %dma_start3A_290] : memref<10000x128xf32, #tpu.memory_space<vmem_shared>> -> memref<10000x128xf32, #tpu.memory_space<vmem_shared>>
      tpu.enqueue_indirect_dma source(%arg10 : memref<80x128xf32, #tpu.memory_space<vmem>>) target(%dma_start3A_291 : memref<10000x128xf32, #tpu.memory_space<vmem_shared>>) offsets(%dma_start3A_288 : memref<80xi32, #tpu.memory_space<vmem>>) semaphore(%arg17 : memref<!tpu.dma_semaphore, #tpu.memory_space<semaphore_mem>>) {add = true}
      %dma_wait3A_292 = arith.constant 7 : i32
      %dma_wait3A_293 = arith.constant 0 : i32
      %dma_wait3A_294 = tpu.memref_slice %arg7[%dma_wait3A_292, %dma_wait3A_293] : memref<25x80xi32, #tpu.memory_space<vmem>> -> memref<1x80xi32, #tpu.memory_space<vmem>>
      %dma_wait3A_295 = tpu.memref_squeeze %dma_wait3A_294 : memref<1x80xi32, #tpu.memory_space<vmem>> -> memref<80xi32, #tpu.memory_space<vmem>>
      %dma_wait3A_296 = arith.constant 0 : i32
      %dma_wait3A_297 = arith.constant 0 : i32
      %dma_wait3A_298 = tpu.memref_slice %arg11[%dma_wait3A_296, %dma_wait3A_297] : memref<10000x128xf32, #tpu.memory_space<vmem_shared>> -> memref<10000x128xf32, #tpu.memory_space<vmem_shared>>
      tpu.wait_indirect_dma semaphore(%arg16 : memref<!tpu.dma_semaphore, #tpu.memory_space<semaphore_mem>>) src(%arg9 : memref<80x128xf32, #tpu.memory_space<vmem>>) dst(%dma_wait3A_298 : memref<10000x128xf32, #tpu.memory_space<vmem_shared>>)
      %dma_start3A_299 = arith.constant 10 : i32
      %dma_start3A_300 = arith.constant 0 : i32
      %dma_start3A_301 = tpu.memref_slice %arg6[%dma_start3A_299, %dma_start3A_300] : memref<25x80xi32, #tpu.memory_space<vmem>> -> memref<1x80xi32, #tpu.memory_space<vmem>>
      %dma_start3A_302 = tpu.memref_squeeze %dma_start3A_301 : memref<1x80xi32, #tpu.memory_space<vmem>> -> memref<80xi32, #tpu.memory_space<vmem>>
      %dma_start3A_303 = arith.constant 0 : i32
      %dma_start3A_304 = arith.constant 0 : i32
      %dma_start3A_305 = tpu.memref_slice %arg2[%dma_start3A_303, %dma_start3A_304] : memref<10000x128xf32, #tpu.memory_space<hbm>> -> memref<10000x128xf32, #tpu.memory_space<hbm>>
      tpu.enqueue_indirect_dma source(%dma_start3A_305 : memref<10000x128xf32, #tpu.memory_space<hbm>>) target(%arg9 : memref<80x128xf32, #tpu.memory_space<vmem>>) offsets(%dma_start3A_302 : memref<80xi32, #tpu.memory_space<vmem>>) semaphore(%arg13 : memref<!tpu.dma_semaphore, #tpu.memory_space<semaphore_mem>>)
      %dma_wait3A_306 = arith.constant 9 : i32
      %dma_wait3A_307 = arith.constant 0 : i32
      %dma_wait3A_308 = tpu.memref_slice %arg6[%dma_wait3A_306, %dma_wait3A_307] : memref<25x80xi32, #tpu.memory_space<vmem>> -> memref<1x80xi32, #tpu.memory_space<vmem>>
      %dma_wait3A_309 = tpu.memref_squeeze %dma_wait3A_308 : memref<1x80xi32, #tpu.memory_space<vmem>> -> memref<80xi32, #tpu.memory_space<vmem>>
      %dma_wait3A_310 = arith.constant 0 : i32
      %dma_wait3A_311 = arith.constant 0 : i32
      %dma_wait3A_312 = tpu.memref_slice %arg2[%dma_wait3A_310, %dma_wait3A_311] : memref<10000x128xf32, #tpu.memory_space<hbm>> -> memref<10000x128xf32, #tpu.memory_space<hbm>>
      tpu.wait_indirect_dma semaphore(%arg12 : memref<!tpu.dma_semaphore, #tpu.memory_space<semaphore_mem>>) src(%dma_wait3A_312 : memref<10000x128xf32, #tpu.memory_space<hbm>>) dst(%arg8 : memref<80x128xf32, #tpu.memory_space<vmem>>)
      %dma_start3A_313 = arith.constant 9 : i32
      %dma_start3A_314 = arith.constant 0 : i32
      %dma_start3A_315 = tpu.memref_slice %arg7[%dma_start3A_313, %dma_start3A_314] : memref<25x80xi32, #tpu.memory_space<vmem>> -> memref<1x80xi32, #tpu.memory_space<vmem>>
      %dma_start3A_316 = tpu.memref_squeeze %dma_start3A_315 : memref<1x80xi32, #tpu.memory_space<vmem>> -> memref<80xi32, #tpu.memory_space<vmem>>
      %dma_start3A_317 = arith.constant 0 : i32
      %dma_start3A_318 = arith.constant 0 : i32
      %dma_start3A_319 = tpu.memref_slice %arg11[%dma_start3A_317, %dma_start3A_318] : memref<10000x128xf32, #tpu.memory_space<vmem_shared>> -> memref<10000x128xf32, #tpu.memory_space<vmem_shared>>
      tpu.enqueue_indirect_dma source(%arg8 : memref<80x128xf32, #tpu.memory_space<vmem>>) target(%dma_start3A_319 : memref<10000x128xf32, #tpu.memory_space<vmem_shared>>) offsets(%dma_start3A_316 : memref<80xi32, #tpu.memory_space<vmem>>) semaphore(%arg15 : memref<!tpu.dma_semaphore, #tpu.memory_space<semaphore_mem>>) {add = true}
      %dma_wait3A_320 = arith.constant 8 : i32
      %dma_wait3A_321 = arith.constant 0 : i32
      %dma_wait3A_322 = tpu.memref_slice %arg7[%dma_wait3A_320, %dma_wait3A_321] : memref<25x80xi32, #tpu.memory_space<vmem>> -> memref<1x80xi32, #tpu.memory_space<vmem>>
      %dma_wait3A_323 = tpu.memref_squeeze %dma_wait3A_322 : memref<1x80xi32, #tpu.memory_space<vmem>> -> memref<80xi32, #tpu.memory_space<vmem>>
      %dma_wait3A_324 = arith.constant 0 : i32
      %dma_wait3A_325 = arith.constant 0 : i32
      %dma_wait3A_326 = tpu.memref_slice %arg11[%dma_wait3A_324, %dma_wait3A_325] : memref<10000x128xf32, #tpu.memory_space<vmem_shared>> -> memref<10000x128xf32, #tpu.memory_space<vmem_shared>>
      tpu.wait_indirect_dma semaphore(%arg17 : memref<!tpu.dma_semaphore, #tpu.memory_space<semaphore_mem>>) src(%arg10 : memref<80x128xf32, #tpu.memory_space<vmem>>) dst(%dma_wait3A_326 : memref<10000x128xf32, #tpu.memory_space<vmem_shared>>)
      %dma_start3A_327 = arith.constant 11 : i32
      %dma_start3A_328 = arith.constant 0 : i32
      %dma_start3A_329 = tpu.memref_slice %arg6[%dma_start3A_327, %dma_start3A_328] : memref<25x80xi32, #tpu.memory_space<vmem>> -> memref<1x80xi32, #tpu.memory_space<vmem>>
      %dma_start3A_330 = tpu.memref_squeeze %dma_start3A_329 : memref<1x80xi32, #tpu.memory_space<vmem>> -> memref<80xi32, #tpu.memory_space<vmem>>
      %dma_start3A_331 = arith.constant 0 : i32
      %dma_start3A_332 = arith.constant 0 : i32
      %dma_start3A_333 = tpu.memref_slice %arg2[%dma_start3A_331, %dma_start3A_332] : memref<10000x128xf32, #tpu.memory_space<hbm>> -> memref<10000x128xf32, #tpu.memory_space<hbm>>
      tpu.enqueue_indirect_dma source(%dma_start3A_333 : memref<10000x128xf32, #tpu.memory_space<hbm>>) target(%arg10 : memref<80x128xf32, #tpu.memory_space<vmem>>) offsets(%dma_start3A_330 : memref<80xi32, #tpu.memory_space<vmem>>) semaphore(%arg14 : memref<!tpu.dma_semaphore, #tpu.memory_space<semaphore_mem>>)
      %dma_wait3A_334 = arith.constant 10 : i32
      %dma_wait3A_335 = arith.constant 0 : i32
      %dma_wait3A_336 = tpu.memref_slice %arg6[%dma_wait3A_334, %dma_wait3A_335] : memref<25x80xi32, #tpu.memory_space<vmem>> -> memref<1x80xi32, #tpu.memory_space<vmem>>
      %dma_wait3A_337 = tpu.memref_squeeze %dma_wait3A_336 : memref<1x80xi32, #tpu.memory_space<vmem>> -> memref<80xi32, #tpu.memory_space<vmem>>
      %dma_wait3A_338 = arith.constant 0 : i32
      %dma_wait3A_339 = arith.constant 0 : i32
      %dma_wait3A_340 = tpu.memref_slice %arg2[%dma_wait3A_338, %dma_wait3A_339] : memref<10000x128xf32, #tpu.memory_space<hbm>> -> memref<10000x128xf32, #tpu.memory_space<hbm>>
      tpu.wait_indirect_dma semaphore(%arg13 : memref<!tpu.dma_semaphore, #tpu.memory_space<semaphore_mem>>) src(%dma_wait3A_340 : memref<10000x128xf32, #tpu.memory_space<hbm>>) dst(%arg9 : memref<80x128xf32, #tpu.memory_space<vmem>>)
      %dma_start3A_341 = arith.constant 10 : i32
      %dma_start3A_342 = arith.constant 0 : i32
      %dma_start3A_343 = tpu.memref_slice %arg7[%dma_start3A_341, %dma_start3A_342] : memref<25x80xi32, #tpu.memory_space<vmem>> -> memref<1x80xi32, #tpu.memory_space<vmem>>
      %dma_start3A_344 = tpu.memref_squeeze %dma_start3A_343 : memref<1x80xi32, #tpu.memory_space<vmem>> -> memref<80xi32, #tpu.memory_space<vmem>>
      %dma_start3A_345 = arith.constant 0 : i32
      %dma_start3A_346 = arith.constant 0 : i32
      %dma_start3A_347 = tpu.memref_slice %arg11[%dma_start3A_345, %dma_start3A_346] : memref<10000x128xf32, #tpu.memory_space<vmem_shared>> -> memref<10000x128xf32, #tpu.memory_space<vmem_shared>>
      tpu.enqueue_indirect_dma source(%arg9 : memref<80x128xf32, #tpu.memory_space<vmem>>) target(%dma_start3A_347 : memref<10000x128xf32, #tpu.memory_space<vmem_shared>>) offsets(%dma_start3A_344 : memref<80xi32, #tpu.memory_space<vmem>>) semaphore(%arg16 : memref<!tpu.dma_semaphore, #tpu.memory_space<semaphore_mem>>) {add = true}
      %dma_wait3A_348 = arith.constant 9 : i32
      %dma_wait3A_349 = arith.constant 0 : i32
      %dma_wait3A_350 = tpu.memref_slice %arg7[%dma_wait3A_348, %dma_wait3A_349] : memref<25x80xi32, #tpu.memory_space<vmem>> -> memref<1x80xi32, #tpu.memory_space<vmem>>
      %dma_wait3A_351 = tpu.memref_squeeze %dma_wait3A_350 : memref<1x80xi32, #tpu.memory_space<vmem>> -> memref<80xi32, #tpu.memory_space<vmem>>
      %dma_wait3A_352 = arith.constant 0 : i32
      %dma_wait3A_353 = arith.constant 0 : i32
      %dma_wait3A_354 = tpu.memref_slice %arg11[%dma_wait3A_352, %dma_wait3A_353] : memref<10000x128xf32, #tpu.memory_space<vmem_shared>> -> memref<10000x128xf32, #tpu.memory_space<vmem_shared>>
      tpu.wait_indirect_dma semaphore(%arg15 : memref<!tpu.dma_semaphore, #tpu.memory_space<semaphore_mem>>) src(%arg8 : memref<80x128xf32, #tpu.memory_space<vmem>>) dst(%dma_wait3A_354 : memref<10000x128xf32, #tpu.memory_space<vmem_shared>>)
      %dma_start3A_355 = arith.constant 12 : i32
      %dma_start3A_356 = arith.constant 0 : i32
      %dma_start3A_357 = tpu.memref_slice %arg6[%dma_start3A_355, %dma_start3A_356] : memref<25x80xi32, #tpu.memory_space<vmem>> -> memref<1x80xi32, #tpu.memory_space<vmem>>
      %dma_start3A_358 = tpu.memref_squeeze %dma_start3A_357 : memref<1x80xi32, #tpu.memory_space<vmem>> -> memref<80xi32, #tpu.memory_space<vmem>>
      %dma_start3A_359 = arith.constant 0 : i32
      %dma_start3A_360 = arith.constant 0 : i32
      %dma_start3A_361 = tpu.memref_slice %arg2[%dma_start3A_359, %dma_start3A_360] : memref<10000x128xf32, #tpu.memory_space<hbm>> -> memref<10000x128xf32, #tpu.memory_space<hbm>>
      tpu.enqueue_indirect_dma source(%dma_start3A_361 : memref<10000x128xf32, #tpu.memory_space<hbm>>) target(%arg8 : memref<80x128xf32, #tpu.memory_space<vmem>>) offsets(%dma_start3A_358 : memref<80xi32, #tpu.memory_space<vmem>>) semaphore(%arg12 : memref<!tpu.dma_semaphore, #tpu.memory_space<semaphore_mem>>)
      %dma_wait3A_362 = arith.constant 11 : i32
      %dma_wait3A_363 = arith.constant 0 : i32
      %dma_wait3A_364 = tpu.memref_slice %arg6[%dma_wait3A_362, %dma_wait3A_363] : memref<25x80xi32, #tpu.memory_space<vmem>> -> memref<1x80xi32, #tpu.memory_space<vmem>>
      %dma_wait3A_365 = tpu.memref_squeeze %dma_wait3A_364 : memref<1x80xi32, #tpu.memory_space<vmem>> -> memref<80xi32, #tpu.memory_space<vmem>>
      %dma_wait3A_366 = arith.constant 0 : i32
      %dma_wait3A_367 = arith.constant 0 : i32
      %dma_wait3A_368 = tpu.memref_slice %arg2[%dma_wait3A_366, %dma_wait3A_367] : memref<10000x128xf32, #tpu.memory_space<hbm>> -> memref<10000x128xf32, #tpu.memory_space<hbm>>
      tpu.wait_indirect_dma semaphore(%arg14 : memref<!tpu.dma_semaphore, #tpu.memory_space<semaphore_mem>>) src(%dma_wait3A_368 : memref<10000x128xf32, #tpu.memory_space<hbm>>) dst(%arg10 : memref<80x128xf32, #tpu.memory_space<vmem>>)
      %dma_start3A_369 = arith.constant 11 : i32
      %dma_start3A_370 = arith.constant 0 : i32
      %dma_start3A_371 = tpu.memref_slice %arg7[%dma_start3A_369, %dma_start3A_370] : memref<25x80xi32, #tpu.memory_space<vmem>> -> memref<1x80xi32, #tpu.memory_space<vmem>>
      %dma_start3A_372 = tpu.memref_squeeze %dma_start3A_371 : memref<1x80xi32, #tpu.memory_space<vmem>> -> memref<80xi32, #tpu.memory_space<vmem>>
      %dma_start3A_373 = arith.constant 0 : i32
      %dma_start3A_374 = arith.constant 0 : i32
      %dma_start3A_375 = tpu.memref_slice %arg11[%dma_start3A_373, %dma_start3A_374] : memref<10000x128xf32, #tpu.memory_space<vmem_shared>> -> memref<10000x128xf32, #tpu.memory_space<vmem_shared>>
      tpu.enqueue_indirect_dma source(%arg10 : memref<80x128xf32, #tpu.memory_space<vmem>>) target(%dma_start3A_375 : memref<10000x128xf32, #tpu.memory_space<vmem_shared>>) offsets(%dma_start3A_372 : memref<80xi32, #tpu.memory_space<vmem>>) semaphore(%arg17 : memref<!tpu.dma_semaphore, #tpu.memory_space<semaphore_mem>>) {add = true}
      %dma_wait3A_376 = arith.constant 10 : i32
      %dma_wait3A_377 = arith.constant 0 : i32
      %dma_wait3A_378 = tpu.memref_slice %arg7[%dma_wait3A_376, %dma_wait3A_377] : memref<25x80xi32, #tpu.memory_space<vmem>> -> memref<1x80xi32, #tpu.memory_space<vmem>>
      %dma_wait3A_379 = tpu.memref_squeeze %dma_wait3A_378 : memref<1x80xi32, #tpu.memory_space<vmem>> -> memref<80xi32, #tpu.memory_space<vmem>>
      %dma_wait3A_380 = arith.constant 0 : i32
      %dma_wait3A_381 = arith.constant 0 : i32
      %dma_wait3A_382 = tpu.memref_slice %arg11[%dma_wait3A_380, %dma_wait3A_381] : memref<10000x128xf32, #tpu.memory_space<vmem_shared>> -> memref<10000x128xf32, #tpu.memory_space<vmem_shared>>
      tpu.wait_indirect_dma semaphore(%arg16 : memref<!tpu.dma_semaphore, #tpu.memory_space<semaphore_mem>>) src(%arg9 : memref<80x128xf32, #tpu.memory_space<vmem>>) dst(%dma_wait3A_382 : memref<10000x128xf32, #tpu.memory_space<vmem_shared>>)
      %dma_start3A_383 = arith.constant 13 : i32
      %dma_start3A_384 = arith.constant 0 : i32
      %dma_start3A_385 = tpu.memref_slice %arg6[%dma_start3A_383, %dma_start3A_384] : memref<25x80xi32, #tpu.memory_space<vmem>> -> memref<1x80xi32, #tpu.memory_space<vmem>>
      %dma_start3A_386 = tpu.memref_squeeze %dma_start3A_385 : memref<1x80xi32, #tpu.memory_space<vmem>> -> memref<80xi32, #tpu.memory_space<vmem>>
      %dma_start3A_387 = arith.constant 0 : i32
      %dma_start3A_388 = arith.constant 0 : i32
      %dma_start3A_389 = tpu.memref_slice %arg2[%dma_start3A_387, %dma_start3A_388] : memref<10000x128xf32, #tpu.memory_space<hbm>> -> memref<10000x128xf32, #tpu.memory_space<hbm>>
      tpu.enqueue_indirect_dma source(%dma_start3A_389 : memref<10000x128xf32, #tpu.memory_space<hbm>>) target(%arg9 : memref<80x128xf32, #tpu.memory_space<vmem>>) offsets(%dma_start3A_386 : memref<80xi32, #tpu.memory_space<vmem>>) semaphore(%arg13 : memref<!tpu.dma_semaphore, #tpu.memory_space<semaphore_mem>>)
      %dma_wait3A_390 = arith.constant 12 : i32
      %dma_wait3A_391 = arith.constant 0 : i32
      %dma_wait3A_392 = tpu.memref_slice %arg6[%dma_wait3A_390, %dma_wait3A_391] : memref<25x80xi32, #tpu.memory_space<vmem>> -> memref<1x80xi32, #tpu.memory_space<vmem>>
      %dma_wait3A_393 = tpu.memref_squeeze %dma_wait3A_392 : memref<1x80xi32, #tpu.memory_space<vmem>> -> memref<80xi32, #tpu.memory_space<vmem>>
      %dma_wait3A_394 = arith.constant 0 : i32
      %dma_wait3A_395 = arith.constant 0 : i32
      %dma_wait3A_396 = tpu.memref_slice %arg2[%dma_wait3A_394, %dma_wait3A_395] : memref<10000x128xf32, #tpu.memory_space<hbm>> -> memref<10000x128xf32, #tpu.memory_space<hbm>>
      tpu.wait_indirect_dma semaphore(%arg12 : memref<!tpu.dma_semaphore, #tpu.memory_space<semaphore_mem>>) src(%dma_wait3A_396 : memref<10000x128xf32, #tpu.memory_space<hbm>>) dst(%arg8 : memref<80x128xf32, #tpu.memory_space<vmem>>)
      %dma_start3A_397 = arith.constant 12 : i32
      %dma_start3A_398 = arith.constant 0 : i32
      %dma_start3A_399 = tpu.memref_slice %arg7[%dma_start3A_397, %dma_start3A_398] : memref<25x80xi32, #tpu.memory_space<vmem>> -> memref<1x80xi32, #tpu.memory_space<vmem>>
      %dma_start3A_400 = tpu.memref_squeeze %dma_start3A_399 : memref<1x80xi32, #tpu.memory_space<vmem>> -> memref<80xi32, #tpu.memory_space<vmem>>
      %dma_start3A_401 = arith.constant 0 : i32
      %dma_start3A_402 = arith.constant 0 : i32
      %dma_start3A_403 = tpu.memref_slice %arg11[%dma_start3A_401, %dma_start3A_402] : memref<10000x128xf32, #tpu.memory_space<vmem_shared>> -> memref<10000x128xf32, #tpu.memory_space<vmem_shared>>
      tpu.enqueue_indirect_dma source(%arg8 : memref<80x128xf32, #tpu.memory_space<vmem>>) target(%dma_start3A_403 : memref<10000x128xf32, #tpu.memory_space<vmem_shared>>) offsets(%dma_start3A_400 : memref<80xi32, #tpu.memory_space<vmem>>) semaphore(%arg15 : memref<!tpu.dma_semaphore, #tpu.memory_space<semaphore_mem>>) {add = true}
      %dma_wait3A_404 = arith.constant 11 : i32
      %dma_wait3A_405 = arith.constant 0 : i32
      %dma_wait3A_406 = tpu.memref_slice %arg7[%dma_wait3A_404, %dma_wait3A_405] : memref<25x80xi32, #tpu.memory_space<vmem>> -> memref<1x80xi32, #tpu.memory_space<vmem>>
      %dma_wait3A_407 = tpu.memref_squeeze %dma_wait3A_406 : memref<1x80xi32, #tpu.memory_space<vmem>> -> memref<80xi32, #tpu.memory_space<vmem>>
      %dma_wait3A_408 = arith.constant 0 : i32
      %dma_wait3A_409 = arith.constant 0 : i32
      %dma_wait3A_410 = tpu.memref_slice %arg11[%dma_wait3A_408, %dma_wait3A_409] : memref<10000x128xf32, #tpu.memory_space<vmem_shared>> -> memref<10000x128xf32, #tpu.memory_space<vmem_shared>>
      tpu.wait_indirect_dma semaphore(%arg17 : memref<!tpu.dma_semaphore, #tpu.memory_space<semaphore_mem>>) src(%arg10 : memref<80x128xf32, #tpu.memory_space<vmem>>) dst(%dma_wait3A_410 : memref<10000x128xf32, #tpu.memory_space<vmem_shared>>)
      %dma_start3A_411 = arith.constant 14 : i32
      %dma_start3A_412 = arith.constant 0 : i32
      %dma_start3A_413 = tpu.memref_slice %arg6[%dma_start3A_411, %dma_start3A_412] : memref<25x80xi32, #tpu.memory_space<vmem>> -> memref<1x80xi32, #tpu.memory_space<vmem>>
      %dma_start3A_414 = tpu.memref_squeeze %dma_start3A_413 : memref<1x80xi32, #tpu.memory_space<vmem>> -> memref<80xi32, #tpu.memory_space<vmem>>
      %dma_start3A_415 = arith.constant 0 : i32
      %dma_start3A_416 = arith.constant 0 : i32
      %dma_start3A_417 = tpu.memref_slice %arg2[%dma_start3A_415, %dma_start3A_416] : memref<10000x128xf32, #tpu.memory_space<hbm>> -> memref<10000x128xf32, #tpu.memory_space<hbm>>
      tpu.enqueue_indirect_dma source(%dma_start3A_417 : memref<10000x128xf32, #tpu.memory_space<hbm>>) target(%arg10 : memref<80x128xf32, #tpu.memory_space<vmem>>) offsets(%dma_start3A_414 : memref<80xi32, #tpu.memory_space<vmem>>) semaphore(%arg14 : memref<!tpu.dma_semaphore, #tpu.memory_space<semaphore_mem>>)
      %dma_wait3A_418 = arith.constant 13 : i32
      %dma_wait3A_419 = arith.constant 0 : i32
      %dma_wait3A_420 = tpu.memref_slice %arg6[%dma_wait3A_418, %dma_wait3A_419] : memref<25x80xi32, #tpu.memory_space<vmem>> -> memref<1x80xi32, #tpu.memory_space<vmem>>
      %dma_wait3A_421 = tpu.memref_squeeze %dma_wait3A_420 : memref<1x80xi32, #tpu.memory_space<vmem>> -> memref<80xi32, #tpu.memory_space<vmem>>
      %dma_wait3A_422 = arith.constant 0 : i32
      %dma_wait3A_423 = arith.constant 0 : i32
      %dma_wait3A_424 = tpu.memref_slice %arg2[%dma_wait3A_422, %dma_wait3A_423] : memref<10000x128xf32, #tpu.memory_space<hbm>> -> memref<10000x128xf32, #tpu.memory_space<hbm>>
      tpu.wait_indirect_dma semaphore(%arg13 : memref<!tpu.dma_semaphore, #tpu.memory_space<semaphore_mem>>) src(%dma_wait3A_424 : memref<10000x128xf32, #tpu.memory_space<hbm>>) dst(%arg9 : memref<80x128xf32, #tpu.memory_space<vmem>>)
      %dma_start3A_425 = arith.constant 13 : i32
      %dma_start3A_426 = arith.constant 0 : i32
      %dma_start3A_427 = tpu.memref_slice %arg7[%dma_start3A_425, %dma_start3A_426] : memref<25x80xi32, #tpu.memory_space<vmem>> -> memref<1x80xi32, #tpu.memory_space<vmem>>
      %dma_start3A_428 = tpu.memref_squeeze %dma_start3A_427 : memref<1x80xi32, #tpu.memory_space<vmem>> -> memref<80xi32, #tpu.memory_space<vmem>>
      %dma_start3A_429 = arith.constant 0 : i32
      %dma_start3A_430 = arith.constant 0 : i32
      %dma_start3A_431 = tpu.memref_slice %arg11[%dma_start3A_429, %dma_start3A_430] : memref<10000x128xf32, #tpu.memory_space<vmem_shared>> -> memref<10000x128xf32, #tpu.memory_space<vmem_shared>>
      tpu.enqueue_indirect_dma source(%arg9 : memref<80x128xf32, #tpu.memory_space<vmem>>) target(%dma_start3A_431 : memref<10000x128xf32, #tpu.memory_space<vmem_shared>>) offsets(%dma_start3A_428 : memref<80xi32, #tpu.memory_space<vmem>>) semaphore(%arg16 : memref<!tpu.dma_semaphore, #tpu.memory_space<semaphore_mem>>) {add = true}
      %dma_wait3A_432 = arith.constant 12 : i32
      %dma_wait3A_433 = arith.constant 0 : i32
      %dma_wait3A_434 = tpu.memref_slice %arg7[%dma_wait3A_432, %dma_wait3A_433] : memref<25x80xi32, #tpu.memory_space<vmem>> -> memref<1x80xi32, #tpu.memory_space<vmem>>
      %dma_wait3A_435 = tpu.memref_squeeze %dma_wait3A_434 : memref<1x80xi32, #tpu.memory_space<vmem>> -> memref<80xi32, #tpu.memory_space<vmem>>
      %dma_wait3A_436 = arith.constant 0 : i32
      %dma_wait3A_437 = arith.constant 0 : i32
      %dma_wait3A_438 = tpu.memref_slice %arg11[%dma_wait3A_436, %dma_wait3A_437] : memref<10000x128xf32, #tpu.memory_space<vmem_shared>> -> memref<10000x128xf32, #tpu.memory_space<vmem_shared>>
      tpu.wait_indirect_dma semaphore(%arg15 : memref<!tpu.dma_semaphore, #tpu.memory_space<semaphore_mem>>) src(%arg8 : memref<80x128xf32, #tpu.memory_space<vmem>>) dst(%dma_wait3A_438 : memref<10000x128xf32, #tpu.memory_space<vmem_shared>>)
      %dma_start3A_439 = arith.constant 15 : i32
      %dma_start3A_440 = arith.constant 0 : i32
      %dma_start3A_441 = tpu.memref_slice %arg6[%dma_start3A_439, %dma_start3A_440] : memref<25x80xi32, #tpu.memory_space<vmem>> -> memref<1x80xi32, #tpu.memory_space<vmem>>
      %dma_start3A_442 = tpu.memref_squeeze %dma_start3A_441 : memref<1x80xi32, #tpu.memory_space<vmem>> -> memref<80xi32, #tpu.memory_space<vmem>>
      %dma_start3A_443 = arith.constant 0 : i32
      %dma_start3A_444 = arith.constant 0 : i32
      %dma_start3A_445 = tpu.memref_slice %arg2[%dma_start3A_443, %dma_start3A_444] : memref<10000x128xf32, #tpu.memory_space<hbm>> -> memref<10000x128xf32, #tpu.memory_space<hbm>>
      tpu.enqueue_indirect_dma source(%dma_start3A_445 : memref<10000x128xf32, #tpu.memory_space<hbm>>) target(%arg8 : memref<80x128xf32, #tpu.memory_space<vmem>>) offsets(%dma_start3A_442 : memref<80xi32, #tpu.memory_space<vmem>>) semaphore(%arg12 : memref<!tpu.dma_semaphore, #tpu.memory_space<semaphore_mem>>)
      %dma_wait3A_446 = arith.constant 14 : i32
      %dma_wait3A_447 = arith.constant 0 : i32
      %dma_wait3A_448 = tpu.memref_slice %arg6[%dma_wait3A_446, %dma_wait3A_447] : memref<25x80xi32, #tpu.memory_space<vmem>> -> memref<1x80xi32, #tpu.memory_space<vmem>>
      %dma_wait3A_449 = tpu.memref_squeeze %dma_wait3A_448 : memref<1x80xi32, #tpu.memory_space<vmem>> -> memref<80xi32, #tpu.memory_space<vmem>>
      %dma_wait3A_450 = arith.constant 0 : i32
      %dma_wait3A_451 = arith.constant 0 : i32
      %dma_wait3A_452 = tpu.memref_slice %arg2[%dma_wait3A_450, %dma_wait3A_451] : memref<10000x128xf32, #tpu.memory_space<hbm>> -> memref<10000x128xf32, #tpu.memory_space<hbm>>
      tpu.wait_indirect_dma semaphore(%arg14 : memref<!tpu.dma_semaphore, #tpu.memory_space<semaphore_mem>>) src(%dma_wait3A_452 : memref<10000x128xf32, #tpu.memory_space<hbm>>) dst(%arg10 : memref<80x128xf32, #tpu.memory_space<vmem>>)
      %dma_start3A_453 = arith.constant 14 : i32
      %dma_start3A_454 = arith.constant 0 : i32
      %dma_start3A_455 = tpu.memref_slice %arg7[%dma_start3A_453, %dma_start3A_454] : memref<25x80xi32, #tpu.memory_space<vmem>> -> memref<1x80xi32, #tpu.memory_space<vmem>>
      %dma_start3A_456 = tpu.memref_squeeze %dma_start3A_455 : memref<1x80xi32, #tpu.memory_space<vmem>> -> memref<80xi32, #tpu.memory_space<vmem>>
      %dma_start3A_457 = arith.constant 0 : i32
      %dma_start3A_458 = arith.constant 0 : i32
      %dma_start3A_459 = tpu.memref_slice %arg11[%dma_start3A_457, %dma_start3A_458] : memref<10000x128xf32, #tpu.memory_space<vmem_shared>> -> memref<10000x128xf32, #tpu.memory_space<vmem_shared>>
      tpu.enqueue_indirect_dma source(%arg10 : memref<80x128xf32, #tpu.memory_space<vmem>>) target(%dma_start3A_459 : memref<10000x128xf32, #tpu.memory_space<vmem_shared>>) offsets(%dma_start3A_456 : memref<80xi32, #tpu.memory_space<vmem>>) semaphore(%arg17 : memref<!tpu.dma_semaphore, #tpu.memory_space<semaphore_mem>>) {add = true}
      %dma_wait3A_460 = arith.constant 13 : i32
      %dma_wait3A_461 = arith.constant 0 : i32
      %dma_wait3A_462 = tpu.memref_slice %arg7[%dma_wait3A_460, %dma_wait3A_461] : memref<25x80xi32, #tpu.memory_space<vmem>> -> memref<1x80xi32, #tpu.memory_space<vmem>>
      %dma_wait3A_463 = tpu.memref_squeeze %dma_wait3A_462 : memref<1x80xi32, #tpu.memory_space<vmem>> -> memref<80xi32, #tpu.memory_space<vmem>>
      %dma_wait3A_464 = arith.constant 0 : i32
      %dma_wait3A_465 = arith.constant 0 : i32
      %dma_wait3A_466 = tpu.memref_slice %arg11[%dma_wait3A_464, %dma_wait3A_465] : memref<10000x128xf32, #tpu.memory_space<vmem_shared>> -> memref<10000x128xf32, #tpu.memory_space<vmem_shared>>
      tpu.wait_indirect_dma semaphore(%arg16 : memref<!tpu.dma_semaphore, #tpu.memory_space<semaphore_mem>>) src(%arg9 : memref<80x128xf32, #tpu.memory_space<vmem>>) dst(%dma_wait3A_466 : memref<10000x128xf32, #tpu.memory_space<vmem_shared>>)
      %dma_start3A_467 = arith.constant 16 : i32
      %dma_start3A_468 = arith.constant 0 : i32
      %dma_start3A_469 = tpu.memref_slice %arg6[%dma_start3A_467, %dma_start3A_468] : memref<25x80xi32, #tpu.memory_space<vmem>> -> memref<1x80xi32, #tpu.memory_space<vmem>>
      %dma_start3A_470 = tpu.memref_squeeze %dma_start3A_469 : memref<1x80xi32, #tpu.memory_space<vmem>> -> memref<80xi32, #tpu.memory_space<vmem>>
      %dma_start3A_471 = arith.constant 0 : i32
      %dma_start3A_472 = arith.constant 0 : i32
      %dma_start3A_473 = tpu.memref_slice %arg2[%dma_start3A_471, %dma_start3A_472] : memref<10000x128xf32, #tpu.memory_space<hbm>> -> memref<10000x128xf32, #tpu.memory_space<hbm>>
      tpu.enqueue_indirect_dma source(%dma_start3A_473 : memref<10000x128xf32, #tpu.memory_space<hbm>>) target(%arg9 : memref<80x128xf32, #tpu.memory_space<vmem>>) offsets(%dma_start3A_470 : memref<80xi32, #tpu.memory_space<vmem>>) semaphore(%arg13 : memref<!tpu.dma_semaphore, #tpu.memory_space<semaphore_mem>>)
      %dma_wait3A_474 = arith.constant 15 : i32
      %dma_wait3A_475 = arith.constant 0 : i32
      %dma_wait3A_476 = tpu.memref_slice %arg6[%dma_wait3A_474, %dma_wait3A_475] : memref<25x80xi32, #tpu.memory_space<vmem>> -> memref<1x80xi32, #tpu.memory_space<vmem>>
      %dma_wait3A_477 = tpu.memref_squeeze %dma_wait3A_476 : memref<1x80xi32, #tpu.memory_space<vmem>> -> memref<80xi32, #tpu.memory_space<vmem>>
      %dma_wait3A_478 = arith.constant 0 : i32
      %dma_wait3A_479 = arith.constant 0 : i32
      %dma_wait3A_480 = tpu.memref_slice %arg2[%dma_wait3A_478, %dma_wait3A_479] : memref<10000x128xf32, #tpu.memory_space<hbm>> -> memref<10000x128xf32, #tpu.memory_space<hbm>>
      tpu.wait_indirect_dma semaphore(%arg12 : memref<!tpu.dma_semaphore, #tpu.memory_space<semaphore_mem>>) src(%dma_wait3A_480 : memref<10000x128xf32, #tpu.memory_space<hbm>>) dst(%arg8 : memref<80x128xf32, #tpu.memory_space<vmem>>)
      %dma_start3A_481 = arith.constant 15 : i32
      %dma_start3A_482 = arith.constant 0 : i32
      %dma_start3A_483 = tpu.memref_slice %arg7[%dma_start3A_481, %dma_start3A_482] : memref<25x80xi32, #tpu.memory_space<vmem>> -> memref<1x80xi32, #tpu.memory_space<vmem>>
      %dma_start3A_484 = tpu.memref_squeeze %dma_start3A_483 : memref<1x80xi32, #tpu.memory_space<vmem>> -> memref<80xi32, #tpu.memory_space<vmem>>
      %dma_start3A_485 = arith.constant 0 : i32
      %dma_start3A_486 = arith.constant 0 : i32
      %dma_start3A_487 = tpu.memref_slice %arg11[%dma_start3A_485, %dma_start3A_486] : memref<10000x128xf32, #tpu.memory_space<vmem_shared>> -> memref<10000x128xf32, #tpu.memory_space<vmem_shared>>
      tpu.enqueue_indirect_dma source(%arg8 : memref<80x128xf32, #tpu.memory_space<vmem>>) target(%dma_start3A_487 : memref<10000x128xf32, #tpu.memory_space<vmem_shared>>) offsets(%dma_start3A_484 : memref<80xi32, #tpu.memory_space<vmem>>) semaphore(%arg15 : memref<!tpu.dma_semaphore, #tpu.memory_space<semaphore_mem>>) {add = true}
      %dma_wait3A_488 = arith.constant 14 : i32
      %dma_wait3A_489 = arith.constant 0 : i32
      %dma_wait3A_490 = tpu.memref_slice %arg7[%dma_wait3A_488, %dma_wait3A_489] : memref<25x80xi32, #tpu.memory_space<vmem>> -> memref<1x80xi32, #tpu.memory_space<vmem>>
      %dma_wait3A_491 = tpu.memref_squeeze %dma_wait3A_490 : memref<1x80xi32, #tpu.memory_space<vmem>> -> memref<80xi32, #tpu.memory_space<vmem>>
      %dma_wait3A_492 = arith.constant 0 : i32
      %dma_wait3A_493 = arith.constant 0 : i32
      %dma_wait3A_494 = tpu.memref_slice %arg11[%dma_wait3A_492, %dma_wait3A_493] : memref<10000x128xf32, #tpu.memory_space<vmem_shared>> -> memref<10000x128xf32, #tpu.memory_space<vmem_shared>>
      tpu.wait_indirect_dma semaphore(%arg17 : memref<!tpu.dma_semaphore, #tpu.memory_space<semaphore_mem>>) src(%arg10 : memref<80x128xf32, #tpu.memory_space<vmem>>) dst(%dma_wait3A_494 : memref<10000x128xf32, #tpu.memory_space<vmem_shared>>)
      %dma_start3A_495 = arith.constant 17 : i32
      %dma_start3A_496 = arith.constant 0 : i32
      %dma_start3A_497 = tpu.memref_slice %arg6[%dma_start3A_495, %dma_start3A_496] : memref<25x80xi32, #tpu.memory_space<vmem>> -> memref<1x80xi32, #tpu.memory_space<vmem>>
      %dma_start3A_498 = tpu.memref_squeeze %dma_start3A_497 : memref<1x80xi32, #tpu.memory_space<vmem>> -> memref<80xi32, #tpu.memory_space<vmem>>
      %dma_start3A_499 = arith.constant 0 : i32
      %dma_start3A_500 = arith.constant 0 : i32
      %dma_start3A_501 = tpu.memref_slice %arg2[%dma_start3A_499, %dma_start3A_500] : memref<10000x128xf32, #tpu.memory_space<hbm>> -> memref<10000x128xf32, #tpu.memory_space<hbm>>
      tpu.enqueue_indirect_dma source(%dma_start3A_501 : memref<10000x128xf32, #tpu.memory_space<hbm>>) target(%arg10 : memref<80x128xf32, #tpu.memory_space<vmem>>) offsets(%dma_start3A_498 : memref<80xi32, #tpu.memory_space<vmem>>) semaphore(%arg14 : memref<!tpu.dma_semaphore, #tpu.memory_space<semaphore_mem>>)
      %dma_wait3A_502 = arith.constant 16 : i32
      %dma_wait3A_503 = arith.constant 0 : i32
      %dma_wait3A_504 = tpu.memref_slice %arg6[%dma_wait3A_502, %dma_wait3A_503] : memref<25x80xi32, #tpu.memory_space<vmem>> -> memref<1x80xi32, #tpu.memory_space<vmem>>
      %dma_wait3A_505 = tpu.memref_squeeze %dma_wait3A_504 : memref<1x80xi32, #tpu.memory_space<vmem>> -> memref<80xi32, #tpu.memory_space<vmem>>
      %dma_wait3A_506 = arith.constant 0 : i32
      %dma_wait3A_507 = arith.constant 0 : i32
      %dma_wait3A_508 = tpu.memref_slice %arg2[%dma_wait3A_506, %dma_wait3A_507] : memref<10000x128xf32, #tpu.memory_space<hbm>> -> memref<10000x128xf32, #tpu.memory_space<hbm>>
      tpu.wait_indirect_dma semaphore(%arg13 : memref<!tpu.dma_semaphore, #tpu.memory_space<semaphore_mem>>) src(%dma_wait3A_508 : memref<10000x128xf32, #tpu.memory_space<hbm>>) dst(%arg9 : memref<80x128xf32, #tpu.memory_space<vmem>>)
      %dma_start3A_509 = arith.constant 16 : i32
      %dma_start3A_510 = arith.constant 0 : i32
      %dma_start3A_511 = tpu.memref_slice %arg7[%dma_start3A_509, %dma_start3A_510] : memref<25x80xi32, #tpu.memory_space<vmem>> -> memref<1x80xi32, #tpu.memory_space<vmem>>
      %dma_start3A_512 = tpu.memref_squeeze %dma_start3A_511 : memref<1x80xi32, #tpu.memory_space<vmem>> -> memref<80xi32, #tpu.memory_space<vmem>>
      %dma_start3A_513 = arith.constant 0 : i32
      %dma_start3A_514 = arith.constant 0 : i32
      %dma_start3A_515 = tpu.memref_slice %arg11[%dma_start3A_513, %dma_start3A_514] : memref<10000x128xf32, #tpu.memory_space<vmem_shared>> -> memref<10000x128xf32, #tpu.memory_space<vmem_shared>>
      tpu.enqueue_indirect_dma source(%arg9 : memref<80x128xf32, #tpu.memory_space<vmem>>) target(%dma_start3A_515 : memref<10000x128xf32, #tpu.memory_space<vmem_shared>>) offsets(%dma_start3A_512 : memref<80xi32, #tpu.memory_space<vmem>>) semaphore(%arg16 : memref<!tpu.dma_semaphore, #tpu.memory_space<semaphore_mem>>) {add = true}
      %dma_wait3A_516 = arith.constant 15 : i32
      %dma_wait3A_517 = arith.constant 0 : i32
      %dma_wait3A_518 = tpu.memref_slice %arg7[%dma_wait3A_516, %dma_wait3A_517] : memref<25x80xi32, #tpu.memory_space<vmem>> -> memref<1x80xi32, #tpu.memory_space<vmem>>
      %dma_wait3A_519 = tpu.memref_squeeze %dma_wait3A_518 : memref<1x80xi32, #tpu.memory_space<vmem>> -> memref<80xi32, #tpu.memory_space<vmem>>
      %dma_wait3A_520 = arith.constant 0 : i32
      %dma_wait3A_521 = arith.constant 0 : i32
      %dma_wait3A_522 = tpu.memref_slice %arg11[%dma_wait3A_520, %dma_wait3A_521] : memref<10000x128xf32, #tpu.memory_space<vmem_shared>> -> memref<10000x128xf32, #tpu.memory_space<vmem_shared>>
      tpu.wait_indirect_dma semaphore(%arg15 : memref<!tpu.dma_semaphore, #tpu.memory_space<semaphore_mem>>) src(%arg8 : memref<80x128xf32, #tpu.memory_space<vmem>>) dst(%dma_wait3A_522 : memref<10000x128xf32, #tpu.memory_space<vmem_shared>>)
      %dma_start3A_523 = arith.constant 18 : i32
      %dma_start3A_524 = arith.constant 0 : i32
      %dma_start3A_525 = tpu.memref_slice %arg6[%dma_start3A_523, %dma_start3A_524] : memref<25x80xi32, #tpu.memory_space<vmem>> -> memref<1x80xi32, #tpu.memory_space<vmem>>
      %dma_start3A_526 = tpu.memref_squeeze %dma_start3A_525 : memref<1x80xi32, #tpu.memory_space<vmem>> -> memref<80xi32, #tpu.memory_space<vmem>>
      %dma_start3A_527 = arith.constant 0 : i32
      %dma_start3A_528 = arith.constant 0 : i32
      %dma_start3A_529 = tpu.memref_slice %arg2[%dma_start3A_527, %dma_start3A_528] : memref<10000x128xf32, #tpu.memory_space<hbm>> -> memref<10000x128xf32, #tpu.memory_space<hbm>>
      tpu.enqueue_indirect_dma source(%dma_start3A_529 : memref<10000x128xf32, #tpu.memory_space<hbm>>) target(%arg8 : memref<80x128xf32, #tpu.memory_space<vmem>>) offsets(%dma_start3A_526 : memref<80xi32, #tpu.memory_space<vmem>>) semaphore(%arg12 : memref<!tpu.dma_semaphore, #tpu.memory_space<semaphore_mem>>)
      %dma_wait3A_530 = arith.constant 17 : i32
      %dma_wait3A_531 = arith.constant 0 : i32
      %dma_wait3A_532 = tpu.memref_slice %arg6[%dma_wait3A_530, %dma_wait3A_531] : memref<25x80xi32, #tpu.memory_space<vmem>> -> memref<1x80xi32, #tpu.memory_space<vmem>>
      %dma_wait3A_533 = tpu.memref_squeeze %dma_wait3A_532 : memref<1x80xi32, #tpu.memory_space<vmem>> -> memref<80xi32, #tpu.memory_space<vmem>>
      %dma_wait3A_534 = arith.constant 0 : i32
      %dma_wait3A_535 = arith.constant 0 : i32
      %dma_wait3A_536 = tpu.memref_slice %arg2[%dma_wait3A_534, %dma_wait3A_535] : memref<10000x128xf32, #tpu.memory_space<hbm>> -> memref<10000x128xf32, #tpu.memory_space<hbm>>
      tpu.wait_indirect_dma semaphore(%arg14 : memref<!tpu.dma_semaphore, #tpu.memory_space<semaphore_mem>>) src(%dma_wait3A_536 : memref<10000x128xf32, #tpu.memory_space<hbm>>) dst(%arg10 : memref<80x128xf32, #tpu.memory_space<vmem>>)
      %dma_start3A_537 = arith.constant 17 : i32
      %dma_start3A_538 = arith.constant 0 : i32
      %dma_start3A_539 = tpu.memref_slice %arg7[%dma_start3A_537, %dma_start3A_538] : memref<25x80xi32, #tpu.memory_space<vmem>> -> memref<1x80xi32, #tpu.memory_space<vmem>>
      %dma_start3A_540 = tpu.memref_squeeze %dma_start3A_539 : memref<1x80xi32, #tpu.memory_space<vmem>> -> memref<80xi32, #tpu.memory_space<vmem>>
      %dma_start3A_541 = arith.constant 0 : i32
      %dma_start3A_542 = arith.constant 0 : i32
      %dma_start3A_543 = tpu.memref_slice %arg11[%dma_start3A_541, %dma_start3A_542] : memref<10000x128xf32, #tpu.memory_space<vmem_shared>> -> memref<10000x128xf32, #tpu.memory_space<vmem_shared>>
      tpu.enqueue_indirect_dma source(%arg10 : memref<80x128xf32, #tpu.memory_space<vmem>>) target(%dma_start3A_543 : memref<10000x128xf32, #tpu.memory_space<vmem_shared>>) offsets(%dma_start3A_540 : memref<80xi32, #tpu.memory_space<vmem>>) semaphore(%arg17 : memref<!tpu.dma_semaphore, #tpu.memory_space<semaphore_mem>>) {add = true}
      %dma_wait3A_544 = arith.constant 16 : i32
      %dma_wait3A_545 = arith.constant 0 : i32
      %dma_wait3A_546 = tpu.memref_slice %arg7[%dma_wait3A_544, %dma_wait3A_545] : memref<25x80xi32, #tpu.memory_space<vmem>> -> memref<1x80xi32, #tpu.memory_space<vmem>>
      %dma_wait3A_547 = tpu.memref_squeeze %dma_wait3A_546 : memref<1x80xi32, #tpu.memory_space<vmem>> -> memref<80xi32, #tpu.memory_space<vmem>>
      %dma_wait3A_548 = arith.constant 0 : i32
      %dma_wait3A_549 = arith.constant 0 : i32
      %dma_wait3A_550 = tpu.memref_slice %arg11[%dma_wait3A_548, %dma_wait3A_549] : memref<10000x128xf32, #tpu.memory_space<vmem_shared>> -> memref<10000x128xf32, #tpu.memory_space<vmem_shared>>
      tpu.wait_indirect_dma semaphore(%arg16 : memref<!tpu.dma_semaphore, #tpu.memory_space<semaphore_mem>>) src(%arg9 : memref<80x128xf32, #tpu.memory_space<vmem>>) dst(%dma_wait3A_550 : memref<10000x128xf32, #tpu.memory_space<vmem_shared>>)
      %dma_start3A_551 = arith.constant 19 : i32
      %dma_start3A_552 = arith.constant 0 : i32
      %dma_start3A_553 = tpu.memref_slice %arg6[%dma_start3A_551, %dma_start3A_552] : memref<25x80xi32, #tpu.memory_space<vmem>> -> memref<1x80xi32, #tpu.memory_space<vmem>>
      %dma_start3A_554 = tpu.memref_squeeze %dma_start3A_553 : memref<1x80xi32, #tpu.memory_space<vmem>> -> memref<80xi32, #tpu.memory_space<vmem>>
      %dma_start3A_555 = arith.constant 0 : i32
      %dma_start3A_556 = arith.constant 0 : i32
      %dma_start3A_557 = tpu.memref_slice %arg2[%dma_start3A_555, %dma_start3A_556] : memref<10000x128xf32, #tpu.memory_space<hbm>> -> memref<10000x128xf32, #tpu.memory_space<hbm>>
      tpu.enqueue_indirect_dma source(%dma_start3A_557 : memref<10000x128xf32, #tpu.memory_space<hbm>>) target(%arg9 : memref<80x128xf32, #tpu.memory_space<vmem>>) offsets(%dma_start3A_554 : memref<80xi32, #tpu.memory_space<vmem>>) semaphore(%arg13 : memref<!tpu.dma_semaphore, #tpu.memory_space<semaphore_mem>>)
      %dma_wait3A_558 = arith.constant 18 : i32
      %dma_wait3A_559 = arith.constant 0 : i32
      %dma_wait3A_560 = tpu.memref_slice %arg6[%dma_wait3A_558, %dma_wait3A_559] : memref<25x80xi32, #tpu.memory_space<vmem>> -> memref<1x80xi32, #tpu.memory_space<vmem>>
      %dma_wait3A_561 = tpu.memref_squeeze %dma_wait3A_560 : memref<1x80xi32, #tpu.memory_space<vmem>> -> memref<80xi32, #tpu.memory_space<vmem>>
      %dma_wait3A_562 = arith.constant 0 : i32
      %dma_wait3A_563 = arith.constant 0 : i32
      %dma_wait3A_564 = tpu.memref_slice %arg2[%dma_wait3A_562, %dma_wait3A_563] : memref<10000x128xf32, #tpu.memory_space<hbm>> -> memref<10000x128xf32, #tpu.memory_space<hbm>>
      tpu.wait_indirect_dma semaphore(%arg12 : memref<!tpu.dma_semaphore, #tpu.memory_space<semaphore_mem>>) src(%dma_wait3A_564 : memref<10000x128xf32, #tpu.memory_space<hbm>>) dst(%arg8 : memref<80x128xf32, #tpu.memory_space<vmem>>)
      %dma_start3A_565 = arith.constant 18 : i32
      %dma_start3A_566 = arith.constant 0 : i32
      %dma_start3A_567 = tpu.memref_slice %arg7[%dma_start3A_565, %dma_start3A_566] : memref<25x80xi32, #tpu.memory_space<vmem>> -> memref<1x80xi32, #tpu.memory_space<vmem>>
      %dma_start3A_568 = tpu.memref_squeeze %dma_start3A_567 : memref<1x80xi32, #tpu.memory_space<vmem>> -> memref<80xi32, #tpu.memory_space<vmem>>
      %dma_start3A_569 = arith.constant 0 : i32
      %dma_start3A_570 = arith.constant 0 : i32
      %dma_start3A_571 = tpu.memref_slice %arg11[%dma_start3A_569, %dma_start3A_570] : memref<10000x128xf32, #tpu.memory_space<vmem_shared>> -> memref<10000x128xf32, #tpu.memory_space<vmem_shared>>
      tpu.enqueue_indirect_dma source(%arg8 : memref<80x128xf32, #tpu.memory_space<vmem>>) target(%dma_start3A_571 : memref<10000x128xf32, #tpu.memory_space<vmem_shared>>) offsets(%dma_start3A_568 : memref<80xi32, #tpu.memory_space<vmem>>) semaphore(%arg15 : memref<!tpu.dma_semaphore, #tpu.memory_space<semaphore_mem>>) {add = true}
      %dma_wait3A_572 = arith.constant 17 : i32
      %dma_wait3A_573 = arith.constant 0 : i32
      %dma_wait3A_574 = tpu.memref_slice %arg7[%dma_wait3A_572, %dma_wait3A_573] : memref<25x80xi32, #tpu.memory_space<vmem>> -> memref<1x80xi32, #tpu.memory_space<vmem>>
      %dma_wait3A_575 = tpu.memref_squeeze %dma_wait3A_574 : memref<1x80xi32, #tpu.memory_space<vmem>> -> memref<80xi32, #tpu.memory_space<vmem>>
      %dma_wait3A_576 = arith.constant 0 : i32
      %dma_wait3A_577 = arith.constant 0 : i32
      %dma_wait3A_578 = tpu.memref_slice %arg11[%dma_wait3A_576, %dma_wait3A_577] : memref<10000x128xf32, #tpu.memory_space<vmem_shared>> -> memref<10000x128xf32, #tpu.memory_space<vmem_shared>>
      tpu.wait_indirect_dma semaphore(%arg17 : memref<!tpu.dma_semaphore, #tpu.memory_space<semaphore_mem>>) src(%arg10 : memref<80x128xf32, #tpu.memory_space<vmem>>) dst(%dma_wait3A_578 : memref<10000x128xf32, #tpu.memory_space<vmem_shared>>)
      %dma_start3A_579 = arith.constant 20 : i32
      %dma_start3A_580 = arith.constant 0 : i32
      %dma_start3A_581 = tpu.memref_slice %arg6[%dma_start3A_579, %dma_start3A_580] : memref<25x80xi32, #tpu.memory_space<vmem>> -> memref<1x80xi32, #tpu.memory_space<vmem>>
      %dma_start3A_582 = tpu.memref_squeeze %dma_start3A_581 : memref<1x80xi32, #tpu.memory_space<vmem>> -> memref<80xi32, #tpu.memory_space<vmem>>
      %dma_start3A_583 = arith.constant 0 : i32
      %dma_start3A_584 = arith.constant 0 : i32
      %dma_start3A_585 = tpu.memref_slice %arg2[%dma_start3A_583, %dma_start3A_584] : memref<10000x128xf32, #tpu.memory_space<hbm>> -> memref<10000x128xf32, #tpu.memory_space<hbm>>
      tpu.enqueue_indirect_dma source(%dma_start3A_585 : memref<10000x128xf32, #tpu.memory_space<hbm>>) target(%arg10 : memref<80x128xf32, #tpu.memory_space<vmem>>) offsets(%dma_start3A_582 : memref<80xi32, #tpu.memory_space<vmem>>) semaphore(%arg14 : memref<!tpu.dma_semaphore, #tpu.memory_space<semaphore_mem>>)
      %dma_wait3A_586 = arith.constant 19 : i32
      %dma_wait3A_587 = arith.constant 0 : i32
      %dma_wait3A_588 = tpu.memref_slice %arg6[%dma_wait3A_586, %dma_wait3A_587] : memref<25x80xi32, #tpu.memory_space<vmem>> -> memref<1x80xi32, #tpu.memory_space<vmem>>
      %dma_wait3A_589 = tpu.memref_squeeze %dma_wait3A_588 : memref<1x80xi32, #tpu.memory_space<vmem>> -> memref<80xi32, #tpu.memory_space<vmem>>
      %dma_wait3A_590 = arith.constant 0 : i32
      %dma_wait3A_591 = arith.constant 0 : i32
      %dma_wait3A_592 = tpu.memref_slice %arg2[%dma_wait3A_590, %dma_wait3A_591] : memref<10000x128xf32, #tpu.memory_space<hbm>> -> memref<10000x128xf32, #tpu.memory_space<hbm>>
      tpu.wait_indirect_dma semaphore(%arg13 : memref<!tpu.dma_semaphore, #tpu.memory_space<semaphore_mem>>) src(%dma_wait3A_592 : memref<10000x128xf32, #tpu.memory_space<hbm>>) dst(%arg9 : memref<80x128xf32, #tpu.memory_space<vmem>>)
      %dma_start3A_593 = arith.constant 19 : i32
      %dma_start3A_594 = arith.constant 0 : i32
      %dma_start3A_595 = tpu.memref_slice %arg7[%dma_start3A_593, %dma_start3A_594] : memref<25x80xi32, #tpu.memory_space<vmem>> -> memref<1x80xi32, #tpu.memory_space<vmem>>
      %dma_start3A_596 = tpu.memref_squeeze %dma_start3A_595 : memref<1x80xi32, #tpu.memory_space<vmem>> -> memref<80xi32, #tpu.memory_space<vmem>>
      %dma_start3A_597 = arith.constant 0 : i32
      %dma_start3A_598 = arith.constant 0 : i32
      %dma_start3A_599 = tpu.memref_slice %arg11[%dma_start3A_597, %dma_start3A_598] : memref<10000x128xf32, #tpu.memory_space<vmem_shared>> -> memref<10000x128xf32, #tpu.memory_space<vmem_shared>>
      tpu.enqueue_indirect_dma source(%arg9 : memref<80x128xf32, #tpu.memory_space<vmem>>) target(%dma_start3A_599 : memref<10000x128xf32, #tpu.memory_space<vmem_shared>>) offsets(%dma_start3A_596 : memref<80xi32, #tpu.memory_space<vmem>>) semaphore(%arg16 : memref<!tpu.dma_semaphore, #tpu.memory_space<semaphore_mem>>) {add = true}
      %dma_wait3A_600 = arith.constant 18 : i32
      %dma_wait3A_601 = arith.constant 0 : i32
      %dma_wait3A_602 = tpu.memref_slice %arg7[%dma_wait3A_600, %dma_wait3A_601] : memref<25x80xi32, #tpu.memory_space<vmem>> -> memref<1x80xi32, #tpu.memory_space<vmem>>
      %dma_wait3A_603 = tpu.memref_squeeze %dma_wait3A_602 : memref<1x80xi32, #tpu.memory_space<vmem>> -> memref<80xi32, #tpu.memory_space<vmem>>
      %dma_wait3A_604 = arith.constant 0 : i32
      %dma_wait3A_605 = arith.constant 0 : i32
      %dma_wait3A_606 = tpu.memref_slice %arg11[%dma_wait3A_604, %dma_wait3A_605] : memref<10000x128xf32, #tpu.memory_space<vmem_shared>> -> memref<10000x128xf32, #tpu.memory_space<vmem_shared>>
      tpu.wait_indirect_dma semaphore(%arg15 : memref<!tpu.dma_semaphore, #tpu.memory_space<semaphore_mem>>) src(%arg8 : memref<80x128xf32, #tpu.memory_space<vmem>>) dst(%dma_wait3A_606 : memref<10000x128xf32, #tpu.memory_space<vmem_shared>>)
      %dma_start3A_607 = arith.constant 21 : i32
      %dma_start3A_608 = arith.constant 0 : i32
      %dma_start3A_609 = tpu.memref_slice %arg6[%dma_start3A_607, %dma_start3A_608] : memref<25x80xi32, #tpu.memory_space<vmem>> -> memref<1x80xi32, #tpu.memory_space<vmem>>
      %dma_start3A_610 = tpu.memref_squeeze %dma_start3A_609 : memref<1x80xi32, #tpu.memory_space<vmem>> -> memref<80xi32, #tpu.memory_space<vmem>>
      %dma_start3A_611 = arith.constant 0 : i32
      %dma_start3A_612 = arith.constant 0 : i32
      %dma_start3A_613 = tpu.memref_slice %arg2[%dma_start3A_611, %dma_start3A_612] : memref<10000x128xf32, #tpu.memory_space<hbm>> -> memref<10000x128xf32, #tpu.memory_space<hbm>>
      tpu.enqueue_indirect_dma source(%dma_start3A_613 : memref<10000x128xf32, #tpu.memory_space<hbm>>) target(%arg8 : memref<80x128xf32, #tpu.memory_space<vmem>>) offsets(%dma_start3A_610 : memref<80xi32, #tpu.memory_space<vmem>>) semaphore(%arg12 : memref<!tpu.dma_semaphore, #tpu.memory_space<semaphore_mem>>)
      %dma_wait3A_614 = arith.constant 20 : i32
      %dma_wait3A_615 = arith.constant 0 : i32
      %dma_wait3A_616 = tpu.memref_slice %arg6[%dma_wait3A_614, %dma_wait3A_615] : memref<25x80xi32, #tpu.memory_space<vmem>> -> memref<1x80xi32, #tpu.memory_space<vmem>>
      %dma_wait3A_617 = tpu.memref_squeeze %dma_wait3A_616 : memref<1x80xi32, #tpu.memory_space<vmem>> -> memref<80xi32, #tpu.memory_space<vmem>>
      %dma_wait3A_618 = arith.constant 0 : i32
      %dma_wait3A_619 = arith.constant 0 : i32
      %dma_wait3A_620 = tpu.memref_slice %arg2[%dma_wait3A_618, %dma_wait3A_619] : memref<10000x128xf32, #tpu.memory_space<hbm>> -> memref<10000x128xf32, #tpu.memory_space<hbm>>
      tpu.wait_indirect_dma semaphore(%arg14 : memref<!tpu.dma_semaphore, #tpu.memory_space<semaphore_mem>>) src(%dma_wait3A_620 : memref<10000x128xf32, #tpu.memory_space<hbm>>) dst(%arg10 : memref<80x128xf32, #tpu.memory_space<vmem>>)
      %dma_start3A_621 = arith.constant 20 : i32
      %dma_start3A_622 = arith.constant 0 : i32
      %dma_start3A_623 = tpu.memref_slice %arg7[%dma_start3A_621, %dma_start3A_622] : memref<25x80xi32, #tpu.memory_space<vmem>> -> memref<1x80xi32, #tpu.memory_space<vmem>>
      %dma_start3A_624 = tpu.memref_squeeze %dma_start3A_623 : memref<1x80xi32, #tpu.memory_space<vmem>> -> memref<80xi32, #tpu.memory_space<vmem>>
      %dma_start3A_625 = arith.constant 0 : i32
      %dma_start3A_626 = arith.constant 0 : i32
      %dma_start3A_627 = tpu.memref_slice %arg11[%dma_start3A_625, %dma_start3A_626] : memref<10000x128xf32, #tpu.memory_space<vmem_shared>> -> memref<10000x128xf32, #tpu.memory_space<vmem_shared>>
      tpu.enqueue_indirect_dma source(%arg10 : memref<80x128xf32, #tpu.memory_space<vmem>>) target(%dma_start3A_627 : memref<10000x128xf32, #tpu.memory_space<vmem_shared>>) offsets(%dma_start3A_624 : memref<80xi32, #tpu.memory_space<vmem>>) semaphore(%arg17 : memref<!tpu.dma_semaphore, #tpu.memory_space<semaphore_mem>>) {add = true}
      %dma_wait3A_628 = arith.constant 19 : i32
      %dma_wait3A_629 = arith.constant 0 : i32
      %dma_wait3A_630 = tpu.memref_slice %arg7[%dma_wait3A_628, %dma_wait3A_629] : memref<25x80xi32, #tpu.memory_space<vmem>> -> memref<1x80xi32, #tpu.memory_space<vmem>>
      %dma_wait3A_631 = tpu.memref_squeeze %dma_wait3A_630 : memref<1x80xi32, #tpu.memory_space<vmem>> -> memref<80xi32, #tpu.memory_space<vmem>>
      %dma_wait3A_632 = arith.constant 0 : i32
      %dma_wait3A_633 = arith.constant 0 : i32
      %dma_wait3A_634 = tpu.memref_slice %arg11[%dma_wait3A_632, %dma_wait3A_633] : memref<10000x128xf32, #tpu.memory_space<vmem_shared>> -> memref<10000x128xf32, #tpu.memory_space<vmem_shared>>
      tpu.wait_indirect_dma semaphore(%arg16 : memref<!tpu.dma_semaphore, #tpu.memory_space<semaphore_mem>>) src(%arg9 : memref<80x128xf32, #tpu.memory_space<vmem>>) dst(%dma_wait3A_634 : memref<10000x128xf32, #tpu.memory_space<vmem_shared>>)
      %dma_start3A_635 = arith.constant 22 : i32
      %dma_start3A_636 = arith.constant 0 : i32
      %dma_start3A_637 = tpu.memref_slice %arg6[%dma_start3A_635, %dma_start3A_636] : memref<25x80xi32, #tpu.memory_space<vmem>> -> memref<1x80xi32, #tpu.memory_space<vmem>>
      %dma_start3A_638 = tpu.memref_squeeze %dma_start3A_637 : memref<1x80xi32, #tpu.memory_space<vmem>> -> memref<80xi32, #tpu.memory_space<vmem>>
      %dma_start3A_639 = arith.constant 0 : i32
      %dma_start3A_640 = arith.constant 0 : i32
      %dma_start3A_641 = tpu.memref_slice %arg2[%dma_start3A_639, %dma_start3A_640] : memref<10000x128xf32, #tpu.memory_space<hbm>> -> memref<10000x128xf32, #tpu.memory_space<hbm>>
      tpu.enqueue_indirect_dma source(%dma_start3A_641 : memref<10000x128xf32, #tpu.memory_space<hbm>>) target(%arg9 : memref<80x128xf32, #tpu.memory_space<vmem>>) offsets(%dma_start3A_638 : memref<80xi32, #tpu.memory_space<vmem>>) semaphore(%arg13 : memref<!tpu.dma_semaphore, #tpu.memory_space<semaphore_mem>>)
      %dma_wait3A_642 = arith.constant 21 : i32
      %dma_wait3A_643 = arith.constant 0 : i32
      %dma_wait3A_644 = tpu.memref_slice %arg6[%dma_wait3A_642, %dma_wait3A_643] : memref<25x80xi32, #tpu.memory_space<vmem>> -> memref<1x80xi32, #tpu.memory_space<vmem>>
      %dma_wait3A_645 = tpu.memref_squeeze %dma_wait3A_644 : memref<1x80xi32, #tpu.memory_space<vmem>> -> memref<80xi32, #tpu.memory_space<vmem>>
      %dma_wait3A_646 = arith.constant 0 : i32
      %dma_wait3A_647 = arith.constant 0 : i32
      %dma_wait3A_648 = tpu.memref_slice %arg2[%dma_wait3A_646, %dma_wait3A_647] : memref<10000x128xf32, #tpu.memory_space<hbm>> -> memref<10000x128xf32, #tpu.memory_space<hbm>>
      tpu.wait_indirect_dma semaphore(%arg12 : memref<!tpu.dma_semaphore, #tpu.memory_space<semaphore_mem>>) src(%dma_wait3A_648 : memref<10000x128xf32, #tpu.memory_space<hbm>>) dst(%arg8 : memref<80x128xf32, #tpu.memory_space<vmem>>)
      %dma_start3A_649 = arith.constant 21 : i32
      %dma_start3A_650 = arith.constant 0 : i32
      %dma_start3A_651 = tpu.memref_slice %arg7[%dma_start3A_649, %dma_start3A_650] : memref<25x80xi32, #tpu.memory_space<vmem>> -> memref<1x80xi32, #tpu.memory_space<vmem>>
      %dma_start3A_652 = tpu.memref_squeeze %dma_start3A_651 : memref<1x80xi32, #tpu.memory_space<vmem>> -> memref<80xi32, #tpu.memory_space<vmem>>
      %dma_start3A_653 = arith.constant 0 : i32
      %dma_start3A_654 = arith.constant 0 : i32
      %dma_start3A_655 = tpu.memref_slice %arg11[%dma_start3A_653, %dma_start3A_654] : memref<10000x128xf32, #tpu.memory_space<vmem_shared>> -> memref<10000x128xf32, #tpu.memory_space<vmem_shared>>
      tpu.enqueue_indirect_dma source(%arg8 : memref<80x128xf32, #tpu.memory_space<vmem>>) target(%dma_start3A_655 : memref<10000x128xf32, #tpu.memory_space<vmem_shared>>) offsets(%dma_start3A_652 : memref<80xi32, #tpu.memory_space<vmem>>) semaphore(%arg15 : memref<!tpu.dma_semaphore, #tpu.memory_space<semaphore_mem>>) {add = true}
      %dma_wait3A_656 = arith.constant 20 : i32
      %dma_wait3A_657 = arith.constant 0 : i32
      %dma_wait3A_658 = tpu.memref_slice %arg7[%dma_wait3A_656, %dma_wait3A_657] : memref<25x80xi32, #tpu.memory_space<vmem>> -> memref<1x80xi32, #tpu.memory_space<vmem>>
      %dma_wait3A_659 = tpu.memref_squeeze %dma_wait3A_658 : memref<1x80xi32, #tpu.memory_space<vmem>> -> memref<80xi32, #tpu.memory_space<vmem>>
      %dma_wait3A_660 = arith.constant 0 : i32
      %dma_wait3A_661 = arith.constant 0 : i32
      %dma_wait3A_662 = tpu.memref_slice %arg11[%dma_wait3A_660, %dma_wait3A_661] : memref<10000x128xf32, #tpu.memory_space<vmem_shared>> -> memref<10000x128xf32, #tpu.memory_space<vmem_shared>>
      tpu.wait_indirect_dma semaphore(%arg17 : memref<!tpu.dma_semaphore, #tpu.memory_space<semaphore_mem>>) src(%arg10 : memref<80x128xf32, #tpu.memory_space<vmem>>) dst(%dma_wait3A_662 : memref<10000x128xf32, #tpu.memory_space<vmem_shared>>)
      %dma_start3A_663 = arith.constant 23 : i32
      %dma_start3A_664 = arith.constant 0 : i32
      %dma_start3A_665 = tpu.memref_slice %arg6[%dma_start3A_663, %dma_start3A_664] : memref<25x80xi32, #tpu.memory_space<vmem>> -> memref<1x80xi32, #tpu.memory_space<vmem>>
      %dma_start3A_666 = tpu.memref_squeeze %dma_start3A_665 : memref<1x80xi32, #tpu.memory_space<vmem>> -> memref<80xi32, #tpu.memory_space<vmem>>
      %dma_start3A_667 = arith.constant 0 : i32
      %dma_start3A_668 = arith.constant 0 : i32
      %dma_start3A_669 = tpu.memref_slice %arg2[%dma_start3A_667, %dma_start3A_668] : memref<10000x128xf32, #tpu.memory_space<hbm>> -> memref<10000x128xf32, #tpu.memory_space<hbm>>
      tpu.enqueue_indirect_dma source(%dma_start3A_669 : memref<10000x128xf32, #tpu.memory_space<hbm>>) target(%arg10 : memref<80x128xf32, #tpu.memory_space<vmem>>) offsets(%dma_start3A_666 : memref<80xi32, #tpu.memory_space<vmem>>) semaphore(%arg14 : memref<!tpu.dma_semaphore, #tpu.memory_space<semaphore_mem>>)
      %dma_wait3A_670 = arith.constant 22 : i32
      %dma_wait3A_671 = arith.constant 0 : i32
      %dma_wait3A_672 = tpu.memref_slice %arg6[%dma_wait3A_670, %dma_wait3A_671] : memref<25x80xi32, #tpu.memory_space<vmem>> -> memref<1x80xi32, #tpu.memory_space<vmem>>
      %dma_wait3A_673 = tpu.memref_squeeze %dma_wait3A_672 : memref<1x80xi32, #tpu.memory_space<vmem>> -> memref<80xi32, #tpu.memory_space<vmem>>
      %dma_wait3A_674 = arith.constant 0 : i32
      %dma_wait3A_675 = arith.constant 0 : i32
      %dma_wait3A_676 = tpu.memref_slice %arg2[%dma_wait3A_674, %dma_wait3A_675] : memref<10000x128xf32, #tpu.memory_space<hbm>> -> memref<10000x128xf32, #tpu.memory_space<hbm>>
      tpu.wait_indirect_dma semaphore(%arg13 : memref<!tpu.dma_semaphore, #tpu.memory_space<semaphore_mem>>) src(%dma_wait3A_676 : memref<10000x128xf32, #tpu.memory_space<hbm>>) dst(%arg9 : memref<80x128xf32, #tpu.memory_space<vmem>>)
      %dma_start3A_677 = arith.constant 22 : i32
      %dma_start3A_678 = arith.constant 0 : i32
      %dma_start3A_679 = tpu.memref_slice %arg7[%dma_start3A_677, %dma_start3A_678] : memref<25x80xi32, #tpu.memory_space<vmem>> -> memref<1x80xi32, #tpu.memory_space<vmem>>
      %dma_start3A_680 = tpu.memref_squeeze %dma_start3A_679 : memref<1x80xi32, #tpu.memory_space<vmem>> -> memref<80xi32, #tpu.memory_space<vmem>>
      %dma_start3A_681 = arith.constant 0 : i32
      %dma_start3A_682 = arith.constant 0 : i32
      %dma_start3A_683 = tpu.memref_slice %arg11[%dma_start3A_681, %dma_start3A_682] : memref<10000x128xf32, #tpu.memory_space<vmem_shared>> -> memref<10000x128xf32, #tpu.memory_space<vmem_shared>>
      tpu.enqueue_indirect_dma source(%arg9 : memref<80x128xf32, #tpu.memory_space<vmem>>) target(%dma_start3A_683 : memref<10000x128xf32, #tpu.memory_space<vmem_shared>>) offsets(%dma_start3A_680 : memref<80xi32, #tpu.memory_space<vmem>>) semaphore(%arg16 : memref<!tpu.dma_semaphore, #tpu.memory_space<semaphore_mem>>) {add = true}
      %dma_wait3A_684 = arith.constant 21 : i32
      %dma_wait3A_685 = arith.constant 0 : i32
      %dma_wait3A_686 = tpu.memref_slice %arg7[%dma_wait3A_684, %dma_wait3A_685] : memref<25x80xi32, #tpu.memory_space<vmem>> -> memref<1x80xi32, #tpu.memory_space<vmem>>
      %dma_wait3A_687 = tpu.memref_squeeze %dma_wait3A_686 : memref<1x80xi32, #tpu.memory_space<vmem>> -> memref<80xi32, #tpu.memory_space<vmem>>
      %dma_wait3A_688 = arith.constant 0 : i32
      %dma_wait3A_689 = arith.constant 0 : i32
      %dma_wait3A_690 = tpu.memref_slice %arg11[%dma_wait3A_688, %dma_wait3A_689] : memref<10000x128xf32, #tpu.memory_space<vmem_shared>> -> memref<10000x128xf32, #tpu.memory_space<vmem_shared>>
      tpu.wait_indirect_dma semaphore(%arg15 : memref<!tpu.dma_semaphore, #tpu.memory_space<semaphore_mem>>) src(%arg8 : memref<80x128xf32, #tpu.memory_space<vmem>>) dst(%dma_wait3A_690 : memref<10000x128xf32, #tpu.memory_space<vmem_shared>>)
      %dma_start3A_691 = arith.constant 24 : i32
      %dma_start3A_692 = arith.constant 0 : i32
      %dma_start3A_693 = tpu.memref_slice %arg6[%dma_start3A_691, %dma_start3A_692] : memref<25x80xi32, #tpu.memory_space<vmem>> -> memref<1x80xi32, #tpu.memory_space<vmem>>
      %dma_start3A_694 = tpu.memref_squeeze %dma_start3A_693 : memref<1x80xi32, #tpu.memory_space<vmem>> -> memref<80xi32, #tpu.memory_space<vmem>>
      %dma_start3A_695 = arith.constant 0 : i32
      %dma_start3A_696 = arith.constant 0 : i32
      %dma_start3A_697 = tpu.memref_slice %arg2[%dma_start3A_695, %dma_start3A_696] : memref<10000x128xf32, #tpu.memory_space<hbm>> -> memref<10000x128xf32, #tpu.memory_space<hbm>>
      tpu.enqueue_indirect_dma source(%dma_start3A_697 : memref<10000x128xf32, #tpu.memory_space<hbm>>) target(%arg8 : memref<80x128xf32, #tpu.memory_space<vmem>>) offsets(%dma_start3A_694 : memref<80xi32, #tpu.memory_space<vmem>>) semaphore(%arg12 : memref<!tpu.dma_semaphore, #tpu.memory_space<semaphore_mem>>)
      %dma_wait3A_698 = arith.constant 23 : i32
      %dma_wait3A_699 = arith.constant 0 : i32
      %dma_wait3A_700 = tpu.memref_slice %arg6[%dma_wait3A_698, %dma_wait3A_699] : memref<25x80xi32, #tpu.memory_space<vmem>> -> memref<1x80xi32, #tpu.memory_space<vmem>>
      %dma_wait3A_701 = tpu.memref_squeeze %dma_wait3A_700 : memref<1x80xi32, #tpu.memory_space<vmem>> -> memref<80xi32, #tpu.memory_space<vmem>>
      %dma_wait3A_702 = arith.constant 0 : i32
      %dma_wait3A_703 = arith.constant 0 : i32
      %dma_wait3A_704 = tpu.memref_slice %arg2[%dma_wait3A_702, %dma_wait3A_703] : memref<10000x128xf32, #tpu.memory_space<hbm>> -> memref<10000x128xf32, #tpu.memory_space<hbm>>
      tpu.wait_indirect_dma semaphore(%arg14 : memref<!tpu.dma_semaphore, #tpu.memory_space<semaphore_mem>>) src(%dma_wait3A_704 : memref<10000x128xf32, #tpu.memory_space<hbm>>) dst(%arg10 : memref<80x128xf32, #tpu.memory_space<vmem>>)
      %dma_start3A_705 = arith.constant 23 : i32
      %dma_start3A_706 = arith.constant 0 : i32
      %dma_start3A_707 = tpu.memref_slice %arg7[%dma_start3A_705, %dma_start3A_706] : memref<25x80xi32, #tpu.memory_space<vmem>> -> memref<1x80xi32, #tpu.memory_space<vmem>>
      %dma_start3A_708 = tpu.memref_squeeze %dma_start3A_707 : memref<1x80xi32, #tpu.memory_space<vmem>> -> memref<80xi32, #tpu.memory_space<vmem>>
      %dma_start3A_709 = arith.constant 0 : i32
      %dma_start3A_710 = arith.constant 0 : i32
      %dma_start3A_711 = tpu.memref_slice %arg11[%dma_start3A_709, %dma_start3A_710] : memref<10000x128xf32, #tpu.memory_space<vmem_shared>> -> memref<10000x128xf32, #tpu.memory_space<vmem_shared>>
      tpu.enqueue_indirect_dma source(%arg10 : memref<80x128xf32, #tpu.memory_space<vmem>>) target(%dma_start3A_711 : memref<10000x128xf32, #tpu.memory_space<vmem_shared>>) offsets(%dma_start3A_708 : memref<80xi32, #tpu.memory_space<vmem>>) semaphore(%arg17 : memref<!tpu.dma_semaphore, #tpu.memory_space<semaphore_mem>>) {add = true}
      %dma_wait3A_712 = arith.constant 22 : i32
      %dma_wait3A_713 = arith.constant 0 : i32
      %dma_wait3A_714 = tpu.memref_slice %arg7[%dma_wait3A_712, %dma_wait3A_713] : memref<25x80xi32, #tpu.memory_space<vmem>> -> memref<1x80xi32, #tpu.memory_space<vmem>>
      %dma_wait3A_715 = tpu.memref_squeeze %dma_wait3A_714 : memref<1x80xi32, #tpu.memory_space<vmem>> -> memref<80xi32, #tpu.memory_space<vmem>>
      %dma_wait3A_716 = arith.constant 0 : i32
      %dma_wait3A_717 = arith.constant 0 : i32
      %dma_wait3A_718 = tpu.memref_slice %arg11[%dma_wait3A_716, %dma_wait3A_717] : memref<10000x128xf32, #tpu.memory_space<vmem_shared>> -> memref<10000x128xf32, #tpu.memory_space<vmem_shared>>
      tpu.wait_indirect_dma semaphore(%arg16 : memref<!tpu.dma_semaphore, #tpu.memory_space<semaphore_mem>>) src(%arg9 : memref<80x128xf32, #tpu.memory_space<vmem>>) dst(%dma_wait3A_718 : memref<10000x128xf32, #tpu.memory_space<vmem_shared>>)
      %dma_wait3A_719 = arith.constant 24 : i32
      %dma_wait3A_720 = arith.constant 0 : i32
      %dma_wait3A_721 = tpu.memref_slice %arg6[%dma_wait3A_719, %dma_wait3A_720] : memref<25x80xi32, #tpu.memory_space<vmem>> -> memref<1x80xi32, #tpu.memory_space<vmem>>
      %dma_wait3A_722 = tpu.memref_squeeze %dma_wait3A_721 : memref<1x80xi32, #tpu.memory_space<vmem>> -> memref<80xi32, #tpu.memory_space<vmem>>
      %dma_wait3A_723 = arith.constant 0 : i32
      %dma_wait3A_724 = arith.constant 0 : i32
      %dma_wait3A_725 = tpu.memref_slice %arg2[%dma_wait3A_723, %dma_wait3A_724] : memref<10000x128xf32, #tpu.memory_space<hbm>> -> memref<10000x128xf32, #tpu.memory_space<hbm>>
      tpu.wait_indirect_dma semaphore(%arg12 : memref<!tpu.dma_semaphore, #tpu.memory_space<semaphore_mem>>) src(%dma_wait3A_725 : memref<10000x128xf32, #tpu.memory_space<hbm>>) dst(%arg8 : memref<80x128xf32, #tpu.memory_space<vmem>>)
      %dma_start3A_726 = arith.constant 24 : i32
      %dma_start3A_727 = arith.constant 0 : i32
      %dma_start3A_728 = tpu.memref_slice %arg7[%dma_start3A_726, %dma_start3A_727] : memref<25x80xi32, #tpu.memory_space<vmem>> -> memref<1x80xi32, #tpu.memory_space<vmem>>
      %dma_start3A_729 = tpu.memref_squeeze %dma_start3A_728 : memref<1x80xi32, #tpu.memory_space<vmem>> -> memref<80xi32, #tpu.memory_space<vmem>>
      %dma_start3A_730 = arith.constant 0 : i32
      %dma_start3A_731 = arith.constant 0 : i32
      %dma_start3A_732 = tpu.memref_slice %arg11[%dma_start3A_730, %dma_start3A_731] : memref<10000x128xf32, #tpu.memory_space<vmem_shared>> -> memref<10000x128xf32, #tpu.memory_space<vmem_shared>>
      tpu.enqueue_indirect_dma source(%arg8 : memref<80x128xf32, #tpu.memory_space<vmem>>) target(%dma_start3A_732 : memref<10000x128xf32, #tpu.memory_space<vmem_shared>>) offsets(%dma_start3A_729 : memref<80xi32, #tpu.memory_space<vmem>>) semaphore(%arg15 : memref<!tpu.dma_semaphore, #tpu.memory_space<semaphore_mem>>) {add = true}
      %dma_wait3A_733 = arith.constant 23 : i32
      %dma_wait3A_734 = arith.constant 0 : i32
      %dma_wait3A_735 = tpu.memref_slice %arg7[%dma_wait3A_733, %dma_wait3A_734] : memref<25x80xi32, #tpu.memory_space<vmem>> -> memref<1x80xi32, #tpu.memory_space<vmem>>
      %dma_wait3A_736 = tpu.memref_squeeze %dma_wait3A_735 : memref<1x80xi32, #tpu.memory_space<vmem>> -> memref<80xi32, #tpu.memory_space<vmem>>
      %dma_wait3A_737 = arith.constant 0 : i32
      %dma_wait3A_738 = arith.constant 0 : i32
      %dma_wait3A_739 = tpu.memref_slice %arg11[%dma_wait3A_737, %dma_wait3A_738] : memref<10000x128xf32, #tpu.memory_space<vmem_shared>> -> memref<10000x128xf32, #tpu.memory_space<vmem_shared>>
      tpu.wait_indirect_dma semaphore(%arg17 : memref<!tpu.dma_semaphore, #tpu.memory_space<semaphore_mem>>) src(%arg10 : memref<80x128xf32, #tpu.memory_space<vmem>>) dst(%dma_wait3A_739 : memref<10000x128xf32, #tpu.memory_space<vmem_shared>>)
      %dma_wait3A_740 = arith.constant 24 : i32
      %dma_wait3A_741 = arith.constant 0 : i32
      %dma_wait3A_742 = tpu.memref_slice %arg7[%dma_wait3A_740, %dma_wait3A_741] : memref<25x80xi32, #tpu.memory_space<vmem>> -> memref<1x80xi32, #tpu.memory_space<vmem>>
      %dma_wait3A_743 = tpu.memref_squeeze %dma_wait3A_742 : memref<1x80xi32, #tpu.memory_space<vmem>> -> memref<80xi32, #tpu.memory_space<vmem>>
      %dma_wait3A_744 = arith.constant 0 : i32
      %dma_wait3A_745 = arith.constant 0 : i32
      %dma_wait3A_746 = tpu.memref_slice %arg11[%dma_wait3A_744, %dma_wait3A_745] : memref<10000x128xf32, #tpu.memory_space<vmem_shared>> -> memref<10000x128xf32, #tpu.memory_space<vmem_shared>>
      tpu.wait_indirect_dma semaphore(%arg15 : memref<!tpu.dma_semaphore, #tpu.memory_space<semaphore_mem>>) src(%arg8 : memref<80x128xf32, #tpu.memory_space<vmem>>) dst(%dma_wait3A_746 : memref<10000x128xf32, #tpu.memory_space<vmem_shared>>)
    }
    %scan3A_44 = arith.constant 5 : i32
    %barrier3A_45 = arith.constant 0 : index
    tpu.barrier barrier_id(%barrier3A_45)
    %mul3A_46 = arith.constant 625 : i32
    %mul3A_47 = arith.muli %arg1, %mul3A_46 : i32
    "tpu.region"() ({
      %run_scoped3A = tpu.sem_alloc : memref<!tpu.dma_semaphore, #tpu.memory_space<semaphore_mem>>
      %dma_start3A = arith.constant 0 : i32
      %dma_start3A_48 = arith.constant 0 : i32
      %dma_start3A_49 = tpu.memref_slice %arg5[%arg0, %arg1, %dma_start3A, %dma_start3A_48] : memref<2x16x625x128xf32, #tpu.memory_space<hbm>> -> memref<1x1x625x128xf32, #tpu.memory_space<hbm>>
      %dma_start3A_50 = tpu.memref_squeeze %dma_start3A_49 : memref<1x1x625x128xf32, #tpu.memory_space<hbm>> -> memref<625x128xf32, #tpu.memory_space<hbm>>
      %dma_start3A_51 = arith.constant 0 : i32
      %dma_start3A_52 = tpu.memref_slice %arg11[%mul3A_47, %dma_start3A_51] : memref<10000x128xf32, #tpu.memory_space<vmem_shared>> -> memref<625x128xf32, #tpu.memory_space<vmem_shared>>
      tpu.enqueue_dma source(%dma_start3A_52 : memref<625x128xf32, #tpu.memory_space<vmem_shared>>) target(%dma_start3A_50 : memref<625x128xf32, #tpu.memory_space<hbm>>) target_semaphore(%run_scoped3A : memref<!tpu.dma_semaphore, #tpu.memory_space<semaphore_mem>>)
      %dma_wait3A = arith.constant 0 : i32
      %dma_wait3A_53 = arith.constant 0 : i32
      %dma_wait3A_54 = tpu.memref_slice %arg5[%arg0, %arg1, %dma_wait3A, %dma_wait3A_53] : memref<2x16x625x128xf32, #tpu.memory_space<hbm>> -> memref<1x1x625x128xf32, #tpu.memory_space<hbm>>
      %dma_wait3A_55 = tpu.memref_squeeze %dma_wait3A_54 : memref<1x1x625x128xf32, #tpu.memory_space<hbm>> -> memref<625x128xf32, #tpu.memory_space<hbm>>
      %dma_wait3A_56 = arith.constant 0 : i32
      %dma_wait3A_57 = tpu.memref_slice %arg11[%mul3A_47, %dma_wait3A_56] : memref<10000x128xf32, #tpu.memory_space<vmem_shared>> -> memref<625x128xf32, #tpu.memory_space<vmem_shared>>
      tpu.wait_dma2 semaphore(%run_scoped3A : memref<!tpu.dma_semaphore, #tpu.memory_space<semaphore_mem>>) src(%dma_wait3A_57 : memref<625x128xf32, #tpu.memory_space<vmem_shared>>) dst(%dma_wait3A_55 : memref<625x128xf32, #tpu.memory_space<hbm>>)
      tpu.yield
    }) : () -> ()
    return
  }
}

#map = affine_map<(d0, d1) -> (0, 0, 0, 0)>
module attributes {stable_mosaic.version = 14 : i64} {
  func.func @_deg_hist(%arg0: i32, %arg1: i32, %arg2: memref<32x5x25x80xi32, #tpu.memory_space<hbm>>, %arg3: memref<2x16x625x128xf32, #tpu.memory_space<hbm>>, %arg4: memref<25x80xi32, #tpu.memory_space<vmem>>, %arg5: memref<80x128xf32, #tpu.memory_space<vmem>>, %arg6: memref<25x128xf32, #tpu.memory_space<vmem>>, %arg7: memref<10000x128xf32, #tpu.memory_space<vmem_shared>>) attributes {dimension_semantics = [#tpu.dimension_semantics<core_parallel>, #tpu.dimension_semantics<subcore_parallel>], iteration_bounds = array<i64: 2, 16>, scalar_prefetch = 0 : i64, scratch_operands = 4 : i64, tpu.core_type = #tpu.core_type<sc_vector_subcore>, window_params = [{transform_indices = #map}, {transform_indices = #map}]} {
    %mul3A = arith.constant 16 : i32
    %mul3A_0 = arith.muli %arg0, %mul3A : i32
    %add3A = arith.addi %mul3A_0, %arg1 : i32
    %scan3A = arith.constant 0 : i32
    %scan3A_1 = arith.constant 0 : i32
    %scan3A_2 = arith.constant 80 : i32
    %scan3A_3 = arith.addi %scan3A_1, %scan3A_2 : i32
    %scan3A_4 = arith.constant 1 : i32
    scf.for %scan3A_27 = %scan3A_1 to %scan3A_3 step %scan3A_4  : i32 {
      %broadcast_in_dim3A = arith.constant 1.000000e+00 : f32
      %broadcast_in_dim3A_28 = vector.broadcast %broadcast_in_dim3A : f32 to vector<16xf32>
      %swap3A = arith.index_cast %scan3A_27 : i32 to index
      %swap3A_29 = arith.constant 0 : index
      %swap3A_30 = tpu.vector_load %arg5[%swap3A, %swap3A_29] {strides = array<i32>} : memref<80x128xf32, #tpu.memory_space<vmem>>, vector<1x16xf32>,
      %swap3A_31 = vector.shape_cast %swap3A_30 : vector<1x16xf32> to vector<16xf32>
      %swap3A_32 = vector.shape_cast %broadcast_in_dim3A_28 : vector<16xf32> to vector<1x16xf32>
      tpu.vector_store %arg5[%swap3A, %swap3A_29], %swap3A_32 {strides = array<i32>} : memref<80x128xf32, #tpu.memory_space<vmem>>, vector<1x16xf32>,
      %broadcast_in_dim3A_33 = arith.constant 1.000000e+00 : f32
      %broadcast_in_dim3A_34 = vector.broadcast %broadcast_in_dim3A_33 : f32 to vector<16xf32>
      %swap3A_35 = arith.index_cast %scan3A_27 : i32 to index
      %swap3A_36 = arith.constant 16 : index
      %swap3A_37 = tpu.vector_load %arg5[%swap3A_35, %swap3A_36] {strides = array<i32>} : memref<80x128xf32, #tpu.memory_space<vmem>>, vector<1x16xf32>,
      %swap3A_38 = vector.shape_cast %swap3A_37 : vector<1x16xf32> to vector<16xf32>
      %swap3A_39 = vector.shape_cast %broadcast_in_dim3A_34 : vector<16xf32> to vector<1x16xf32>
      tpu.vector_store %arg5[%swap3A_35, %swap3A_36], %swap3A_39 {strides = array<i32>} : memref<80x128xf32, #tpu.memory_space<vmem>>, vector<1x16xf32>,
      %broadcast_in_dim3A_40 = arith.constant 1.000000e+00 : f32
      %broadcast_in_dim3A_41 = vector.broadcast %broadcast_in_dim3A_40 : f32 to vector<16xf32>
      %swap3A_42 = arith.index_cast %scan3A_27 : i32 to index
      %swap3A_43 = arith.constant 32 : index
      %swap3A_44 = tpu.vector_load %arg5[%swap3A_42, %swap3A_43] {strides = array<i32>} : memref<80x128xf32, #tpu.memory_space<vmem>>, vector<1x16xf32>,
      %swap3A_45 = vector.shape_cast %swap3A_44 : vector<1x16xf32> to vector<16xf32>
      %swap3A_46 = vector.shape_cast %broadcast_in_dim3A_41 : vector<16xf32> to vector<1x16xf32>
      tpu.vector_store %arg5[%swap3A_42, %swap3A_43], %swap3A_46 {strides = array<i32>} : memref<80x128xf32, #tpu.memory_space<vmem>>, vector<1x16xf32>,
      %broadcast_in_dim3A_47 = arith.constant 1.000000e+00 : f32
      %broadcast_in_dim3A_48 = vector.broadcast %broadcast_in_dim3A_47 : f32 to vector<16xf32>
      %swap3A_49 = arith.index_cast %scan3A_27 : i32 to index
      %swap3A_50 = arith.constant 48 : index
      %swap3A_51 = tpu.vector_load %arg5[%swap3A_49, %swap3A_50] {strides = array<i32>} : memref<80x128xf32, #tpu.memory_space<vmem>>, vector<1x16xf32>,
      %swap3A_52 = vector.shape_cast %swap3A_51 : vector<1x16xf32> to vector<16xf32>
      %swap3A_53 = vector.shape_cast %broadcast_in_dim3A_48 : vector<16xf32> to vector<1x16xf32>
      tpu.vector_store %arg5[%swap3A_49, %swap3A_50], %swap3A_53 {strides = array<i32>} : memref<80x128xf32, #tpu.memory_space<vmem>>, vector<1x16xf32>,
      %broadcast_in_dim3A_54 = arith.constant 1.000000e+00 : f32
      %broadcast_in_dim3A_55 = vector.broadcast %broadcast_in_dim3A_54 : f32 to vector<16xf32>
      %swap3A_56 = arith.index_cast %scan3A_27 : i32 to index
      %swap3A_57 = arith.constant 64 : index
      %swap3A_58 = tpu.vector_load %arg5[%swap3A_56, %swap3A_57] {strides = array<i32>} : memref<80x128xf32, #tpu.memory_space<vmem>>, vector<1x16xf32>,
      %swap3A_59 = vector.shape_cast %swap3A_58 : vector<1x16xf32> to vector<16xf32>
      %swap3A_60 = vector.shape_cast %broadcast_in_dim3A_55 : vector<16xf32> to vector<1x16xf32>
      tpu.vector_store %arg5[%swap3A_56, %swap3A_57], %swap3A_60 {strides = array<i32>} : memref<80x128xf32, #tpu.memory_space<vmem>>, vector<1x16xf32>,
      %broadcast_in_dim3A_61 = arith.constant 1.000000e+00 : f32
      %broadcast_in_dim3A_62 = vector.broadcast %broadcast_in_dim3A_61 : f32 to vector<16xf32>
      %swap3A_63 = arith.index_cast %scan3A_27 : i32 to index
      %swap3A_64 = arith.constant 80 : index
      %swap3A_65 = tpu.vector_load %arg5[%swap3A_63, %swap3A_64] {strides = array<i32>} : memref<80x128xf32, #tpu.memory_space<vmem>>, vector<1x16xf32>,
      %swap3A_66 = vector.shape_cast %swap3A_65 : vector<1x16xf32> to vector<16xf32>
      %swap3A_67 = vector.shape_cast %broadcast_in_dim3A_62 : vector<16xf32> to vector<1x16xf32>
      tpu.vector_store %arg5[%swap3A_63, %swap3A_64], %swap3A_67 {strides = array<i32>} : memref<80x128xf32, #tpu.memory_space<vmem>>, vector<1x16xf32>,
      %broadcast_in_dim3A_68 = arith.constant 1.000000e+00 : f32
      %broadcast_in_dim3A_69 = vector.broadcast %broadcast_in_dim3A_68 : f32 to vector<16xf32>
      %swap3A_70 = arith.index_cast %scan3A_27 : i32 to index
      %swap3A_71 = arith.constant 96 : index
      %swap3A_72 = tpu.vector_load %arg5[%swap3A_70, %swap3A_71] {strides = array<i32>} : memref<80x128xf32, #tpu.memory_space<vmem>>, vector<1x16xf32>,
      %swap3A_73 = vector.shape_cast %swap3A_72 : vector<1x16xf32> to vector<16xf32>
      %swap3A_74 = vector.shape_cast %broadcast_in_dim3A_69 : vector<16xf32> to vector<1x16xf32>
      tpu.vector_store %arg5[%swap3A_70, %swap3A_71], %swap3A_74 {strides = array<i32>} : memref<80x128xf32, #tpu.memory_space<vmem>>, vector<1x16xf32>,
      %broadcast_in_dim3A_75 = arith.constant 1.000000e+00 : f32
      %broadcast_in_dim3A_76 = vector.broadcast %broadcast_in_dim3A_75 : f32 to vector<16xf32>
      %swap3A_77 = arith.index_cast %scan3A_27 : i32 to index
      %swap3A_78 = arith.constant 112 : index
      %swap3A_79 = tpu.vector_load %arg5[%swap3A_77, %swap3A_78] {strides = array<i32>} : memref<80x128xf32, #tpu.memory_space<vmem>>, vector<1x16xf32>,
      %swap3A_80 = vector.shape_cast %swap3A_79 : vector<1x16xf32> to vector<16xf32>
      %swap3A_81 = vector.shape_cast %broadcast_in_dim3A_76 : vector<16xf32> to vector<1x16xf32>
      tpu.vector_store %arg5[%swap3A_77, %swap3A_78], %swap3A_81 {strides = array<i32>} : memref<80x128xf32, #tpu.memory_space<vmem>>, vector<1x16xf32>,
    }
    %scan3A_5 = arith.constant 80 : i32
    %scan3A_6 = arith.constant 0 : i32
    %scan3A_7 = arith.constant 0 : i32
    %scan3A_8 = arith.constant 25 : i32
    %scan3A_9 = arith.addi %scan3A_7, %scan3A_8 : i32
    %scan3A_10 = arith.constant 1 : i32
    scf.for %scan3A_27 = %scan3A_7 to %scan3A_9 step %scan3A_10  : i32 {
      %broadcast_in_dim3A = arith.constant 0.000000e+00 : f32
      %broadcast_in_dim3A_28 = vector.broadcast %broadcast_in_dim3A : f32 to vector<16xf32>
      %swap3A = arith.index_cast %scan3A_27 : i32 to index
      %swap3A_29 = arith.constant 0 : index
      %swap3A_30 = tpu.vector_load %arg6[%swap3A, %swap3A_29] {strides = array<i32>} : memref<25x128xf32, #tpu.memory_space<vmem>>, vector<1x16xf32>,
      %swap3A_31 = vector.shape_cast %swap3A_30 : vector<1x16xf32> to vector<16xf32>
      %swap3A_32 = vector.shape_cast %broadcast_in_dim3A_28 : vector<16xf32> to vector<1x16xf32>
      tpu.vector_store %arg6[%swap3A, %swap3A_29], %swap3A_32 {strides = array<i32>} : memref<25x128xf32, #tpu.memory_space<vmem>>, vector<1x16xf32>,
      %broadcast_in_dim3A_33 = arith.constant 0.000000e+00 : f32
      %broadcast_in_dim3A_34 = vector.broadcast %broadcast_in_dim3A_33 : f32 to vector<16xf32>
      %swap3A_35 = arith.index_cast %scan3A_27 : i32 to index
      %swap3A_36 = arith.constant 16 : index
      %swap3A_37 = tpu.vector_load %arg6[%swap3A_35, %swap3A_36] {strides = array<i32>} : memref<25x128xf32, #tpu.memory_space<vmem>>, vector<1x16xf32>,
      %swap3A_38 = vector.shape_cast %swap3A_37 : vector<1x16xf32> to vector<16xf32>
      %swap3A_39 = vector.shape_cast %broadcast_in_dim3A_34 : vector<16xf32> to vector<1x16xf32>
      tpu.vector_store %arg6[%swap3A_35, %swap3A_36], %swap3A_39 {strides = array<i32>} : memref<25x128xf32, #tpu.memory_space<vmem>>, vector<1x16xf32>,
      %broadcast_in_dim3A_40 = arith.constant 0.000000e+00 : f32
      %broadcast_in_dim3A_41 = vector.broadcast %broadcast_in_dim3A_40 : f32 to vector<16xf32>
      %swap3A_42 = arith.index_cast %scan3A_27 : i32 to index
      %swap3A_43 = arith.constant 32 : index
      %swap3A_44 = tpu.vector_load %arg6[%swap3A_42, %swap3A_43] {strides = array<i32>} : memref<25x128xf32, #tpu.memory_space<vmem>>, vector<1x16xf32>,
      %swap3A_45 = vector.shape_cast %swap3A_44 : vector<1x16xf32> to vector<16xf32>
      %swap3A_46 = vector.shape_cast %broadcast_in_dim3A_41 : vector<16xf32> to vector<1x16xf32>
      tpu.vector_store %arg6[%swap3A_42, %swap3A_43], %swap3A_46 {strides = array<i32>} : memref<25x128xf32, #tpu.memory_space<vmem>>, vector<1x16xf32>,
      %broadcast_in_dim3A_47 = arith.constant 0.000000e+00 : f32
      %broadcast_in_dim3A_48 = vector.broadcast %broadcast_in_dim3A_47 : f32 to vector<16xf32>
      %swap3A_49 = arith.index_cast %scan3A_27 : i32 to index
      %swap3A_50 = arith.constant 48 : index
      %swap3A_51 = tpu.vector_load %arg6[%swap3A_49, %swap3A_50] {strides = array<i32>} : memref<25x128xf32, #tpu.memory_space<vmem>>, vector<1x16xf32>,
      %swap3A_52 = vector.shape_cast %swap3A_51 : vector<1x16xf32> to vector<16xf32>
      %swap3A_53 = vector.shape_cast %broadcast_in_dim3A_48 : vector<16xf32> to vector<1x16xf32>
      tpu.vector_store %arg6[%swap3A_49, %swap3A_50], %swap3A_53 {strides = array<i32>} : memref<25x128xf32, #tpu.memory_space<vmem>>, vector<1x16xf32>,
      %broadcast_in_dim3A_54 = arith.constant 0.000000e+00 : f32
      %broadcast_in_dim3A_55 = vector.broadcast %broadcast_in_dim3A_54 : f32 to vector<16xf32>
      %swap3A_56 = arith.index_cast %scan3A_27 : i32 to index
      %swap3A_57 = arith.constant 64 : index
      %swap3A_58 = tpu.vector_load %arg6[%swap3A_56, %swap3A_57] {strides = array<i32>} : memref<25x128xf32, #tpu.memory_space<vmem>>, vector<1x16xf32>,
      %swap3A_59 = vector.shape_cast %swap3A_58 : vector<1x16xf32> to vector<16xf32>
      %swap3A_60 = vector.shape_cast %broadcast_in_dim3A_55 : vector<16xf32> to vector<1x16xf32>
      tpu.vector_store %arg6[%swap3A_56, %swap3A_57], %swap3A_60 {strides = array<i32>} : memref<25x128xf32, #tpu.memory_space<vmem>>, vector<1x16xf32>,
      %broadcast_in_dim3A_61 = arith.constant 0.000000e+00 : f32
      %broadcast_in_dim3A_62 = vector.broadcast %broadcast_in_dim3A_61 : f32 to vector<16xf32>
      %swap3A_63 = arith.index_cast %scan3A_27 : i32 to index
      %swap3A_64 = arith.constant 80 : index
      %swap3A_65 = tpu.vector_load %arg6[%swap3A_63, %swap3A_64] {strides = array<i32>} : memref<25x128xf32, #tpu.memory_space<vmem>>, vector<1x16xf32>,
      %swap3A_66 = vector.shape_cast %swap3A_65 : vector<1x16xf32> to vector<16xf32>
      %swap3A_67 = vector.shape_cast %broadcast_in_dim3A_62 : vector<16xf32> to vector<1x16xf32>
      tpu.vector_store %arg6[%swap3A_63, %swap3A_64], %swap3A_67 {strides = array<i32>} : memref<25x128xf32, #tpu.memory_space<vmem>>, vector<1x16xf32>,
      %broadcast_in_dim3A_68 = arith.constant 0.000000e+00 : f32
      %broadcast_in_dim3A_69 = vector.broadcast %broadcast_in_dim3A_68 : f32 to vector<16xf32>
      %swap3A_70 = arith.index_cast %scan3A_27 : i32 to index
      %swap3A_71 = arith.constant 96 : index
      %swap3A_72 = tpu.vector_load %arg6[%swap3A_70, %swap3A_71] {strides = array<i32>} : memref<25x128xf32, #tpu.memory_space<vmem>>, vector<1x16xf32>,
      %swap3A_73 = vector.shape_cast %swap3A_72 : vector<1x16xf32> to vector<16xf32>
      %swap3A_74 = vector.shape_cast %broadcast_in_dim3A_69 : vector<16xf32> to vector<1x16xf32>
      tpu.vector_store %arg6[%swap3A_70, %swap3A_71], %swap3A_74 {strides = array<i32>} : memref<25x128xf32, #tpu.memory_space<vmem>>, vector<1x16xf32>,
      %broadcast_in_dim3A_75 = arith.constant 0.000000e+00 : f32
      %broadcast_in_dim3A_76 = vector.broadcast %broadcast_in_dim3A_75 : f32 to vector<16xf32>
      %swap3A_77 = arith.index_cast %scan3A_27 : i32 to index
      %swap3A_78 = arith.constant 112 : index
      %swap3A_79 = tpu.vector_load %arg6[%swap3A_77, %swap3A_78] {strides = array<i32>} : memref<25x128xf32, #tpu.memory_space<vmem>>, vector<1x16xf32>,
      %swap3A_80 = vector.shape_cast %swap3A_79 : vector<1x16xf32> to vector<16xf32>
      %swap3A_81 = vector.shape_cast %broadcast_in_dim3A_76 : vector<16xf32> to vector<1x16xf32>
      tpu.vector_store %arg6[%swap3A_77, %swap3A_78], %swap3A_81 {strides = array<i32>} : memref<25x128xf32, #tpu.memory_space<vmem>>, vector<1x16xf32>,
    }
    %scan3A_11 = arith.constant 25 : i32
    %scan3A_12 = arith.constant 0 : i32
    %scan3A_13 = arith.constant 0 : i32
    %scan3A_14 = arith.constant 25 : i32
    %scan3A_15 = arith.addi %scan3A_13, %scan3A_14 : i32
    %scan3A_16 = arith.constant 1 : i32
    scf.for %scan3A_27 = %scan3A_13 to %scan3A_15 step %scan3A_16  : i32 {
      %mul3A_28 = arith.constant 625 : i32
      %mul3A_29 = arith.muli %arg1, %mul3A_28 : i32
      %mul3A_30 = arith.constant 25 : i32
      %mul3A_31 = arith.muli %scan3A_27, %mul3A_30 : i32
      %add3A_32 = arith.addi %mul3A_29, %mul3A_31 : i32
      "tpu.region"() ({
        %run_scoped3A = tpu.sem_alloc : memref<!tpu.dma_semaphore, #tpu.memory_space<semaphore_mem>>
        %dma_start3A = arith.constant 0 : i32
        %dma_start3A_33 = tpu.memref_slice %arg7[%add3A_32, %dma_start3A] : memref<10000x128xf32, #tpu.memory_space<vmem_shared>> -> memref<25x128xf32, #tpu.memory_space<vmem_shared>>
        %dma_start3A_34 = arith.constant 0 : i32
        %dma_start3A_35 = tpu.memref_slice %arg7[%add3A_32, %dma_start3A_34] : memref<10000x128xf32, #tpu.memory_space<vmem_shared>> -> memref<25x128xf32, #tpu.memory_space<vmem_shared>>
        tpu.enqueue_dma source(%arg6 : memref<25x128xf32, #tpu.memory_space<vmem>>) target(%dma_start3A_35 : memref<25x128xf32, #tpu.memory_space<vmem_shared>>) target_semaphore(%run_scoped3A : memref<!tpu.dma_semaphore, #tpu.memory_space<semaphore_mem>>)
        %dma_wait3A = arith.constant 0 : i32
        %dma_wait3A_36 = tpu.memref_slice %arg7[%add3A_32, %dma_wait3A] : memref<10000x128xf32, #tpu.memory_space<vmem_shared>> -> memref<25x128xf32, #tpu.memory_space<vmem_shared>>
        %dma_wait3A_37 = arith.constant 0 : i32
        %dma_wait3A_38 = tpu.memref_slice %arg7[%add3A_32, %dma_wait3A_37] : memref<10000x128xf32, #tpu.memory_space<vmem_shared>> -> memref<25x128xf32, #tpu.memory_space<vmem_shared>>
        tpu.wait_dma2 semaphore(%run_scoped3A : memref<!tpu.dma_semaphore, #tpu.memory_space<semaphore_mem>>) src(%arg6 : memref<25x128xf32, #tpu.memory_space<vmem>>) dst(%dma_wait3A_38 : memref<25x128xf32, #tpu.memory_space<vmem_shared>>)
        tpu.yield
      }) : () -> ()
    }
    %scan3A_17 = arith.constant 25 : i32
    %barrier3A = arith.constant 0 : index
    tpu.barrier barrier_id(%barrier3A)
    %scan3A_18 = arith.constant 0 : i32
    %scan3A_19 = arith.constant 0 : i32
    %scan3A_20 = arith.constant 5 : i32
    %scan3A_21 = arith.addi %scan3A_19, %scan3A_20 : i32
    %scan3A_22 = arith.constant 1 : i32
    scf.for %scan3A_27 = %scan3A_19 to %scan3A_21 step %scan3A_22  : i32 {
      "tpu.region"() ({
        %run_scoped3A = tpu.sem_alloc : memref<!tpu.dma_semaphore, #tpu.memory_space<semaphore_mem>>
        %dma_start3A = arith.constant 0 : i32
        %dma_start3A_34 = arith.constant 0 : i32
        %dma_start3A_35 = tpu.memref_slice %arg2[%add3A, %scan3A_27, %dma_start3A, %dma_start3A_34] : memref<32x5x25x80xi32, #tpu.memory_space<hbm>> -> memref<1x1x25x80xi32, #tpu.memory_space<hbm>>
        %dma_start3A_36 = tpu.memref_squeeze %dma_start3A_35 : memref<1x1x25x80xi32, #tpu.memory_space<hbm>> -> memref<25x80xi32, #tpu.memory_space<hbm>>
        %dma_start3A_37 = arith.constant 0 : i32
        %dma_start3A_38 = arith.constant 0 : i32
        %dma_start3A_39 = tpu.memref_slice %arg2[%add3A, %scan3A_27, %dma_start3A_37, %dma_start3A_38] : memref<32x5x25x80xi32, #tpu.memory_space<hbm>> -> memref<1x1x25x80xi32, #tpu.memory_space<hbm>>
        %dma_start3A_40 = tpu.memref_squeeze %dma_start3A_39 : memref<1x1x25x80xi32, #tpu.memory_space<hbm>> -> memref<25x80xi32, #tpu.memory_space<hbm>>
        tpu.enqueue_dma source(%dma_start3A_40 : memref<25x80xi32, #tpu.memory_space<hbm>>) target(%arg4 : memref<25x80xi32, #tpu.memory_space<vmem>>) target_semaphore(%run_scoped3A : memref<!tpu.dma_semaphore, #tpu.memory_space<semaphore_mem>>)
        %dma_wait3A = arith.constant 0 : i32
        %dma_wait3A_41 = arith.constant 0 : i32
        %dma_wait3A_42 = tpu.memref_slice %arg2[%add3A, %scan3A_27, %dma_wait3A, %dma_wait3A_41] : memref<32x5x25x80xi32, #tpu.memory_space<hbm>> -> memref<1x1x25x80xi32, #tpu.memory_space<hbm>>
        %dma_wait3A_43 = tpu.memref_squeeze %dma_wait3A_42 : memref<1x1x25x80xi32, #tpu.memory_space<hbm>> -> memref<25x80xi32, #tpu.memory_space<hbm>>
        %dma_wait3A_44 = arith.constant 0 : i32
        %dma_wait3A_45 = arith.constant 0 : i32
        %dma_wait3A_46 = tpu.memref_slice %arg2[%add3A, %scan3A_27, %dma_wait3A_44, %dma_wait3A_45] : memref<32x5x25x80xi32, #tpu.memory_space<hbm>> -> memref<1x1x25x80xi32, #tpu.memory_space<hbm>>
        %dma_wait3A_47 = tpu.memref_squeeze %dma_wait3A_46 : memref<1x1x25x80xi32, #tpu.memory_space<hbm>> -> memref<25x80xi32, #tpu.memory_space<hbm>>
        tpu.wait_dma2 semaphore(%run_scoped3A : memref<!tpu.dma_semaphore, #tpu.memory_space<semaphore_mem>>) src(%dma_wait3A_47 : memref<25x80xi32, #tpu.memory_space<hbm>>) dst(%arg4 : memref<25x80xi32, #tpu.memory_space<vmem>>)
        tpu.yield
      }) : () -> ()
      %scan3A_28 = arith.constant 0 : i32
      %scan3A_29 = arith.constant 0 : i32
      %scan3A_30 = arith.constant 25 : i32
      %scan3A_31 = arith.addi %scan3A_29, %scan3A_30 : i32
      %scan3A_32 = arith.constant 1 : i32
      scf.for %scan3A_34 = %scan3A_29 to %scan3A_31 step %scan3A_32  : i32 {
        "tpu.region"() ({
          %run_scoped3A = tpu.sem_alloc : memref<!tpu.dma_semaphore, #tpu.memory_space<semaphore_mem>>
          %dma_start3A = arith.constant 0 : i32
          %dma_start3A_35 = tpu.memref_slice %arg4[%scan3A_34, %dma_start3A] : memref<25x80xi32, #tpu.memory_space<vmem>> -> memref<1x80xi32, #tpu.memory_space<vmem>>
          %dma_start3A_36 = tpu.memref_squeeze %dma_start3A_35 : memref<1x80xi32, #tpu.memory_space<vmem>> -> memref<80xi32, #tpu.memory_space<vmem>>
          %dma_start3A_37 = arith.constant 0 : i32
          %dma_start3A_38 = arith.constant 0 : i32
          %dma_start3A_39 = tpu.memref_slice %arg7[%dma_start3A_37, %dma_start3A_38] : memref<10000x128xf32, #tpu.memory_space<vmem_shared>> -> memref<10000x128xf32, #tpu.memory_space<vmem_shared>>
          tpu.enqueue_indirect_dma source(%arg5 : memref<80x128xf32, #tpu.memory_space<vmem>>) target(%dma_start3A_39 : memref<10000x128xf32, #tpu.memory_space<vmem_shared>>) offsets(%dma_start3A_36 : memref<80xi32, #tpu.memory_space<vmem>>) semaphore(%run_scoped3A : memref<!tpu.dma_semaphore, #tpu.memory_space<semaphore_mem>>) {add = true}
          %dma_wait3A = arith.constant 0 : i32
          %dma_wait3A_40 = tpu.memref_slice %arg4[%scan3A_34, %dma_wait3A] : memref<25x80xi32, #tpu.memory_space<vmem>> -> memref<1x80xi32, #tpu.memory_space<vmem>>
          %dma_wait3A_41 = tpu.memref_squeeze %dma_wait3A_40 : memref<1x80xi32, #tpu.memory_space<vmem>> -> memref<80xi32, #tpu.memory_space<vmem>>
          %dma_wait3A_42 = arith.constant 0 : i32
          %dma_wait3A_43 = arith.constant 0 : i32
          %dma_wait3A_44 = tpu.memref_slice %arg7[%dma_wait3A_42, %dma_wait3A_43] : memref<10000x128xf32, #tpu.memory_space<vmem_shared>> -> memref<10000x128xf32, #tpu.memory_space<vmem_shared>>
          tpu.wait_indirect_dma semaphore(%run_scoped3A : memref<!tpu.dma_semaphore, #tpu.memory_space<semaphore_mem>>) src(%arg5 : memref<80x128xf32, #tpu.memory_space<vmem>>) dst(%dma_wait3A_44 : memref<10000x128xf32, #tpu.memory_space<vmem_shared>>)
          tpu.yield
        }) : () -> ()
      }
      %scan3A_33 = arith.constant 25 : i32
    }
    %scan3A_23 = arith.constant 5 : i32
    %barrier3A_24 = arith.constant 0 : index
    tpu.barrier barrier_id(%barrier3A_24)
    %mul3A_25 = arith.constant 625 : i32
    %mul3A_26 = arith.muli %arg1, %mul3A_25 : i32
    "tpu.region"() ({
      %run_scoped3A = tpu.sem_alloc : memref<!tpu.dma_semaphore, #tpu.memory_space<semaphore_mem>>
      %dma_start3A = arith.constant 0 : i32
      %dma_start3A_27 = arith.constant 0 : i32
      %dma_start3A_28 = tpu.memref_slice %arg3[%arg0, %arg1, %dma_start3A, %dma_start3A_27] : memref<2x16x625x128xf32, #tpu.memory_space<hbm>> -> memref<1x1x625x128xf32, #tpu.memory_space<hbm>>
      %dma_start3A_29 = tpu.memref_squeeze %dma_start3A_28 : memref<1x1x625x128xf32, #tpu.memory_space<hbm>> -> memref<625x128xf32, #tpu.memory_space<hbm>>
      %dma_start3A_30 = arith.constant 0 : i32
      %dma_start3A_31 = tpu.memref_slice %arg7[%mul3A_26, %dma_start3A_30] : memref<10000x128xf32, #tpu.memory_space<vmem_shared>> -> memref<625x128xf32, #tpu.memory_space<vmem_shared>>
      tpu.enqueue_dma source(%dma_start3A_31 : memref<625x128xf32, #tpu.memory_space<vmem_shared>>) target(%dma_start3A_29 : memref<625x128xf32, #tpu.memory_space<hbm>>) target_semaphore(%run_scoped3A : memref<!tpu.dma_semaphore, #tpu.memory_space<semaphore_mem>>)
      %dma_wait3A = arith.constant 0 : i32
      %dma_wait3A_32 = arith.constant 0 : i32
      %dma_wait3A_33 = tpu.memref_slice %arg3[%arg0, %arg1, %dma_wait3A, %dma_wait3A_32] : memref<2x16x625x128xf32, #tpu.memory_space<hbm>> -> memref<1x1x625x128xf32, #tpu.memory_space<hbm>>
      %dma_wait3A_34 = tpu.memref_squeeze %dma_wait3A_33 : memref<1x1x625x128xf32, #tpu.memory_space<hbm>> -> memref<625x128xf32, #tpu.memory_space<hbm>>
      %dma_wait3A_35 = arith.constant 0 : i32
      %dma_wait3A_36 = tpu.memref_slice %arg7[%mul3A_26, %dma_wait3A_35] : memref<10000x128xf32, #tpu.memory_space<vmem_shared>> -> memref<625x128xf32, #tpu.memory_space<vmem_shared>>
      tpu.wait_dma2 semaphore(%run_scoped3A : memref<!tpu.dma_semaphore, #tpu.memory_space<semaphore_mem>>) src(%dma_wait3A_36 : memref<625x128xf32, #tpu.memory_space<vmem_shared>>) dst(%dma_wait3A_34 : memref<625x128xf32, #tpu.memory_space<hbm>>)
      tpu.yield
    }) : () -> ()
    return
  }
}

module attributes {stable_mosaic.version = 14 : i64} {
  func.func @_tc1_body(%arg0: i32, %arg1: memref<1000x2xf32, #tpu.memory_space<vmem>>, %arg2: memref<1000x128xf32, #tpu.memory_space<vmem>>, %arg3: memref<128x128xf32, #tpu.memory_space<vmem>>, %arg4: memref<1000x128xf32, #tpu.memory_space<vmem>>, %arg5: memref<1000x1xf32, #tpu.memory_space<vmem>>) attributes {dimension_semantics = [#tpu.dimension_semantics<arbitrary>], iteration_bounds = array<i64: 10>, scalar_prefetch = 0 : i64, scratch_operands = 0 : i64, tpu.core_type = #tpu.core_type<tc>, window_params = [{transform_indices = @transform_0, window_bounds = array<i64: 1000, 2>}, {transform_indices = @transform_1, window_bounds = array<i64: 1000, 128>}, {pipeline_mode = #tpu.pipeline_mode<synchronous>, transform_indices = @transform_2, window_bounds = array<i64: 128, 128>}, {transform_indices = @transform_3, window_bounds = array<i64: 1000, 128>}, {transform_indices = @transform_4, window_bounds = array<i64: 1000, 1>}]} {
    %get3A = arith.constant 0 : index
    %get3A_0 = arith.constant 0 : index
    %get3A_1 = vector.load %arg1[%get3A, %get3A_0] : memref<1000x2xf32, #tpu.memory_space<vmem>>, vector<1000x2xf32>
    %slice3A = vector.extract_strided_slice %get3A_1 {offsets = [0, 0], sizes = [1000, 1], strides = [1, 1]} : vector<1000x2xf32> to vector<1000x1xf32>
    %slice3A_2 = vector.extract_strided_slice %get3A_1 {offsets = [0, 1], sizes = [1000, 1], strides = [1, 1]} : vector<1000x2xf32> to vector<1000x1xf32>
    %add3A = arith.addf %slice3A, %slice3A_2 : vector<1000x1xf32>
    %add3A_3 = arith.constant 1.000000e+00 : f32
    %add3A_4 = vector.broadcast %add3A_3 : f32 to vector<1000x1xf32>
    %add3A_5 = arith.addf %add3A, %add3A_4 : vector<1000x1xf32>
    %max3A = arith.constant 1.000000e+00 : f32
    %max3A_6 = vector.broadcast %max3A : f32 to vector<1000x1xf32>
    %max3A_7 = arith.maximumf %add3A_5, %max3A_6 : vector<1000x1xf32>
    %rsqrt3A = math.rsqrt %max3A_7 : vector<1000x1xf32>
    %get3A_8 = arith.constant 0 : index
    %get3A_9 = arith.constant 0 : index
    %get3A_10 = vector.load %arg2[%get3A_8, %get3A_9] : memref<1000x128xf32, #tpu.memory_space<vmem>>, vector<1000x128xf32>
    %get3A_11 = arith.constant 0 : index
    %get3A_12 = arith.constant 0 : index
    %get3A_13 = vector.load %arg3[%get3A_11, %get3A_12] : memref<128x128xf32, #tpu.memory_space<vmem>>, vector<128x128xf32>
    %dot_general3A = arith.constant dense<0.000000e+00> : vector<1000x128xf32>
    %dot_general3A_14 = tpu.matmul %get3A_10, %get3A_13, %dot_general3A {dimension_numbers = #tpu.dot_dimension_numbers<[1], [0], [0], [1], [0, 0, 1, 1], [], []>, transpose_lhs_hint = false} : vector<1000x128xf32>, vector<128x128xf32>, vector<1000x128xf32> -> vector<1000x128xf32>
    %mul3A = vector.broadcast %rsqrt3A : vector<1000x1xf32> to vector<1000x128xf32>
    %mul3A_15 = arith.mulf %dot_general3A_14, %mul3A : vector<1000x128xf32>
    %swap3A = arith.constant 0 : index
    %swap3A_16 = arith.constant 0 : index
    %swap3A_17 = vector.load %arg4[%swap3A, %swap3A_16] : memref<1000x128xf32, #tpu.memory_space<vmem>>, vector<1000x128xf32>
    tpu.vector_store %arg4[%swap3A, %swap3A_16], %mul3A_15 {strides = array<i32>} : memref<1000x128xf32, #tpu.memory_space<vmem>>, vector<1000x128xf32>,
    %swap3A_18 = arith.constant 0 : index
    %swap3A_19 = arith.constant 0 : index
    %swap3A_20 = vector.load %arg5[%swap3A_18, %swap3A_19] : memref<1000x1xf32, #tpu.memory_space<vmem>>, vector<1000x1xf32>
    tpu.vector_store %arg5[%swap3A_18, %swap3A_19], %rsqrt3A {strides = array<i32>} : memref<1000x1xf32, #tpu.memory_space<vmem>>, vector<1000x1xf32>,
    return
  }
  func.func @transform_0(%arg0: i32) -> (i32, i32) {
    %c0_i32 = arith.constant 0 : i32
    %c0_i32_0 = arith.constant 0 : i32
    return %arg0, %c0_i32 : i32, i32
  }
  func.func @transform_1(%arg0: i32) -> (i32, i32) {
    %c0_i32 = arith.constant 0 : i32
    %c0_i32_0 = arith.constant 0 : i32
    return %arg0, %c0_i32 : i32, i32
  }
  func.func @transform_2(%arg0: i32) -> (i32, i32) {
    %c0_i32 = arith.constant 0 : i32
    %c0_i32_0 = arith.constant 0 : i32
    %c0_i32_1 = arith.constant 0 : i32
    return %c0_i32, %c0_i32_0 : i32, i32
  }
  func.func @transform_3(%arg0: i32) -> (i32, i32) {
    %c0_i32 = arith.constant 0 : i32
    %c0_i32_0 = arith.constant 0 : i32
    return %arg0, %c0_i32 : i32, i32
  }
  func.func @transform_4(%arg0: i32) -> (i32, i32) {
    %c0_i32 = arith.constant 0 : i32
    %c0_i32_0 = arith.constant 0 : i32
    return %arg0, %c0_i32 : i32, i32
  }
}

module attributes {stable_mosaic.version = 14 : i64} {
  func.func @_tc2_body(%arg0: i32, %arg1: memref<2x1000x128xf32, #tpu.memory_space<vmem>>, %arg2: memref<1000x128xf32, #tpu.memory_space<vmem>>, %arg3: memref<1000x1xf32, #tpu.memory_space<vmem>>, %arg4: memref<1x128xf32, #tpu.memory_space<vmem>>, %arg5: memref<1000x128xf32, #tpu.memory_space<vmem>>) attributes {dimension_semantics = [#tpu.dimension_semantics<arbitrary>], iteration_bounds = array<i64: 10>, scalar_prefetch = 0 : i64, scratch_operands = 0 : i64, tpu.core_type = #tpu.core_type<tc>, window_params = [{transform_indices = @transform_0, window_bounds = array<i64: 2, 1000, 128>}, {transform_indices = @transform_1, window_bounds = array<i64: 1000, 128>}, {transform_indices = @transform_2, window_bounds = array<i64: 1000, 1>}, {pipeline_mode = #tpu.pipeline_mode<synchronous>, transform_indices = @transform_3, window_bounds = array<i64: 1, 128>}, {transform_indices = @transform_4, window_bounds = array<i64: 1000, 128>}]} {
    %get3A = arith.constant 0 : index
    %get3A_0 = arith.constant 0 : index
    %get3A_1 = arith.constant 0 : index
    %get3A_2 = vector.load %arg1[%get3A, %get3A_0, %get3A_1] : memref<2x1000x128xf32, #tpu.memory_space<vmem>>, vector<2x1000x128xf32>
    %get3A_3 = arith.constant 0 : index
    %get3A_4 = arith.constant 0 : index
    %get3A_5 = vector.load %arg3[%get3A_3, %get3A_4] : memref<1000x1xf32, #tpu.memory_space<vmem>>, vector<1000x1xf32>
    %slice3A = vector.extract_strided_slice %get3A_2 {offsets = [0, 0, 0], sizes = [1, 1000, 128], strides = [1, 1, 1]} : vector<2x1000x128xf32> to vector<1x1000x128xf32>
    %squeeze3A = vector.shape_cast %slice3A : vector<1x1000x128xf32> to vector<1000x128xf32>
    %slice3A_6 = vector.extract_strided_slice %get3A_2 {offsets = [1, 0, 0], sizes = [1, 1000, 128], strides = [1, 1, 1]} : vector<2x1000x128xf32> to vector<1x1000x128xf32>
    %squeeze3A_7 = vector.shape_cast %slice3A_6 : vector<1x1000x128xf32> to vector<1000x128xf32>
    %add3A = arith.addf %squeeze3A, %squeeze3A_7 : vector<1000x128xf32>
    %get3A_8 = arith.constant 0 : index
    %get3A_9 = arith.constant 0 : index
    %get3A_10 = vector.load %arg2[%get3A_8, %get3A_9] : memref<1000x128xf32, #tpu.memory_space<vmem>>, vector<1000x128xf32>
    %add3A_11 = arith.addf %add3A, %get3A_10 : vector<1000x128xf32>
    %mul3A = vector.broadcast %get3A_5 : vector<1000x1xf32> to vector<1000x128xf32>
    %mul3A_12 = arith.mulf %add3A_11, %mul3A : vector<1000x128xf32>
    %get3A_13 = arith.constant 0 : index
    %get3A_14 = arith.constant 0 : index
    %get3A_15 = vector.load %arg4[%get3A_13, %get3A_14] : memref<1x128xf32, #tpu.memory_space<vmem>>, vector<1x128xf32>
    %add3A_16 = vector.broadcast %get3A_15 : vector<1x128xf32> to vector<1000x128xf32>
    %add3A_17 = arith.addf %mul3A_12, %add3A_16 : vector<1000x128xf32>
    %max3A = arith.constant 0.000000e+00 : f32
    %max3A_18 = vector.broadcast %max3A : f32 to vector<1000x128xf32>
    %max3A_19 = arith.maximumf %add3A_17, %max3A_18 : vector<1000x128xf32>
    %mul3A_20 = vector.broadcast %get3A_5 : vector<1000x1xf32> to vector<1000x128xf32>
    %mul3A_21 = arith.mulf %max3A_19, %mul3A_20 : vector<1000x128xf32>
    %swap3A = arith.constant 0 : index
    %swap3A_22 = arith.constant 0 : index
    %swap3A_23 = vector.load %arg5[%swap3A, %swap3A_22] : memref<1000x128xf32, #tpu.memory_space<vmem>>, vector<1000x128xf32>
    tpu.vector_store %arg5[%swap3A, %swap3A_22], %mul3A_21 {strides = array<i32>} : memref<1000x128xf32, #tpu.memory_space<vmem>>, vector<1000x128xf32>,
    return
  }
  func.func @transform_0(%arg0: i32) -> (i32, i32, i32) {
    %c0_i32 = arith.constant 0 : i32
    %c0_i32_0 = arith.constant 0 : i32
    %c0_i32_1 = arith.constant 0 : i32
    return %c0_i32, %arg0, %c0_i32_0 : i32, i32, i32
  }
  func.func @transform_1(%arg0: i32) -> (i32, i32) {
    %c0_i32 = arith.constant 0 : i32
    %c0_i32_0 = arith.constant 0 : i32
    return %arg0, %c0_i32 : i32, i32
  }
  func.func @transform_2(%arg0: i32) -> (i32, i32) {
    %c0_i32 = arith.constant 0 : i32
    %c0_i32_0 = arith.constant 0 : i32
    return %arg0, %c0_i32 : i32, i32
  }
  func.func @transform_3(%arg0: i32) -> (i32, i32) {
    %c0_i32 = arith.constant 0 : i32
    %c0_i32_0 = arith.constant 0 : i32
    %c0_i32_1 = arith.constant 0 : i32
    return %c0_i32, %c0_i32_0 : i32, i32
  }
  func.func @transform_4(%arg0: i32) -> (i32, i32) {
    %c0_i32 = arith.constant 0 : i32
    %c0_i32_0 = arith.constant 0 : i32
    return %arg0, %c0_i32 : i32, i32
  }
}

module attributes {stable_mosaic.version = 14 : i64} {
  func.func @_tc3_body(%arg0: i32, %arg1: memref<2x1000x128xf32, #tpu.memory_space<vmem>>, %arg2: memref<1000x128xf32, #tpu.memory_space<vmem>>, %arg3: memref<1000x1xf32, #tpu.memory_space<vmem>>, %arg4: memref<128x48xf32, #tpu.memory_space<vmem>>, %arg5: memref<1x48xf32, #tpu.memory_space<vmem>>, %arg6: memref<1000x40xf32, #tpu.memory_space<vmem>>) attributes {dimension_semantics = [#tpu.dimension_semantics<arbitrary>], iteration_bounds = array<i64: 10>, scalar_prefetch = 0 : i64, scratch_operands = 0 : i64, tpu.core_type = #tpu.core_type<tc>, window_params = [{transform_indices = @transform_0, window_bounds = array<i64: 2, 1000, 128>}, {transform_indices = @transform_1, window_bounds = array<i64: 1000, 128>}, {transform_indices = @transform_2, window_bounds = array<i64: 1000, 1>}, {pipeline_mode = #tpu.pipeline_mode<synchronous>, transform_indices = @transform_3, window_bounds = array<i64: 128, 48>}, {pipeline_mode = #tpu.pipeline_mode<synchronous>, transform_indices = @transform_4, window_bounds = array<i64: 1, 48>}, {transform_indices = @transform_5, window_bounds = array<i64: 1000, 40>}]} {
    %get3A = arith.constant 0 : index
    %get3A_0 = arith.constant 0 : index
    %get3A_1 = arith.constant 0 : index
    %get3A_2 = vector.load %arg1[%get3A, %get3A_0, %get3A_1] : memref<2x1000x128xf32, #tpu.memory_space<vmem>>, vector<2x1000x128xf32>
    %slice3A = vector.extract_strided_slice %get3A_2 {offsets = [0, 0, 0], sizes = [1, 1000, 128], strides = [1, 1, 1]} : vector<2x1000x128xf32> to vector<1x1000x128xf32>
    %squeeze3A = vector.shape_cast %slice3A : vector<1x1000x128xf32> to vector<1000x128xf32>
    %slice3A_3 = vector.extract_strided_slice %get3A_2 {offsets = [1, 0, 0], sizes = [1, 1000, 128], strides = [1, 1, 1]} : vector<2x1000x128xf32> to vector<1x1000x128xf32>
    %squeeze3A_4 = vector.shape_cast %slice3A_3 : vector<1x1000x128xf32> to vector<1000x128xf32>
    %add3A = arith.addf %squeeze3A, %squeeze3A_4 : vector<1000x128xf32>
    %get3A_5 = arith.constant 0 : index
    %get3A_6 = arith.constant 0 : index
    %get3A_7 = vector.load %arg2[%get3A_5, %get3A_6] : memref<1000x128xf32, #tpu.memory_space<vmem>>, vector<1000x128xf32>
    %add3A_8 = arith.addf %add3A, %get3A_7 : vector<1000x128xf32>
    %get3A_9 = arith.constant 0 : index
    %get3A_10 = arith.constant 0 : index
    %get3A_11 = vector.load %arg3[%get3A_9, %get3A_10] : memref<1000x1xf32, #tpu.memory_space<vmem>>, vector<1000x1xf32>
    %mul3A = vector.broadcast %get3A_11 : vector<1000x1xf32> to vector<1000x128xf32>
    %mul3A_12 = arith.mulf %add3A_8, %mul3A : vector<1000x128xf32>
    %get3A_13 = arith.constant 0 : index
    %get3A_14 = arith.constant 0 : index
    %get3A_15 = vector.load %arg4[%get3A_13, %get3A_14] : memref<128x48xf32, #tpu.memory_space<vmem>>, vector<128x48xf32>
    %dot_general3A = arith.constant dense<0.000000e+00> : vector<1000x48xf32>
    %dot_general3A_16 = tpu.matmul %mul3A_12, %get3A_15, %dot_general3A {dimension_numbers = #tpu.dot_dimension_numbers<[1], [0], [0], [1], [0, 0, 1, 1], [], []>, transpose_lhs_hint = false} : vector<1000x128xf32>, vector<128x48xf32>, vector<1000x48xf32> -> vector<1000x48xf32>
    %get3A_17 = arith.constant 0 : index
    %get3A_18 = arith.constant 0 : index
    %get3A_19 = vector.load %arg5[%get3A_17, %get3A_18] : memref<1x48xf32, #tpu.memory_space<vmem>>, vector<1x48xf32>
    %add3A_20 = vector.broadcast %get3A_19 : vector<1x48xf32> to vector<1000x48xf32>
    %add3A_21 = arith.addf %dot_general3A_16, %add3A_20 : vector<1000x48xf32>
    %iota3A = tpu.iota {dimensions = array<i32: 1>} : vector<1000x48xi32>
    %lt3A = arith.constant 40 : i32
    %lt3A_22 = vector.broadcast %lt3A : i32 to vector<1000x48xi32>
    %lt3A_23 = arith.cmpi slt, %iota3A, %lt3A_22 : vector<1000x48xi32>
    %jit3A = arith.constant 0xFF800000 : f32
    %broadcast_in_dim3A = vector.broadcast %jit3A : f32 to vector<1000x48xf32>
    %select_n3A = arith.select %lt3A_23, %add3A_21, %broadcast_in_dim3A : vector<1000x48xi1>, vector<1000x48xf32>
    %reduce_max3A = arith.constant dense<0xFF800000> : vector<1000xf32>
    %reduce_max3A_24 = vector.multi_reduction <maximumf>, %select_n3A, %reduce_max3A [1] : vector<1000x48xf32> to vector<1000xf32>
    %broadcast_in_dim3A_25 = vector.shape_cast %reduce_max3A_24 : vector<1000xf32> to vector<1000x1xf32>
    %sub3A = vector.broadcast %broadcast_in_dim3A_25 : vector<1000x1xf32> to vector<1000x48xf32>
    %sub3A_26 = arith.subf %add3A_21, %sub3A : vector<1000x48xf32>
    %exp3A = math.exp %sub3A_26 : vector<1000x48xf32>
    %jit3A_27 = arith.constant 0.000000e+00 : f32
    %broadcast_in_dim3A_28 = vector.broadcast %jit3A_27 : f32 to vector<1000x48xf32>
    %select_n3A_29 = arith.select %lt3A_23, %exp3A, %broadcast_in_dim3A_28 : vector<1000x48xi1>, vector<1000x48xf32>
    %reduce_sum3A = arith.constant dense<0.000000e+00> : vector<1000xf32>
    %reduce_sum3A_30 = vector.multi_reduction <add>, %select_n3A_29, %reduce_sum3A [1] : vector<1000x48xf32> to vector<1000xf32>
    %broadcast_in_dim3A_31 = vector.shape_cast %reduce_sum3A_30 : vector<1000xf32> to vector<1000x1xf32>
    %sub3A_32 = vector.broadcast %broadcast_in_dim3A_25 : vector<1000x1xf32> to vector<1000x48xf32>
    %sub3A_33 = arith.subf %add3A_21, %sub3A_32 : vector<1000x48xf32>
    %log3A = math.log %broadcast_in_dim3A_31 : vector<1000x1xf32>
    %sub3A_34 = vector.broadcast %log3A : vector<1000x1xf32> to vector<1000x48xf32>
    %sub3A_35 = arith.subf %sub3A_33, %sub3A_34 : vector<1000x48xf32>
    %slice3A_36 = vector.extract_strided_slice %sub3A_35 {offsets = [0, 0], sizes = [1000, 40], strides = [1, 1]} : vector<1000x48xf32> to vector<1000x40xf32>
    %swap3A = arith.constant 0 : index
    %swap3A_37 = arith.constant 0 : index
    %swap3A_38 = vector.load %arg6[%swap3A, %swap3A_37] : memref<1000x40xf32, #tpu.memory_space<vmem>>, vector<1000x40xf32>
    tpu.vector_store %arg6[%swap3A, %swap3A_37], %slice3A_36 {strides = array<i32>} : memref<1000x40xf32, #tpu.memory_space<vmem>>, vector<1000x40xf32>,
    return
  }
  func.func @transform_0(%arg0: i32) -> (i32, i32, i32) {
    %c0_i32 = arith.constant 0 : i32
    %c0_i32_0 = arith.constant 0 : i32
    %c0_i32_1 = arith.constant 0 : i32
    return %c0_i32, %arg0, %c0_i32_0 : i32, i32, i32
  }
  func.func @transform_1(%arg0: i32) -> (i32, i32) {
    %c0_i32 = arith.constant 0 : i32
    %c0_i32_0 = arith.constant 0 : i32
    return %arg0, %c0_i32 : i32, i32
  }
  func.func @transform_2(%arg0: i32) -> (i32, i32) {
    %c0_i32 = arith.constant 0 : i32
    %c0_i32_0 = arith.constant 0 : i32
    return %arg0, %c0_i32 : i32, i32
  }
  func.func @transform_3(%arg0: i32) -> (i32, i32) {
    %c0_i32 = arith.constant 0 : i32
    %c0_i32_0 = arith.constant 0 : i32
    %c0_i32_1 = arith.constant 0 : i32
    return %c0_i32, %c0_i32_0 : i32, i32
  }
  func.func @transform_4(%arg0: i32) -> (i32, i32) {
    %c0_i32 = arith.constant 0 : i32
    %c0_i32_0 = arith.constant 0 : i32
    %c0_i32_1 = arith.constant 0 : i32
    return %c0_i32, %c0_i32_0 : i32, i32
  }
  func.func @transform_5(%arg0: i32) -> (i32, i32) {
    %c0_i32 = arith.constant 0 : i32
    %c0_i32_0 = arith.constant 0 : i32
    return %arg0, %c0_i32 : i32, i32
  }
}

</mosaic_0001>

<sc_bundles>
// kernel: kernel.11.cloned.1.call-start
scs
__scs_entry_jumppad:
0x0: {  	(pc) =	sbr.rel $0x88, $3  }
0x1: {  	(tag) =	ssettag $0x0;
	lr =	simm.s32 $0x1  }
0x2: {  	[smem:$0x3F9B] =	sst lr;
	_ =	strace $0xD0000000  }
0x3: {  	_ = 	snop  }
0x4: {  	_ = 	snop  }
0x5: {  	_ = 	snop  }
0x6: {  	_ = 	snop  }
0x7: {  	_ = 	snop  }
__scs_overlays_trampoline_lowered:
0x8: {  	[smem:$0x3FAA] =	sst s0  }
0x9: {  	[smem:$0x3FAB] =	sst s1  }
0xa: {  	[smem:$0x3FAC] =	sst s2  }
0xb: {  	[smem:$0x3FAD] =	sst s3  }
0xc: {  	[smem:$0x3FAE] =	sst s4  }
0xd: {  	[smem:$0x3FAF] =	sst s5  }
0xe: {  	[smem:$0x3FB0] =	sst s6  }
0xf: {  	[smem:$0x3FB1] =	sst s7  }
0x10: {  	[smem:$0x3FB2] =	sst s8  }
0x11: {  	[smem:$0x3FB3] =	sst s9;
	s0 =	simm.s32 @!p0 $0x0  }
0x12: {  	s1 =	sld [smem:$0x3F99];
	s0 =	simm.s32 @p0 $0x1  }
0x13: {  	[smem:$0x3FB4] =	sst s0;
	s0 =	simm.s32 @!p1 $0x0  }
0x14: {  	s2 =	sld [smem:$0x3F98];
	s0 =	simm.s32 @p1 $0x1  }
0x15: {  	[smem:$0x3FB5] =	sst s0;
	s0 =	simm.s32 @!p2 $0x0  }
0x16: {  	s3 =	sld [smem:$0x3FDB];
	s0 =	simm.s32 @p2 $0x1  }
0x17: {  	s4 =	simm.s32 $0x1BF5;
	[smem:$0x3FB7] =	sst s0  }
0x18: {  	s0 =	sld [smem:$0x3F9A];
	_ =	swait.ge [sflag:s4], $0x0  }
0x19: {  	s7 =	sld [smem:$0x3F9B]  }
0x1a: {  	s8 =	sadd.s32 $0xFFFFE003, lr  }
0x1b: {  	s9 =	sadd.s32 $0xFFFFFEF7, lr;
	s5 =	simm.s32 $0xFFFFFFFF;
	p2 =	slt.u32 s8, $0xFFFFF086  }
0x1c: {  	p1 =	slt.u32 s9, $0xF7A;
	s5 =	simm.s32 @!p2 $0x0  }
0x1d: {  	s5 =	simm.s32 @p1 $0x1;
	p0 =	seq.s32 s7, s2  }
0x1e: {  	s7 =	smul.u32 @!p0 $0xF7A, s2;
	p2 =	seq.s32 @!p0 s5, $0x0  }
0x1f: {  	s9 =	smul.u32 $0xF7A, s1;
	s8 =	simm.s32 @!p0 $0x1BF5;
	p2 =	por !p2, p0  }
0x20: {  	[sflag:s8] =	ssyncset.s32 @!p0 $0xFFFFF086;
	s6 =	sadd.s32 @!p0 s3, s7;
	s7 =	simm.s32 @!p0 $0x108  }
0x21: {  	s3 =	sadd.s32 s3, s9;
	s6 =	sadd.s32 @!p0 $0x88, s6;
	s7 =	simm.s32 @p2 $0x1082  }
0x22: {  	[simem:s7], [sflag:s8] =	dma.local @!p0 [hbm:s6], $0xF7A  }
0x23: {  	s9 =	sor.u32 $0xD0000000, s2;
	s6 =	simm.s32 $0x108;
	_ =	swait.ge @!p0 [sflag:s8], $0x0  }
0x24: {  	s3 =	sadd.s32 $0x88, s3;
	s6 =	simm.s32 @!p1 $0x1082;
	[sflag:s4] =	ssyncset.s32 $0xFFFFF086  }
0x25: {  	[simem:s6], [sflag:s4] =	dma.local [hbm:s3], $0xF7A  }
0x26: {  	[smem:$0x3F9B] =	sst s1;
	(tag) =	ssettag s2;
	_ =	strace s9  }
0x27: {  	s1 =	sld [smem:$0x3FAB]  }
0x28: {  	s2 =	sld [smem:$0x3FAC]  }
0x29: {  	s4 =	sld [smem:$0x3FAE]  }
0x2a: {  	p0 =	seq.s32 s5, $0x0;
	s5 =	sld [smem:$0x3FAF]  }
0x2b: {  	s6 =	sld [smem:$0x3FB0]  }
0x2c: {  	s7 =	sld [smem:$0x3FB1]  }
0x2d: {  	s3 =	simm.s32 $0x108;
	s8 =	sld [smem:$0x3FB2]  }
0x2e: {  	s3 =	simm.s32 @!p0 $0x1082;
	s9 =	sld [smem:$0x3FB3]  }
0x2f: {  	lr =	sadd.s32 s0, s3;
	s0 =	sld [smem:$0x3FAA]  }
0x30: {  	s3 =	sld [smem:$0x3FAD]  }
0x31: {  	[smem:$0x3FB6] =	sst s10  }
0x32: {  	s10 =	sld [smem:$0x3FB4];
	_ =	sdelay $0x3  }
0x33: {  	p0 =	seq.s32 s10, $0x1;
	s10 =	sld [smem:$0x3FB6];
	_ =	sdelay $0x3  }
0x34: {  	[smem:$0x3FB6] =	sst s10  }
0x35: {  	s10 =	sld [smem:$0x3FB5];
	_ =	sdelay $0x3  }
0x36: {  	p1 =	seq.s32 s10, $0x1;
	s10 =	sld [smem:$0x3FB6];
	_ =	sdelay $0x3  }
0x37: {  	[smem:$0x3FB6] =	sst s10  }
0x38: {  	s10 =	sld [smem:$0x3FB7]  }
0x39: {  	_ = 	snop;
	(pc) =	sbr.ind lr, $3  }
0x3a: {  	_ = 	snop  }
0x3b: {  	_ = 	snop  }
0x3c: {  	p2 =	seq.s32 s10, $0x1;
	s10 =	sld [smem:$0x3FB6]  }
0x3d: {  	_ =	shalt  }
0x3e: {  	_ =	shalt  }
0x3f: {  	_ =	shalt  }
0x40: {  	_ =	shalt  }
0x41: {  	_ =	shalt  }
0x42: {  	_ =	shalt  }
0x43: {  	_ =	shalt  }
0x44: {  	_ =	shalt  }
0x45: {  	_ =	shalt  }
0x46: {  	_ =	shalt  }
0x47: {  	_ =	shalt  }
0x48: {  	_ =	shalt  }
0x49: {  	_ =	shalt  }
0x4a: {  	_ =	shalt  }
0x4b: {  	_ =	shalt  }
0x4c: {  	_ =	shalt  }
0x4d: {  	_ =	shalt  }
0x4e: {  	_ =	shalt  }
0x4f: {  	_ =	shalt  }
0x50: {  	_ =	shalt  }
0x51: {  	_ =	shalt  }
0x52: {  	_ =	shalt  }
0x53: {  	_ =	shalt  }
0x54: {  	_ =	shalt  }
0x55: {  	_ =	shalt  }
0x56: {  	_ =	shalt  }
0x57: {  	_ =	shalt  }
0x58: {  	_ =	shalt  }
0x59: {  	_ =	shalt  }
0x5a: {  	_ =	shalt  }
0x5b: {  	_ =	shalt  }
0x5c: {  	_ =	shalt  }
0x5d: {  	_ =	shalt  }
0x5e: {  	_ =	shalt  }
0x5f: {  	_ =	shalt  }
0x60: {  	_ =	shalt  }
0x61: {  	_ =	shalt  }
0x62: {  	_ =	shalt  }
0x63: {  	_ =	shalt  }
0x64: {  	_ =	shalt  }
0x65: {  	_ =	shalt  }
0x66: {  	_ =	shalt  }
0x67: {  	_ =	shalt  }
0x68: {  	_ =	shalt  }
0x69: {  	_ =	shalt  }
0x6a: {  	_ =	shalt  }
0x6b: {  	_ =	shalt  }
0x6c: {  	_ =	shalt  }
0x6d: {  	_ =	shalt  }
0x6e: {  	_ =	shalt  }
0x6f: {  	_ =	shalt  }
0x70: {  	_ =	shalt  }
0x71: {  	_ =	shalt  }
0x72: {  	_ =	shalt  }
0x73: {  	_ =	shalt  }
0x74: {  	_ =	shalt  }
0x75: {  	_ =	shalt  }
0x76: {  	_ =	shalt  }
0x77: {  	_ =	shalt  }
0x78: {  	_ =	shalt  }
0x79: {  	_ =	shalt  }
0x7a: {  	_ =	shalt  }
0x7b: {  	_ =	shalt  }
0x7c: {  	_ =	shalt  }
0x7d: {  	_ =	shalt  }
0x7e: {  	_ =	shalt  }
0x7f: {  	_ =	shalt  }
0x80: {  	_ =	shalt  }
0x81: {  	_ =	shalt  }
0x82: {  	_ =	shalt  }
0x83: {  	_ =	shalt  }
0x84: {  	_ =	shalt  }
0x85: {  	_ =	shalt  }
0x86: {  	_ =	shalt  }
0x87: {  	_ =	shalt  }
.Lfunc_end0:
.L_simem_size_0:
called_computation.1_lowered:
.L_overlay_start_0:
0x88: {  	s2 =	sld [smem:$0x3FD9]  }
0x89: {  	s3 =	sld [smem:$0x3FFE];
	_ =	sdelay $0x1  }
0x8a: {  	s1 =	srdreg.scid  }
0x8b: {  	s0 =	sand.u32 $0x1, s1  }
0x8c: {  	s16 =	sshll.u32 s0, $0xA;
	s2 =	sadd.s32 s3, s2  }
0x8d: {  	s2 =	sadd.s32 s2, s16  }
0x8e: {  	[smem:$0x3FC2] =	sst s2  }
0x8f: {  	_ = 	snop  }
0x90: {  	(tm) =	ssettm $0x1  }
0x91: {  	s17 =	sld [smem:$0x3FFB];
	_ =	sdelay $0x3  }
0x92: {  	_ =	strace s17  }
0x93: {  	s2 =	sld [smem:$0x3FFC];
	_ =	sdelay $0x3  }
0x94: {  	_ =	strace s2  }
0x95: {  	s2 =	sld [smem:$0x3FFD];
	_ =	sdelay $0x3  }
0x96: {  	_ =	strace s2  }
0x97: {  	_ =	strace $0x8FFFFFFF  }
0x98: {  	s18 =	sld [smem:$0x3FDB];
	_ =	sdelay $0x1  }
0x99: {  	s19 =	simm.s32 $_scs_section_size  }
0x9a: {  	s4 =	simm.s32 $_size__tile_overlayer_lowered;
	s5 =	simm.s32 $_tile_overlayer_lowered  }
0x9b: {  	s22 =	simm.s32 $0x1BFF;
	s21 =	sshll.u32 s5, $0x1;
	s2 =	sadd.s32 s19, s18  }
0x9c: {  	s6 =	simm.s32 $0x0;
	s20 =	sshll.u32 s4, $0x1;
	s4 =	sadd.s32 s21, s2  }
0x9d: {  	[timem:s6], [sflag:s22] =	dma.local [hbm:s4], s20  }
0x9e: {  	_ =	swait.ge [sflag:s22], s20  }
0x9f: {  	s3 =	ssub.s32 $0x0, s20;
	[sflag:s22] =	ssyncset.done $0x0  }
0xa0: {  	[sflag:s22] =	ssyncadd.s32 s3;
	_ =	sdelay $0x1  }
0xa1: {  	s23 =	simm.s32 $0x1B8B  }
0xa2: {  	_ =	swait.ge [sflag:s23], $0x1  }
0xa3: {  	[sflag:s23] =	ssyncset.done $0x0  }
0xa4: {  	s25 =	simm.s32 $0x1B8E;
	s24 =	sld [smem:$0x3FFE];
	[sflag:s23] =	ssyncadd.s32 $0xFFFFFFFF  }
0xa5: {  	s26 =	simm.s32 $execute0_lowered;
	[smem:$0x3FD2] =	sst s25  }
0xa6: {  	s4 =	sshll.u32 s26, $0x1;
	_ =	strace $0x80000049;
	[dreg:$0x1] =	wrdreg $0xFFFFFFFF  }
0xa7: {  	s28 =	simm.s32 $_size_execute0_lowered;
	s2 =	sadd.s32 s2, s4;
	[dreg:$0x0] =	wrdreg $0x0  }
0xa8: {  	s4 =	sshll.u32 s28, $0x1;
	[dreg:$0x2] =	wrdreg s2  }
0xa9: {  	[dreg:$0x3] =	wrdreg s4  }
0xaa: {  	[dreg:$0x4] =	wrdreg $0xC0  }
0xab: {  	_ =	task [dreg:s6], $0x5FFFF  }
0xac: {  	[dreg:$0x1] =	wrdreg $0xFFFFFFFF  }
0xad: {  	[dreg:$0x0] =	wrdreg $0x60  }
0xae: {  	[dreg:$0x2] =	wrdreg s24  }
0xaf: {  	[dreg:$0x3] =	wrdreg $0x98000  }
0xb0: {  	[dreg:$0x4] =	wrdreg $0x9  }
0xb1: {  	_ =	task.clear_ibuf [dreg:s6], $0x5FFFF;
	_ =	strace $0x90000049  }
0xb2: {  	s29 =	simm.s32 $0x9;
	_ =	strace $0x8000004B  }
0xb3: {  	_ =	swait.ge [sflag:s29], $0x1  }
0xb4: {  	[sflag:s29] =	ssyncadd.s32 $0xFFFFFFFF  }
0xb5: {  	_ =	strace $0x9000004B  }
0xb6: {  	_ =	sfence  }
0xb7: {  	s30 =	sld [smem:$0x0];
	_ =	sdelay $0x2  }
0xb8: {  	s31 =	sshll.u32 s1, $0xD;
	s1 =	sshrl.u32 s1, $0x2  }
0xb9: {  	s3 =	sand.u32 $0x4000, s31;
	s1 =	sadd.s32 s1, s30  }
0xba: {  	s0 =	sor.u32 s3, s0;
	s1 =	sshll.u32 s1, $0x11  }
0xbb: {  	s0 =	sor.u32 s1, s0  }
0xbc: {  	s0 =	sadd.s32 $0x8F2B, s0  }
0xbd: {  	[sflag:s0] =	ssyncadd.remote.s32 $0x1  }
0xbe: {  	_ =	sfence.sel $0xFFFF  }
0xbf: {  	[dreg:$0x0] =	wrdreg $0xFFFFFFFF;
	(pc) =	sbr.abs _section_cstart, $3  }
0xc0: {  	[dreg:$0x1] =	wrdreg $0xFFFFFFFF  }
0xc1: {  	_ =	task.clear_ibuf [dreg:s6], $0x2FFFF;
	_ =	strace $0x9FFFFFFF  }
0xc2: {  	(tm) =	ssettm $0x7FFFFFFF  }
0xc3: {  	_ =	shalt  }
tec
execute0_lowered:
.L_overlay_start_1:
0x0: {  	(tag) =	ssettag $0x1  }
0x1: {  	s0 =	srdreg.scid;
	s8 =	stileid.u32  }
0x2: {  	s0 =	sand.u32 $0x1, s0;
	s3 =	smul.u32 $0x5000, s8  }
0x3: {  	s1 =	smul.u32 $0x50000, s0  }
0x4: {  	s5 =	rddreg [dreg:$0x0]  }
0x5: {  	s2 =	rddreg [dreg:$0x1];
	s1 =	sadd.s32 s3, s1;
	s3 =	simm.s32 $0x0  }
0x6: {  	s20 =	simm.s32 $0x80;
	[smem:$0x7FF] =	sst s3  }
0x7: {  	s21 =	simm.s32 $0x100;
	_ =	strace $0x8000004A;
	[dreg:$0x5] =	wrdreg s20  }
0x8: {  	s22 =	simm.s32 $0x1080;
	[dreg:$0x6] =	wrdreg s21  }
0x9: {  	s23 =	simm.s32 $0x180;
	[dreg:$0x7] =	wrdreg s22  }
0xa: {  	s24 =	simm.s32 $0x1100;
	[dreg:$0x8] =	wrdreg s23  }
0xb: {  	s25 =	simm.s32 $0x200;
	[dreg:$0x9] =	wrdreg s24  }
0xc: {  	s26 =	simm.s32 $0x1180;
	[dreg:$0xa] =	wrdreg s25  }
0xd: {  	s9 =	simm.s32 $0x1200;
	[dreg:$0xb] =	wrdreg s26  }
0xe: {  	s10 =	simm.s32 $0x300;
	[dreg:$0xd] =	wrdreg s9  }
0xf: {  	s11 =	simm.s32 $0x1280;
	[dreg:$0xe] =	wrdreg s10  }
0x10: {  	s12 =	simm.s32 $0x380;
	[dreg:$0xf] =	wrdreg s11  }
0x11: {  	s13 =	simm.s32 $0x1300;
	[dreg:$0x10] =	wrdreg s12  }
0x12: {  	s14 =	simm.s32 $0x400;
	[dreg:$0x11] =	wrdreg s13  }
0x13: {  	s16 =	simm.s32 $0x1380;
	s18 =	simm.s32 $0x480;
	[dreg:$0x12] =	wrdreg s14  }
0x14: {  	s6 =	smul.u32 $0x13C000, s0;
	s0 =	ssub.s32 $0x2, s0;
	[dreg:$0x13] =	wrdreg s16  }
0x15: {  	s19 =	simm.s32 $0x1400;
	s15 =	sshrl.u32 s0, $0x1;
	[dreg:$0x14] =	wrdreg s18  }
0x16: {  	s0 =	ssub.s32 s0, s15;
	s15 =	simm.s32 $0x1600;
	[dreg:$0x15] =	wrdreg s19  }
0x17: {  	s0 =	smax.u32 s0, $0x1;
	[dreg:$0x1d] =	wrdreg s15  }
0x18: {  	s21 =	simm.s32 $0x500;
	[smem:$0x7F4] =	sst s0  }
0x19: {  	s22 =	simm.s32 $0x1480;
	[dreg:$0x16] =	wrdreg s21  }
0x1a: {  	s24 =	simm.s32 $0x580;
	[dreg:$0x17] =	wrdreg s22  }
0x1b: {  	s26 =	simm.s32 $0x1500;
	[dreg:$0x18] =	wrdreg s24  }
0x1c: {  	s28 =	simm.s32 $0x1900;
	s9 =	simm.s32 $0x600;
	[dreg:$0x19] =	wrdreg s26  }
0x1d: {  	s29 =	simm.s32 $0xA00;
	s11 =	simm.s32 $0x1580;
	[dreg:$0x1a] =	wrdreg s9  }
0x1e: {  	s17 =	smul.u32 $0x4E200, s8;
	s13 =	simm.s32 $0x680;
	[dreg:$0x1b] =	wrdreg s11  }
0x1f: {  	s30 =	simm.s32 $0x1980;
	s16 =	simm.s32 $0x700;
	[dreg:$0x1c] =	wrdreg s13  }
0x20: {  	s20 =	sshrl.u32 s17, $0x2;
	s17 =	simm.s32 $0x1680;
	[dreg:$0x1e] =	wrdreg s16  }
0x21: {  	s1 =	sshrl.u32 s1, $0x3;
	s18 =	simm.s32 $0x780;
	[dreg:$0x1f] =	wrdreg s17  }
0x22: {  	s1 =	sadd.s32 s1, s5;
	s19 =	simm.s32 $0x1700;
	[smem:$0x7F5] =	sst s18  }
0x23: {  	s7 =	smul.u32 $0x13C00, s8;
	s4 =	sadd.s32 $0x2400, s1;
	[smem:$0x7F6] =	sst s19  }
0x24: {  	s31 =	simm.s32 $0xA80;
	s1 =	sadd.s32 $0x65400, s1;
	[dreg:$0x3] =	wrdreg s4  }
0x25: {  	s6 =	sadd.s32 s7, s6;
	s21 =	simm.s32 $0x1780;
	[dreg:$0x4] =	wrdreg s1  }
0x26: {  	s7 =	simm.s32 $0xB80;
	s22 =	simm.s32 $0x880;
	[smem:$0x7F8] =	sst s21  }
0x27: {  	s6 =	sshrl.u32 s6, $0x3;
	s24 =	simm.s32 $0x900;
	[smem:$0x7F9] =	sst s22  }
0x28: {  	s15 =	simm.s32 $0x2000;
	s26 =	simm.s32 $0x980;
	[smem:$0x7FB] =	sst s24  }
0x29: {  	s0 =	simm.s32 $0xB00;
	s4 =	simm.s32 $0x280;
	[smem:$0x7FD] =	sst s26  }
0x2a: {  	s16 =	simm.s32 $0x7;
	s17 =	simm.s32 $0x1000;
	[dreg:$0xc] =	wrdreg s4  }
0x2b: {  	s4 =	sadd.s32 $0x16400, s5;
	s5 =	sadd.s32 s6, s5;
	s6 =	sadd.s32 s20, s2  }
0x2c: {  	s18 =	simm.s32 $0x50;
	s20 =	simm.s32 $0x800;
	[smem:$0x7F1] =	sst s6  }
0x2d: {  	s19 =	simm.s32 $0x4800;
	s23 =	sadd.s32 $0x2800, s6;
	[smem:$0x7F7] =	sst s20  }
0x2e: {  	s9 =	simm.s32 $0xC00;
	s25 =	sadd.s32 $0x5000, s6;
	[smem:$0x7EB] =	sst s23  }
0x2f: {  	s11 =	simm.s32 $0x1C00;
	s8 =	sadd.s32 $0x7800, s6;
	[smem:$0x7EC] =	sst s25  }
0x30: {  	s21 =	simm.s32 $0x7000;
	s10 =	sadd.s32 $0xA000, s6;
	[smem:$0x7ED] =	sst s8  }
0x31: {  	s22 =	simm.s32 $0x2;
	s12 =	sadd.s32 $0xC800, s6;
	[smem:$0x7EE] =	sst s10  }
0x32: {  	s24 =	simm.s32 $0x3;
	s14 =	sadd.s32 $0xF000, s6;
	[smem:$0x7EF] =	sst s12  }
0x33: {  	s26 =	simm.s32 $0x6;
	s6 =	sadd.s32 $0x11800, s6;
	[smem:$0x7F0] =	sst s14  }
0x34: {  	s1 =	simm.s32 $0x1A00;
	s5 =	sadd.s32 $0x79400, s5;
	[smem:$0x7F2] =	sst s6  }
0x35: {  	s20 =	simm.s32 $0x1;
	[smem:$0x7F3] =	sst s5;
	s23 =	simm.s32 $0x1800  }
0x36: {  	s25 =	simm.s32 $0x1880;
	s6 =	simm.s32 $0x1A80;
	s8 =	simm.s32 $0x1B00  }
0x37: {  	s10 =	simm.s32 $0x1B80;
	s12 =	simm.s32 $0x0;
	[smem:$0x7FA] =	sst s23  }
0x38: {  	v0 =	vimm.f32 $0.0e+00;
	[smem:$0x7FC] =	sst s25;
	s23 =	simm.s32 $0x4;
	s25 =	simm.s32 $0x5  }
.LBB2_1:
0x39: {  	s13 =	simm.s32 $0x0;
	s14 =	simm.s32 $0x200  }
.LBB2_2:
0x3a: {  	p0 =	sne.s32 s14, $0x9E00;
	[tilespmem:s13+$0x2070] =	vst v0  }
0x3b: {  	[tilespmem:s13+$0x2000] =	vst v0  }
0x3c: {  	[tilespmem:s13+$0x2010] =	vst v0  }
.Ltmp0:
0x3d: {  	[tilespmem:s13+$0x2020] =	vst v0;
	(pc) =	sbr.rel @p0 .LBB2_2-.Ltmp0, $4  }
0x3e: {  	[tilespmem:s13+$0x2030] =	vst v0  }
0x3f: {  	[tilespmem:s13+$0x2040] =	vst v0  }
0x40: {  	[tilespmem:s13+$0x2050] =	vst v0  }
0x41: {  	[tilespmem:s13+$0x2060] =	vst v0;
	s13 =	sshra.s32 s14, $0x2;
	s14 =	sadd.s32 $0x200, s14  }
0x42: {  	[tilespmem:s13+$0x2070] =	vst v0  }
0x43: {  	[tilespmem:s13+$0x2000] =	vst v0  }
0x44: {  	[tilespmem:s13+$0x2010] =	vst v0  }
0x45: {  	[tilespmem:s13+$0x2020] =	vst v0  }
0x46: {  	[tilespmem:s13+$0x2030] =	vst v0  }
0x47: {  	[tilespmem:s13+$0x2040] =	vst v0;
	s5 =	sld [smem:$0x7F1]  }
0x48: {  	[tilespmem:s13+$0x2050] =	vst v0  }
0x49: {  	[smem:$0x7EA] =	sst s12;
	[tilespmem:s13+$0x2060] =	vst v0  }
0x4a: {  	[spmem:s5] =	stream.linear.scatter [tilespmem:s15], [sflag:$0x7], $0x2800, $0x38;
	[tilespmem:$0x1D080] =	vst v63  }
0x4b: {  	_ =	swait.ge [sflag:s16], $0x2800  }
0x4c: {  	s12 =	sld [smem:$0x7EB]  }
0x4d: {  	[sflag:s16] =	ssyncset.done $0x0  }
0x4e: {  	[sflag:s16] =	ssyncadd.s32 $0xFFFFD800  }
0x4f: {  	[spmem:s12] =	stream.linear.scatter [tilespmem:s15], [sflag:$0x7], $0x2800, $0x38;
	[tilespmem:$0x1D080] =	vst v63  }
0x50: {  	_ =	swait.ge [sflag:s16], $0x2800  }
0x51: {  	s13 =	sld [smem:$0x7EC]  }
0x52: {  	[sflag:s16] =	ssyncset.done $0x0  }
0x53: {  	[sflag:s16] =	ssyncadd.s32 $0xFFFFD800  }
0x54: {  	[spmem:s13] =	stream.linear.scatter [tilespmem:s15], [sflag:$0x7], $0x2800, $0x38;
	[tilespmem:$0x1D080] =	vst v63  }
0x55: {  	_ =	swait.ge [sflag:s16], $0x2800  }
0x56: {  	s14 =	sld [smem:$0x7ED]  }
0x57: {  	[sflag:s16] =	ssyncset.done $0x0  }
0x58: {  	[sflag:s16] =	ssyncadd.s32 $0xFFFFD800  }
0x59: {  	[spmem:s14] =	stream.linear.scatter [tilespmem:s15], [sflag:$0x7], $0x2800, $0x38;
	[tilespmem:$0x1D080] =	vst v63  }
0x5a: {  	_ =	swait.ge [sflag:s16], $0x2800  }
0x5b: {  	s12 =	sld [smem:$0x7EE]  }
0x5c: {  	[sflag:s16] =	ssyncset.done $0x0  }
0x5d: {  	[sflag:s16] =	ssyncadd.s32 $0xFFFFD800  }
0x5e: {  	[spmem:s12] =	stream.linear.scatter [tilespmem:s15], [sflag:$0x7], $0x2800, $0x38;
	[tilespmem:$0x1D080] =	vst v63  }
0x5f: {  	_ =	swait.ge [sflag:s16], $0x2800  }
0x60: {  	s13 =	sld [smem:$0x7EF]  }
0x61: {  	[sflag:s16] =	ssyncset.done $0x0  }
0x62: {  	[sflag:s16] =	ssyncadd.s32 $0xFFFFD800  }
0x63: {  	[spmem:s13] =	stream.linear.scatter [tilespmem:s15], [sflag:$0x7], $0x2800, $0x38;
	[tilespmem:$0x1D080] =	vst v63  }
0x64: {  	_ =	swait.ge [sflag:s16], $0x2800  }
0x65: {  	s14 =	sld [smem:$0x7F0]  }
0x66: {  	[sflag:s16] =	ssyncset.done $0x0  }
0x67: {  	[sflag:s16] =	ssyncadd.s32 $0xFFFFD800  }
0x68: {  	[spmem:s14] =	stream.linear.scatter [tilespmem:s15], [sflag:$0x7], $0x2800, $0x38;
	[tilespmem:$0x1D080] =	vst v63  }
0x69: {  	_ =	swait.ge [sflag:s16], $0x2800  }
0x6a: {  	s12 =	sld [smem:$0x7F2]  }
0x6b: {  	[sflag:s16] =	ssyncset.done $0x0  }
0x6c: {  	[sflag:s16] =	ssyncadd.s32 $0xFFFFD800  }
0x6d: {  	[spmem:s12] =	stream.linear.scatter [tilespmem:s15], [sflag:$0x7], $0x2080, $0x38;
	[tilespmem:$0x1D080] =	vst v63  }
0x6e: {  	_ =	swait.ge [sflag:s16], $0x2080  }
0x6f: {  	[sflag:s16] =	ssyncset.done $0x0  }
0x70: {  	[sflag:s16] =	ssyncadd.s32 $0xFFFFDF80  }
0x71: {  	[bflag:$0x0] =	sbarrier.arrive $0xFFFF  }
0x72: {  	s13 =	rddreg [dreg:$0x4]  }
0x73: {  	s5 =	sadd.s32 $0x0, s13  }
0x74: {  	[tilespmem:s3], [sflag:$0x7] =	stream.linear.gather [hbm4b:s5+s3], $0xC80, $0x38;
	[tilespmem:$0x1D080] =	vst v63  }
0x75: {  	_ =	swait.ge [sflag:s16], $0xC80  }
0x76: {  	s14 =	rddreg [dreg:$0x3];
	[sflag:s16] =	ssyncset.done $0x0  }
0x77: {  	[sflag:s16] =	ssyncadd.s32 $0xFFFFF380;
	s5 =	sadd.s32 $0x0, s14  }
0x78: {  	[tilespmem:s17], [sflag:$0x7] =	stream.linear.gather [hbm4b:s5+s3], $0xC80, $0x38;
	[tilespmem:$0x1D080] =	vst v63  }
0x79: {  	_ =	swait.ge [sflag:s16], $0xC80  }
0x7a: {  	[sflag:s16] =	ssyncset.done $0x0  }
0x7b: {  	[sflag:s16] =	ssyncadd.s32 $0xFFFFF380  }
0x7c: {  	[tilespmem:s15], [sflag:$0x1] =	stream.indirect.gather [hbm4b:s4+s18], $0x80, s3, s18, $0xb8;
	[tilespmem:$0x1D080] =	vst v63  }
0x7d: {  	s12 =	rddreg [dreg:$0x5]  }
0x7e: {  	[tilespmem:s19], [sflag:$0x2] =	stream.indirect.gather [hbm4b:s4+s18], $0x80, s12, s18, $0xb8;
	[tilespmem:$0x1D080] =	vst v63  }
0x7f: {  	_ =	swait.ge [sflag:s20], $0x2800  }
0x80: {  	[sflag:s20] =	ssyncset.done $0x0  }
0x81: {  	[sflag:s20] =	ssyncadd.s32 $0xFFFFD800  }
0x82: {  	[spmem:s2] =	stream.indirect.scatter.add.f32 [tilespmem:s15], [sflag:$0x4], $0x80, s17, s18, $0xb8;
	[tilespmem:$0x1D080] =	vst v63  }
0x83: {  	s13 =	rddreg [dreg:$0x6]  }
0x84: {  	[tilespmem:s21], [sflag:$0x3] =	stream.indirect.gather [hbm4b:s4+s18], $0x80, s13, s18, $0xb8;
	[tilespmem:$0x1D080] =	vst v63  }
0x85: {  	_ =	swait.ge [sflag:s22], $0x2800  }
0x86: {  	[sflag:s22] =	ssyncset.done $0x0  }
0x87: {  	s14 =	rddreg [dreg:$0x7];
	[sflag:s22] =	ssyncadd.s32 $0xFFFFD800  }
0x88: {  	[spmem:s2] =	stream.indirect.scatter.add.f32 [tilespmem:s19], [sflag:$0x5], $0x80, s14, s18, $0xb8;
	[tilespmem:$0x1D080] =	vst v63  }
0x89: {  	_ =	swait.ge [sflag:s23], $0x2800  }
0x8a: {  	[sflag:s23] =	ssyncset.done $0x0  }
0x8b: {  	s12 =	rddreg [dreg:$0x8];
	[sflag:s23] =	ssyncadd.s32 $0xFFFFD800  }
0x8c: {  	[tilespmem:s15], [sflag:$0x1] =	stream.indirect.gather [hbm4b:s4+s18], $0x80, s12, s18, $0xb8;
	[tilespmem:$0x1D080] =	vst v63  }
0x8d: {  	_ =	swait.ge [sflag:s24], $0x2800  }
0x8e: {  	[sflag:s24] =	ssyncset.done $0x0  }
0x8f: {  	s13 =	rddreg [dreg:$0x9];
	[sflag:s24] =	ssyncadd.s32 $0xFFFFD800  }
0x90: {  	[spmem:s2] =	stream.indirect.scatter.add.f32 [tilespmem:s21], [sflag:$0x6], $0x80, s13, s18, $0xb8;
	[tilespmem:$0x1D080] =	vst v63  }
0x91: {  	_ =	swait.ge [sflag:s25], $0x2800  }
0x92: {  	[sflag:s25] =	ssyncset.done $0x0  }
0x93: {  	s14 =	rddreg [dreg:$0xa];
	[sflag:s25] =	ssyncadd.s32 $0xFFFFD800  }
0x94: {  	[tilespmem:s19], [sflag:$0x2] =	stream.indirect.gather [hbm4b:s4+s18], $0x80, s14, s18, $0xb8;
	[tilespmem:$0x1D080] =	vst v63  }
0x95: {  	_ =	swait.ge [sflag:s20], $0x2800  }
0x96: {  	[sflag:s20] =	ssyncset.done $0x0  }
0x97: {  	s12 =	rddreg [dreg:$0xb];
	[sflag:s20] =	ssyncadd.s32 $0xFFFFD800  }
0x98: {  	[spmem:s2] =	stream.indirect.scatter.add.f32 [tilespmem:s15], [sflag:$0x4], $0x80, s12, s18, $0xb8;
	[tilespmem:$0x1D080] =	vst v63  }
0x99: {  	_ =	swait.ge [sflag:s26], $0x2800  }
0x9a: {  	[sflag:s26] =	ssyncset.done $0x0  }
0x9b: {  	s13 =	rddreg [dreg:$0xc];
	[sflag:s26] =	ssyncadd.s32 $0xFFFFD800  }
0x9c: {  	[tilespmem:s21], [sflag:$0x3] =	stream.indirect.gather [hbm4b:s4+s18], $0x80, s13, s18, $0xb8;
	[tilespmem:$0x1D080] =	vst v63  }
0x9d: {  	_ =	swait.ge [sflag:s22], $0x2800  }
0x9e: {  	[sflag:s22] =	ssyncset.done $0x0  }
0x9f: {  	s14 =	rddreg [dreg:$0xd];
	[sflag:s22] =	ssyncadd.s32 $0xFFFFD800  }
0xa0: {  	[spmem:s2] =	stream.indirect.scatter.add.f32 [tilespmem:s19], [sflag:$0x5], $0x80, s14, s18, $0xb8;
	[tilespmem:$0x1D080] =	vst v63  }
0xa1: {  	_ =	swait.ge [sflag:s23], $0x2800  }
0xa2: {  	[sflag:s23] =	ssyncset.done $0x0  }
0xa3: {  	s12 =	rddreg [dreg:$0xe];
	[sflag:s23] =	ssyncadd.s32 $0xFFFFD800  }
0xa4: {  	[tilespmem:s15], [sflag:$0x1] =	stream.indirect.gather [hbm4b:s4+s18], $0x80, s12, s18, $0xb8;
	[tilespmem:$0x1D080] =	vst v63  }
0xa5: {  	_ =	swait.ge [sflag:s24], $0x2800  }
0xa6: {  	[sflag:s24] =	ssyncset.done $0x0  }
0xa7: {  	s13 =	rddreg [dreg:$0xf];
	[sflag:s24] =	ssyncadd.s32 $0xFFFFD800  }
0xa8: {  	[spmem:s2] =	stream.indirect.scatter.add.f32 [tilespmem:s21], [sflag:$0x6], $0x80, s13, s18, $0xb8;
	[tilespmem:$0x1D080] =	vst v63  }
0xa9: {  	_ =	swait.ge [sflag:s25], $0x2800  }
0xaa: {  	[sflag:s25] =	ssyncset.done $0x0  }
0xab: {  	s14 =	rddreg [dreg:$0x10];
	[sflag:s25] =	ssyncadd.s32 $0xFFFFD800  }
0xac: {  	[tilespmem:s19], [sflag:$0x2] =	stream.indirect.gather [hbm4b:s4+s18], $0x80, s14, s18, $0xb8;
	[tilespmem:$0x1D080] =	vst v63  }
0xad: {  	_ =	swait.ge [sflag:s20], $0x2800  }
0xae: {  	[sflag:s20] =	ssyncset.done $0x0  }
0xaf: {  	s12 =	rddreg [dreg:$0x11];
	[sflag:s20] =	ssyncadd.s32 $0xFFFFD800  }
0xb0: {  	[spmem:s2] =	stream.indirect.scatter.add.f32 [tilespmem:s15], [sflag:$0x4], $0x80, s12, s18, $0xb8;
	[tilespmem:$0x1D080] =	vst v63  }
0xb1: {  	_ =	swait.ge [sflag:s26], $0x2800  }
0xb2: {  	[sflag:s26] =	ssyncset.done $0x0  }
0xb3: {  	s13 =	rddreg [dreg:$0x12];
	[sflag:s26] =	ssyncadd.s32 $0xFFFFD800  }
0xb4: {  	[tilespmem:s21], [sflag:$0x3] =	stream.indirect.gather [hbm4b:s4+s18], $0x80, s13, s18, $0xb8;
	[tilespmem:$0x1D080] =	vst v63  }
0xb5: {  	_ =	swait.ge [sflag:s22], $0x2800  }
0xb6: {  	[sflag:s22] =	ssyncset.done $0x0  }
0xb7: {  	s14 =	rddreg [dreg:$0x13];
	[sflag:s22] =	ssyncadd.s32 $0xFFFFD800  }
0xb8: {  	[spmem:s2] =	stream.indirect.scatter.add.f32 [tilespmem:s19], [sflag:$0x5], $0x80, s14, s18, $0xb8;
	[tilespmem:$0x1D080] =	vst v63  }
0xb9: {  	_ =	swait.ge [sflag:s23], $0x2800  }
0xba: {  	[sflag:s23] =	ssyncset.done $0x0  }
0xbb: {  	s12 =	rddreg [dreg:$0x14];
	[sflag:s23] =	ssyncadd.s32 $0xFFFFD800  }
0xbc: {  	[tilespmem:s15], [sflag:$0x1] =	stream.indirect.gather [hbm4b:s4+s18], $0x80, s12, s18, $0xb8;
	[tilespmem:$0x1D080] =	vst v63  }
0xbd: {  	_ =	swait.ge [sflag:s24], $0x2800  }
0xbe: {  	[sflag:s24] =	ssyncset.done $0x0  }
0xbf: {  	s13 =	rddreg [dreg:$0x15];
	[sflag:s24] =	ssyncadd.s32 $0xFFFFD800  }
0xc0: {  	[spmem:s2] =	stream.indirect.scatter.add.f32 [tilespmem:s21], [sflag:$0x6], $0x80, s13, s18, $0xb8;
	[tilespmem:$0x1D080] =	vst v63  }
0xc1: {  	_ =	swait.ge [sflag:s25], $0x2800  }
0xc2: {  	[sflag:s25] =	ssyncset.done $0x0  }
0xc3: {  	s14 =	rddreg [dreg:$0x16];
	[sflag:s25] =	ssyncadd.s32 $0xFFFFD800  }
0xc4: {  	[tilespmem:s19], [sflag:$0x2] =	stream.indirect.gather [hbm4b:s4+s18], $0x80, s14, s18, $0xb8;
	[tilespmem:$0x1D080] =	vst v63  }
0xc5: {  	_ =	swait.ge [sflag:s20], $0x2800  }
0xc6: {  	[sflag:s20] =	ssyncset.done $0x0  }
0xc7: {  	s12 =	rddreg [dreg:$0x17];
	[sflag:s20] =	ssyncadd.s32 $0xFFFFD800  }
0xc8: {  	[spmem:s2] =	stream.indirect.scatter.add.f32 [tilespmem:s15], [sflag:$0x4], $0x80, s12, s18, $0xb8;
	[tilespmem:$0x1D080] =	vst v63  }
0xc9: {  	_ =	swait.ge [sflag:s26], $0x2800  }
0xca: {  	[sflag:s26] =	ssyncset.done $0x0  }
0xcb: {  	s13 =	rddreg [dreg:$0x18];
	[sflag:s26] =	ssyncadd.s32 $0xFFFFD800  }
0xcc: {  	[tilespmem:s21], [sflag:$0x3] =	stream.indirect.gather [hbm4b:s4+s18], $0x80, s13, s18, $0xb8;
	[tilespmem:$0x1D080] =	vst v63  }
0xcd: {  	_ =	swait.ge [sflag:s22], $0x2800  }
0xce: {  	[sflag:s22] =	ssyncset.done $0x0  }
0xcf: {  	s14 =	rddreg [dreg:$0x19];
	[sflag:s22] =	ssyncadd.s32 $0xFFFFD800  }
0xd0: {  	[spmem:s2] =	stream.indirect.scatter.add.f32 [tilespmem:s19], [sflag:$0x5], $0x80, s14, s18, $0xb8;
	[tilespmem:$0x1D080] =	vst v63  }
0xd1: {  	_ =	swait.ge [sflag:s23], $0x2800  }
0xd2: {  	[sflag:s23] =	ssyncset.done $0x0  }
0xd3: {  	s12 =	rddreg [dreg:$0x1a];
	[sflag:s23] =	ssyncadd.s32 $0xFFFFD800  }
0xd4: {  	[tilespmem:s15], [sflag:$0x1] =	stream.indirect.gather [hbm4b:s4+s18], $0x80, s12, s18, $0xb8;
	[tilespmem:$0x1D080] =	vst v63  }
0xd5: {  	_ =	swait.ge [sflag:s24], $0x2800  }
0xd6: {  	[sflag:s24] =	ssyncset.done $0x0  }
0xd7: {  	s13 =	rddreg [dreg:$0x1b];
	[sflag:s24] =	ssyncadd.s32 $0xFFFFD800  }
0xd8: {  	[spmem:s2] =	stream.indirect.scatter.add.f32 [tilespmem:s21], [sflag:$0x6], $0x80, s13, s18, $0xb8;
	[tilespmem:$0x1D080] =	vst v63  }
0xd9: {  	_ =	swait.ge [sflag:s25], $0x2800  }
0xda: {  	[sflag:s25] =	ssyncset.done $0x0  }
0xdb: {  	s14 =	rddreg [dreg:$0x1c];
	[sflag:s25] =	ssyncadd.s32 $0xFFFFD800  }
0xdc: {  	[tilespmem:s19], [sflag:$0x2] =	stream.indirect.gather [hbm4b:s4+s18], $0x80, s14, s18, $0xb8;
	[tilespmem:$0x1D080] =	vst v63  }
0xdd: {  	_ =	swait.ge [sflag:s20], $0x2800  }
0xde: {  	[sflag:s20] =	ssyncset.done $0x0  }
0xdf: {  	s12 =	rddreg [dreg:$0x1d];
	[sflag:s20] =	ssyncadd.s32 $0xFFFFD800  }
0xe0: {  	[spmem:s2] =	stream.indirect.scatter.add.f32 [tilespmem:s15], [sflag:$0x4], $0x80, s12, s18, $0xb8;
	[tilespmem:$0x1D080] =	vst v63  }
0xe1: {  	_ =	swait.ge [sflag:s26], $0x2800  }
0xe2: {  	[sflag:s26] =	ssyncset.done $0x0  }
0xe3: {  	s13 =	rddreg [dreg:$0x1e];
	[sflag:s26] =	ssyncadd.s32 $0xFFFFD800  }
0xe4: {  	[tilespmem:s21], [sflag:$0x3] =	stream.indirect.gather [hbm4b:s4+s18], $0x80, s13, s18, $0xb8;
	[tilespmem:$0x1D080] =	vst v63  }
0xe5: {  	_ =	swait.ge [sflag:s22], $0x2800  }
0xe6: {  	[sflag:s22] =	ssyncset.done $0x0  }
0xe7: {  	s14 =	rddreg [dreg:$0x1f];
	[sflag:s22] =	ssyncadd.s32 $0xFFFFD800  }
0xe8: {  	[spmem:s2] =	stream.indirect.scatter.add.f32 [tilespmem:s19], [sflag:$0x5], $0x80, s14, s18, $0xb8;
	[tilespmem:$0x1D080] =	vst v63  }
0xe9: {  	_ =	swait.ge [sflag:s23], $0x2800  }
0xea: {  	s12 =	sld [smem:$0x7F5]  }
0xeb: {  	[sflag:s23] =	ssyncset.done $0x0  }
0xec: {  	[sflag:s23] =	ssyncadd.s32 $0xFFFFD800  }
0xed: {  	[tilespmem:s15], [sflag:$0x1] =	stream.indirect.gather [hbm4b:s4+s18], $0x80, s12, s18, $0xb8;
	[tilespmem:$0x1D080] =	vst v63  }
0xee: {  	_ =	swait.ge [sflag:s24], $0x2800  }
0xef: {  	s13 =	sld [smem:$0x7F6]  }
0xf0: {  	[sflag:s24] =	ssyncset.done $0x0  }
0xf1: {  	[sflag:s24] =	ssyncadd.s32 $0xFFFFD800  }
0xf2: {  	[spmem:s2] =	stream.indirect.scatter.add.f32 [tilespmem:s21], [sflag:$0x6], $0x80, s13, s18, $0xb8;
	[tilespmem:$0x1D080] =	vst v63  }
0xf3: {  	_ =	swait.ge [sflag:s25], $0x2800  }
0xf4: {  	s14 =	sld [smem:$0x7F7]  }
0xf5: {  	[sflag:s25] =	ssyncset.done $0x0  }
0xf6: {  	[sflag:s25] =	ssyncadd.s32 $0xFFFFD800  }
0xf7: {  	[tilespmem:s19], [sflag:$0x2] =	stream.indirect.gather [hbm4b:s4+s18], $0x80, s14, s18, $0xb8;
	[tilespmem:$0x1D080] =	vst v63  }
0xf8: {  	_ =	swait.ge [sflag:s20], $0x2800  }
0xf9: {  	s12 =	sld [smem:$0x7F8]  }
0xfa: {  	[sflag:s20] =	ssyncset.done $0x0  }
0xfb: {  	[sflag:s20] =	ssyncadd.s32 $0xFFFFD800  }
0xfc: {  	[spmem:s2] =	stream.indirect.scatter.add.f32 [tilespmem:s15], [sflag:$0x4], $0x80, s12, s18, $0xb8;
	[tilespmem:$0x1D080] =	vst v63  }
0xfd: {  	_ =	swait.ge [sflag:s26], $0x2800  }
0xfe: {  	s13 =	sld [smem:$0x7F9]  }
0xff: {  	[sflag:s26] =	ssyncset.done $0x0  }
0x100: {  	[sflag:s26] =	ssyncadd.s32 $0xFFFFD800  }
0x101: {  	[tilespmem:s21], [sflag:$0x3] =	stream.indirect.gather [hbm4b:s4+s18], $0x80, s13, s18, $0xb8;
	[tilespmem:$0x1D080] =	vst v63  }
0x102: {  	_ =	swait.ge [sflag:s22], $0x2800  }
0x103: {  	s14 =	sld [smem:$0x7FA]  }
0x104: {  	[sflag:s22] =	ssyncset.done $0x0  }
0x105: {  	[sflag:s22] =	ssyncadd.s32 $0xFFFFD800  }
0x106: {  	[spmem:s2] =	stream.indirect.scatter.add.f32 [tilespmem:s19], [sflag:$0x5], $0x80, s14, s18, $0xb8;
	[tilespmem:$0x1D080] =	vst v63  }
0x107: {  	_ =	swait.ge [sflag:s23], $0x2800  }
0x108: {  	s12 =	sld [smem:$0x7FB]  }
0x109: {  	[sflag:s23] =	ssyncset.done $0x0  }
0x10a: {  	[sflag:s23] =	ssyncadd.s32 $0xFFFFD800  }
0x10b: {  	[tilespmem:s15], [sflag:$0x1] =	stream.indirect.gather [hbm4b:s4+s18], $0x80, s12, s18, $0xb8;
	[tilespmem:$0x1D080] =	vst v63  }
0x10c: {  	_ =	swait.ge [sflag:s24], $0x2800  }
0x10d: {  	s13 =	sld [smem:$0x7FC]  }
0x10e: {  	[sflag:s24] =	ssyncset.done $0x0  }
0x10f: {  	[sflag:s24] =	ssyncadd.s32 $0xFFFFD800  }
0x110: {  	[spmem:s2] =	stream.indirect.scatter.add.f32 [tilespmem:s21], [sflag:$0x6], $0x80, s13, s18, $0xb8;
	[tilespmem:$0x1D080] =	vst v63  }
0x111: {  	_ =	swait.ge [sflag:s25], $0x2800  }
0x112: {  	s14 =	sld [smem:$0x7FD]  }
0x113: {  	[sflag:s25] =	ssyncset.done $0x0  }
0x114: {  	[sflag:s25] =	ssyncadd.s32 $0xFFFFD800  }
0x115: {  	[tilespmem:s19], [sflag:$0x2] =	stream.indirect.gather [hbm4b:s4+s18], $0x80, s14, s18, $0xb8;
	[tilespmem:$0x1D080] =	vst v63  }
0x116: {  	_ =	swait.ge [sflag:s20], $0x2800  }
0x117: {  	[sflag:s20] =	ssyncset.done $0x0  }
0x118: {  	[sflag:s20] =	ssyncadd.s32 $0xFFFFD800  }
0x119: {  	[spmem:s2] =	stream.indirect.scatter.add.f32 [tilespmem:s15], [sflag:$0x4], $0x80, s28, s18, $0xb8;
	[tilespmem:$0x1D080] =	vst v63  }
0x11a: {  	_ =	swait.ge [sflag:s26], $0x2800  }
0x11b: {  	[sflag:s26] =	ssyncset.done $0x0  }
0x11c: {  	[sflag:s26] =	ssyncadd.s32 $0xFFFFD800  }
0x11d: {  	[tilespmem:s21], [sflag:$0x3] =	stream.indirect.gather [hbm4b:s4+s18], $0x80, s29, s18, $0xb8;
	[tilespmem:$0x1D080] =	vst v63  }
0x11e: {  	_ =	swait.ge [sflag:s22], $0x2800  }
0x11f: {  	[sflag:s22] =	ssyncset.done $0x0  }
0x120: {  	[sflag:s22] =	ssyncadd.s32 $0xFFFFD800  }
0x121: {  	[spmem:s2] =	stream.indirect.scatter.add.f32 [tilespmem:s19], [sflag:$0x5], $0x80, s30, s18, $0xb8;
	[tilespmem:$0x1D080] =	vst v63  }
0x122: {  	_ =	swait.ge [sflag:s23], $0x2800  }
0x123: {  	[sflag:s23] =	ssyncset.done $0x0  }
0x124: {  	[sflag:s23] =	ssyncadd.s32 $0xFFFFD800  }
0x125: {  	[tilespmem:s15], [sflag:$0x1] =	stream.indirect.gather [hbm4b:s4+s18], $0x80, s31, s18, $0xb8;
	[tilespmem:$0x1D080] =	vst v63  }
0x126: {  	_ =	swait.ge [sflag:s24], $0x2800  }
0x127: {  	[sflag:s24] =	ssyncset.done $0x0  }
0x128: {  	[sflag:s24] =	ssyncadd.s32 $0xFFFFD800  }
0x129: {  	[spmem:s2] =	stream.indirect.scatter.add.f32 [tilespmem:s21], [sflag:$0x6], $0x80, s1, s18, $0xb8;
	[tilespmem:$0x1D080] =	vst v63  }
0x12a: {  	_ =	swait.ge [sflag:s25], $0x2800  }
0x12b: {  	[sflag:s25] =	ssyncset.done $0x0  }
0x12c: {  	[sflag:s25] =	ssyncadd.s32 $0xFFFFD800  }
0x12d: {  	[tilespmem:s19], [sflag:$0x2] =	stream.indirect.gather [hbm4b:s4+s18], $0x80, s0, s18, $0xb8;
	[tilespmem:$0x1D080] =	vst v63  }
0x12e: {  	_ =	swait.ge [sflag:s20], $0x2800  }
0x12f: {  	[sflag:s20] =	ssyncset.done $0x0  }
0x130: {  	[sflag:s20] =	ssyncadd.s32 $0xFFFFD800  }
0x131: {  	[spmem:s2] =	stream.indirect.scatter.add.f32 [tilespmem:s15], [sflag:$0x4], $0x80, s6, s18, $0xb8;
	[tilespmem:$0x1D080] =	vst v63  }
0x132: {  	_ =	swait.ge [sflag:s26], $0x2800  }
0x133: {  	[sflag:s26] =	ssyncset.done $0x0  }
0x134: {  	[sflag:s26] =	ssyncadd.s32 $0xFFFFD800  }
0x135: {  	[tilespmem:s21], [sflag:$0x3] =	stream.indirect.gather [hbm4b:s4+s18], $0x80, s7, s18, $0xb8;
	[tilespmem:$0x1D080] =	vst v63  }
0x136: {  	_ =	swait.ge [sflag:s22], $0x2800  }
0x137: {  	[sflag:s22] =	ssyncset.done $0x0  }
0x138: {  	[sflag:s22] =	ssyncadd.s32 $0xFFFFD800  }
0x139: {  	[spmem:s2] =	stream.indirect.scatter.add.f32 [tilespmem:s19], [sflag:$0x5], $0x80, s8, s18, $0xb8;
	[tilespmem:$0x1D080] =	vst v63  }
0x13a: {  	_ =	swait.ge [sflag:s23], $0x2800  }
0x13b: {  	[sflag:s23] =	ssyncset.done $0x0  }
0x13c: {  	[sflag:s23] =	ssyncadd.s32 $0xFFFFD800  }
0x13d: {  	[tilespmem:s15], [sflag:$0x1] =	stream.indirect.gather [hbm4b:s4+s18], $0x80, s9, s18, $0xb8;
	[tilespmem:$0x1D080] =	vst v63  }
0x13e: {  	_ =	swait.ge [sflag:s24], $0x2800  }
0x13f: {  	[sflag:s24] =	ssyncset.done $0x0  }
0x140: {  	[sflag:s24] =	ssyncadd.s32 $0xFFFFD800  }
0x141: {  	[spmem:s2] =	stream.indirect.scatter.add.f32 [tilespmem:s21], [sflag:$0x6], $0x80, s10, s18, $0xb8;
	[tilespmem:$0x1D080] =	vst v63  }
0x142: {  	_ =	swait.ge [sflag:s25], $0x2800  }
0x143: {  	[sflag:s25] =	ssyncset.done $0x0  }
0x144: {  	[sflag:s25] =	ssyncadd.s32 $0xFFFFD800  }
0x145: {  	_ =	swait.ge [sflag:s20], $0x2800  }
0x146: {  	[sflag:s20] =	ssyncset.done $0x0  }
0x147: {  	[sflag:s20] =	ssyncadd.s32 $0xFFFFD800  }
0x148: {  	[spmem:s2] =	stream.indirect.scatter.add.f32 [tilespmem:s15], [sflag:$0x4], $0x80, s11, s18, $0xb8;
	[tilespmem:$0x1D080] =	vst v63  }
0x149: {  	_ =	swait.ge [sflag:s26], $0x2800  }
0x14a: {  	[sflag:s26] =	ssyncset.done $0x0  }
0x14b: {  	[sflag:s26] =	ssyncadd.s32 $0xFFFFD800  }
0x14c: {  	s13 =	simm.s32 $0x200;
	_ =	swait.ge [sflag:s23], $0x2800  }
0x14d: {  	s14 =	simm.s32 $0x400;
	s5 =	rddreg [dreg:$0x4];
	[sflag:s23] =	ssyncset.done $0x0  }
.LBB2_4:
0x14e: {  	[sflag:s23] =	ssyncadd.s32 $0xFFFFD800;
	s5 =	sadd.s32 s13, s5  }
0x14f: {  	[tilespmem:s3], [sflag:$0x7] =	stream.linear.gather [hbm4b:s5+s3], $0xC80, $0x38;
	[tilespmem:$0x1D080] =	vst v63  }
0x150: {  	_ =	swait.ge [sflag:s16], $0xC80  }
0x151: {  	s5 =	rddreg [dreg:$0x3];
	[sflag:s16] =	ssyncset.done $0x0  }
0x152: {  	[sflag:s16] =	ssyncadd.s32 $0xFFFFF380;
	s5 =	sadd.s32 s13, s5  }
0x153: {  	[tilespmem:s17], [sflag:$0x7] =	stream.linear.gather [hbm4b:s5+s3], $0xC80, $0x38;
	[tilespmem:$0x1D080] =	vst v63  }
0x154: {  	_ =	swait.ge [sflag:s16], $0xC80  }
0x155: {  	[sflag:s16] =	ssyncset.done $0x0  }
0x156: {  	s12 =	smov.u32 s14;
	[sflag:s16] =	ssyncadd.s32 $0xFFFFF380  }
0x157: {  	[tilespmem:s15], [sflag:$0x1] =	stream.indirect.gather [hbm4b:s4+s18], $0x80, s3, s18, $0xb8;
	[tilespmem:$0x1D080] =	vst v63  }
0x158: {  	s13 =	smov.u32 s12;
	s12 =	rddreg [dreg:$0x5]  }
0x159: {  	[tilespmem:s19], [sflag:$0x2] =	stream.indirect.gather [hbm4b:s4+s18], $0x80, s12, s18, $0xb8;
	[tilespmem:$0x1D080] =	vst v63  }
0x15a: {  	_ =	swait.ge [sflag:s20], $0x2800  }
0x15b: {  	[sflag:s20] =	ssyncset.done $0x0  }
0x15c: {  	[sflag:s20] =	ssyncadd.s32 $0xFFFFD800  }
0x15d: {  	[spmem:s2] =	stream.indirect.scatter.add.f32 [tilespmem:s15], [sflag:$0x4], $0x80, s17, s18, $0xb8;
	[tilespmem:$0x1D080] =	vst v63  }
0x15e: {  	s12 =	rddreg [dreg:$0x6]  }
0x15f: {  	[tilespmem:s21], [sflag:$0x3] =	stream.indirect.gather [hbm4b:s4+s18], $0x80, s12, s18, $0xb8;
	[tilespmem:$0x1D080] =	vst v63  }
0x160: {  	_ =	swait.ge [sflag:s22], $0x2800  }
0x161: {  	[sflag:s22] =	ssyncset.done $0x0  }
0x162: {  	s12 =	rddreg [dreg:$0x7];
	[sflag:s22] =	ssyncadd.s32 $0xFFFFD800  }
0x163: {  	[spmem:s2] =	stream.indirect.scatter.add.f32 [tilespmem:s19], [sflag:$0x5], $0x80, s12, s18, $0xb8;
	[tilespmem:$0x1D080] =	vst v63  }
0x164: {  	_ =	swait.ge [sflag:s23], $0x2800  }
0x165: {  	[sflag:s23] =	ssyncset.done $0x0  }
0x166: {  	s12 =	rddreg [dreg:$0x8];
	[sflag:s23] =	ssyncadd.s32 $0xFFFFD800  }
0x167: {  	[tilespmem:s15], [sflag:$0x1] =	stream.indirect.gather [hbm4b:s4+s18], $0x80, s12, s18, $0xb8;
	[tilespmem:$0x1D080] =	vst v63  }
0x168: {  	_ =	swait.ge [sflag:s24], $0x2800  }
0x169: {  	[sflag:s24] =	ssyncset.done $0x0  }
0x16a: {  	s12 =	rddreg [dreg:$0x9];
	[sflag:s24] =	ssyncadd.s32 $0xFFFFD800  }
0x16b: {  	[spmem:s2] =	stream.indirect.scatter.add.f32 [tilespmem:s21], [sflag:$0x6], $0x80, s12, s18, $0xb8;
	[tilespmem:$0x1D080] =	vst v63  }
0x16c: {  	_ =	swait.ge [sflag:s25], $0x2800  }
0x16d: {  	[sflag:s25] =	ssyncset.done $0x0  }
0x16e: {  	s12 =	rddreg [dreg:$0xa];
	[sflag:s25] =	ssyncadd.s32 $0xFFFFD800  }
0x16f: {  	[tilespmem:s19], [sflag:$0x2] =	stream.indirect.gather [hbm4b:s4+s18], $0x80, s12, s18, $0xb8;
	[tilespmem:$0x1D080] =	vst v63  }
0x170: {  	_ =	swait.ge [sflag:s20], $0x2800  }
0x171: {  	[sflag:s20] =	ssyncset.done $0x0  }
0x172: {  	s12 =	rddreg [dreg:$0xb];
	[sflag:s20] =	ssyncadd.s32 $0xFFFFD800  }
0x173: {  	[spmem:s2] =	stream.indirect.scatter.add.f32 [tilespmem:s15], [sflag:$0x4], $0x80, s12, s18, $0xb8;
	[tilespmem:$0x1D080] =	vst v63  }
0x174: {  	_ =	swait.ge [sflag:s26], $0x2800  }
0x175: {  	[sflag:s26] =	ssyncset.done $0x0  }
0x176: {  	s12 =	rddreg [dreg:$0xc];
	[sflag:s26] =	ssyncadd.s32 $0xFFFFD800  }
0x177: {  	[tilespmem:s21], [sflag:$0x3] =	stream.indirect.gather [hbm4b:s4+s18], $0x80, s12, s18, $0xb8;
	[tilespmem:$0x1D080] =	vst v63  }
0x178: {  	_ =	swait.ge [sflag:s22], $0x2800  }
0x179: {  	[sflag:s22] =	ssyncset.done $0x0  }
0x17a: {  	s12 =	rddreg [dreg:$0xd];
	[sflag:s22] =	ssyncadd.s32 $0xFFFFD800  }
0x17b: {  	[spmem:s2] =	stream.indirect.scatter.add.f32 [tilespmem:s19], [sflag:$0x5], $0x80, s12, s18, $0xb8;
	[tilespmem:$0x1D080] =	vst v63  }
0x17c: {  	_ =	swait.ge [sflag:s23], $0x2800  }
0x17d: {  	[sflag:s23] =	ssyncset.done $0x0  }
0x17e: {  	s12 =	rddreg [dreg:$0xe];
	[sflag:s23] =	ssyncadd.s32 $0xFFFFD800  }
0x17f: {  	[tilespmem:s15], [sflag:$0x1] =	stream.indirect.gather [hbm4b:s4+s18], $0x80, s12, s18, $0xb8;
	[tilespmem:$0x1D080] =	vst v63  }
0x180: {  	_ =	swait.ge [sflag:s24], $0x2800  }
0x181: {  	[sflag:s24] =	ssyncset.done $0x0  }
0x182: {  	s12 =	rddreg [dreg:$0xf];
	[sflag:s24] =	ssyncadd.s32 $0xFFFFD800  }
0x183: {  	[spmem:s2] =	stream.indirect.scatter.add.f32 [tilespmem:s21], [sflag:$0x6], $0x80, s12, s18, $0xb8;
	[tilespmem:$0x1D080] =	vst v63  }
0x184: {  	_ =	swait.ge [sflag:s25], $0x2800  }
0x185: {  	[sflag:s25] =	ssyncset.done $0x0  }
0x186: {  	s12 =	rddreg [dreg:$0x10];
	[sflag:s25] =	ssyncadd.s32 $0xFFFFD800  }
0x187: {  	[tilespmem:s19], [sflag:$0x2] =	stream.indirect.gather [hbm4b:s4+s18], $0x80, s12, s18, $0xb8;
	[tilespmem:$0x1D080] =	vst v63  }
0x188: {  	_ =	swait.ge [sflag:s20], $0x2800  }
0x189: {  	[sflag:s20] =	ssyncset.done $0x0  }
0x18a: {  	s12 =	rddreg [dreg:$0x11];
	[sflag:s20] =	ssyncadd.s32 $0xFFFFD800  }
0x18b: {  	[spmem:s2] =	stream.indirect.scatter.add.f32 [tilespmem:s15], [sflag:$0x4], $0x80, s12, s18, $0xb8;
	[tilespmem:$0x1D080] =	vst v63  }
0x18c: {  	_ =	swait.ge [sflag:s26], $0x2800  }
0x18d: {  	[sflag:s26] =	ssyncset.done $0x0  }
0x18e: {  	s12 =	rddreg [dreg:$0x12];
	[sflag:s26] =	ssyncadd.s32 $0xFFFFD800  }
0x18f: {  	[tilespmem:s21], [sflag:$0x3] =	stream.indirect.gather [hbm4b:s4+s18], $0x80, s12, s18, $0xb8;
	[tilespmem:$0x1D080] =	vst v63  }
0x190: {  	_ =	swait.ge [sflag:s22], $0x2800  }
0x191: {  	[sflag:s22] =	ssyncset.done $0x0  }
0x192: {  	s12 =	rddreg [dreg:$0x13];
	[sflag:s22] =	ssyncadd.s32 $0xFFFFD800  }
0x193: {  	[spmem:s2] =	stream.indirect.scatter.add.f32 [tilespmem:s19], [sflag:$0x5], $0x80, s12, s18, $0xb8;
	[tilespmem:$0x1D080] =	vst v63  }
0x194: {  	_ =	swait.ge [sflag:s23], $0x2800  }
0x195: {  	[sflag:s23] =	ssyncset.done $0x0  }
0x196: {  	s12 =	rddreg [dreg:$0x14];
	[sflag:s23] =	ssyncadd.s32 $0xFFFFD800  }
0x197: {  	[tilespmem:s15], [sflag:$0x1] =	stream.indirect.gather [hbm4b:s4+s18], $0x80, s12, s18, $0xb8;
	[tilespmem:$0x1D080] =	vst v63  }
0x198: {  	_ =	swait.ge [sflag:s24], $0x2800  }
0x199: {  	[sflag:s24] =	ssyncset.done $0x0  }
0x19a: {  	s12 =	rddreg [dreg:$0x15];
	[sflag:s24] =	ssyncadd.s32 $0xFFFFD800  }
0x19b: {  	[spmem:s2] =	stream.indirect.scatter.add.f32 [tilespmem:s21], [sflag:$0x6], $0x80, s12, s18, $0xb8;
	[tilespmem:$0x1D080] =	vst v63  }
0x19c: {  	_ =	swait.ge [sflag:s25], $0x2800  }
0x19d: {  	[sflag:s25] =	ssyncset.done $0x0  }
0x19e: {  	s12 =	rddreg [dreg:$0x16];
	[sflag:s25] =	ssyncadd.s32 $0xFFFFD800  }
0x19f: {  	[tilespmem:s19], [sflag:$0x2] =	stream.indirect.gather [hbm4b:s4+s18], $0x80, s12, s18, $0xb8;
	[tilespmem:$0x1D080] =	vst v63  }
0x1a0: {  	_ =	swait.ge [sflag:s20], $0x2800  }
0x1a1: {  	[sflag:s20] =	ssyncset.done $0x0  }
0x1a2: {  	s12 =	rddreg [dreg:$0x17];
	[sflag:s20] =	ssyncadd.s32 $0xFFFFD800  }
0x1a3: {  	[spmem:s2] =	stream.indirect.scatter.add.f32 [tilespmem:s15], [sflag:$0x4], $0x80, s12, s18, $0xb8;
	[tilespmem:$0x1D080] =	vst v63  }
0x1a4: {  	_ =	swait.ge [sflag:s26], $0x2800  }
0x1a5: {  	[sflag:s26] =	ssyncset.done $0x0  }
0x1a6: {  	s12 =	rddreg [dreg:$0x18];
	[sflag:s26] =	ssyncadd.s32 $0xFFFFD800  }
0x1a7: {  	[tilespmem:s21], [sflag:$0x3] =	stream.indirect.gather [hbm4b:s4+s18], $0x80, s12, s18, $0xb8;
	[tilespmem:$0x1D080] =	vst v63  }
0x1a8: {  	_ =	swait.ge [sflag:s22], $0x2800  }
0x1a9: {  	[sflag:s22] =	ssyncset.done $0x0  }
0x1aa: {  	s12 =	rddreg [dreg:$0x19];
	[sflag:s22] =	ssyncadd.s32 $0xFFFFD800  }
0x1ab: {  	[spmem:s2] =	stream.indirect.scatter.add.f32 [tilespmem:s19], [sflag:$0x5], $0x80, s12, s18, $0xb8;
	[tilespmem:$0x1D080] =	vst v63  }
0x1ac: {  	_ =	swait.ge [sflag:s23], $0x2800  }
0x1ad: {  	[sflag:s23] =	ssyncset.done $0x0  }
0x1ae: {  	s12 =	rddreg [dreg:$0x1a];
	[sflag:s23] =	ssyncadd.s32 $0xFFFFD800  }
0x1af: {  	[tilespmem:s15], [sflag:$0x1] =	stream.indirect.gather [hbm4b:s4+s18], $0x80, s12, s18, $0xb8;
	[tilespmem:$0x1D080] =	vst v63  }
0x1b0: {  	_ =	swait.ge [sflag:s24], $0x2800  }
0x1b1: {  	[sflag:s24] =	ssyncset.done $0x0  }
0x1b2: {  	s12 =	rddreg [dreg:$0x1b];
	[sflag:s24] =	ssyncadd.s32 $0xFFFFD800  }
0x1b3: {  	[spmem:s2] =	stream.indirect.scatter.add.f32 [tilespmem:s21], [sflag:$0x6], $0x80, s12, s18, $0xb8;
	[tilespmem:$0x1D080] =	vst v63  }
0x1b4: {  	_ =	swait.ge [sflag:s25], $0x2800  }
0x1b5: {  	[sflag:s25] =	ssyncset.done $0x0  }
0x1b6: {  	s12 =	rddreg [dreg:$0x1c];
	[sflag:s25] =	ssyncadd.s32 $0xFFFFD800  }
0x1b7: {  	[tilespmem:s19], [sflag:$0x2] =	stream.indirect.gather [hbm4b:s4+s18], $0x80, s12, s18, $0xb8;
	[tilespmem:$0x1D080] =	vst v63  }
0x1b8: {  	_ =	swait.ge [sflag:s20], $0x2800  }
0x1b9: {  	[sflag:s20] =	ssyncset.done $0x0  }
0x1ba: {  	s12 =	rddreg [dreg:$0x1d];
	[sflag:s20] =	ssyncadd.s32 $0xFFFFD800  }
0x1bb: {  	[spmem:s2] =	stream.indirect.scatter.add.f32 [tilespmem:s15], [sflag:$0x4], $0x80, s12, s18, $0xb8;
	[tilespmem:$0x1D080] =	vst v63  }
0x1bc: {  	_ =	swait.ge [sflag:s26], $0x2800  }
0x1bd: {  	[sflag:s26] =	ssyncset.done $0x0  }
0x1be: {  	s12 =	rddreg [dreg:$0x1e];
	[sflag:s26] =	ssyncadd.s32 $0xFFFFD800  }
0x1bf: {  	[tilespmem:s21], [sflag:$0x3] =	stream.indirect.gather [hbm4b:s4+s18], $0x80, s12, s18, $0xb8;
	[tilespmem:$0x1D080] =	vst v63  }
0x1c0: {  	_ =	swait.ge [sflag:s22], $0x2800  }
0x1c1: {  	[sflag:s22] =	ssyncset.done $0x0  }
0x1c2: {  	s12 =	rddreg [dreg:$0x1f];
	[sflag:s22] =	ssyncadd.s32 $0xFFFFD800  }
0x1c3: {  	[spmem:s2] =	stream.indirect.scatter.add.f32 [tilespmem:s19], [sflag:$0x5], $0x80, s12, s18, $0xb8;
	[tilespmem:$0x1D080] =	vst v63  }
0x1c4: {  	_ =	swait.ge [sflag:s23], $0x2800  }
0x1c5: {  	s12 =	sld [smem:$0x7F5]  }
0x1c6: {  	[sflag:s23] =	ssyncset.done $0x0  }
0x1c7: {  	[sflag:s23] =	ssyncadd.s32 $0xFFFFD800  }
0x1c8: {  	[tilespmem:s15], [sflag:$0x1] =	stream.indirect.gather [hbm4b:s4+s18], $0x80, s12, s18, $0xb8;
	[tilespmem:$0x1D080] =	vst v63  }
0x1c9: {  	_ =	swait.ge [sflag:s24], $0x2800  }
0x1ca: {  	s12 =	sld [smem:$0x7F6]  }
0x1cb: {  	[sflag:s24] =	ssyncset.done $0x0  }
0x1cc: {  	[sflag:s24] =	ssyncadd.s32 $0xFFFFD800  }
0x1cd: {  	[spmem:s2] =	stream.indirect.scatter.add.f32 [tilespmem:s21], [sflag:$0x6], $0x80, s12, s18, $0xb8;
	[tilespmem:$0x1D080] =	vst v63  }
0x1ce: {  	_ =	swait.ge [sflag:s25], $0x2800  }
0x1cf: {  	s12 =	sld [smem:$0x7F7]  }
0x1d0: {  	[sflag:s25] =	ssyncset.done $0x0  }
0x1d1: {  	[sflag:s25] =	ssyncadd.s32 $0xFFFFD800  }
0x1d2: {  	[tilespmem:s19], [sflag:$0x2] =	stream.indirect.gather [hbm4b:s4+s18], $0x80, s12, s18, $0xb8;
	[tilespmem:$0x1D080] =	vst v63  }
0x1d3: {  	_ =	swait.ge [sflag:s20], $0x2800  }
0x1d4: {  	s12 =	sld [smem:$0x7F8]  }
0x1d5: {  	[sflag:s20] =	ssyncset.done $0x0  }
0x1d6: {  	[sflag:s20] =	ssyncadd.s32 $0xFFFFD800  }
0x1d7: {  	[spmem:s2] =	stream.indirect.scatter.add.f32 [tilespmem:s15], [sflag:$0x4], $0x80, s12, s18, $0xb8;
	[tilespmem:$0x1D080] =	vst v63  }
0x1d8: {  	_ =	swait.ge [sflag:s26], $0x2800  }
0x1d9: {  	s12 =	sld [smem:$0x7F9]  }
0x1da: {  	[sflag:s26] =	ssyncset.done $0x0  }
0x1db: {  	[sflag:s26] =	ssyncadd.s32 $0xFFFFD800  }
0x1dc: {  	[tilespmem:s21], [sflag:$0x3] =	stream.indirect.gather [hbm4b:s4+s18], $0x80, s12, s18, $0xb8;
	[tilespmem:$0x1D080] =	vst v63  }
0x1dd: {  	_ =	swait.ge [sflag:s22], $0x2800  }
0x1de: {  	s12 =	sld [smem:$0x7FA]  }
0x1df: {  	[sflag:s22] =	ssyncset.done $0x0  }
0x1e0: {  	[sflag:s22] =	ssyncadd.s32 $0xFFFFD800  }
0x1e1: {  	[spmem:s2] =	stream.indirect.scatter.add.f32 [tilespmem:s19], [sflag:$0x5], $0x80, s12, s18, $0xb8;
	[tilespmem:$0x1D080] =	vst v63  }
0x1e2: {  	_ =	swait.ge [sflag:s23], $0x2800  }
0x1e3: {  	s12 =	sld [smem:$0x7FB]  }
0x1e4: {  	[sflag:s23] =	ssyncset.done $0x0  }
0x1e5: {  	[sflag:s23] =	ssyncadd.s32 $0xFFFFD800  }
0x1e6: {  	[tilespmem:s15], [sflag:$0x1] =	stream.indirect.gather [hbm4b:s4+s18], $0x80, s12, s18, $0xb8;
	[tilespmem:$0x1D080] =	vst v63  }
0x1e7: {  	_ =	swait.ge [sflag:s24], $0x2800  }
0x1e8: {  	s12 =	sld [smem:$0x7FC]  }
0x1e9: {  	[sflag:s24] =	ssyncset.done $0x0  }
0x1ea: {  	[sflag:s24] =	ssyncadd.s32 $0xFFFFD800  }
0x1eb: {  	[spmem:s2] =	stream.indirect.scatter.add.f32 [tilespmem:s21], [sflag:$0x6], $0x80, s12, s18, $0xb8;
	[tilespmem:$0x1D080] =	vst v63  }
0x1ec: {  	_ =	swait.ge [sflag:s25], $0x2800  }
0x1ed: {  	s12 =	sld [smem:$0x7FD]  }
0x1ee: {  	[sflag:s25] =	ssyncset.done $0x0  }
0x1ef: {  	[sflag:s25] =	ssyncadd.s32 $0xFFFFD800  }
0x1f0: {  	[tilespmem:s19], [sflag:$0x2] =	stream.indirect.gather [hbm4b:s4+s18], $0x80, s12, s18, $0xb8;
	[tilespmem:$0x1D080] =	vst v63  }
0x1f1: {  	_ =	swait.ge [sflag:s20], $0x2800  }
0x1f2: {  	[sflag:s20] =	ssyncset.done $0x0  }
0x1f3: {  	[sflag:s20] =	ssyncadd.s32 $0xFFFFD800  }
0x1f4: {  	[spmem:s2] =	stream.indirect.scatter.add.f32 [tilespmem:s15], [sflag:$0x4], $0x80, s28, s18, $0xb8;
	[tilespmem:$0x1D080] =	vst v63  }
0x1f5: {  	_ =	swait.ge [sflag:s26], $0x2800  }
0x1f6: {  	[sflag:s26] =	ssyncset.done $0x0  }
0x1f7: {  	[sflag:s26] =	ssyncadd.s32 $0xFFFFD800  }
0x1f8: {  	[tilespmem:s21], [sflag:$0x3] =	stream.indirect.gather [hbm4b:s4+s18], $0x80, s29, s18, $0xb8;
	[tilespmem:$0x1D080] =	vst v63  }
0x1f9: {  	_ =	swait.ge [sflag:s22], $0x2800  }
0x1fa: {  	[sflag:s22] =	ssyncset.done $0x0  }
0x1fb: {  	[sflag:s22] =	ssyncadd.s32 $0xFFFFD800  }
0x1fc: {  	[spmem:s2] =	stream.indirect.scatter.add.f32 [tilespmem:s19], [sflag:$0x5], $0x80, s30, s18, $0xb8;
	[tilespmem:$0x1D080] =	vst v63  }
0x1fd: {  	_ =	swait.ge [sflag:s23], $0x2800  }
0x1fe: {  	[sflag:s23] =	ssyncset.done $0x0  }
0x1ff: {  	[sflag:s23] =	ssyncadd.s32 $0xFFFFD800  }
0x200: {  	[tilespmem:s15], [sflag:$0x1] =	stream.indirect.gather [hbm4b:s4+s18], $0x80, s31, s18, $0xb8;
	[tilespmem:$0x1D080] =	vst v63  }
0x201: {  	_ =	swait.ge [sflag:s24], $0x2800  }
0x202: {  	[sflag:s24] =	ssyncset.done $0x0  }
0x203: {  	[sflag:s24] =	ssyncadd.s32 $0xFFFFD800  }
0x204: {  	[spmem:s2] =	stream.indirect.scatter.add.f32 [tilespmem:s21], [sflag:$0x6], $0x80, s1, s18, $0xb8;
	[tilespmem:$0x1D080] =	vst v63  }
0x205: {  	_ =	swait.ge [sflag:s25], $0x2800  }
0x206: {  	[sflag:s25] =	ssyncset.done $0x0  }
0x207: {  	[sflag:s25] =	ssyncadd.s32 $0xFFFFD800  }
0x208: {  	[tilespmem:s19], [sflag:$0x2] =	stream.indirect.gather [hbm4b:s4+s18], $0x80, s0, s18, $0xb8;
	[tilespmem:$0x1D080] =	vst v63  }
0x209: {  	_ =	swait.ge [sflag:s20], $0x2800  }
0x20a: {  	[sflag:s20] =	ssyncset.done $0x0  }
0x20b: {  	[sflag:s20] =	ssyncadd.s32 $0xFFFFD800  }
0x20c: {  	[spmem:s2] =	stream.indirect.scatter.add.f32 [tilespmem:s15], [sflag:$0x4], $0x80, s6, s18, $0xb8;
	[tilespmem:$0x1D080] =	vst v63  }
0x20d: {  	_ =	swait.ge [sflag:s26], $0x2800  }
0x20e: {  	[sflag:s26] =	ssyncset.done $0x0  }
0x20f: {  	[sflag:s26] =	ssyncadd.s32 $0xFFFFD800  }
0x210: {  	[tilespmem:s21], [sflag:$0x3] =	stream.indirect.gather [hbm4b:s4+s18], $0x80, s7, s18, $0xb8;
	[tilespmem:$0x1D080] =	vst v63  }
0x211: {  	_ =	swait.ge [sflag:s22], $0x2800  }
0x212: {  	[sflag:s22] =	ssyncset.done $0x0  }
0x213: {  	[sflag:s22] =	ssyncadd.s32 $0xFFFFD800  }
0x214: {  	[spmem:s2] =	stream.indirect.scatter.add.f32 [tilespmem:s19], [sflag:$0x5], $0x80, s8, s18, $0xb8;
	[tilespmem:$0x1D080] =	vst v63  }
0x215: {  	_ =	swait.ge [sflag:s23], $0x2800  }
0x216: {  	[sflag:s23] =	ssyncset.done $0x0  }
0x217: {  	[sflag:s23] =	ssyncadd.s32 $0xFFFFD800  }
0x218: {  	[tilespmem:s15], [sflag:$0x1] =	stream.indirect.gather [hbm4b:s4+s18], $0x80, s9, s18, $0xb8;
	[tilespmem:$0x1D080] =	vst v63  }
0x219: {  	_ =	swait.ge [sflag:s24], $0x2800  }
0x21a: {  	[sflag:s24] =	ssyncset.done $0x0  }
0x21b: {  	[sflag:s24] =	ssyncadd.s32 $0xFFFFD800  }
0x21c: {  	[spmem:s2] =	stream.indirect.scatter.add.f32 [tilespmem:s21], [sflag:$0x6], $0x80, s10, s18, $0xb8;
	[tilespmem:$0x1D080] =	vst v63  }
0x21d: {  	_ =	swait.ge [sflag:s25], $0x2800  }
0x21e: {  	[sflag:s25] =	ssyncset.done $0x0  }
0x21f: {  	[sflag:s25] =	ssyncadd.s32 $0xFFFFD800  }
0x220: {  	_ =	swait.ge [sflag:s20], $0x2800  }
0x221: {  	[sflag:s20] =	ssyncset.done $0x0  }
0x222: {  	p0 =	sne.s32 s14, $0x800;
	[sflag:s20] =	ssyncadd.s32 $0xFFFFD800  }
0x223: {  	[spmem:s2] =	stream.indirect.scatter.add.f32 [tilespmem:s15], [sflag:$0x4], $0x80, s11, s18, $0xb8;
	[tilespmem:$0x1D080] =	vst v63  }
.Ltmp1:
0x224: {  	_ =	swait.ge [sflag:s26], $0x2800;
	(pc) =	sbr.rel @p0 .LBB2_4-.Ltmp1, $4  }
0x225: {  	[sflag:s26] =	ssyncset.done $0x0  }
0x226: {  	[sflag:s26] =	ssyncadd.s32 $0xFFFFD800  }
0x227: {  	_ =	swait.ge [sflag:s23], $0x2800  }
0x228: {  	s14 =	sadd.s32 $0x200, s14;
	s5 =	rddreg [dreg:$0x4];
	[sflag:s23] =	ssyncset.done $0x0  }
0x229: {  	[sflag:s23] =	ssyncadd.s32 $0xFFFFD800;
	s5 =	sadd.s32 s13, s5  }
0x22a: {  	[tilespmem:s3], [sflag:$0x7] =	stream.linear.gather [hbm4b:s5+s3], $0xC80, $0x38;
	[tilespmem:$0x1D080] =	vst v63  }
0x22b: {  	_ =	swait.ge [sflag:s16], $0xC80  }
0x22c: {  	s12 =	rddreg [dreg:$0x3];
	[sflag:s16] =	ssyncset.done $0x0  }
0x22d: {  	[sflag:s16] =	ssyncadd.s32 $0xFFFFF380;
	s5 =	sadd.s32 s13, s12  }
0x22e: {  	[tilespmem:s17], [sflag:$0x7] =	stream.linear.gather [hbm4b:s5+s3], $0xC80, $0x38;
	[tilespmem:$0x1D080] =	vst v63  }
0x22f: {  	_ =	swait.ge [sflag:s16], $0xC80  }
0x230: {  	[sflag:s16] =	ssyncset.done $0x0  }
0x231: {  	[sflag:s16] =	ssyncadd.s32 $0xFFFFF380  }
0x232: {  	[tilespmem:s15], [sflag:$0x1] =	stream.indirect.gather [hbm4b:s4+s18], $0x80, s3, s18, $0xb8;
	[tilespmem:$0x1D080] =	vst v63  }
0x233: {  	s13 =	rddreg [dreg:$0x5]  }
0x234: {  	[tilespmem:s19], [sflag:$0x2] =	stream.indirect.gather [hbm4b:s4+s18], $0x80, s13, s18, $0xb8;
	[tilespmem:$0x1D080] =	vst v63  }
0x235: {  	_ =	swait.ge [sflag:s20], $0x2800  }
0x236: {  	[sflag:s20] =	ssyncset.done $0x0  }
0x237: {  	[sflag:s20] =	ssyncadd.s32 $0xFFFFD800  }
0x238: {  	[spmem:s2] =	stream.indirect.scatter.add.f32 [tilespmem:s15], [sflag:$0x4], $0x80, s17, s18, $0xb8;
	[tilespmem:$0x1D080] =	vst v63  }
0x239: {  	s14 =	rddreg [dreg:$0x6]  }
0x23a: {  	[tilespmem:s21], [sflag:$0x3] =	stream.indirect.gather [hbm4b:s4+s18], $0x80, s14, s18, $0xb8;
	[tilespmem:$0x1D080] =	vst v63  }
0x23b: {  	_ =	swait.ge [sflag:s22], $0x2800  }
0x23c: {  	[sflag:s22] =	ssyncset.done $0x0  }
0x23d: {  	s12 =	rddreg [dreg:$0x7];
	[sflag:s22] =	ssyncadd.s32 $0xFFFFD800  }
0x23e: {  	[spmem:s2] =	stream.indirect.scatter.add.f32 [tilespmem:s19], [sflag:$0x5], $0x80, s12, s18, $0xb8;
	[tilespmem:$0x1D080] =	vst v63  }
0x23f: {  	_ =	swait.ge [sflag:s23], $0x2800  }
0x240: {  	[sflag:s23] =	ssyncset.done $0x0  }
0x241: {  	s13 =	rddreg [dreg:$0x8];
	[sflag:s23] =	ssyncadd.s32 $0xFFFFD800  }
0x242: {  	[tilespmem:s15], [sflag:$0x1] =	stream.indirect.gather [hbm4b:s4+s18], $0x80, s13, s18, $0xb8;
	[tilespmem:$0x1D080] =	vst v63  }
0x243: {  	_ =	swait.ge [sflag:s24], $0x2800  }
0x244: {  	[sflag:s24] =	ssyncset.done $0x0  }
0x245: {  	s14 =	rddreg [dreg:$0x9];
	[sflag:s24] =	ssyncadd.s32 $0xFFFFD800  }
0x246: {  	[spmem:s2] =	stream.indirect.scatter.add.f32 [tilespmem:s21], [sflag:$0x6], $0x80, s14, s18, $0xb8;
	[tilespmem:$0x1D080] =	vst v63  }
0x247: {  	_ =	swait.ge [sflag:s25], $0x2800  }
0x248: {  	[sflag:s25] =	ssyncset.done $0x0  }
0x249: {  	s12 =	rddreg [dreg:$0xa];
	[sflag:s25] =	ssyncadd.s32 $0xFFFFD800  }
0x24a: {  	[tilespmem:s19], [sflag:$0x2] =	stream.indirect.gather [hbm4b:s4+s18], $0x80, s12, s18, $0xb8;
	[tilespmem:$0x1D080] =	vst v63  }
0x24b: {  	_ =	swait.ge [sflag:s20], $0x2800  }
0x24c: {  	[sflag:s20] =	ssyncset.done $0x0  }
0x24d: {  	s13 =	rddreg [dreg:$0xb];
	[sflag:s20] =	ssyncadd.s32 $0xFFFFD800  }
0x24e: {  	[spmem:s2] =	stream.indirect.scatter.add.f32 [tilespmem:s15], [sflag:$0x4], $0x80, s13, s18, $0xb8;
	[tilespmem:$0x1D080] =	vst v63  }
0x24f: {  	_ =	swait.ge [sflag:s26], $0x2800  }
0x250: {  	[sflag:s26] =	ssyncset.done $0x0  }
0x251: {  	s14 =	rddreg [dreg:$0xc];
	[sflag:s26] =	ssyncadd.s32 $0xFFFFD800  }
0x252: {  	[tilespmem:s21], [sflag:$0x3] =	stream.indirect.gather [hbm4b:s4+s18], $0x80, s14, s18, $0xb8;
	[tilespmem:$0x1D080] =	vst v63  }
0x253: {  	_ =	swait.ge [sflag:s22], $0x2800  }
0x254: {  	[sflag:s22] =	ssyncset.done $0x0  }
0x255: {  	s12 =	rddreg [dreg:$0xd];
	[sflag:s22] =	ssyncadd.s32 $0xFFFFD800  }
0x256: {  	[spmem:s2] =	stream.indirect.scatter.add.f32 [tilespmem:s19], [sflag:$0x5], $0x80, s12, s18, $0xb8;
	[tilespmem:$0x1D080] =	vst v63  }
0x257: {  	_ =	swait.ge [sflag:s23], $0x2800  }
0x258: {  	[sflag:s23] =	ssyncset.done $0x0  }
0x259: {  	s13 =	rddreg [dreg:$0xe];
	[sflag:s23] =	ssyncadd.s32 $0xFFFFD800  }
0x25a: {  	[tilespmem:s15], [sflag:$0x1] =	stream.indirect.gather [hbm4b:s4+s18], $0x80, s13, s18, $0xb8;
	[tilespmem:$0x1D080] =	vst v63  }
0x25b: {  	_ =	swait.ge [sflag:s24], $0x2800  }
0x25c: {  	[sflag:s24] =	ssyncset.done $0x0  }
0x25d: {  	s14 =	rddreg [dreg:$0xf];
	[sflag:s24] =	ssyncadd.s32 $0xFFFFD800  }
0x25e: {  	[spmem:s2] =	stream.indirect.scatter.add.f32 [tilespmem:s21], [sflag:$0x6], $0x80, s14, s18, $0xb8;
	[tilespmem:$0x1D080] =	vst v63  }
0x25f: {  	_ =	swait.ge [sflag:s25], $0x2800  }
0x260: {  	[sflag:s25] =	ssyncset.done $0x0  }
0x261: {  	s12 =	rddreg [dreg:$0x10];
	[sflag:s25] =	ssyncadd.s32 $0xFFFFD800  }
0x262: {  	[tilespmem:s19], [sflag:$0x2] =	stream.indirect.gather [hbm4b:s4+s18], $0x80, s12, s18, $0xb8;
	[tilespmem:$0x1D080] =	vst v63  }
0x263: {  	_ =	swait.ge [sflag:s20], $0x2800  }
0x264: {  	[sflag:s20] =	ssyncset.done $0x0  }
0x265: {  	s13 =	rddreg [dreg:$0x11];
	[sflag:s20] =	ssyncadd.s32 $0xFFFFD800  }
0x266: {  	[spmem:s2] =	stream.indirect.scatter.add.f32 [tilespmem:s15], [sflag:$0x4], $0x80, s13, s18, $0xb8;
	[tilespmem:$0x1D080] =	vst v63  }
0x267: {  	_ =	swait.ge [sflag:s26], $0x2800  }
0x268: {  	[sflag:s26] =	ssyncset.done $0x0  }
0x269: {  	s14 =	rddreg [dreg:$0x12];
	[sflag:s26] =	ssyncadd.s32 $0xFFFFD800  }
0x26a: {  	[tilespmem:s21], [sflag:$0x3] =	stream.indirect.gather [hbm4b:s4+s18], $0x80, s14, s18, $0xb8;
	[tilespmem:$0x1D080] =	vst v63  }
0x26b: {  	_ =	swait.ge [sflag:s22], $0x2800  }
0x26c: {  	[sflag:s22] =	ssyncset.done $0x0  }
0x26d: {  	s12 =	rddreg [dreg:$0x13];
	[sflag:s22] =	ssyncadd.s32 $0xFFFFD800  }
0x26e: {  	[spmem:s2] =	stream.indirect.scatter.add.f32 [tilespmem:s19], [sflag:$0x5], $0x80, s12, s18, $0xb8;
	[tilespmem:$0x1D080] =	vst v63  }
0x26f: {  	_ =	swait.ge [sflag:s23], $0x2800  }
0x270: {  	[sflag:s23] =	ssyncset.done $0x0  }
0x271: {  	s13 =	rddreg [dreg:$0x14];
	[sflag:s23] =	ssyncadd.s32 $0xFFFFD800  }
0x272: {  	[tilespmem:s15], [sflag:$0x1] =	stream.indirect.gather [hbm4b:s4+s18], $0x80, s13, s18, $0xb8;
	[tilespmem:$0x1D080] =	vst v63  }
0x273: {  	_ =	swait.ge [sflag:s24], $0x2800  }
0x274: {  	[sflag:s24] =	ssyncset.done $0x0  }
0x275: {  	s14 =	rddreg [dreg:$0x15];
	[sflag:s24] =	ssyncadd.s32 $0xFFFFD800  }
0x276: {  	[spmem:s2] =	stream.indirect.scatter.add.f32 [tilespmem:s21], [sflag:$0x6], $0x80, s14, s18, $0xb8;
	[tilespmem:$0x1D080] =	vst v63  }
0x277: {  	_ =	swait.ge [sflag:s25], $0x2800  }
0x278: {  	[sflag:s25] =	ssyncset.done $0x0  }
0x279: {  	s12 =	rddreg [dreg:$0x16];
	[sflag:s25] =	ssyncadd.s32 $0xFFFFD800  }
0x27a: {  	[tilespmem:s19], [sflag:$0x2] =	stream.indirect.gather [hbm4b:s4+s18], $0x80, s12, s18, $0xb8;
	[tilespmem:$0x1D080] =	vst v63  }
0x27b: {  	_ =	swait.ge [sflag:s20], $0x2800  }
0x27c: {  	[sflag:s20] =	ssyncset.done $0x0  }
0x27d: {  	s13 =	rddreg [dreg:$0x17];
	[sflag:s20] =	ssyncadd.s32 $0xFFFFD800  }
0x27e: {  	[spmem:s2] =	stream.indirect.scatter.add.f32 [tilespmem:s15], [sflag:$0x4], $0x80, s13, s18, $0xb8;
	[tilespmem:$0x1D080] =	vst v63  }
0x27f: {  	_ =	swait.ge [sflag:s26], $0x2800  }
0x280: {  	[sflag:s26] =	ssyncset.done $0x0  }
0x281: {  	s14 =	rddreg [dreg:$0x18];
	[sflag:s26] =	ssyncadd.s32 $0xFFFFD800  }
0x282: {  	[tilespmem:s21], [sflag:$0x3] =	stream.indirect.gather [hbm4b:s4+s18], $0x80, s14, s18, $0xb8;
	[tilespmem:$0x1D080] =	vst v63  }
0x283: {  	_ =	swait.ge [sflag:s22], $0x2800  }
0x284: {  	[sflag:s22] =	ssyncset.done $0x0  }
0x285: {  	s12 =	rddreg [dreg:$0x19];
	[sflag:s22] =	ssyncadd.s32 $0xFFFFD800  }
0x286: {  	[spmem:s2] =	stream.indirect.scatter.add.f32 [tilespmem:s19], [sflag:$0x5], $0x80, s12, s18, $0xb8;
	[tilespmem:$0x1D080] =	vst v63  }
0x287: {  	_ =	swait.ge [sflag:s23], $0x2800  }
0x288: {  	[sflag:s23] =	ssyncset.done $0x0  }
0x289: {  	s13 =	rddreg [dreg:$0x1a];
	[sflag:s23] =	ssyncadd.s32 $0xFFFFD800  }
0x28a: {  	[tilespmem:s15], [sflag:$0x1] =	stream.indirect.gather [hbm4b:s4+s18], $0x80, s13, s18, $0xb8;
	[tilespmem:$0x1D080] =	vst v63  }
0x28b: {  	_ =	swait.ge [sflag:s24], $0x2800  }
0x28c: {  	[sflag:s24] =	ssyncset.done $0x0  }
0x28d: {  	s14 =	rddreg [dreg:$0x1b];
	[sflag:s24] =	ssyncadd.s32 $0xFFFFD800  }
0x28e: {  	[spmem:s2] =	stream.indirect.scatter.add.f32 [tilespmem:s21], [sflag:$0x6], $0x80, s14, s18, $0xb8;
	[tilespmem:$0x1D080] =	vst v63  }
0x28f: {  	_ =	swait.ge [sflag:s25], $0x2800  }
0x290: {  	[sflag:s25] =	ssyncset.done $0x0  }
0x291: {  	s12 =	rddreg [dreg:$0x1c];
	[sflag:s25] =	ssyncadd.s32 $0xFFFFD800  }
0x292: {  	[tilespmem:s19], [sflag:$0x2] =	stream.indirect.gather [hbm4b:s4+s18], $0x80, s12, s18, $0xb8;
	[tilespmem:$0x1D080] =	vst v63  }
0x293: {  	_ =	swait.ge [sflag:s20], $0x2800  }
0x294: {  	[sflag:s20] =	ssyncset.done $0x0  }
0x295: {  	s13 =	rddreg [dreg:$0x1d];
	[sflag:s20] =	ssyncadd.s32 $0xFFFFD800  }
0x296: {  	[spmem:s2] =	stream.indirect.scatter.add.f32 [tilespmem:s15], [sflag:$0x4], $0x80, s13, s18, $0xb8;
	[tilespmem:$0x1D080] =	vst v63  }
0x297: {  	_ =	swait.ge [sflag:s26], $0x2800  }
0x298: {  	[sflag:s26] =	ssyncset.done $0x0  }
0x299: {  	s14 =	rddreg [dreg:$0x1e];
	[sflag:s26] =	ssyncadd.s32 $0xFFFFD800  }
0x29a: {  	[tilespmem:s21], [sflag:$0x3] =	stream.indirect.gather [hbm4b:s4+s18], $0x80, s14, s18, $0xb8;
	[tilespmem:$0x1D080] =	vst v63  }
0x29b: {  	_ =	swait.ge [sflag:s22], $0x2800  }
0x29c: {  	[sflag:s22] =	ssyncset.done $0x0  }
0x29d: {  	s12 =	rddreg [dreg:$0x1f];
	[sflag:s22] =	ssyncadd.s32 $0xFFFFD800  }
0x29e: {  	[spmem:s2] =	stream.indirect.scatter.add.f32 [tilespmem:s19], [sflag:$0x5], $0x80, s12, s18, $0xb8;
	[tilespmem:$0x1D080] =	vst v63  }
0x29f: {  	_ =	swait.ge [sflag:s23], $0x2800  }
0x2a0: {  	s13 =	sld [smem:$0x7F5]  }
0x2a1: {  	[sflag:s23] =	ssyncset.done $0x0  }
0x2a2: {  	[sflag:s23] =	ssyncadd.s32 $0xFFFFD800  }
0x2a3: {  	[tilespmem:s15], [sflag:$0x1] =	stream.indirect.gather [hbm4b:s4+s18], $0x80, s13, s18, $0xb8;
	[tilespmem:$0x1D080] =	vst v63  }
0x2a4: {  	_ =	swait.ge [sflag:s24], $0x2800  }
0x2a5: {  	s14 =	sld [smem:$0x7F6]  }
0x2a6: {  	[sflag:s24] =	ssyncset.done $0x0  }
0x2a7: {  	[sflag:s24] =	ssyncadd.s32 $0xFFFFD800  }
0x2a8: {  	[spmem:s2] =	stream.indirect.scatter.add.f32 [tilespmem:s21], [sflag:$0x6], $0x80, s14, s18, $0xb8;
	[tilespmem:$0x1D080] =	vst v63  }
0x2a9: {  	_ =	swait.ge [sflag:s25], $0x2800  }
0x2aa: {  	s12 =	sld [smem:$0x7F7]  }
0x2ab: {  	[sflag:s25] =	ssyncset.done $0x0  }
0x2ac: {  	[sflag:s25] =	ssyncadd.s32 $0xFFFFD800  }
0x2ad: {  	[tilespmem:s19], [sflag:$0x2] =	stream.indirect.gather [hbm4b:s4+s18], $0x80, s12, s18, $0xb8;
	[tilespmem:$0x1D080] =	vst v63  }
0x2ae: {  	_ =	swait.ge [sflag:s20], $0x2800  }
0x2af: {  	s13 =	sld [smem:$0x7F8]  }
0x2b0: {  	[sflag:s20] =	ssyncset.done $0x0  }
0x2b1: {  	[sflag:s20] =	ssyncadd.s32 $0xFFFFD800  }
0x2b2: {  	[spmem:s2] =	stream.indirect.scatter.add.f32 [tilespmem:s15], [sflag:$0x4], $0x80, s13, s18, $0xb8;
	[tilespmem:$0x1D080] =	vst v63  }
0x2b3: {  	_ =	swait.ge [sflag:s26], $0x2800  }
0x2b4: {  	s14 =	sld [smem:$0x7F9]  }
0x2b5: {  	[sflag:s26] =	ssyncset.done $0x0  }
0x2b6: {  	[sflag:s26] =	ssyncadd.s32 $0xFFFFD800  }
0x2b7: {  	[tilespmem:s21], [sflag:$0x3] =	stream.indirect.gather [hbm4b:s4+s18], $0x80, s14, s18, $0xb8;
	[tilespmem:$0x1D080] =	vst v63  }
0x2b8: {  	_ =	swait.ge [sflag:s22], $0x2800  }
0x2b9: {  	s12 =	sld [smem:$0x7FA]  }
0x2ba: {  	[sflag:s22] =	ssyncset.done $0x0  }
0x2bb: {  	[sflag:s22] =	ssyncadd.s32 $0xFFFFD800  }
0x2bc: {  	[spmem:s2] =	stream.indirect.scatter.add.f32 [tilespmem:s19], [sflag:$0x5], $0x80, s12, s18, $0xb8;
	[tilespmem:$0x1D080] =	vst v63  }
0x2bd: {  	_ =	swait.ge [sflag:s23], $0x2800  }
0x2be: {  	s13 =	sld [smem:$0x7FB]  }
0x2bf: {  	[sflag:s23] =	ssyncset.done $0x0  }
0x2c0: {  	[sflag:s23] =	ssyncadd.s32 $0xFFFFD800  }
0x2c1: {  	[tilespmem:s15], [sflag:$0x1] =	stream.indirect.gather [hbm4b:s4+s18], $0x80, s13, s18, $0xb8;
	[tilespmem:$0x1D080] =	vst v63  }
0x2c2: {  	_ =	swait.ge [sflag:s24], $0x2800  }
0x2c3: {  	s14 =	sld [smem:$0x7FC]  }
0x2c4: {  	[sflag:s24] =	ssyncset.done $0x0  }
0x2c5: {  	[sflag:s24] =	ssyncadd.s32 $0xFFFFD800  }
0x2c6: {  	[spmem:s2] =	stream.indirect.scatter.add.f32 [tilespmem:s21], [sflag:$0x6], $0x80, s14, s18, $0xb8;
	[tilespmem:$0x1D080] =	vst v63  }
0x2c7: {  	_ =	swait.ge [sflag:s25], $0x2800  }
0x2c8: {  	s12 =	sld [smem:$0x7FD]  }
0x2c9: {  	[sflag:s25] =	ssyncset.done $0x0  }
0x2ca: {  	[sflag:s25] =	ssyncadd.s32 $0xFFFFD800  }
0x2cb: {  	[tilespmem:s19], [sflag:$0x2] =	stream.indirect.gather [hbm4b:s4+s18], $0x80, s12, s18, $0xb8;
	[tilespmem:$0x1D080] =	vst v63  }
0x2cc: {  	_ =	swait.ge [sflag:s20], $0x2800  }
0x2cd: {  	[sflag:s20] =	ssyncset.done $0x0  }
0x2ce: {  	[sflag:s20] =	ssyncadd.s32 $0xFFFFD800  }
0x2cf: {  	[spmem:s2] =	stream.indirect.scatter.add.f32 [tilespmem:s15], [sflag:$0x4], $0x80, s28, s18, $0xb8;
	[tilespmem:$0x1D080] =	vst v63  }
0x2d0: {  	_ =	swait.ge [sflag:s26], $0x2800  }
0x2d1: {  	[sflag:s26] =	ssyncset.done $0x0  }
0x2d2: {  	[sflag:s26] =	ssyncadd.s32 $0xFFFFD800  }
0x2d3: {  	[tilespmem:s21], [sflag:$0x3] =	stream.indirect.gather [hbm4b:s4+s18], $0x80, s29, s18, $0xb8;
	[tilespmem:$0x1D080] =	vst v63  }
0x2d4: {  	_ =	swait.ge [sflag:s22], $0x2800  }
0x2d5: {  	[sflag:s22] =	ssyncset.done $0x0  }
0x2d6: {  	[sflag:s22] =	ssyncadd.s32 $0xFFFFD800  }
0x2d7: {  	[spmem:s2] =	stream.indirect.scatter.add.f32 [tilespmem:s19], [sflag:$0x5], $0x80, s30, s18, $0xb8;
	[tilespmem:$0x1D080] =	vst v63  }
0x2d8: {  	_ =	swait.ge [sflag:s23], $0x2800  }
0x2d9: {  	[sflag:s23] =	ssyncset.done $0x0  }
0x2da: {  	[sflag:s23] =	ssyncadd.s32 $0xFFFFD800  }
0x2db: {  	[tilespmem:s15], [sflag:$0x1] =	stream.indirect.gather [hbm4b:s4+s18], $0x80, s31, s18, $0xb8;
	[tilespmem:$0x1D080] =	vst v63  }
0x2dc: {  	_ =	swait.ge [sflag:s24], $0x2800  }
0x2dd: {  	[sflag:s24] =	ssyncset.done $0x0  }
0x2de: {  	[sflag:s24] =	ssyncadd.s32 $0xFFFFD800  }
0x2df: {  	[spmem:s2] =	stream.indirect.scatter.add.f32 [tilespmem:s21], [sflag:$0x6], $0x80, s1, s18, $0xb8;
	[tilespmem:$0x1D080] =	vst v63  }
0x2e0: {  	_ =	swait.ge [sflag:s25], $0x2800  }
0x2e1: {  	[sflag:s25] =	ssyncset.done $0x0  }
0x2e2: {  	[sflag:s25] =	ssyncadd.s32 $0xFFFFD800  }
0x2e3: {  	[tilespmem:s19], [sflag:$0x2] =	stream.indirect.gather [hbm4b:s4+s18], $0x80, s0, s18, $0xb8;
	[tilespmem:$0x1D080] =	vst v63  }
0x2e4: {  	_ =	swait.ge [sflag:s20], $0x2800  }
0x2e5: {  	[sflag:s20] =	ssyncset.done $0x0  }
0x2e6: {  	[sflag:s20] =	ssyncadd.s32 $0xFFFFD800  }
0x2e7: {  	[spmem:s2] =	stream.indirect.scatter.add.f32 [tilespmem:s15], [sflag:$0x4], $0x80, s6, s18, $0xb8;
	[tilespmem:$0x1D080] =	vst v63  }
0x2e8: {  	_ =	swait.ge [sflag:s26], $0x2800  }
0x2e9: {  	[sflag:s26] =	ssyncset.done $0x0  }
0x2ea: {  	[sflag:s26] =	ssyncadd.s32 $0xFFFFD800  }
0x2eb: {  	[tilespmem:s21], [sflag:$0x3] =	stream.indirect.gather [hbm4b:s4+s18], $0x80, s7, s18, $0xb8;
	[tilespmem:$0x1D080] =	vst v63  }
0x2ec: {  	_ =	swait.ge [sflag:s22], $0x2800  }
0x2ed: {  	[sflag:s22] =	ssyncset.done $0x0  }
0x2ee: {  	[sflag:s22] =	ssyncadd.s32 $0xFFFFD800  }
0x2ef: {  	[spmem:s2] =	stream.indirect.scatter.add.f32 [tilespmem:s19], [sflag:$0x5], $0x80, s8, s18, $0xb8;
	[tilespmem:$0x1D080] =	vst v63  }
0x2f0: {  	_ =	swait.ge [sflag:s23], $0x2800  }
0x2f1: {  	[sflag:s23] =	ssyncset.done $0x0  }
0x2f2: {  	[sflag:s23] =	ssyncadd.s32 $0xFFFFD800  }
0x2f3: {  	[tilespmem:s15], [sflag:$0x1] =	stream.indirect.gather [hbm4b:s4+s18], $0x80, s9, s18, $0xb8;
	[tilespmem:$0x1D080] =	vst v63  }
0x2f4: {  	_ =	swait.ge [sflag:s24], $0x2800  }
0x2f5: {  	[sflag:s24] =	ssyncset.done $0x0  }
0x2f6: {  	[sflag:s24] =	ssyncadd.s32 $0xFFFFD800  }
0x2f7: {  	[spmem:s2] =	stream.indirect.scatter.add.f32 [tilespmem:s21], [sflag:$0x6], $0x80, s10, s18, $0xb8;
	[tilespmem:$0x1D080] =	vst v63  }
0x2f8: {  	_ =	swait.ge [sflag:s25], $0x2800  }
0x2f9: {  	[sflag:s25] =	ssyncset.done $0x0  }
0x2fa: {  	[sflag:s25] =	ssyncadd.s32 $0xFFFFD800  }
0x2fb: {  	_ =	swait.ge [sflag:s20], $0x2800  }
0x2fc: {  	[sflag:s20] =	ssyncset.done $0x0  }
0x2fd: {  	[sflag:s20] =	ssyncadd.s32 $0xFFFFD800  }
0x2fe: {  	[spmem:s2] =	stream.indirect.scatter.add.f32 [tilespmem:s15], [sflag:$0x4], $0x80, s11, s18, $0xb8;
	[tilespmem:$0x1D080] =	vst v63  }
0x2ff: {  	_ =	swait.ge [sflag:s26], $0x2800  }
0x300: {  	[sflag:s26] =	ssyncset.done $0x0  }
0x301: {  	[sflag:s26] =	ssyncadd.s32 $0xFFFFD800  }
0x302: {  	_ =	swait.ge [sflag:s23], $0x2800  }
0x303: {  	[sflag:s23] =	ssyncset.done $0x0  }
0x304: {  	[sflag:s23] =	ssyncadd.s32 $0xFFFFD800  }
0x305: {  	[bflag:$0x0] =	sbarrier.arrive $0xFFFF  }
0x306: {  	s12 =	sld [smem:$0x7F1]  }
0x307: {  	s13 =	stileid.u32;
	s14 =	sld [smem:$0x7F3]  }
0x308: {  	s5 =	sshll.u32 s13, $0x6  }
0x309: {  	s5 =	sor.u32 $0x1C07, s5;
	s12 =	sshrl.u32 s12, $0x3  }
0x30a: {  	[hbm:s14], [sflag:s5] =	dma.local [spmem:s12], $0x2710  }
0x30b: {  	_ =	swait.ge [sflag:s16], $0x2710  }
0x30c: {  	s13 =	sld [smem:$0x7EA]  }
0x30d: {  	s14 =	sld [smem:$0x7F4];
	_ =	sdelay $0x1  }
0x30e: {  	s12 =	sadd.s32 $0x1, s13  }
0x30f: {  	p0 =	sne.s32 s12, s14  }
.Ltmp2:
0x310: {  	_ = 	snop;
	(pc) =	sbr.rel @p0 .LBB2_1-.Ltmp2, $3  }
0x311: {  	_ =	sdelay $0x1  }
0x312: {  	[sflag:s16] =	ssyncset.done $0x0  }
0x313: {  	[sflag:s16] =	ssyncadd.s32 $0xFFFFD8F0  }
0x314: {  	_ =	sfence.sel $0x180000  }
0x315: {  	[bflag:$0x0] =	sbarrier.arrive $0xFFFF  }
0x316: {  	_ =	strace $0x9000004A  }
0x317: {  	s0 =	stileid.u32;
	[bflag:$0x2] =	sbarrier.arrive $0xFFFF  }
0x318: {  	p0 =	sne.s32 s0, $0x0;
	s0 =	rddreg [dreg:$0x2]  }
0x319: {  	s0 =	sadd.s32 @!p0 $0x100000, s0  }
0x31a: {  	[sflag:s0] =	ssyncadd.tile.s32 @!p0 $0x1;
	_ =	shalt  }
.Lfunc_end2:
_tile_overlayer_lowered:
.L_overlay_start_2:
0x31b: {  	(tag) =	ssettag $0x2  }
0x31c: {  	s0 =	rddreg [dreg:$0x0];
	s2 =	stileid.u32  }
0x31d: {  	s1 =	rddreg [dreg:$0x1];
	p0 =	sne.s32 s2, $0x0  }
0x31e: {  	s3 =	rddreg [dreg:$0x2];
	[bflag:$0x3] =	sbarrier.arrive $0xFFFF;
	s2 =	simm.s32 @!p0 $0x1C07  }
0x31f: {  	[timem:s3], [sflag:s2] =	dma.local @!p0 [hbm:s0], s1  }
0x320: {  	s0 =	simm.s32 @!p0 $0x7  }
0x321: {  	_ =	swait.ge @!p0 [sflag:s0], s1  }
0x322: {  	s1 =	ssub.s32 @!p0 $0x0, s1;
	[sflag:s0] =	ssyncset.done @!p0 $0x0  }
0x323: {  	[sflag:s0] =	ssyncadd.s32 @!p0 s1  }
0x324: {  	[bflag:$0x3] =	sbarrier.arrive $0xFFFF  }
0x325: {  	_ =	shalt  }

// kernel: kernel.14.cloned.1.call-start
scs
__scs_entry_jumppad:
0x0: {  	(pc) =	sbr.rel $0x88, $3  }
0x1: {  	(tag) =	ssettag $0x0;
	lr =	simm.s32 $0x1  }
0x2: {  	[smem:$0x3F9B] =	sst lr;
	_ =	strace $0xD0000000  }
0x3: {  	_ = 	snop  }
0x4: {  	_ = 	snop  }
0x5: {  	_ = 	snop  }
0x6: {  	_ = 	snop  }
0x7: {  	_ = 	snop  }
__scs_overlays_trampoline_lowered:
0x8: {  	[smem:$0x3FAA] =	sst s0  }
0x9: {  	[smem:$0x3FAB] =	sst s1  }
0xa: {  	[smem:$0x3FAC] =	sst s2  }
0xb: {  	[smem:$0x3FAD] =	sst s3  }
0xc: {  	[smem:$0x3FAE] =	sst s4  }
0xd: {  	[smem:$0x3FAF] =	sst s5  }
0xe: {  	[smem:$0x3FB0] =	sst s6  }
0xf: {  	[smem:$0x3FB1] =	sst s7  }
0x10: {  	[smem:$0x3FB2] =	sst s8  }
0x11: {  	[smem:$0x3FB3] =	sst s9;
	s0 =	simm.s32 @!p0 $0x0  }
0x12: {  	s1 =	sld [smem:$0x3F99];
	s0 =	simm.s32 @p0 $0x1  }
0x13: {  	[smem:$0x3FB4] =	sst s0;
	s0 =	simm.s32 @!p1 $0x0  }
0x14: {  	s2 =	sld [smem:$0x3F98];
	s0 =	simm.s32 @p1 $0x1  }
0x15: {  	[smem:$0x3FB5] =	sst s0;
	s0 =	simm.s32 @!p2 $0x0  }
0x16: {  	s3 =	sld [smem:$0x3FDB];
	s0 =	simm.s32 @p2 $0x1  }
0x17: {  	s4 =	simm.s32 $0x1BF5;
	[smem:$0x3FB7] =	sst s0  }
0x18: {  	s0 =	sld [smem:$0x3F9A];
	_ =	swait.ge [sflag:s4], $0x0  }
0x19: {  	s7 =	sld [smem:$0x3F9B]  }
0x1a: {  	s8 =	sadd.s32 $0xFFFFE003, lr  }
0x1b: {  	s9 =	sadd.s32 $0xFFFFFEF7, lr;
	s5 =	simm.s32 $0xFFFFFFFF;
	p2 =	slt.u32 s8, $0xFFFFF086  }
0x1c: {  	p1 =	slt.u32 s9, $0xF7A;
	s5 =	simm.s32 @!p2 $0x0  }
0x1d: {  	s5 =	simm.s32 @p1 $0x1;
	p0 =	seq.s32 s7, s2  }
0x1e: {  	s7 =	smul.u32 @!p0 $0xF7A, s2;
	p2 =	seq.s32 @!p0 s5, $0x0  }
0x1f: {  	s9 =	smul.u32 $0xF7A, s1;
	s8 =	simm.s32 @!p0 $0x1BF5;
	p2 =	por !p2, p0  }
0x20: {  	[sflag:s8] =	ssyncset.s32 @!p0 $0xFFFFF086;
	s6 =	sadd.s32 @!p0 s3, s7;
	s7 =	simm.s32 @!p0 $0x108  }
0x21: {  	s3 =	sadd.s32 s3, s9;
	s6 =	sadd.s32 @!p0 $0x88, s6;
	s7 =	simm.s32 @p2 $0x1082  }
0x22: {  	[simem:s7], [sflag:s8] =	dma.local @!p0 [hbm:s6], $0xF7A  }
0x23: {  	s9 =	sor.u32 $0xD0000000, s2;
	s6 =	simm.s32 $0x108;
	_ =	swait.ge @!p0 [sflag:s8], $0x0  }
0x24: {  	s3 =	sadd.s32 $0x88, s3;
	s6 =	simm.s32 @!p1 $0x1082;
	[sflag:s4] =	ssyncset.s32 $0xFFFFF086  }
0x25: {  	[simem:s6], [sflag:s4] =	dma.local [hbm:s3], $0xF7A  }
0x26: {  	[smem:$0x3F9B] =	sst s1;
	(tag) =	ssettag s2;
	_ =	strace s9  }
0x27: {  	s1 =	sld [smem:$0x3FAB]  }
0x28: {  	s2 =	sld [smem:$0x3FAC]  }
0x29: {  	s4 =	sld [smem:$0x3FAE]  }
0x2a: {  	p0 =	seq.s32 s5, $0x0;
	s5 =	sld [smem:$0x3FAF]  }
0x2b: {  	s6 =	sld [smem:$0x3FB0]  }
0x2c: {  	s7 =	sld [smem:$0x3FB1]  }
0x2d: {  	s3 =	simm.s32 $0x108;
	s8 =	sld [smem:$0x3FB2]  }
0x2e: {  	s3 =	simm.s32 @!p0 $0x1082;
	s9 =	sld [smem:$0x3FB3]  }
0x2f: {  	lr =	sadd.s32 s0, s3;
	s0 =	sld [smem:$0x3FAA]  }
0x30: {  	s3 =	sld [smem:$0x3FAD]  }
0x31: {  	[smem:$0x3FB6] =	sst s10  }
0x32: {  	s10 =	sld [smem:$0x3FB4];
	_ =	sdelay $0x3  }
0x33: {  	p0 =	seq.s32 s10, $0x1;
	s10 =	sld [smem:$0x3FB6];
	_ =	sdelay $0x3  }
0x34: {  	[smem:$0x3FB6] =	sst s10  }
0x35: {  	s10 =	sld [smem:$0x3FB5];
	_ =	sdelay $0x3  }
0x36: {  	p1 =	seq.s32 s10, $0x1;
	s10 =	sld [smem:$0x3FB6];
	_ =	sdelay $0x3  }
0x37: {  	[smem:$0x3FB6] =	sst s10  }
0x38: {  	s10 =	sld [smem:$0x3FB7]  }
0x39: {  	_ = 	snop;
	(pc) =	sbr.ind lr, $3  }
0x3a: {  	_ = 	snop  }
0x3b: {  	_ = 	snop  }
0x3c: {  	p2 =	seq.s32 s10, $0x1;
	s10 =	sld [smem:$0x3FB6]  }
0x3d: {  	_ =	shalt  }
0x3e: {  	_ =	shalt  }
0x3f: {  	_ =	shalt  }
0x40: {  	_ =	shalt  }
0x41: {  	_ =	shalt  }
0x42: {  	_ =	shalt  }
0x43: {  	_ =	shalt  }
0x44: {  	_ =	shalt  }
0x45: {  	_ =	shalt  }
0x46: {  	_ =	shalt  }
0x47: {  	_ =	shalt  }
0x48: {  	_ =	shalt  }
0x49: {  	_ =	shalt  }
0x4a: {  	_ =	shalt  }
0x4b: {  	_ =	shalt  }
0x4c: {  	_ =	shalt  }
0x4d: {  	_ =	shalt  }
0x4e: {  	_ =	shalt  }
0x4f: {  	_ =	shalt  }
0x50: {  	_ =	shalt  }
0x51: {  	_ =	shalt  }
0x52: {  	_ =	shalt  }
0x53: {  	_ =	shalt  }
0x54: {  	_ =	shalt  }
0x55: {  	_ =	shalt  }
0x56: {  	_ =	shalt  }
0x57: {  	_ =	shalt  }
0x58: {  	_ =	shalt  }
0x59: {  	_ =	shalt  }
0x5a: {  	_ =	shalt  }
0x5b: {  	_ =	shalt  }
0x5c: {  	_ =	shalt  }
0x5d: {  	_ =	shalt  }
0x5e: {  	_ =	shalt  }
0x5f: {  	_ =	shalt  }
0x60: {  	_ =	shalt  }
0x61: {  	_ =	shalt  }
0x62: {  	_ =	shalt  }
0x63: {  	_ =	shalt  }
0x64: {  	_ =	shalt  }
0x65: {  	_ =	shalt  }
0x66: {  	_ =	shalt  }
0x67: {  	_ =	shalt  }
0x68: {  	_ =	shalt  }
0x69: {  	_ =	shalt  }
0x6a: {  	_ =	shalt  }
0x6b: {  	_ =	shalt  }
0x6c: {  	_ =	shalt  }
0x6d: {  	_ =	shalt  }
0x6e: {  	_ =	shalt  }
0x6f: {  	_ =	shalt  }
0x70: {  	_ =	shalt  }
0x71: {  	_ =	shalt  }
0x72: {  	_ =	shalt  }
0x73: {  	_ =	shalt  }
0x74: {  	_ =	shalt  }
0x75: {  	_ =	shalt  }
0x76: {  	_ =	shalt  }
0x77: {  	_ =	shalt  }
0x78: {  	_ =	shalt  }
0x79: {  	_ =	shalt  }
0x7a: {  	_ =	shalt  }
0x7b: {  	_ =	shalt  }
0x7c: {  	_ =	shalt  }
0x7d: {  	_ =	shalt  }
0x7e: {  	_ =	shalt  }
0x7f: {  	_ =	shalt  }
0x80: {  	_ =	shalt  }
0x81: {  	_ =	shalt  }
0x82: {  	_ =	shalt  }
0x83: {  	_ =	shalt  }
0x84: {  	_ =	shalt  }
0x85: {  	_ =	shalt  }
0x86: {  	_ =	shalt  }
0x87: {  	_ =	shalt  }
.Lfunc_end0:
.L_simem_size_0:
called_computation.2_lowered:
.L_overlay_start_0:
0x88: {  	s2 =	sld [smem:$0x3FD9]  }
0x89: {  	s3 =	sld [smem:$0x3FFE];
	_ =	sdelay $0x1  }
0x8a: {  	s1 =	srdreg.scid  }
0x8b: {  	s0 =	sand.u32 $0x1, s1  }
0x8c: {  	s16 =	sshll.u32 s0, $0xA;
	s2 =	sadd.s32 s3, s2  }
0x8d: {  	s2 =	sadd.s32 s2, s16  }
0x8e: {  	[smem:$0x3FC2] =	sst s2  }
0x8f: {  	_ = 	snop  }
0x90: {  	(tm) =	ssettm $0x1  }
0x91: {  	s17 =	sld [smem:$0x3FFB];
	_ =	sdelay $0x3  }
0x92: {  	_ =	strace s17  }
0x93: {  	s2 =	sld [smem:$0x3FFC];
	_ =	sdelay $0x3  }
0x94: {  	_ =	strace s2  }
0x95: {  	s2 =	sld [smem:$0x3FFD];
	_ =	sdelay $0x3  }
0x96: {  	_ =	strace s2  }
0x97: {  	_ =	strace $0x8FFFFFFF  }
0x98: {  	s18 =	sld [smem:$0x3FDB];
	_ =	sdelay $0x1  }
0x99: {  	s19 =	simm.s32 $_scs_section_size  }
0x9a: {  	s4 =	simm.s32 $_size__tile_overlayer_lowered;
	s5 =	simm.s32 $_tile_overlayer_lowered  }
0x9b: {  	s22 =	simm.s32 $0x1BFF;
	s21 =	sshll.u32 s5, $0x1;
	s2 =	sadd.s32 s19, s18  }
0x9c: {  	s6 =	simm.s32 $0x0;
	s20 =	sshll.u32 s4, $0x1;
	s4 =	sadd.s32 s21, s2  }
0x9d: {  	[timem:s6], [sflag:s22] =	dma.local [hbm:s4], s20  }
0x9e: {  	_ =	swait.ge [sflag:s22], s20  }
0x9f: {  	s3 =	ssub.s32 $0x0, s20;
	[sflag:s22] =	ssyncset.done $0x0  }
0xa0: {  	[sflag:s22] =	ssyncadd.s32 s3;
	_ =	sdelay $0x1  }
0xa1: {  	s23 =	simm.s32 $0x1B8B  }
0xa2: {  	_ =	swait.ge [sflag:s23], $0x1  }
0xa3: {  	[sflag:s23] =	ssyncset.done $0x0  }
0xa4: {  	s25 =	simm.s32 $0x1B8E;
	s24 =	sld [smem:$0x3FFE];
	[sflag:s23] =	ssyncadd.s32 $0xFFFFFFFF  }
0xa5: {  	s26 =	simm.s32 $execute0_lowered;
	[smem:$0x3FD2] =	sst s25  }
0xa6: {  	s4 =	sshll.u32 s26, $0x1;
	_ =	strace $0x8000004C;
	[dreg:$0x1] =	wrdreg $0xFFFFFFFF  }
0xa7: {  	s28 =	simm.s32 $_size_execute0_lowered;
	s2 =	sadd.s32 s2, s4;
	[dreg:$0x0] =	wrdreg $0x0  }
0xa8: {  	s4 =	sshll.u32 s28, $0x1;
	[dreg:$0x2] =	wrdreg s2  }
0xa9: {  	[dreg:$0x3] =	wrdreg s4  }
0xaa: {  	[dreg:$0x4] =	wrdreg $0xC0  }
0xab: {  	_ =	task [dreg:s6], $0x5FFFF  }
0xac: {  	[dreg:$0x1] =	wrdreg $0xFFFFFFFF  }
0xad: {  	[dreg:$0x0] =	wrdreg $0x60  }
0xae: {  	[dreg:$0x2] =	wrdreg s24  }
0xaf: {  	[dreg:$0x3] =	wrdreg $0x98000  }
0xb0: {  	[dreg:$0x4] =	wrdreg $0x9  }
0xb1: {  	_ =	task.clear_ibuf [dreg:s6], $0x5FFFF;
	_ =	strace $0x9000004C  }
0xb2: {  	s29 =	simm.s32 $0x9;
	_ =	strace $0x8000004E  }
0xb3: {  	_ =	swait.ge [sflag:s29], $0x1  }
0xb4: {  	[sflag:s29] =	ssyncadd.s32 $0xFFFFFFFF  }
0xb5: {  	_ =	strace $0x9000004E  }
0xb6: {  	_ =	sfence  }
0xb7: {  	s30 =	sld [smem:$0x0];
	_ =	sdelay $0x2  }
0xb8: {  	s31 =	sshll.u32 s1, $0xD;
	s1 =	sshrl.u32 s1, $0x2  }
0xb9: {  	s3 =	sand.u32 $0x4000, s31;
	s1 =	sadd.s32 s1, s30  }
0xba: {  	s0 =	sor.u32 s3, s0;
	s1 =	sshll.u32 s1, $0x11  }
0xbb: {  	s0 =	sor.u32 s1, s0  }
0xbc: {  	s0 =	sadd.s32 $0x8F2B, s0  }
0xbd: {  	[sflag:s0] =	ssyncadd.remote.s32 $0x1  }
0xbe: {  	_ =	sfence.sel $0xFFFF  }
0xbf: {  	[dreg:$0x0] =	wrdreg $0xFFFFFFFF;
	(pc) =	sbr.abs _section_cstart, $3  }
0xc0: {  	[dreg:$0x1] =	wrdreg $0xFFFFFFFF  }
0xc1: {  	_ =	task.clear_ibuf [dreg:s6], $0x2FFFF;
	_ =	strace $0x9FFFFFFF  }
0xc2: {  	(tm) =	ssettm $0x7FFFFFFF  }
0xc3: {  	_ =	shalt  }
tec
execute0_lowered:
.L_overlay_start_1:
0x0: {  	(tag) =	ssettag $0x1  }
0x1: {  	s0 =	srdreg.scid;
	s8 =	stileid.u32  }
0x2: {  	s0 =	sand.u32 $0x1, s0;
	s3 =	smul.u32 $0x5000, s8  }
0x3: {  	s1 =	smul.u32 $0x50000, s0  }
0x4: {  	s5 =	rddreg [dreg:$0x0]  }
0x5: {  	s2 =	rddreg [dreg:$0x1];
	s1 =	sadd.s32 s3, s1;
	s3 =	simm.s32 $0x0  }
0x6: {  	s20 =	simm.s32 $0x80;
	[smem:$0x7FF] =	sst s3  }
0x7: {  	s21 =	simm.s32 $0x100;
	_ =	strace $0x8000004D;
	[dreg:$0x5] =	wrdreg s20  }
0x8: {  	s22 =	simm.s32 $0x1080;
	[dreg:$0x6] =	wrdreg s21  }
0x9: {  	s23 =	simm.s32 $0x180;
	[dreg:$0x7] =	wrdreg s22  }
0xa: {  	s24 =	simm.s32 $0x1100;
	[dreg:$0x8] =	wrdreg s23  }
0xb: {  	s25 =	simm.s32 $0x200;
	[dreg:$0x9] =	wrdreg s24  }
0xc: {  	s26 =	simm.s32 $0x1180;
	[dreg:$0xa] =	wrdreg s25  }
0xd: {  	s9 =	simm.s32 $0x1200;
	[dreg:$0xb] =	wrdreg s26  }
0xe: {  	s10 =	simm.s32 $0x300;
	[dreg:$0xd] =	wrdreg s9  }
0xf: {  	s11 =	simm.s32 $0x1280;
	[dreg:$0xe] =	wrdreg s10  }
0x10: {  	s12 =	simm.s32 $0x380;
	[dreg:$0xf] =	wrdreg s11  }
0x11: {  	s13 =	simm.s32 $0x1300;
	[dreg:$0x10] =	wrdreg s12  }
0x12: {  	s14 =	simm.s32 $0x400;
	[dreg:$0x11] =	wrdreg s13  }
0x13: {  	s16 =	simm.s32 $0x1380;
	s18 =	simm.s32 $0x480;
	[dreg:$0x12] =	wrdreg s14  }
0x14: {  	s6 =	smul.u32 $0x13C000, s0;
	s0 =	ssub.s32 $0x2, s0;
	[dreg:$0x13] =	wrdreg s16  }
0x15: {  	s19 =	simm.s32 $0x1400;
	s15 =	sshrl.u32 s0, $0x1;
	[dreg:$0x14] =	wrdreg s18  }
0x16: {  	s0 =	ssub.s32 s0, s15;
	s15 =	simm.s32 $0x1600;
	[dreg:$0x15] =	wrdreg s19  }
0x17: {  	s0 =	smax.u32 s0, $0x1;
	[dreg:$0x1d] =	wrdreg s15  }
0x18: {  	s21 =	simm.s32 $0x500;
	[smem:$0x7F4] =	sst s0  }
0x19: {  	s22 =	simm.s32 $0x1480;
	[dreg:$0x16] =	wrdreg s21  }
0x1a: {  	s24 =	simm.s32 $0x580;
	[dreg:$0x17] =	wrdreg s22  }
0x1b: {  	s26 =	simm.s32 $0x1500;
	[dreg:$0x18] =	wrdreg s24  }
0x1c: {  	s28 =	simm.s32 $0x1900;
	s9 =	simm.s32 $0x600;
	[dreg:$0x19] =	wrdreg s26  }
0x1d: {  	s29 =	simm.s32 $0xA00;
	s11 =	simm.s32 $0x1580;
	[dreg:$0x1a] =	wrdreg s9  }
0x1e: {  	s17 =	smul.u32 $0x4E200, s8;
	s13 =	simm.s32 $0x680;
	[dreg:$0x1b] =	wrdreg s11  }
0x1f: {  	s30 =	simm.s32 $0x1980;
	s16 =	simm.s32 $0x700;
	[dreg:$0x1c] =	wrdreg s13  }
0x20: {  	s20 =	sshrl.u32 s17, $0x2;
	s17 =	simm.s32 $0x1680;
	[dreg:$0x1e] =	wrdreg s16  }
0x21: {  	s1 =	sshrl.u32 s1, $0x3;
	s18 =	simm.s32 $0x780;
	[dreg:$0x1f] =	wrdreg s17  }
0x22: {  	s1 =	sadd.s32 s1, s5;
	s19 =	simm.s32 $0x1700;
	[smem:$0x7F5] =	sst s18  }
0x23: {  	s7 =	smul.u32 $0x13C00, s8;
	s4 =	sadd.s32 $0x2400, s1;
	[smem:$0x7F6] =	sst s19  }
0x24: {  	s31 =	simm.s32 $0xA80;
	s1 =	sadd.s32 $0x65400, s1;
	[dreg:$0x3] =	wrdreg s4  }
0x25: {  	s6 =	sadd.s32 s7, s6;
	s21 =	simm.s32 $0x1780;
	[dreg:$0x4] =	wrdreg s1  }
0x26: {  	s7 =	simm.s32 $0xB80;
	s22 =	simm.s32 $0x880;
	[smem:$0x7F8] =	sst s21  }
0x27: {  	s6 =	sshrl.u32 s6, $0x3;
	s24 =	simm.s32 $0x900;
	[smem:$0x7F9] =	sst s22  }
0x28: {  	s15 =	simm.s32 $0x2000;
	s26 =	simm.s32 $0x980;
	[smem:$0x7FB] =	sst s24  }
0x29: {  	s0 =	simm.s32 $0xB00;
	s4 =	simm.s32 $0x280;
	[smem:$0x7FD] =	sst s26  }
0x2a: {  	s16 =	simm.s32 $0x7;
	s17 =	simm.s32 $0x1000;
	[dreg:$0xc] =	wrdreg s4  }
0x2b: {  	s4 =	sadd.s32 $0x16400, s5;
	s5 =	sadd.s32 s6, s5;
	s6 =	sadd.s32 s20, s2  }
0x2c: {  	s18 =	simm.s32 $0x50;
	s20 =	simm.s32 $0x800;
	[smem:$0x7F1] =	sst s6  }
0x2d: {  	s19 =	simm.s32 $0x4800;
	s23 =	sadd.s32 $0x2800, s6;
	[smem:$0x7F7] =	sst s20  }
0x2e: {  	s9 =	simm.s32 $0xC00;
	s25 =	sadd.s32 $0x5000, s6;
	[smem:$0x7EB] =	sst s23  }
0x2f: {  	s11 =	simm.s32 $0x1C00;
	s8 =	sadd.s32 $0x7800, s6;
	[smem:$0x7EC] =	sst s25  }
0x30: {  	s21 =	simm.s32 $0x7000;
	s10 =	sadd.s32 $0xA000, s6;
	[smem:$0x7ED] =	sst s8  }
0x31: {  	s22 =	simm.s32 $0x2;
	s12 =	sadd.s32 $0xC800, s6;
	[smem:$0x7EE] =	sst s10  }
0x32: {  	s24 =	simm.s32 $0x3;
	s14 =	sadd.s32 $0xF000, s6;
	[smem:$0x7EF] =	sst s12  }
0x33: {  	s26 =	simm.s32 $0x6;
	s6 =	sadd.s32 $0x11800, s6;
	[smem:$0x7F0] =	sst s14  }
0x34: {  	s1 =	simm.s32 $0x1A00;
	s5 =	sadd.s32 $0x79400, s5;
	[smem:$0x7F2] =	sst s6  }
0x35: {  	s20 =	simm.s32 $0x1;
	[smem:$0x7F3] =	sst s5;
	s23 =	simm.s32 $0x1800  }
0x36: {  	s25 =	simm.s32 $0x1880;
	s6 =	simm.s32 $0x1A80;
	s8 =	simm.s32 $0x1B00  }
0x37: {  	s10 =	simm.s32 $0x1B80;
	s12 =	simm.s32 $0x0;
	[smem:$0x7FA] =	sst s23  }
0x38: {  	v0 =	vimm.f32 $0.0e+00;
	[smem:$0x7FC] =	sst s25;
	s23 =	simm.s32 $0x4;
	s25 =	simm.s32 $0x5  }
.LBB2_1:
0x39: {  	s13 =	simm.s32 $0x0;
	s14 =	simm.s32 $0x200  }
.LBB2_2:
0x3a: {  	p0 =	sne.s32 s14, $0x9E00;
	[tilespmem:s13+$0x2070] =	vst v0  }
0x3b: {  	[tilespmem:s13+$0x2000] =	vst v0  }
0x3c: {  	[tilespmem:s13+$0x2010] =	vst v0  }
.Ltmp0:
0x3d: {  	[tilespmem:s13+$0x2020] =	vst v0;
	(pc) =	sbr.rel @p0 .LBB2_2-.Ltmp0, $4  }
0x3e: {  	[tilespmem:s13+$0x2030] =	vst v0  }
0x3f: {  	[tilespmem:s13+$0x2040] =	vst v0  }
0x40: {  	[tilespmem:s13+$0x2050] =	vst v0  }
0x41: {  	[tilespmem:s13+$0x2060] =	vst v0;
	s13 =	sshra.s32 s14, $0x2;
	s14 =	sadd.s32 $0x200, s14  }
0x42: {  	[tilespmem:s13+$0x2070] =	vst v0  }
0x43: {  	[tilespmem:s13+$0x2000] =	vst v0  }
0x44: {  	[tilespmem:s13+$0x2010] =	vst v0  }
0x45: {  	[tilespmem:s13+$0x2020] =	vst v0  }
0x46: {  	[tilespmem:s13+$0x2030] =	vst v0  }
0x47: {  	[tilespmem:s13+$0x2040] =	vst v0;
	s5 =	sld [smem:$0x7F1]  }
0x48: {  	[tilespmem:s13+$0x2050] =	vst v0  }
0x49: {  	[smem:$0x7EA] =	sst s12;
	[tilespmem:s13+$0x2060] =	vst v0  }
0x4a: {  	[spmem:s5] =	stream.linear.scatter [tilespmem:s15], [sflag:$0x7], $0x2800, $0x38;
	[tilespmem:$0x1D080] =	vst v63  }
0x4b: {  	_ =	swait.ge [sflag:s16], $0x2800  }
0x4c: {  	s12 =	sld [smem:$0x7EB]  }
0x4d: {  	[sflag:s16] =	ssyncset.done $0x0  }
0x4e: {  	[sflag:s16] =	ssyncadd.s32 $0xFFFFD800  }
0x4f: {  	[spmem:s12] =	stream.linear.scatter [tilespmem:s15], [sflag:$0x7], $0x2800, $0x38;
	[tilespmem:$0x1D080] =	vst v63  }
0x50: {  	_ =	swait.ge [sflag:s16], $0x2800  }
0x51: {  	s13 =	sld [smem:$0x7EC]  }
0x52: {  	[sflag:s16] =	ssyncset.done $0x0  }
0x53: {  	[sflag:s16] =	ssyncadd.s32 $0xFFFFD800  }
0x54: {  	[spmem:s13] =	stream.linear.scatter [tilespmem:s15], [sflag:$0x7], $0x2800, $0x38;
	[tilespmem:$0x1D080] =	vst v63  }
0x55: {  	_ =	swait.ge [sflag:s16], $0x2800  }
0x56: {  	s14 =	sld [smem:$0x7ED]  }
0x57: {  	[sflag:s16] =	ssyncset.done $0x0  }
0x58: {  	[sflag:s16] =	ssyncadd.s32 $0xFFFFD800  }
0x59: {  	[spmem:s14] =	stream.linear.scatter [tilespmem:s15], [sflag:$0x7], $0x2800, $0x38;
	[tilespmem:$0x1D080] =	vst v63  }
0x5a: {  	_ =	swait.ge [sflag:s16], $0x2800  }
0x5b: {  	s12 =	sld [smem:$0x7EE]  }
0x5c: {  	[sflag:s16] =	ssyncset.done $0x0  }
0x5d: {  	[sflag:s16] =	ssyncadd.s32 $0xFFFFD800  }
0x5e: {  	[spmem:s12] =	stream.linear.scatter [tilespmem:s15], [sflag:$0x7], $0x2800, $0x38;
	[tilespmem:$0x1D080] =	vst v63  }
0x5f: {  	_ =	swait.ge [sflag:s16], $0x2800  }
0x60: {  	s13 =	sld [smem:$0x7EF]  }
0x61: {  	[sflag:s16] =	ssyncset.done $0x0  }
0x62: {  	[sflag:s16] =	ssyncadd.s32 $0xFFFFD800  }
0x63: {  	[spmem:s13] =	stream.linear.scatter [tilespmem:s15], [sflag:$0x7], $0x2800, $0x38;
	[tilespmem:$0x1D080] =	vst v63  }
0x64: {  	_ =	swait.ge [sflag:s16], $0x2800  }
0x65: {  	s14 =	sld [smem:$0x7F0]  }
0x66: {  	[sflag:s16] =	ssyncset.done $0x0  }
0x67: {  	[sflag:s16] =	ssyncadd.s32 $0xFFFFD800  }
0x68: {  	[spmem:s14] =	stream.linear.scatter [tilespmem:s15], [sflag:$0x7], $0x2800, $0x38;
	[tilespmem:$0x1D080] =	vst v63  }
0x69: {  	_ =	swait.ge [sflag:s16], $0x2800  }
0x6a: {  	s12 =	sld [smem:$0x7F2]  }
0x6b: {  	[sflag:s16] =	ssyncset.done $0x0  }
0x6c: {  	[sflag:s16] =	ssyncadd.s32 $0xFFFFD800  }
0x6d: {  	[spmem:s12] =	stream.linear.scatter [tilespmem:s15], [sflag:$0x7], $0x2080, $0x38;
	[tilespmem:$0x1D080] =	vst v63  }
0x6e: {  	_ =	swait.ge [sflag:s16], $0x2080  }
0x6f: {  	[sflag:s16] =	ssyncset.done $0x0  }
0x70: {  	[sflag:s16] =	ssyncadd.s32 $0xFFFFDF80  }
0x71: {  	[bflag:$0x0] =	sbarrier.arrive $0xFFFF  }
0x72: {  	s13 =	rddreg [dreg:$0x4]  }
0x73: {  	s5 =	sadd.s32 $0x0, s13  }
0x74: {  	[tilespmem:s3], [sflag:$0x7] =	stream.linear.gather [hbm4b:s5+s3], $0xC80, $0x38;
	[tilespmem:$0x1D080] =	vst v63  }
0x75: {  	_ =	swait.ge [sflag:s16], $0xC80  }
0x76: {  	s14 =	rddreg [dreg:$0x3];
	[sflag:s16] =	ssyncset.done $0x0  }
0x77: {  	[sflag:s16] =	ssyncadd.s32 $0xFFFFF380;
	s5 =	sadd.s32 $0x0, s14  }
0x78: {  	[tilespmem:s17], [sflag:$0x7] =	stream.linear.gather [hbm4b:s5+s3], $0xC80, $0x38;
	[tilespmem:$0x1D080] =	vst v63  }
0x79: {  	_ =	swait.ge [sflag:s16], $0xC80  }
0x7a: {  	[sflag:s16] =	ssyncset.done $0x0  }
0x7b: {  	[sflag:s16] =	ssyncadd.s32 $0xFFFFF380  }
0x7c: {  	[tilespmem:s15], [sflag:$0x1] =	stream.indirect.gather [hbm4b:s4+s18], $0x80, s3, s18, $0xb8;
	[tilespmem:$0x1D080] =	vst v63  }
0x7d: {  	s12 =	rddreg [dreg:$0x5]  }
0x7e: {  	[tilespmem:s19], [sflag:$0x2] =	stream.indirect.gather [hbm4b:s4+s18], $0x80, s12, s18, $0xb8;
	[tilespmem:$0x1D080] =	vst v63  }
0x7f: {  	_ =	swait.ge [sflag:s20], $0x2800  }
0x80: {  	[sflag:s20] =	ssyncset.done $0x0  }
0x81: {  	[sflag:s20] =	ssyncadd.s32 $0xFFFFD800  }
0x82: {  	[spmem:s2] =	stream.indirect.scatter.add.f32 [tilespmem:s15], [sflag:$0x4], $0x80, s17, s18, $0xb8;
	[tilespmem:$0x1D080] =	vst v63  }
0x83: {  	s13 =	rddreg [dreg:$0x6]  }
0x84: {  	[tilespmem:s21], [sflag:$0x3] =	stream.indirect.gather [hbm4b:s4+s18], $0x80, s13, s18, $0xb8;
	[tilespmem:$0x1D080] =	vst v63  }
0x85: {  	_ =	swait.ge [sflag:s22], $0x2800  }
0x86: {  	[sflag:s22] =	ssyncset.done $0x0  }
0x87: {  	s14 =	rddreg [dreg:$0x7];
	[sflag:s22] =	ssyncadd.s32 $0xFFFFD800  }
0x88: {  	[spmem:s2] =	stream.indirect.scatter.add.f32 [tilespmem:s19], [sflag:$0x5], $0x80, s14, s18, $0xb8;
	[tilespmem:$0x1D080] =	vst v63  }
0x89: {  	_ =	swait.ge [sflag:s23], $0x2800  }
0x8a: {  	[sflag:s23] =	ssyncset.done $0x0  }
0x8b: {  	s12 =	rddreg [dreg:$0x8];
	[sflag:s23] =	ssyncadd.s32 $0xFFFFD800  }
0x8c: {  	[tilespmem:s15], [sflag:$0x1] =	stream.indirect.gather [hbm4b:s4+s18], $0x80, s12, s18, $0xb8;
	[tilespmem:$0x1D080] =	vst v63  }
0x8d: {  	_ =	swait.ge [sflag:s24], $0x2800  }
0x8e: {  	[sflag:s24] =	ssyncset.done $0x0  }
0x8f: {  	s13 =	rddreg [dreg:$0x9];
	[sflag:s24] =	ssyncadd.s32 $0xFFFFD800  }
0x90: {  	[spmem:s2] =	stream.indirect.scatter.add.f32 [tilespmem:s21], [sflag:$0x6], $0x80, s13, s18, $0xb8;
	[tilespmem:$0x1D080] =	vst v63  }
0x91: {  	_ =	swait.ge [sflag:s25], $0x2800  }
0x92: {  	[sflag:s25] =	ssyncset.done $0x0  }
0x93: {  	s14 =	rddreg [dreg:$0xa];
	[sflag:s25] =	ssyncadd.s32 $0xFFFFD800  }
0x94: {  	[tilespmem:s19], [sflag:$0x2] =	stream.indirect.gather [hbm4b:s4+s18], $0x80, s14, s18, $0xb8;
	[tilespmem:$0x1D080] =	vst v63  }
0x95: {  	_ =	swait.ge [sflag:s20], $0x2800  }
0x96: {  	[sflag:s20] =	ssyncset.done $0x0  }
0x97: {  	s12 =	rddreg [dreg:$0xb];
	[sflag:s20] =	ssyncadd.s32 $0xFFFFD800  }
0x98: {  	[spmem:s2] =	stream.indirect.scatter.add.f32 [tilespmem:s15], [sflag:$0x4], $0x80, s12, s18, $0xb8;
	[tilespmem:$0x1D080] =	vst v63  }
0x99: {  	_ =	swait.ge [sflag:s26], $0x2800  }
0x9a: {  	[sflag:s26] =	ssyncset.done $0x0  }
0x9b: {  	s13 =	rddreg [dreg:$0xc];
	[sflag:s26] =	ssyncadd.s32 $0xFFFFD800  }
0x9c: {  	[tilespmem:s21], [sflag:$0x3] =	stream.indirect.gather [hbm4b:s4+s18], $0x80, s13, s18, $0xb8;
	[tilespmem:$0x1D080] =	vst v63  }
0x9d: {  	_ =	swait.ge [sflag:s22], $0x2800  }
0x9e: {  	[sflag:s22] =	ssyncset.done $0x0  }
0x9f: {  	s14 =	rddreg [dreg:$0xd];
	[sflag:s22] =	ssyncadd.s32 $0xFFFFD800  }
0xa0: {  	[spmem:s2] =	stream.indirect.scatter.add.f32 [tilespmem:s19], [sflag:$0x5], $0x80, s14, s18, $0xb8;
	[tilespmem:$0x1D080] =	vst v63  }
0xa1: {  	_ =	swait.ge [sflag:s23], $0x2800  }
0xa2: {  	[sflag:s23] =	ssyncset.done $0x0  }
0xa3: {  	s12 =	rddreg [dreg:$0xe];
	[sflag:s23] =	ssyncadd.s32 $0xFFFFD800  }
0xa4: {  	[tilespmem:s15], [sflag:$0x1] =	stream.indirect.gather [hbm4b:s4+s18], $0x80, s12, s18, $0xb8;
	[tilespmem:$0x1D080] =	vst v63  }
0xa5: {  	_ =	swait.ge [sflag:s24], $0x2800  }
0xa6: {  	[sflag:s24] =	ssyncset.done $0x0  }
0xa7: {  	s13 =	rddreg [dreg:$0xf];
	[sflag:s24] =	ssyncadd.s32 $0xFFFFD800  }
0xa8: {  	[spmem:s2] =	stream.indirect.scatter.add.f32 [tilespmem:s21], [sflag:$0x6], $0x80, s13, s18, $0xb8;
	[tilespmem:$0x1D080] =	vst v63  }
0xa9: {  	_ =	swait.ge [sflag:s25], $0x2800  }
0xaa: {  	[sflag:s25] =	ssyncset.done $0x0  }
0xab: {  	s14 =	rddreg [dreg:$0x10];
	[sflag:s25] =	ssyncadd.s32 $0xFFFFD800  }
0xac: {  	[tilespmem:s19], [sflag:$0x2] =	stream.indirect.gather [hbm4b:s4+s18], $0x80, s14, s18, $0xb8;
	[tilespmem:$0x1D080] =	vst v63  }
0xad: {  	_ =	swait.ge [sflag:s20], $0x2800  }
0xae: {  	[sflag:s20] =	ssyncset.done $0x0  }
0xaf: {  	s12 =	rddreg [dreg:$0x11];
	[sflag:s20] =	ssyncadd.s32 $0xFFFFD800  }
0xb0: {  	[spmem:s2] =	stream.indirect.scatter.add.f32 [tilespmem:s15], [sflag:$0x4], $0x80, s12, s18, $0xb8;
	[tilespmem:$0x1D080] =	vst v63  }
0xb1: {  	_ =	swait.ge [sflag:s26], $0x2800  }
0xb2: {  	[sflag:s26] =	ssyncset.done $0x0  }
0xb3: {  	s13 =	rddreg [dreg:$0x12];
	[sflag:s26] =	ssyncadd.s32 $0xFFFFD800  }
0xb4: {  	[tilespmem:s21], [sflag:$0x3] =	stream.indirect.gather [hbm4b:s4+s18], $0x80, s13, s18, $0xb8;
	[tilespmem:$0x1D080] =	vst v63  }
0xb5: {  	_ =	swait.ge [sflag:s22], $0x2800  }
0xb6: {  	[sflag:s22] =	ssyncset.done $0x0  }
0xb7: {  	s14 =	rddreg [dreg:$0x13];
	[sflag:s22] =	ssyncadd.s32 $0xFFFFD800  }
0xb8: {  	[spmem:s2] =	stream.indirect.scatter.add.f32 [tilespmem:s19], [sflag:$0x5], $0x80, s14, s18, $0xb8;
	[tilespmem:$0x1D080] =	vst v63  }
0xb9: {  	_ =	swait.ge [sflag:s23], $0x2800  }
0xba: {  	[sflag:s23] =	ssyncset.done $0x0  }
0xbb: {  	s12 =	rddreg [dreg:$0x14];
	[sflag:s23] =	ssyncadd.s32 $0xFFFFD800  }
0xbc: {  	[tilespmem:s15], [sflag:$0x1] =	stream.indirect.gather [hbm4b:s4+s18], $0x80, s12, s18, $0xb8;
	[tilespmem:$0x1D080] =	vst v63  }
0xbd: {  	_ =	swait.ge [sflag:s24], $0x2800  }
0xbe: {  	[sflag:s24] =	ssyncset.done $0x0  }
0xbf: {  	s13 =	rddreg [dreg:$0x15];
	[sflag:s24] =	ssyncadd.s32 $0xFFFFD800  }
0xc0: {  	[spmem:s2] =	stream.indirect.scatter.add.f32 [tilespmem:s21], [sflag:$0x6], $0x80, s13, s18, $0xb8;
	[tilespmem:$0x1D080] =	vst v63  }
0xc1: {  	_ =	swait.ge [sflag:s25], $0x2800  }
0xc2: {  	[sflag:s25] =	ssyncset.done $0x0  }
0xc3: {  	s14 =	rddreg [dreg:$0x16];
	[sflag:s25] =	ssyncadd.s32 $0xFFFFD800  }
0xc4: {  	[tilespmem:s19], [sflag:$0x2] =	stream.indirect.gather [hbm4b:s4+s18], $0x80, s14, s18, $0xb8;
	[tilespmem:$0x1D080] =	vst v63  }
0xc5: {  	_ =	swait.ge [sflag:s20], $0x2800  }
0xc6: {  	[sflag:s20] =	ssyncset.done $0x0  }
0xc7: {  	s12 =	rddreg [dreg:$0x17];
	[sflag:s20] =	ssyncadd.s32 $0xFFFFD800  }
0xc8: {  	[spmem:s2] =	stream.indirect.scatter.add.f32 [tilespmem:s15], [sflag:$0x4], $0x80, s12, s18, $0xb8;
	[tilespmem:$0x1D080] =	vst v63  }
0xc9: {  	_ =	swait.ge [sflag:s26], $0x2800  }
0xca: {  	[sflag:s26] =	ssyncset.done $0x0  }
0xcb: {  	s13 =	rddreg [dreg:$0x18];
	[sflag:s26] =	ssyncadd.s32 $0xFFFFD800  }
0xcc: {  	[tilespmem:s21], [sflag:$0x3] =	stream.indirect.gather [hbm4b:s4+s18], $0x80, s13, s18, $0xb8;
	[tilespmem:$0x1D080] =	vst v63  }
0xcd: {  	_ =	swait.ge [sflag:s22], $0x2800  }
0xce: {  	[sflag:s22] =	ssyncset.done $0x0  }
0xcf: {  	s14 =	rddreg [dreg:$0x19];
	[sflag:s22] =	ssyncadd.s32 $0xFFFFD800  }
0xd0: {  	[spmem:s2] =	stream.indirect.scatter.add.f32 [tilespmem:s19], [sflag:$0x5], $0x80, s14, s18, $0xb8;
	[tilespmem:$0x1D080] =	vst v63  }
0xd1: {  	_ =	swait.ge [sflag:s23], $0x2800  }
0xd2: {  	[sflag:s23] =	ssyncset.done $0x0  }
0xd3: {  	s12 =	rddreg [dreg:$0x1a];
	[sflag:s23] =	ssyncadd.s32 $0xFFFFD800  }
0xd4: {  	[tilespmem:s15], [sflag:$0x1] =	stream.indirect.gather [hbm4b:s4+s18], $0x80, s12, s18, $0xb8;
	[tilespmem:$0x1D080] =	vst v63  }
0xd5: {  	_ =	swait.ge [sflag:s24], $0x2800  }
0xd6: {  	[sflag:s24] =	ssyncset.done $0x0  }
0xd7: {  	s13 =	rddreg [dreg:$0x1b];
	[sflag:s24] =	ssyncadd.s32 $0xFFFFD800  }
0xd8: {  	[spmem:s2] =	stream.indirect.scatter.add.f32 [tilespmem:s21], [sflag:$0x6], $0x80, s13, s18, $0xb8;
	[tilespmem:$0x1D080] =	vst v63  }
0xd9: {  	_ =	swait.ge [sflag:s25], $0x2800  }
0xda: {  	[sflag:s25] =	ssyncset.done $0x0  }
0xdb: {  	s14 =	rddreg [dreg:$0x1c];
	[sflag:s25] =	ssyncadd.s32 $0xFFFFD800  }
0xdc: {  	[tilespmem:s19], [sflag:$0x2] =	stream.indirect.gather [hbm4b:s4+s18], $0x80, s14, s18, $0xb8;
	[tilespmem:$0x1D080] =	vst v63  }
0xdd: {  	_ =	swait.ge [sflag:s20], $0x2800  }
0xde: {  	[sflag:s20] =	ssyncset.done $0x0  }
0xdf: {  	s12 =	rddreg [dreg:$0x1d];
	[sflag:s20] =	ssyncadd.s32 $0xFFFFD800  }
0xe0: {  	[spmem:s2] =	stream.indirect.scatter.add.f32 [tilespmem:s15], [sflag:$0x4], $0x80, s12, s18, $0xb8;
	[tilespmem:$0x1D080] =	vst v63  }
0xe1: {  	_ =	swait.ge [sflag:s26], $0x2800  }
0xe2: {  	[sflag:s26] =	ssyncset.done $0x0  }
0xe3: {  	s13 =	rddreg [dreg:$0x1e];
	[sflag:s26] =	ssyncadd.s32 $0xFFFFD800  }
0xe4: {  	[tilespmem:s21], [sflag:$0x3] =	stream.indirect.gather [hbm4b:s4+s18], $0x80, s13, s18, $0xb8;
	[tilespmem:$0x1D080] =	vst v63  }
0xe5: {  	_ =	swait.ge [sflag:s22], $0x2800  }
0xe6: {  	[sflag:s22] =	ssyncset.done $0x0  }
0xe7: {  	s14 =	rddreg [dreg:$0x1f];
	[sflag:s22] =	ssyncadd.s32 $0xFFFFD800  }
0xe8: {  	[spmem:s2] =	stream.indirect.scatter.add.f32 [tilespmem:s19], [sflag:$0x5], $0x80, s14, s18, $0xb8;
	[tilespmem:$0x1D080] =	vst v63  }
0xe9: {  	_ =	swait.ge [sflag:s23], $0x2800  }
0xea: {  	s12 =	sld [smem:$0x7F5]  }
0xeb: {  	[sflag:s23] =	ssyncset.done $0x0  }
0xec: {  	[sflag:s23] =	ssyncadd.s32 $0xFFFFD800  }
0xed: {  	[tilespmem:s15], [sflag:$0x1] =	stream.indirect.gather [hbm4b:s4+s18], $0x80, s12, s18, $0xb8;
	[tilespmem:$0x1D080] =	vst v63  }
0xee: {  	_ =	swait.ge [sflag:s24], $0x2800  }
0xef: {  	s13 =	sld [smem:$0x7F6]  }
0xf0: {  	[sflag:s24] =	ssyncset.done $0x0  }
0xf1: {  	[sflag:s24] =	ssyncadd.s32 $0xFFFFD800  }
0xf2: {  	[spmem:s2] =	stream.indirect.scatter.add.f32 [tilespmem:s21], [sflag:$0x6], $0x80, s13, s18, $0xb8;
	[tilespmem:$0x1D080] =	vst v63  }
0xf3: {  	_ =	swait.ge [sflag:s25], $0x2800  }
0xf4: {  	s14 =	sld [smem:$0x7F7]  }
0xf5: {  	[sflag:s25] =	ssyncset.done $0x0  }
0xf6: {  	[sflag:s25] =	ssyncadd.s32 $0xFFFFD800  }
0xf7: {  	[tilespmem:s19], [sflag:$0x2] =	stream.indirect.gather [hbm4b:s4+s18], $0x80, s14, s18, $0xb8;
	[tilespmem:$0x1D080] =	vst v63  }
0xf8: {  	_ =	swait.ge [sflag:s20], $0x2800  }
0xf9: {  	s12 =	sld [smem:$0x7F8]  }
0xfa: {  	[sflag:s20] =	ssyncset.done $0x0  }
0xfb: {  	[sflag:s20] =	ssyncadd.s32 $0xFFFFD800  }
0xfc: {  	[spmem:s2] =	stream.indirect.scatter.add.f32 [tilespmem:s15], [sflag:$0x4], $0x80, s12, s18, $0xb8;
	[tilespmem:$0x1D080] =	vst v63  }
0xfd: {  	_ =	swait.ge [sflag:s26], $0x2800  }
0xfe: {  	s13 =	sld [smem:$0x7F9]  }
0xff: {  	[sflag:s26] =	ssyncset.done $0x0  }
0x100: {  	[sflag:s26] =	ssyncadd.s32 $0xFFFFD800  }
0x101: {  	[tilespmem:s21], [sflag:$0x3] =	stream.indirect.gather [hbm4b:s4+s18], $0x80, s13, s18, $0xb8;
	[tilespmem:$0x1D080] =	vst v63  }
0x102: {  	_ =	swait.ge [sflag:s22], $0x2800  }
0x103: {  	s14 =	sld [smem:$0x7FA]  }
0x104: {  	[sflag:s22] =	ssyncset.done $0x0  }
0x105: {  	[sflag:s22] =	ssyncadd.s32 $0xFFFFD800  }
0x106: {  	[spmem:s2] =	stream.indirect.scatter.add.f32 [tilespmem:s19], [sflag:$0x5], $0x80, s14, s18, $0xb8;
	[tilespmem:$0x1D080] =	vst v63  }
0x107: {  	_ =	swait.ge [sflag:s23], $0x2800  }
0x108: {  	s12 =	sld [smem:$0x7FB]  }
0x109: {  	[sflag:s23] =	ssyncset.done $0x0  }
0x10a: {  	[sflag:s23] =	ssyncadd.s32 $0xFFFFD800  }
0x10b: {  	[tilespmem:s15], [sflag:$0x1] =	stream.indirect.gather [hbm4b:s4+s18], $0x80, s12, s18, $0xb8;
	[tilespmem:$0x1D080] =	vst v63  }
0x10c: {  	_ =	swait.ge [sflag:s24], $0x2800  }
0x10d: {  	s13 =	sld [smem:$0x7FC]  }
0x10e: {  	[sflag:s24] =	ssyncset.done $0x0  }
0x10f: {  	[sflag:s24] =	ssyncadd.s32 $0xFFFFD800  }
0x110: {  	[spmem:s2] =	stream.indirect.scatter.add.f32 [tilespmem:s21], [sflag:$0x6], $0x80, s13, s18, $0xb8;
	[tilespmem:$0x1D080] =	vst v63  }
0x111: {  	_ =	swait.ge [sflag:s25], $0x2800  }
0x112: {  	s14 =	sld [smem:$0x7FD]  }
0x113: {  	[sflag:s25] =	ssyncset.done $0x0  }
0x114: {  	[sflag:s25] =	ssyncadd.s32 $0xFFFFD800  }
0x115: {  	[tilespmem:s19], [sflag:$0x2] =	stream.indirect.gather [hbm4b:s4+s18], $0x80, s14, s18, $0xb8;
	[tilespmem:$0x1D080] =	vst v63  }
0x116: {  	_ =	swait.ge [sflag:s20], $0x2800  }
0x117: {  	[sflag:s20] =	ssyncset.done $0x0  }
0x118: {  	[sflag:s20] =	ssyncadd.s32 $0xFFFFD800  }
0x119: {  	[spmem:s2] =	stream.indirect.scatter.add.f32 [tilespmem:s15], [sflag:$0x4], $0x80, s28, s18, $0xb8;
	[tilespmem:$0x1D080] =	vst v63  }
0x11a: {  	_ =	swait.ge [sflag:s26], $0x2800  }
0x11b: {  	[sflag:s26] =	ssyncset.done $0x0  }
0x11c: {  	[sflag:s26] =	ssyncadd.s32 $0xFFFFD800  }
0x11d: {  	[tilespmem:s21], [sflag:$0x3] =	stream.indirect.gather [hbm4b:s4+s18], $0x80, s29, s18, $0xb8;
	[tilespmem:$0x1D080] =	vst v63  }
0x11e: {  	_ =	swait.ge [sflag:s22], $0x2800  }
0x11f: {  	[sflag:s22] =	ssyncset.done $0x0  }
0x120: {  	[sflag:s22] =	ssyncadd.s32 $0xFFFFD800  }
0x121: {  	[spmem:s2] =	stream.indirect.scatter.add.f32 [tilespmem:s19], [sflag:$0x5], $0x80, s30, s18, $0xb8;
	[tilespmem:$0x1D080] =	vst v63  }
0x122: {  	_ =	swait.ge [sflag:s23], $0x2800  }
0x123: {  	[sflag:s23] =	ssyncset.done $0x0  }
0x124: {  	[sflag:s23] =	ssyncadd.s32 $0xFFFFD800  }
0x125: {  	[tilespmem:s15], [sflag:$0x1] =	stream.indirect.gather [hbm4b:s4+s18], $0x80, s31, s18, $0xb8;
	[tilespmem:$0x1D080] =	vst v63  }
0x126: {  	_ =	swait.ge [sflag:s24], $0x2800  }
0x127: {  	[sflag:s24] =	ssyncset.done $0x0  }
0x128: {  	[sflag:s24] =	ssyncadd.s32 $0xFFFFD800  }
0x129: {  	[spmem:s2] =	stream.indirect.scatter.add.f32 [tilespmem:s21], [sflag:$0x6], $0x80, s1, s18, $0xb8;
	[tilespmem:$0x1D080] =	vst v63  }
0x12a: {  	_ =	swait.ge [sflag:s25], $0x2800  }
0x12b: {  	[sflag:s25] =	ssyncset.done $0x0  }
0x12c: {  	[sflag:s25] =	ssyncadd.s32 $0xFFFFD800  }
0x12d: {  	[tilespmem:s19], [sflag:$0x2] =	stream.indirect.gather [hbm4b:s4+s18], $0x80, s0, s18, $0xb8;
	[tilespmem:$0x1D080] =	vst v63  }
0x12e: {  	_ =	swait.ge [sflag:s20], $0x2800  }
0x12f: {  	[sflag:s20] =	ssyncset.done $0x0  }
0x130: {  	[sflag:s20] =	ssyncadd.s32 $0xFFFFD800  }
0x131: {  	[spmem:s2] =	stream.indirect.scatter.add.f32 [tilespmem:s15], [sflag:$0x4], $0x80, s6, s18, $0xb8;
	[tilespmem:$0x1D080] =	vst v63  }
0x132: {  	_ =	swait.ge [sflag:s26], $0x2800  }
0x133: {  	[sflag:s26] =	ssyncset.done $0x0  }
0x134: {  	[sflag:s26] =	ssyncadd.s32 $0xFFFFD800  }
0x135: {  	[tilespmem:s21], [sflag:$0x3] =	stream.indirect.gather [hbm4b:s4+s18], $0x80, s7, s18, $0xb8;
	[tilespmem:$0x1D080] =	vst v63  }
0x136: {  	_ =	swait.ge [sflag:s22], $0x2800  }
0x137: {  	[sflag:s22] =	ssyncset.done $0x0  }
0x138: {  	[sflag:s22] =	ssyncadd.s32 $0xFFFFD800  }
0x139: {  	[spmem:s2] =	stream.indirect.scatter.add.f32 [tilespmem:s19], [sflag:$0x5], $0x80, s8, s18, $0xb8;
	[tilespmem:$0x1D080] =	vst v63  }
0x13a: {  	_ =	swait.ge [sflag:s23], $0x2800  }
0x13b: {  	[sflag:s23] =	ssyncset.done $0x0  }
0x13c: {  	[sflag:s23] =	ssyncadd.s32 $0xFFFFD800  }
0x13d: {  	[tilespmem:s15], [sflag:$0x1] =	stream.indirect.gather [hbm4b:s4+s18], $0x80, s9, s18, $0xb8;
	[tilespmem:$0x1D080] =	vst v63  }
0x13e: {  	_ =	swait.ge [sflag:s24], $0x2800  }
0x13f: {  	[sflag:s24] =	ssyncset.done $0x0  }
0x140: {  	[sflag:s24] =	ssyncadd.s32 $0xFFFFD800  }
0x141: {  	[spmem:s2] =	stream.indirect.scatter.add.f32 [tilespmem:s21], [sflag:$0x6], $0x80, s10, s18, $0xb8;
	[tilespmem:$0x1D080] =	vst v63  }
0x142: {  	_ =	swait.ge [sflag:s25], $0x2800  }
0x143: {  	[sflag:s25] =	ssyncset.done $0x0  }
0x144: {  	[sflag:s25] =	ssyncadd.s32 $0xFFFFD800  }
0x145: {  	_ =	swait.ge [sflag:s20], $0x2800  }
0x146: {  	[sflag:s20] =	ssyncset.done $0x0  }
0x147: {  	[sflag:s20] =	ssyncadd.s32 $0xFFFFD800  }
0x148: {  	[spmem:s2] =	stream.indirect.scatter.add.f32 [tilespmem:s15], [sflag:$0x4], $0x80, s11, s18, $0xb8;
	[tilespmem:$0x1D080] =	vst v63  }
0x149: {  	_ =	swait.ge [sflag:s26], $0x2800  }
0x14a: {  	[sflag:s26] =	ssyncset.done $0x0  }
0x14b: {  	[sflag:s26] =	ssyncadd.s32 $0xFFFFD800  }
0x14c: {  	s13 =	simm.s32 $0x200;
	_ =	swait.ge [sflag:s23], $0x2800  }
0x14d: {  	s14 =	simm.s32 $0x400;
	s5 =	rddreg [dreg:$0x4];
	[sflag:s23] =	ssyncset.done $0x0  }
.LBB2_4:
0x14e: {  	[sflag:s23] =	ssyncadd.s32 $0xFFFFD800;
	s5 =	sadd.s32 s13, s5  }
0x14f: {  	[tilespmem:s3], [sflag:$0x7] =	stream.linear.gather [hbm4b:s5+s3], $0xC80, $0x38;
	[tilespmem:$0x1D080] =	vst v63  }
0x150: {  	_ =	swait.ge [sflag:s16], $0xC80  }
0x151: {  	s5 =	rddreg [dreg:$0x3];
	[sflag:s16] =	ssyncset.done $0x0  }
0x152: {  	[sflag:s16] =	ssyncadd.s32 $0xFFFFF380;
	s5 =	sadd.s32 s13, s5  }
0x153: {  	[tilespmem:s17], [sflag:$0x7] =	stream.linear.gather [hbm4b:s5+s3], $0xC80, $0x38;
	[tilespmem:$0x1D080] =	vst v63  }
0x154: {  	_ =	swait.ge [sflag:s16], $0xC80  }
0x155: {  	[sflag:s16] =	ssyncset.done $0x0  }
0x156: {  	s12 =	smov.u32 s14;
	[sflag:s16] =	ssyncadd.s32 $0xFFFFF380  }
0x157: {  	[tilespmem:s15], [sflag:$0x1] =	stream.indirect.gather [hbm4b:s4+s18], $0x80, s3, s18, $0xb8;
	[tilespmem:$0x1D080] =	vst v63  }
0x158: {  	s13 =	smov.u32 s12;
	s12 =	rddreg [dreg:$0x5]  }
0x159: {  	[tilespmem:s19], [sflag:$0x2] =	stream.indirect.gather [hbm4b:s4+s18], $0x80, s12, s18, $0xb8;
	[tilespmem:$0x1D080] =	vst v63  }
0x15a: {  	_ =	swait.ge [sflag:s20], $0x2800  }
0x15b: {  	[sflag:s20] =	ssyncset.done $0x0  }
0x15c: {  	[sflag:s20] =	ssyncadd.s32 $0xFFFFD800  }
0x15d: {  	[spmem:s2] =	stream.indirect.scatter.add.f32 [tilespmem:s15], [sflag:$0x4], $0x80, s17, s18, $0xb8;
	[tilespmem:$0x1D080] =	vst v63  }
0x15e: {  	s12 =	rddreg [dreg:$0x6]  }
0x15f: {  	[tilespmem:s21], [sflag:$0x3] =	stream.indirect.gather [hbm4b:s4+s18], $0x80, s12, s18, $0xb8;
	[tilespmem:$0x1D080] =	vst v63  }
0x160: {  	_ =	swait.ge [sflag:s22], $0x2800  }
0x161: {  	[sflag:s22] =	ssyncset.done $0x0  }
0x162: {  	s12 =	rddreg [dreg:$0x7];
	[sflag:s22] =	ssyncadd.s32 $0xFFFFD800  }
0x163: {  	[spmem:s2] =	stream.indirect.scatter.add.f32 [tilespmem:s19], [sflag:$0x5], $0x80, s12, s18, $0xb8;
	[tilespmem:$0x1D080] =	vst v63  }
0x164: {  	_ =	swait.ge [sflag:s23], $0x2800  }
0x165: {  	[sflag:s23] =	ssyncset.done $0x0  }
0x166: {  	s12 =	rddreg [dreg:$0x8];
	[sflag:s23] =	ssyncadd.s32 $0xFFFFD800  }
0x167: {  	[tilespmem:s15], [sflag:$0x1] =	stream.indirect.gather [hbm4b:s4+s18], $0x80, s12, s18, $0xb8;
	[tilespmem:$0x1D080] =	vst v63  }
0x168: {  	_ =	swait.ge [sflag:s24], $0x2800  }
0x169: {  	[sflag:s24] =	ssyncset.done $0x0  }
0x16a: {  	s12 =	rddreg [dreg:$0x9];
	[sflag:s24] =	ssyncadd.s32 $0xFFFFD800  }
0x16b: {  	[spmem:s2] =	stream.indirect.scatter.add.f32 [tilespmem:s21], [sflag:$0x6], $0x80, s12, s18, $0xb8;
	[tilespmem:$0x1D080] =	vst v63  }
0x16c: {  	_ =	swait.ge [sflag:s25], $0x2800  }
0x16d: {  	[sflag:s25] =	ssyncset.done $0x0  }
0x16e: {  	s12 =	rddreg [dreg:$0xa];
	[sflag:s25] =	ssyncadd.s32 $0xFFFFD800  }
0x16f: {  	[tilespmem:s19], [sflag:$0x2] =	stream.indirect.gather [hbm4b:s4+s18], $0x80, s12, s18, $0xb8;
	[tilespmem:$0x1D080] =	vst v63  }
0x170: {  	_ =	swait.ge [sflag:s20], $0x2800  }
0x171: {  	[sflag:s20] =	ssyncset.done $0x0  }
0x172: {  	s12 =	rddreg [dreg:$0xb];
	[sflag:s20] =	ssyncadd.s32 $0xFFFFD800  }
0x173: {  	[spmem:s2] =	stream.indirect.scatter.add.f32 [tilespmem:s15], [sflag:$0x4], $0x80, s12, s18, $0xb8;
	[tilespmem:$0x1D080] =	vst v63  }
0x174: {  	_ =	swait.ge [sflag:s26], $0x2800  }
0x175: {  	[sflag:s26] =	ssyncset.done $0x0  }
0x176: {  	s12 =	rddreg [dreg:$0xc];
	[sflag:s26] =	ssyncadd.s32 $0xFFFFD800  }
0x177: {  	[tilespmem:s21], [sflag:$0x3] =	stream.indirect.gather [hbm4b:s4+s18], $0x80, s12, s18, $0xb8;
	[tilespmem:$0x1D080] =	vst v63  }
0x178: {  	_ =	swait.ge [sflag:s22], $0x2800  }
0x179: {  	[sflag:s22] =	ssyncset.done $0x0  }
0x17a: {  	s12 =	rddreg [dreg:$0xd];
	[sflag:s22] =	ssyncadd.s32 $0xFFFFD800  }
0x17b: {  	[spmem:s2] =	stream.indirect.scatter.add.f32 [tilespmem:s19], [sflag:$0x5], $0x80, s12, s18, $0xb8;
	[tilespmem:$0x1D080] =	vst v63  }
0x17c: {  	_ =	swait.ge [sflag:s23], $0x2800  }
0x17d: {  	[sflag:s23] =	ssyncset.done $0x0  }
0x17e: {  	s12 =	rddreg [dreg:$0xe];
	[sflag:s23] =	ssyncadd.s32 $0xFFFFD800  }
0x17f: {  	[tilespmem:s15], [sflag:$0x1] =	stream.indirect.gather [hbm4b:s4+s18], $0x80, s12, s18, $0xb8;
	[tilespmem:$0x1D080] =	vst v63  }
0x180: {  	_ =	swait.ge [sflag:s24], $0x2800  }
0x181: {  	[sflag:s24] =	ssyncset.done $0x0  }
0x182: {  	s12 =	rddreg [dreg:$0xf];
	[sflag:s24] =	ssyncadd.s32 $0xFFFFD800  }
0x183: {  	[spmem:s2] =	stream.indirect.scatter.add.f32 [tilespmem:s21], [sflag:$0x6], $0x80, s12, s18, $0xb8;
	[tilespmem:$0x1D080] =	vst v63  }
0x184: {  	_ =	swait.ge [sflag:s25], $0x2800  }
0x185: {  	[sflag:s25] =	ssyncset.done $0x0  }
0x186: {  	s12 =	rddreg [dreg:$0x10];
	[sflag:s25] =	ssyncadd.s32 $0xFFFFD800  }
0x187: {  	[tilespmem:s19], [sflag:$0x2] =	stream.indirect.gather [hbm4b:s4+s18], $0x80, s12, s18, $0xb8;
	[tilespmem:$0x1D080] =	vst v63  }
0x188: {  	_ =	swait.ge [sflag:s20], $0x2800  }
0x189: {  	[sflag:s20] =	ssyncset.done $0x0  }
0x18a: {  	s12 =	rddreg [dreg:$0x11];
	[sflag:s20] =	ssyncadd.s32 $0xFFFFD800  }
0x18b: {  	[spmem:s2] =	stream.indirect.scatter.add.f32 [tilespmem:s15], [sflag:$0x4], $0x80, s12, s18, $0xb8;
	[tilespmem:$0x1D080] =	vst v63  }
0x18c: {  	_ =	swait.ge [sflag:s26], $0x2800  }
0x18d: {  	[sflag:s26] =	ssyncset.done $0x0  }
0x18e: {  	s12 =	rddreg [dreg:$0x12];
	[sflag:s26] =	ssyncadd.s32 $0xFFFFD800  }
0x18f: {  	[tilespmem:s21], [sflag:$0x3] =	stream.indirect.gather [hbm4b:s4+s18], $0x80, s12, s18, $0xb8;
	[tilespmem:$0x1D080] =	vst v63  }
0x190: {  	_ =	swait.ge [sflag:s22], $0x2800  }
0x191: {  	[sflag:s22] =	ssyncset.done $0x0  }
0x192: {  	s12 =	rddreg [dreg:$0x13];
	[sflag:s22] =	ssyncadd.s32 $0xFFFFD800  }
0x193: {  	[spmem:s2] =	stream.indirect.scatter.add.f32 [tilespmem:s19], [sflag:$0x5], $0x80, s12, s18, $0xb8;
	[tilespmem:$0x1D080] =	vst v63  }
0x194: {  	_ =	swait.ge [sflag:s23], $0x2800  }
0x195: {  	[sflag:s23] =	ssyncset.done $0x0  }
0x196: {  	s12 =	rddreg [dreg:$0x14];
	[sflag:s23] =	ssyncadd.s32 $0xFFFFD800  }
0x197: {  	[tilespmem:s15], [sflag:$0x1] =	stream.indirect.gather [hbm4b:s4+s18], $0x80, s12, s18, $0xb8;
	[tilespmem:$0x1D080] =	vst v63  }
0x198: {  	_ =	swait.ge [sflag:s24], $0x2800  }
0x199: {  	[sflag:s24] =	ssyncset.done $0x0  }
0x19a: {  	s12 =	rddreg [dreg:$0x15];
	[sflag:s24] =	ssyncadd.s32 $0xFFFFD800  }
0x19b: {  	[spmem:s2] =	stream.indirect.scatter.add.f32 [tilespmem:s21], [sflag:$0x6], $0x80, s12, s18, $0xb8;
	[tilespmem:$0x1D080] =	vst v63  }
0x19c: {  	_ =	swait.ge [sflag:s25], $0x2800  }
0x19d: {  	[sflag:s25] =	ssyncset.done $0x0  }
0x19e: {  	s12 =	rddreg [dreg:$0x16];
	[sflag:s25] =	ssyncadd.s32 $0xFFFFD800  }
0x19f: {  	[tilespmem:s19], [sflag:$0x2] =	stream.indirect.gather [hbm4b:s4+s18], $0x80, s12, s18, $0xb8;
	[tilespmem:$0x1D080] =	vst v63  }
0x1a0: {  	_ =	swait.ge [sflag:s20], $0x2800  }
0x1a1: {  	[sflag:s20] =	ssyncset.done $0x0  }
0x1a2: {  	s12 =	rddreg [dreg:$0x17];
	[sflag:s20] =	ssyncadd.s32 $0xFFFFD800  }
0x1a3: {  	[spmem:s2] =	stream.indirect.scatter.add.f32 [tilespmem:s15], [sflag:$0x4], $0x80, s12, s18, $0xb8;
	[tilespmem:$0x1D080] =	vst v63  }
0x1a4: {  	_ =	swait.ge [sflag:s26], $0x2800  }
0x1a5: {  	[sflag:s26] =	ssyncset.done $0x0  }
0x1a6: {  	s12 =	rddreg [dreg:$0x18];
	[sflag:s26] =	ssyncadd.s32 $0xFFFFD800  }
0x1a7: {  	[tilespmem:s21], [sflag:$0x3] =	stream.indirect.gather [hbm4b:s4+s18], $0x80, s12, s18, $0xb8;
	[tilespmem:$0x1D080] =	vst v63  }
0x1a8: {  	_ =	swait.ge [sflag:s22], $0x2800  }
0x1a9: {  	[sflag:s22] =	ssyncset.done $0x0  }
0x1aa: {  	s12 =	rddreg [dreg:$0x19];
	[sflag:s22] =	ssyncadd.s32 $0xFFFFD800  }
0x1ab: {  	[spmem:s2] =	stream.indirect.scatter.add.f32 [tilespmem:s19], [sflag:$0x5], $0x80, s12, s18, $0xb8;
	[tilespmem:$0x1D080] =	vst v63  }
0x1ac: {  	_ =	swait.ge [sflag:s23], $0x2800  }
0x1ad: {  	[sflag:s23] =	ssyncset.done $0x0  }
0x1ae: {  	s12 =	rddreg [dreg:$0x1a];
	[sflag:s23] =	ssyncadd.s32 $0xFFFFD800  }
0x1af: {  	[tilespmem:s15], [sflag:$0x1] =	stream.indirect.gather [hbm4b:s4+s18], $0x80, s12, s18, $0xb8;
	[tilespmem:$0x1D080] =	vst v63  }
0x1b0: {  	_ =	swait.ge [sflag:s24], $0x2800  }
0x1b1: {  	[sflag:s24] =	ssyncset.done $0x0  }
0x1b2: {  	s12 =	rddreg [dreg:$0x1b];
	[sflag:s24] =	ssyncadd.s32 $0xFFFFD800  }
0x1b3: {  	[spmem:s2] =	stream.indirect.scatter.add.f32 [tilespmem:s21], [sflag:$0x6], $0x80, s12, s18, $0xb8;
	[tilespmem:$0x1D080] =	vst v63  }
0x1b4: {  	_ =	swait.ge [sflag:s25], $0x2800  }
0x1b5: {  	[sflag:s25] =	ssyncset.done $0x0  }
0x1b6: {  	s12 =	rddreg [dreg:$0x1c];
	[sflag:s25] =	ssyncadd.s32 $0xFFFFD800  }
0x1b7: {  	[tilespmem:s19], [sflag:$0x2] =	stream.indirect.gather [hbm4b:s4+s18], $0x80, s12, s18, $0xb8;
	[tilespmem:$0x1D080] =	vst v63  }
0x1b8: {  	_ =	swait.ge [sflag:s20], $0x2800  }
0x1b9: {  	[sflag:s20] =	ssyncset.done $0x0  }
0x1ba: {  	s12 =	rddreg [dreg:$0x1d];
	[sflag:s20] =	ssyncadd.s32 $0xFFFFD800  }
0x1bb: {  	[spmem:s2] =	stream.indirect.scatter.add.f32 [tilespmem:s15], [sflag:$0x4], $0x80, s12, s18, $0xb8;
	[tilespmem:$0x1D080] =	vst v63  }
0x1bc: {  	_ =	swait.ge [sflag:s26], $0x2800  }
0x1bd: {  	[sflag:s26] =	ssyncset.done $0x0  }
0x1be: {  	s12 =	rddreg [dreg:$0x1e];
	[sflag:s26] =	ssyncadd.s32 $0xFFFFD800  }
0x1bf: {  	[tilespmem:s21], [sflag:$0x3] =	stream.indirect.gather [hbm4b:s4+s18], $0x80, s12, s18, $0xb8;
	[tilespmem:$0x1D080] =	vst v63  }
0x1c0: {  	_ =	swait.ge [sflag:s22], $0x2800  }
0x1c1: {  	[sflag:s22] =	ssyncset.done $0x0  }
0x1c2: {  	s12 =	rddreg [dreg:$0x1f];
	[sflag:s22] =	ssyncadd.s32 $0xFFFFD800  }
0x1c3: {  	[spmem:s2] =	stream.indirect.scatter.add.f32 [tilespmem:s19], [sflag:$0x5], $0x80, s12, s18, $0xb8;
	[tilespmem:$0x1D080] =	vst v63  }
0x1c4: {  	_ =	swait.ge [sflag:s23], $0x2800  }
0x1c5: {  	s12 =	sld [smem:$0x7F5]  }
0x1c6: {  	[sflag:s23] =	ssyncset.done $0x0  }
0x1c7: {  	[sflag:s23] =	ssyncadd.s32 $0xFFFFD800  }
0x1c8: {  	[tilespmem:s15], [sflag:$0x1] =	stream.indirect.gather [hbm4b:s4+s18], $0x80, s12, s18, $0xb8;
	[tilespmem:$0x1D080] =	vst v63  }
0x1c9: {  	_ =	swait.ge [sflag:s24], $0x2800  }
0x1ca: {  	s12 =	sld [smem:$0x7F6]  }
0x1cb: {  	[sflag:s24] =	ssyncset.done $0x0  }
0x1cc: {  	[sflag:s24] =	ssyncadd.s32 $0xFFFFD800  }
0x1cd: {  	[spmem:s2] =	stream.indirect.scatter.add.f32 [tilespmem:s21], [sflag:$0x6], $0x80, s12, s18, $0xb8;
	[tilespmem:$0x1D080] =	vst v63  }
0x1ce: {  	_ =	swait.ge [sflag:s25], $0x2800  }
0x1cf: {  	s12 =	sld [smem:$0x7F7]  }
0x1d0: {  	[sflag:s25] =	ssyncset.done $0x0  }
0x1d1: {  	[sflag:s25] =	ssyncadd.s32 $0xFFFFD800  }
0x1d2: {  	[tilespmem:s19], [sflag:$0x2] =	stream.indirect.gather [hbm4b:s4+s18], $0x80, s12, s18, $0xb8;
	[tilespmem:$0x1D080] =	vst v63  }
0x1d3: {  	_ =	swait.ge [sflag:s20], $0x2800  }
0x1d4: {  	s12 =	sld [smem:$0x7F8]  }
0x1d5: {  	[sflag:s20] =	ssyncset.done $0x0  }
0x1d6: {  	[sflag:s20] =	ssyncadd.s32 $0xFFFFD800  }
0x1d7: {  	[spmem:s2] =	stream.indirect.scatter.add.f32 [tilespmem:s15], [sflag:$0x4], $0x80, s12, s18, $0xb8;
	[tilespmem:$0x1D080] =	vst v63  }
0x1d8: {  	_ =	swait.ge [sflag:s26], $0x2800  }
0x1d9: {  	s12 =	sld [smem:$0x7F9]  }
0x1da: {  	[sflag:s26] =	ssyncset.done $0x0  }
0x1db: {  	[sflag:s26] =	ssyncadd.s32 $0xFFFFD800  }
0x1dc: {  	[tilespmem:s21], [sflag:$0x3] =	stream.indirect.gather [hbm4b:s4+s18], $0x80, s12, s18, $0xb8;
	[tilespmem:$0x1D080] =	vst v63  }
0x1dd: {  	_ =	swait.ge [sflag:s22], $0x2800  }
0x1de: {  	s12 =	sld [smem:$0x7FA]  }
0x1df: {  	[sflag:s22] =	ssyncset.done $0x0  }
0x1e0: {  	[sflag:s22] =	ssyncadd.s32 $0xFFFFD800  }
0x1e1: {  	[spmem:s2] =	stream.indirect.scatter.add.f32 [tilespmem:s19], [sflag:$0x5], $0x80, s12, s18, $0xb8;
	[tilespmem:$0x1D080] =	vst v63  }
0x1e2: {  	_ =	swait.ge [sflag:s23], $0x2800  }
0x1e3: {  	s12 =	sld [smem:$0x7FB]  }
0x1e4: {  	[sflag:s23] =	ssyncset.done $0x0  }
0x1e5: {  	[sflag:s23] =	ssyncadd.s32 $0xFFFFD800  }
0x1e6: {  	[tilespmem:s15], [sflag:$0x1] =	stream.indirect.gather [hbm4b:s4+s18], $0x80, s12, s18, $0xb8;
	[tilespmem:$0x1D080] =	vst v63  }
0x1e7: {  	_ =	swait.ge [sflag:s24], $0x2800  }
0x1e8: {  	s12 =	sld [smem:$0x7FC]  }
0x1e9: {  	[sflag:s24] =	ssyncset.done $0x0  }
0x1ea: {  	[sflag:s24] =	ssyncadd.s32 $0xFFFFD800  }
0x1eb: {  	[spmem:s2] =	stream.indirect.scatter.add.f32 [tilespmem:s21], [sflag:$0x6], $0x80, s12, s18, $0xb8;
	[tilespmem:$0x1D080] =	vst v63  }
0x1ec: {  	_ =	swait.ge [sflag:s25], $0x2800  }
0x1ed: {  	s12 =	sld [smem:$0x7FD]  }
0x1ee: {  	[sflag:s25] =	ssyncset.done $0x0  }
0x1ef: {  	[sflag:s25] =	ssyncadd.s32 $0xFFFFD800  }
0x1f0: {  	[tilespmem:s19], [sflag:$0x2] =	stream.indirect.gather [hbm4b:s4+s18], $0x80, s12, s18, $0xb8;
	[tilespmem:$0x1D080] =	vst v63  }
0x1f1: {  	_ =	swait.ge [sflag:s20], $0x2800  }
0x1f2: {  	[sflag:s20] =	ssyncset.done $0x0  }
0x1f3: {  	[sflag:s20] =	ssyncadd.s32 $0xFFFFD800  }
0x1f4: {  	[spmem:s2] =	stream.indirect.scatter.add.f32 [tilespmem:s15], [sflag:$0x4], $0x80, s28, s18, $0xb8;
	[tilespmem:$0x1D080] =	vst v63  }
0x1f5: {  	_ =	swait.ge [sflag:s26], $0x2800  }
0x1f6: {  	[sflag:s26] =	ssyncset.done $0x0  }
0x1f7: {  	[sflag:s26] =	ssyncadd.s32 $0xFFFFD800  }
0x1f8: {  	[tilespmem:s21], [sflag:$0x3] =	stream.indirect.gather [hbm4b:s4+s18], $0x80, s29, s18, $0xb8;
	[tilespmem:$0x1D080] =	vst v63  }
0x1f9: {  	_ =	swait.ge [sflag:s22], $0x2800  }
0x1fa: {  	[sflag:s22] =	ssyncset.done $0x0  }
0x1fb: {  	[sflag:s22] =	ssyncadd.s32 $0xFFFFD800  }
0x1fc: {  	[spmem:s2] =	stream.indirect.scatter.add.f32 [tilespmem:s19], [sflag:$0x5], $0x80, s30, s18, $0xb8;
	[tilespmem:$0x1D080] =	vst v63  }
0x1fd: {  	_ =	swait.ge [sflag:s23], $0x2800  }
0x1fe: {  	[sflag:s23] =	ssyncset.done $0x0  }
0x1ff: {  	[sflag:s23] =	ssyncadd.s32 $0xFFFFD800  }
0x200: {  	[tilespmem:s15], [sflag:$0x1] =	stream.indirect.gather [hbm4b:s4+s18], $0x80, s31, s18, $0xb8;
	[tilespmem:$0x1D080] =	vst v63  }
0x201: {  	_ =	swait.ge [sflag:s24], $0x2800  }
0x202: {  	[sflag:s24] =	ssyncset.done $0x0  }
0x203: {  	[sflag:s24] =	ssyncadd.s32 $0xFFFFD800  }
0x204: {  	[spmem:s2] =	stream.indirect.scatter.add.f32 [tilespmem:s21], [sflag:$0x6], $0x80, s1, s18, $0xb8;
	[tilespmem:$0x1D080] =	vst v63  }
0x205: {  	_ =	swait.ge [sflag:s25], $0x2800  }
0x206: {  	[sflag:s25] =	ssyncset.done $0x0  }
0x207: {  	[sflag:s25] =	ssyncadd.s32 $0xFFFFD800  }
0x208: {  	[tilespmem:s19], [sflag:$0x2] =	stream.indirect.gather [hbm4b:s4+s18], $0x80, s0, s18, $0xb8;
	[tilespmem:$0x1D080] =	vst v63  }
0x209: {  	_ =	swait.ge [sflag:s20], $0x2800  }
0x20a: {  	[sflag:s20] =	ssyncset.done $0x0  }
0x20b: {  	[sflag:s20] =	ssyncadd.s32 $0xFFFFD800  }
0x20c: {  	[spmem:s2] =	stream.indirect.scatter.add.f32 [tilespmem:s15], [sflag:$0x4], $0x80, s6, s18, $0xb8;
	[tilespmem:$0x1D080] =	vst v63  }
0x20d: {  	_ =	swait.ge [sflag:s26], $0x2800  }
0x20e: {  	[sflag:s26] =	ssyncset.done $0x0  }
0x20f: {  	[sflag:s26] =	ssyncadd.s32 $0xFFFFD800  }
0x210: {  	[tilespmem:s21], [sflag:$0x3] =	stream.indirect.gather [hbm4b:s4+s18], $0x80, s7, s18, $0xb8;
	[tilespmem:$0x1D080] =	vst v63  }
0x211: {  	_ =	swait.ge [sflag:s22], $0x2800  }
0x212: {  	[sflag:s22] =	ssyncset.done $0x0  }
0x213: {  	[sflag:s22] =	ssyncadd.s32 $0xFFFFD800  }
0x214: {  	[spmem:s2] =	stream.indirect.scatter.add.f32 [tilespmem:s19], [sflag:$0x5], $0x80, s8, s18, $0xb8;
	[tilespmem:$0x1D080] =	vst v63  }
0x215: {  	_ =	swait.ge [sflag:s23], $0x2800  }
0x216: {  	[sflag:s23] =	ssyncset.done $0x0  }
0x217: {  	[sflag:s23] =	ssyncadd.s32 $0xFFFFD800  }
0x218: {  	[tilespmem:s15], [sflag:$0x1] =	stream.indirect.gather [hbm4b:s4+s18], $0x80, s9, s18, $0xb8;
	[tilespmem:$0x1D080] =	vst v63  }
0x219: {  	_ =	swait.ge [sflag:s24], $0x2800  }
0x21a: {  	[sflag:s24] =	ssyncset.done $0x0  }
0x21b: {  	[sflag:s24] =	ssyncadd.s32 $0xFFFFD800  }
0x21c: {  	[spmem:s2] =	stream.indirect.scatter.add.f32 [tilespmem:s21], [sflag:$0x6], $0x80, s10, s18, $0xb8;
	[tilespmem:$0x1D080] =	vst v63  }
0x21d: {  	_ =	swait.ge [sflag:s25], $0x2800  }
0x21e: {  	[sflag:s25] =	ssyncset.done $0x0  }
0x21f: {  	[sflag:s25] =	ssyncadd.s32 $0xFFFFD800  }
0x220: {  	_ =	swait.ge [sflag:s20], $0x2800  }
0x221: {  	[sflag:s20] =	ssyncset.done $0x0  }
0x222: {  	p0 =	sne.s32 s14, $0x800;
	[sflag:s20] =	ssyncadd.s32 $0xFFFFD800  }
0x223: {  	[spmem:s2] =	stream.indirect.scatter.add.f32 [tilespmem:s15], [sflag:$0x4], $0x80, s11, s18, $0xb8;
	[tilespmem:$0x1D080] =	vst v63  }
.Ltmp1:
0x224: {  	_ =	swait.ge [sflag:s26], $0x2800;
	(pc) =	sbr.rel @p0 .LBB2_4-.Ltmp1, $4  }
0x225: {  	[sflag:s26] =	ssyncset.done $0x0  }
0x226: {  	[sflag:s26] =	ssyncadd.s32 $0xFFFFD800  }
0x227: {  	_ =	swait.ge [sflag:s23], $0x2800  }
0x228: {  	s14 =	sadd.s32 $0x200, s14;
	s5 =	rddreg [dreg:$0x4];
	[sflag:s23] =	ssyncset.done $0x0  }
0x229: {  	[sflag:s23] =	ssyncadd.s32 $0xFFFFD800;
	s5 =	sadd.s32 s13, s5  }
0x22a: {  	[tilespmem:s3], [sflag:$0x7] =	stream.linear.gather [hbm4b:s5+s3], $0xC80, $0x38;
	[tilespmem:$0x1D080] =	vst v63  }
0x22b: {  	_ =	swait.ge [sflag:s16], $0xC80  }
0x22c: {  	s12 =	rddreg [dreg:$0x3];
	[sflag:s16] =	ssyncset.done $0x0  }
0x22d: {  	[sflag:s16] =	ssyncadd.s32 $0xFFFFF380;
	s5 =	sadd.s32 s13, s12  }
0x22e: {  	[tilespmem:s17], [sflag:$0x7] =	stream.linear.gather [hbm4b:s5+s3], $0xC80, $0x38;
	[tilespmem:$0x1D080] =	vst v63  }
0x22f: {  	_ =	swait.ge [sflag:s16], $0xC80  }
0x230: {  	[sflag:s16] =	ssyncset.done $0x0  }
0x231: {  	[sflag:s16] =	ssyncadd.s32 $0xFFFFF380  }
0x232: {  	[tilespmem:s15], [sflag:$0x1] =	stream.indirect.gather [hbm4b:s4+s18], $0x80, s3, s18, $0xb8;
	[tilespmem:$0x1D080] =	vst v63  }
0x233: {  	s13 =	rddreg [dreg:$0x5]  }
0x234: {  	[tilespmem:s19], [sflag:$0x2] =	stream.indirect.gather [hbm4b:s4+s18], $0x80, s13, s18, $0xb8;
	[tilespmem:$0x1D080] =	vst v63  }
0x235: {  	_ =	swait.ge [sflag:s20], $0x2800  }
0x236: {  	[sflag:s20] =	ssyncset.done $0x0  }
0x237: {  	[sflag:s20] =	ssyncadd.s32 $0xFFFFD800  }
0x238: {  	[spmem:s2] =	stream.indirect.scatter.add.f32 [tilespmem:s15], [sflag:$0x4], $0x80, s17, s18, $0xb8;
	[tilespmem:$0x1D080] =	vst v63  }
0x239: {  	s14 =	rddreg [dreg:$0x6]  }
0x23a: {  	[tilespmem:s21], [sflag:$0x3] =	stream.indirect.gather [hbm4b:s4+s18], $0x80, s14, s18, $0xb8;
	[tilespmem:$0x1D080] =	vst v63  }
0x23b: {  	_ =	swait.ge [sflag:s22], $0x2800  }
0x23c: {  	[sflag:s22] =	ssyncset.done $0x0  }
0x23d: {  	s12 =	rddreg [dreg:$0x7];
	[sflag:s22] =	ssyncadd.s32 $0xFFFFD800  }
0x23e: {  	[spmem:s2] =	stream.indirect.scatter.add.f32 [tilespmem:s19], [sflag:$0x5], $0x80, s12, s18, $0xb8;
	[tilespmem:$0x1D080] =	vst v63  }
0x23f: {  	_ =	swait.ge [sflag:s23], $0x2800  }
0x240: {  	[sflag:s23] =	ssyncset.done $0x0  }
0x241: {  	s13 =	rddreg [dreg:$0x8];
	[sflag:s23] =	ssyncadd.s32 $0xFFFFD800  }
0x242: {  	[tilespmem:s15], [sflag:$0x1] =	stream.indirect.gather [hbm4b:s4+s18], $0x80, s13, s18, $0xb8;
	[tilespmem:$0x1D080] =	vst v63  }
0x243: {  	_ =	swait.ge [sflag:s24], $0x2800  }
0x244: {  	[sflag:s24] =	ssyncset.done $0x0  }
0x245: {  	s14 =	rddreg [dreg:$0x9];
	[sflag:s24] =	ssyncadd.s32 $0xFFFFD800  }
0x246: {  	[spmem:s2] =	stream.indirect.scatter.add.f32 [tilespmem:s21], [sflag:$0x6], $0x80, s14, s18, $0xb8;
	[tilespmem:$0x1D080] =	vst v63  }
0x247: {  	_ =	swait.ge [sflag:s25], $0x2800  }
0x248: {  	[sflag:s25] =	ssyncset.done $0x0  }
0x249: {  	s12 =	rddreg [dreg:$0xa];
	[sflag:s25] =	ssyncadd.s32 $0xFFFFD800  }
0x24a: {  	[tilespmem:s19], [sflag:$0x2] =	stream.indirect.gather [hbm4b:s4+s18], $0x80, s12, s18, $0xb8;
	[tilespmem:$0x1D080] =	vst v63  }
0x24b: {  	_ =	swait.ge [sflag:s20], $0x2800  }
0x24c: {  	[sflag:s20] =	ssyncset.done $0x0  }
0x24d: {  	s13 =	rddreg [dreg:$0xb];
	[sflag:s20] =	ssyncadd.s32 $0xFFFFD800  }
0x24e: {  	[spmem:s2] =	stream.indirect.scatter.add.f32 [tilespmem:s15], [sflag:$0x4], $0x80, s13, s18, $0xb8;
	[tilespmem:$0x1D080] =	vst v63  }
0x24f: {  	_ =	swait.ge [sflag:s26], $0x2800  }
0x250: {  	[sflag:s26] =	ssyncset.done $0x0  }
0x251: {  	s14 =	rddreg [dreg:$0xc];
	[sflag:s26] =	ssyncadd.s32 $0xFFFFD800  }
0x252: {  	[tilespmem:s21], [sflag:$0x3] =	stream.indirect.gather [hbm4b:s4+s18], $0x80, s14, s18, $0xb8;
	[tilespmem:$0x1D080] =	vst v63  }
0x253: {  	_ =	swait.ge [sflag:s22], $0x2800  }
0x254: {  	[sflag:s22] =	ssyncset.done $0x0  }
0x255: {  	s12 =	rddreg [dreg:$0xd];
	[sflag:s22] =	ssyncadd.s32 $0xFFFFD800  }
0x256: {  	[spmem:s2] =	stream.indirect.scatter.add.f32 [tilespmem:s19], [sflag:$0x5], $0x80, s12, s18, $0xb8;
	[tilespmem:$0x1D080] =	vst v63  }
0x257: {  	_ =	swait.ge [sflag:s23], $0x2800  }
0x258: {  	[sflag:s23] =	ssyncset.done $0x0  }
0x259: {  	s13 =	rddreg [dreg:$0xe];
	[sflag:s23] =	ssyncadd.s32 $0xFFFFD800  }
0x25a: {  	[tilespmem:s15], [sflag:$0x1] =	stream.indirect.gather [hbm4b:s4+s18], $0x80, s13, s18, $0xb8;
	[tilespmem:$0x1D080] =	vst v63  }
0x25b: {  	_ =	swait.ge [sflag:s24], $0x2800  }
0x25c: {  	[sflag:s24] =	ssyncset.done $0x0  }
0x25d: {  	s14 =	rddreg [dreg:$0xf];
	[sflag:s24] =	ssyncadd.s32 $0xFFFFD800  }
0x25e: {  	[spmem:s2] =	stream.indirect.scatter.add.f32 [tilespmem:s21], [sflag:$0x6], $0x80, s14, s18, $0xb8;
	[tilespmem:$0x1D080] =	vst v63  }
0x25f: {  	_ =	swait.ge [sflag:s25], $0x2800  }
0x260: {  	[sflag:s25] =	ssyncset.done $0x0  }
0x261: {  	s12 =	rddreg [dreg:$0x10];
	[sflag:s25] =	ssyncadd.s32 $0xFFFFD800  }
0x262: {  	[tilespmem:s19], [sflag:$0x2] =	stream.indirect.gather [hbm4b:s4+s18], $0x80, s12, s18, $0xb8;
	[tilespmem:$0x1D080] =	vst v63  }
0x263: {  	_ =	swait.ge [sflag:s20], $0x2800  }
0x264: {  	[sflag:s20] =	ssyncset.done $0x0  }
0x265: {  	s13 =	rddreg [dreg:$0x11];
	[sflag:s20] =	ssyncadd.s32 $0xFFFFD800  }
0x266: {  	[spmem:s2] =	stream.indirect.scatter.add.f32 [tilespmem:s15], [sflag:$0x4], $0x80, s13, s18, $0xb8;
	[tilespmem:$0x1D080] =	vst v63  }
0x267: {  	_ =	swait.ge [sflag:s26], $0x2800  }
0x268: {  	[sflag:s26] =	ssyncset.done $0x0  }
0x269: {  	s14 =	rddreg [dreg:$0x12];
	[sflag:s26] =	ssyncadd.s32 $0xFFFFD800  }
0x26a: {  	[tilespmem:s21], [sflag:$0x3] =	stream.indirect.gather [hbm4b:s4+s18], $0x80, s14, s18, $0xb8;
	[tilespmem:$0x1D080] =	vst v63  }
0x26b: {  	_ =	swait.ge [sflag:s22], $0x2800  }
0x26c: {  	[sflag:s22] =	ssyncset.done $0x0  }
0x26d: {  	s12 =	rddreg [dreg:$0x13];
	[sflag:s22] =	ssyncadd.s32 $0xFFFFD800  }
0x26e: {  	[spmem:s2] =	stream.indirect.scatter.add.f32 [tilespmem:s19], [sflag:$0x5], $0x80, s12, s18, $0xb8;
	[tilespmem:$0x1D080] =	vst v63  }
0x26f: {  	_ =	swait.ge [sflag:s23], $0x2800  }
0x270: {  	[sflag:s23] =	ssyncset.done $0x0  }
0x271: {  	s13 =	rddreg [dreg:$0x14];
	[sflag:s23] =	ssyncadd.s32 $0xFFFFD800  }
0x272: {  	[tilespmem:s15], [sflag:$0x1] =	stream.indirect.gather [hbm4b:s4+s18], $0x80, s13, s18, $0xb8;
	[tilespmem:$0x1D080] =	vst v63  }
0x273: {  	_ =	swait.ge [sflag:s24], $0x2800  }
0x274: {  	[sflag:s24] =	ssyncset.done $0x0  }
0x275: {  	s14 =	rddreg [dreg:$0x15];
	[sflag:s24] =	ssyncadd.s32 $0xFFFFD800  }
0x276: {  	[spmem:s2] =	stream.indirect.scatter.add.f32 [tilespmem:s21], [sflag:$0x6], $0x80, s14, s18, $0xb8;
	[tilespmem:$0x1D080] =	vst v63  }
0x277: {  	_ =	swait.ge [sflag:s25], $0x2800  }
0x278: {  	[sflag:s25] =	ssyncset.done $0x0  }
0x279: {  	s12 =	rddreg [dreg:$0x16];
	[sflag:s25] =	ssyncadd.s32 $0xFFFFD800  }
0x27a: {  	[tilespmem:s19], [sflag:$0x2] =	stream.indirect.gather [hbm4b:s4+s18], $0x80, s12, s18, $0xb8;
	[tilespmem:$0x1D080] =	vst v63  }
0x27b: {  	_ =	swait.ge [sflag:s20], $0x2800  }
0x27c: {  	[sflag:s20] =	ssyncset.done $0x0  }
0x27d: {  	s13 =	rddreg [dreg:$0x17];
	[sflag:s20] =	ssyncadd.s32 $0xFFFFD800  }
0x27e: {  	[spmem:s2] =	stream.indirect.scatter.add.f32 [tilespmem:s15], [sflag:$0x4], $0x80, s13, s18, $0xb8;
	[tilespmem:$0x1D080] =	vst v63  }
0x27f: {  	_ =	swait.ge [sflag:s26], $0x2800  }
0x280: {  	[sflag:s26] =	ssyncset.done $0x0  }
0x281: {  	s14 =	rddreg [dreg:$0x18];
	[sflag:s26] =	ssyncadd.s32 $0xFFFFD800  }
0x282: {  	[tilespmem:s21], [sflag:$0x3] =	stream.indirect.gather [hbm4b:s4+s18], $0x80, s14, s18, $0xb8;
	[tilespmem:$0x1D080] =	vst v63  }
0x283: {  	_ =	swait.ge [sflag:s22], $0x2800  }
0x284: {  	[sflag:s22] =	ssyncset.done $0x0  }
0x285: {  	s12 =	rddreg [dreg:$0x19];
	[sflag:s22] =	ssyncadd.s32 $0xFFFFD800  }
0x286: {  	[spmem:s2] =	stream.indirect.scatter.add.f32 [tilespmem:s19], [sflag:$0x5], $0x80, s12, s18, $0xb8;
	[tilespmem:$0x1D080] =	vst v63  }
0x287: {  	_ =	swait.ge [sflag:s23], $0x2800  }
0x288: {  	[sflag:s23] =	ssyncset.done $0x0  }
0x289: {  	s13 =	rddreg [dreg:$0x1a];
	[sflag:s23] =	ssyncadd.s32 $0xFFFFD800  }
0x28a: {  	[tilespmem:s15], [sflag:$0x1] =	stream.indirect.gather [hbm4b:s4+s18], $0x80, s13, s18, $0xb8;
	[tilespmem:$0x1D080] =	vst v63  }
0x28b: {  	_ =	swait.ge [sflag:s24], $0x2800  }
0x28c: {  	[sflag:s24] =	ssyncset.done $0x0  }
0x28d: {  	s14 =	rddreg [dreg:$0x1b];
	[sflag:s24] =	ssyncadd.s32 $0xFFFFD800  }
0x28e: {  	[spmem:s2] =	stream.indirect.scatter.add.f32 [tilespmem:s21], [sflag:$0x6], $0x80, s14, s18, $0xb8;
	[tilespmem:$0x1D080] =	vst v63  }
0x28f: {  	_ =	swait.ge [sflag:s25], $0x2800  }
0x290: {  	[sflag:s25] =	ssyncset.done $0x0  }
0x291: {  	s12 =	rddreg [dreg:$0x1c];
	[sflag:s25] =	ssyncadd.s32 $0xFFFFD800  }
0x292: {  	[tilespmem:s19], [sflag:$0x2] =	stream.indirect.gather [hbm4b:s4+s18], $0x80, s12, s18, $0xb8;
	[tilespmem:$0x1D080] =	vst v63  }
0x293: {  	_ =	swait.ge [sflag:s20], $0x2800  }
0x294: {  	[sflag:s20] =	ssyncset.done $0x0  }
0x295: {  	s13 =	rddreg [dreg:$0x1d];
	[sflag:s20] =	ssyncadd.s32 $0xFFFFD800  }
0x296: {  	[spmem:s2] =	stream.indirect.scatter.add.f32 [tilespmem:s15], [sflag:$0x4], $0x80, s13, s18, $0xb8;
	[tilespmem:$0x1D080] =	vst v63  }
0x297: {  	_ =	swait.ge [sflag:s26], $0x2800  }
0x298: {  	[sflag:s26] =	ssyncset.done $0x0  }
0x299: {  	s14 =	rddreg [dreg:$0x1e];
	[sflag:s26] =	ssyncadd.s32 $0xFFFFD800  }
0x29a: {  	[tilespmem:s21], [sflag:$0x3] =	stream.indirect.gather [hbm4b:s4+s18], $0x80, s14, s18, $0xb8;
	[tilespmem:$0x1D080] =	vst v63  }
0x29b: {  	_ =	swait.ge [sflag:s22], $0x2800  }
0x29c: {  	[sflag:s22] =	ssyncset.done $0x0  }
0x29d: {  	s12 =	rddreg [dreg:$0x1f];
	[sflag:s22] =	ssyncadd.s32 $0xFFFFD800  }
0x29e: {  	[spmem:s2] =	stream.indirect.scatter.add.f32 [tilespmem:s19], [sflag:$0x5], $0x80, s12, s18, $0xb8;
	[tilespmem:$0x1D080] =	vst v63  }
0x29f: {  	_ =	swait.ge [sflag:s23], $0x2800  }
0x2a0: {  	s13 =	sld [smem:$0x7F5]  }
0x2a1: {  	[sflag:s23] =	ssyncset.done $0x0  }
0x2a2: {  	[sflag:s23] =	ssyncadd.s32 $0xFFFFD800  }
0x2a3: {  	[tilespmem:s15], [sflag:$0x1] =	stream.indirect.gather [hbm4b:s4+s18], $0x80, s13, s18, $0xb8;
	[tilespmem:$0x1D080] =	vst v63  }
0x2a4: {  	_ =	swait.ge [sflag:s24], $0x2800  }
0x2a5: {  	s14 =	sld [smem:$0x7F6]  }
0x2a6: {  	[sflag:s24] =	ssyncset.done $0x0  }
0x2a7: {  	[sflag:s24] =	ssyncadd.s32 $0xFFFFD800  }
0x2a8: {  	[spmem:s2] =	stream.indirect.scatter.add.f32 [tilespmem:s21], [sflag:$0x6], $0x80, s14, s18, $0xb8;
	[tilespmem:$0x1D080] =	vst v63  }
0x2a9: {  	_ =	swait.ge [sflag:s25], $0x2800  }
0x2aa: {  	s12 =	sld [smem:$0x7F7]  }
0x2ab: {  	[sflag:s25] =	ssyncset.done $0x0  }
0x2ac: {  	[sflag:s25] =	ssyncadd.s32 $0xFFFFD800  }
0x2ad: {  	[tilespmem:s19], [sflag:$0x2] =	stream.indirect.gather [hbm4b:s4+s18], $0x80, s12, s18, $0xb8;
	[tilespmem:$0x1D080] =	vst v63  }
0x2ae: {  	_ =	swait.ge [sflag:s20], $0x2800  }
0x2af: {  	s13 =	sld [smem:$0x7F8]  }
0x2b0: {  	[sflag:s20] =	ssyncset.done $0x0  }
0x2b1: {  	[sflag:s20] =	ssyncadd.s32 $0xFFFFD800  }
0x2b2: {  	[spmem:s2] =	stream.indirect.scatter.add.f32 [tilespmem:s15], [sflag:$0x4], $0x80, s13, s18, $0xb8;
	[tilespmem:$0x1D080] =	vst v63  }
0x2b3: {  	_ =	swait.ge [sflag:s26], $0x2800  }
0x2b4: {  	s14 =	sld [smem:$0x7F9]  }
0x2b5: {  	[sflag:s26] =	ssyncset.done $0x0  }
0x2b6: {  	[sflag:s26] =	ssyncadd.s32 $0xFFFFD800  }
0x2b7: {  	[tilespmem:s21], [sflag:$0x3] =	stream.indirect.gather [hbm4b:s4+s18], $0x80, s14, s18, $0xb8;
	[tilespmem:$0x1D080] =	vst v63  }
0x2b8: {  	_ =	swait.ge [sflag:s22], $0x2800  }
0x2b9: {  	s12 =	sld [smem:$0x7FA]  }
0x2ba: {  	[sflag:s22] =	ssyncset.done $0x0  }
0x2bb: {  	[sflag:s22] =	ssyncadd.s32 $0xFFFFD800  }
0x2bc: {  	[spmem:s2] =	stream.indirect.scatter.add.f32 [tilespmem:s19], [sflag:$0x5], $0x80, s12, s18, $0xb8;
	[tilespmem:$0x1D080] =	vst v63  }
0x2bd: {  	_ =	swait.ge [sflag:s23], $0x2800  }
0x2be: {  	s13 =	sld [smem:$0x7FB]  }
0x2bf: {  	[sflag:s23] =	ssyncset.done $0x0  }
0x2c0: {  	[sflag:s23] =	ssyncadd.s32 $0xFFFFD800  }
0x2c1: {  	[tilespmem:s15], [sflag:$0x1] =	stream.indirect.gather [hbm4b:s4+s18], $0x80, s13, s18, $0xb8;
	[tilespmem:$0x1D080] =	vst v63  }
0x2c2: {  	_ =	swait.ge [sflag:s24], $0x2800  }
0x2c3: {  	s14 =	sld [smem:$0x7FC]  }
0x2c4: {  	[sflag:s24] =	ssyncset.done $0x0  }
0x2c5: {  	[sflag:s24] =	ssyncadd.s32 $0xFFFFD800  }
0x2c6: {  	[spmem:s2] =	stream.indirect.scatter.add.f32 [tilespmem:s21], [sflag:$0x6], $0x80, s14, s18, $0xb8;
	[tilespmem:$0x1D080] =	vst v63  }
0x2c7: {  	_ =	swait.ge [sflag:s25], $0x2800  }
0x2c8: {  	s12 =	sld [smem:$0x7FD]  }
0x2c9: {  	[sflag:s25] =	ssyncset.done $0x0  }
0x2ca: {  	[sflag:s25] =	ssyncadd.s32 $0xFFFFD800  }
0x2cb: {  	[tilespmem:s19], [sflag:$0x2] =	stream.indirect.gather [hbm4b:s4+s18], $0x80, s12, s18, $0xb8;
	[tilespmem:$0x1D080] =	vst v63  }
0x2cc: {  	_ =	swait.ge [sflag:s20], $0x2800  }
0x2cd: {  	[sflag:s20] =	ssyncset.done $0x0  }
0x2ce: {  	[sflag:s20] =	ssyncadd.s32 $0xFFFFD800  }
0x2cf: {  	[spmem:s2] =	stream.indirect.scatter.add.f32 [tilespmem:s15], [sflag:$0x4], $0x80, s28, s18, $0xb8;
	[tilespmem:$0x1D080] =	vst v63  }
0x2d0: {  	_ =	swait.ge [sflag:s26], $0x2800  }
0x2d1: {  	[sflag:s26] =	ssyncset.done $0x0  }
0x2d2: {  	[sflag:s26] =	ssyncadd.s32 $0xFFFFD800  }
0x2d3: {  	[tilespmem:s21], [sflag:$0x3] =	stream.indirect.gather [hbm4b:s4+s18], $0x80, s29, s18, $0xb8;
	[tilespmem:$0x1D080] =	vst v63  }
0x2d4: {  	_ =	swait.ge [sflag:s22], $0x2800  }
0x2d5: {  	[sflag:s22] =	ssyncset.done $0x0  }
0x2d6: {  	[sflag:s22] =	ssyncadd.s32 $0xFFFFD800  }
0x2d7: {  	[spmem:s2] =	stream.indirect.scatter.add.f32 [tilespmem:s19], [sflag:$0x5], $0x80, s30, s18, $0xb8;
	[tilespmem:$0x1D080] =	vst v63  }
0x2d8: {  	_ =	swait.ge [sflag:s23], $0x2800  }
0x2d9: {  	[sflag:s23] =	ssyncset.done $0x0  }
0x2da: {  	[sflag:s23] =	ssyncadd.s32 $0xFFFFD800  }
0x2db: {  	[tilespmem:s15], [sflag:$0x1] =	stream.indirect.gather [hbm4b:s4+s18], $0x80, s31, s18, $0xb8;
	[tilespmem:$0x1D080] =	vst v63  }
0x2dc: {  	_ =	swait.ge [sflag:s24], $0x2800  }
0x2dd: {  	[sflag:s24] =	ssyncset.done $0x0  }
0x2de: {  	[sflag:s24] =	ssyncadd.s32 $0xFFFFD800  }
0x2df: {  	[spmem:s2] =	stream.indirect.scatter.add.f32 [tilespmem:s21], [sflag:$0x6], $0x80, s1, s18, $0xb8;
	[tilespmem:$0x1D080] =	vst v63  }
0x2e0: {  	_ =	swait.ge [sflag:s25], $0x2800  }
0x2e1: {  	[sflag:s25] =	ssyncset.done $0x0  }
0x2e2: {  	[sflag:s25] =	ssyncadd.s32 $0xFFFFD800  }
0x2e3: {  	[tilespmem:s19], [sflag:$0x2] =	stream.indirect.gather [hbm4b:s4+s18], $0x80, s0, s18, $0xb8;
	[tilespmem:$0x1D080] =	vst v63  }
0x2e4: {  	_ =	swait.ge [sflag:s20], $0x2800  }
0x2e5: {  	[sflag:s20] =	ssyncset.done $0x0  }
0x2e6: {  	[sflag:s20] =	ssyncadd.s32 $0xFFFFD800  }
0x2e7: {  	[spmem:s2] =	stream.indirect.scatter.add.f32 [tilespmem:s15], [sflag:$0x4], $0x80, s6, s18, $0xb8;
	[tilespmem:$0x1D080] =	vst v63  }
0x2e8: {  	_ =	swait.ge [sflag:s26], $0x2800  }
0x2e9: {  	[sflag:s26] =	ssyncset.done $0x0  }
0x2ea: {  	[sflag:s26] =	ssyncadd.s32 $0xFFFFD800  }
0x2eb: {  	[tilespmem:s21], [sflag:$0x3] =	stream.indirect.gather [hbm4b:s4+s18], $0x80, s7, s18, $0xb8;
	[tilespmem:$0x1D080] =	vst v63  }
0x2ec: {  	_ =	swait.ge [sflag:s22], $0x2800  }
0x2ed: {  	[sflag:s22] =	ssyncset.done $0x0  }
0x2ee: {  	[sflag:s22] =	ssyncadd.s32 $0xFFFFD800  }
0x2ef: {  	[spmem:s2] =	stream.indirect.scatter.add.f32 [tilespmem:s19], [sflag:$0x5], $0x80, s8, s18, $0xb8;
	[tilespmem:$0x1D080] =	vst v63  }
0x2f0: {  	_ =	swait.ge [sflag:s23], $0x2800  }
0x2f1: {  	[sflag:s23] =	ssyncset.done $0x0  }
0x2f2: {  	[sflag:s23] =	ssyncadd.s32 $0xFFFFD800  }
0x2f3: {  	[tilespmem:s15], [sflag:$0x1] =	stream.indirect.gather [hbm4b:s4+s18], $0x80, s9, s18, $0xb8;
	[tilespmem:$0x1D080] =	vst v63  }
0x2f4: {  	_ =	swait.ge [sflag:s24], $0x2800  }
0x2f5: {  	[sflag:s24] =	ssyncset.done $0x0  }
0x2f6: {  	[sflag:s24] =	ssyncadd.s32 $0xFFFFD800  }
0x2f7: {  	[spmem:s2] =	stream.indirect.scatter.add.f32 [tilespmem:s21], [sflag:$0x6], $0x80, s10, s18, $0xb8;
	[tilespmem:$0x1D080] =	vst v63  }
0x2f8: {  	_ =	swait.ge [sflag:s25], $0x2800  }
0x2f9: {  	[sflag:s25] =	ssyncset.done $0x0  }
0x2fa: {  	[sflag:s25] =	ssyncadd.s32 $0xFFFFD800  }
0x2fb: {  	_ =	swait.ge [sflag:s20], $0x2800  }
0x2fc: {  	[sflag:s20] =	ssyncset.done $0x0  }
0x2fd: {  	[sflag:s20] =	ssyncadd.s32 $0xFFFFD800  }
0x2fe: {  	[spmem:s2] =	stream.indirect.scatter.add.f32 [tilespmem:s15], [sflag:$0x4], $0x80, s11, s18, $0xb8;
	[tilespmem:$0x1D080] =	vst v63  }
0x2ff: {  	_ =	swait.ge [sflag:s26], $0x2800  }
0x300: {  	[sflag:s26] =	ssyncset.done $0x0  }
0x301: {  	[sflag:s26] =	ssyncadd.s32 $0xFFFFD800  }
0x302: {  	_ =	swait.ge [sflag:s23], $0x2800  }
0x303: {  	[sflag:s23] =	ssyncset.done $0x0  }
0x304: {  	[sflag:s23] =	ssyncadd.s32 $0xFFFFD800  }
0x305: {  	[bflag:$0x0] =	sbarrier.arrive $0xFFFF  }
0x306: {  	s12 =	sld [smem:$0x7F1]  }
0x307: {  	s13 =	stileid.u32;
	s14 =	sld [smem:$0x7F3]  }
0x308: {  	s5 =	sshll.u32 s13, $0x6  }
0x309: {  	s5 =	sor.u32 $0x1C07, s5;
	s12 =	sshrl.u32 s12, $0x3  }
0x30a: {  	[hbm:s14], [sflag:s5] =	dma.local [spmem:s12], $0x2710  }
0x30b: {  	_ =	swait.ge [sflag:s16], $0x2710  }
0x30c: {  	s13 =	sld [smem:$0x7EA]  }
0x30d: {  	s14 =	sld [smem:$0x7F4];
	_ =	sdelay $0x1  }
0x30e: {  	s12 =	sadd.s32 $0x1, s13  }
0x30f: {  	p0 =	sne.s32 s12, s14  }
.Ltmp2:
0x310: {  	_ = 	snop;
	(pc) =	sbr.rel @p0 .LBB2_1-.Ltmp2, $3  }
0x311: {  	_ =	sdelay $0x1  }
0x312: {  	[sflag:s16] =	ssyncset.done $0x0  }
0x313: {  	[sflag:s16] =	ssyncadd.s32 $0xFFFFD8F0  }
0x314: {  	_ =	sfence.sel $0x180000  }
0x315: {  	[bflag:$0x0] =	sbarrier.arrive $0xFFFF  }
0x316: {  	_ =	strace $0x9000004D  }
0x317: {  	s0 =	stileid.u32;
	[bflag:$0x2] =	sbarrier.arrive $0xFFFF  }
0x318: {  	p0 =	sne.s32 s0, $0x0;
	s0 =	rddreg [dreg:$0x2]  }
0x319: {  	s0 =	sadd.s32 @!p0 $0x100000, s0  }
0x31a: {  	[sflag:s0] =	ssyncadd.tile.s32 @!p0 $0x1;
	_ =	shalt  }
.Lfunc_end2:
_tile_overlayer_lowered:
.L_overlay_start_2:
0x31b: {  	(tag) =	ssettag $0x2  }
0x31c: {  	s0 =	rddreg [dreg:$0x0];
	s2 =	stileid.u32  }
0x31d: {  	s1 =	rddreg [dreg:$0x1];
	p0 =	sne.s32 s2, $0x0  }
0x31e: {  	s3 =	rddreg [dreg:$0x2];
	[bflag:$0x3] =	sbarrier.arrive $0xFFFF;
	s2 =	simm.s32 @!p0 $0x1C07  }
0x31f: {  	[timem:s3], [sflag:s2] =	dma.local @!p0 [hbm:s0], s1  }
0x320: {  	s0 =	simm.s32 @!p0 $0x7  }
0x321: {  	_ =	swait.ge @!p0 [sflag:s0], s1  }
0x322: {  	s1 =	ssub.s32 @!p0 $0x0, s1;
	[sflag:s0] =	ssyncset.done @!p0 $0x0  }
0x323: {  	[sflag:s0] =	ssyncadd.s32 @!p0 s1  }
0x324: {  	[bflag:$0x3] =	sbarrier.arrive $0xFFFF  }
0x325: {  	_ =	shalt  }

// kernel: kernel.8.cloned.1.call-start
scs
__scs_entry_jumppad:
0x0: {  	(pc) =	sbr.rel $0x88, $3  }
0x1: {  	(tag) =	ssettag $0x0;
	lr =	simm.s32 $0x1  }
0x2: {  	[smem:$0x3F9B] =	sst lr;
	_ =	strace $0xD0000000  }
0x3: {  	_ = 	snop  }
0x4: {  	_ = 	snop  }
0x5: {  	_ = 	snop  }
0x6: {  	_ = 	snop  }
0x7: {  	_ = 	snop  }
__scs_overlays_trampoline_lowered:
0x8: {  	[smem:$0x3FAA] =	sst s0  }
0x9: {  	[smem:$0x3FAB] =	sst s1  }
0xa: {  	[smem:$0x3FAC] =	sst s2  }
0xb: {  	[smem:$0x3FAD] =	sst s3  }
0xc: {  	[smem:$0x3FAE] =	sst s4  }
0xd: {  	[smem:$0x3FAF] =	sst s5  }
0xe: {  	[smem:$0x3FB0] =	sst s6  }
0xf: {  	[smem:$0x3FB1] =	sst s7  }
0x10: {  	[smem:$0x3FB2] =	sst s8  }
0x11: {  	[smem:$0x3FB3] =	sst s9;
	s0 =	simm.s32 @!p0 $0x0  }
0x12: {  	s1 =	sld [smem:$0x3F99];
	s0 =	simm.s32 @p0 $0x1  }
0x13: {  	[smem:$0x3FB4] =	sst s0;
	s0 =	simm.s32 @!p1 $0x0  }
0x14: {  	s2 =	sld [smem:$0x3F98];
	s0 =	simm.s32 @p1 $0x1  }
0x15: {  	[smem:$0x3FB5] =	sst s0;
	s0 =	simm.s32 @!p2 $0x0  }
0x16: {  	s3 =	sld [smem:$0x3FDB];
	s0 =	simm.s32 @p2 $0x1  }
0x17: {  	s4 =	simm.s32 $0x1BF5;
	[smem:$0x3FB7] =	sst s0  }
0x18: {  	s0 =	sld [smem:$0x3F9A];
	_ =	swait.ge [sflag:s4], $0x0  }
0x19: {  	s7 =	sld [smem:$0x3F9B]  }
0x1a: {  	s8 =	sadd.s32 $0xFFFFE003, lr  }
0x1b: {  	s9 =	sadd.s32 $0xFFFFFEF7, lr;
	s5 =	simm.s32 $0xFFFFFFFF;
	p2 =	slt.u32 s8, $0xFFFFF086  }
0x1c: {  	p1 =	slt.u32 s9, $0xF7A;
	s5 =	simm.s32 @!p2 $0x0  }
0x1d: {  	s5 =	simm.s32 @p1 $0x1;
	p0 =	seq.s32 s7, s2  }
0x1e: {  	s7 =	smul.u32 @!p0 $0xF7A, s2;
	p2 =	seq.s32 @!p0 s5, $0x0  }
0x1f: {  	s9 =	smul.u32 $0xF7A, s1;
	s8 =	simm.s32 @!p0 $0x1BF5;
	p2 =	por !p2, p0  }
0x20: {  	[sflag:s8] =	ssyncset.s32 @!p0 $0xFFFFF086;
	s6 =	sadd.s32 @!p0 s3, s7;
	s7 =	simm.s32 @!p0 $0x108  }
0x21: {  	s3 =	sadd.s32 s3, s9;
	s6 =	sadd.s32 @!p0 $0x88, s6;
	s7 =	simm.s32 @p2 $0x1082  }
0x22: {  	[simem:s7], [sflag:s8] =	dma.local @!p0 [hbm:s6], $0xF7A  }
0x23: {  	s9 =	sor.u32 $0xD0000000, s2;
	s6 =	simm.s32 $0x108;
	_ =	swait.ge @!p0 [sflag:s8], $0x0  }
0x24: {  	s3 =	sadd.s32 $0x88, s3;
	s6 =	simm.s32 @!p1 $0x1082;
	[sflag:s4] =	ssyncset.s32 $0xFFFFF086  }
0x25: {  	[simem:s6], [sflag:s4] =	dma.local [hbm:s3], $0xF7A  }
0x26: {  	[smem:$0x3F9B] =	sst s1;
	(tag) =	ssettag s2;
	_ =	strace s9  }
0x27: {  	s1 =	sld [smem:$0x3FAB]  }
0x28: {  	s2 =	sld [smem:$0x3FAC]  }
0x29: {  	s4 =	sld [smem:$0x3FAE]  }
0x2a: {  	p0 =	seq.s32 s5, $0x0;
	s5 =	sld [smem:$0x3FAF]  }
0x2b: {  	s6 =	sld [smem:$0x3FB0]  }
0x2c: {  	s7 =	sld [smem:$0x3FB1]  }
0x2d: {  	s3 =	simm.s32 $0x108;
	s8 =	sld [smem:$0x3FB2]  }
0x2e: {  	s3 =	simm.s32 @!p0 $0x1082;
	s9 =	sld [smem:$0x3FB3]  }
0x2f: {  	lr =	sadd.s32 s0, s3;
	s0 =	sld [smem:$0x3FAA]  }
0x30: {  	s3 =	sld [smem:$0x3FAD]  }
0x31: {  	[smem:$0x3FB6] =	sst s10  }
0x32: {  	s10 =	sld [smem:$0x3FB4];
	_ =	sdelay $0x3  }
0x33: {  	p0 =	seq.s32 s10, $0x1;
	s10 =	sld [smem:$0x3FB6];
	_ =	sdelay $0x3  }
0x34: {  	[smem:$0x3FB6] =	sst s10  }
0x35: {  	s10 =	sld [smem:$0x3FB5];
	_ =	sdelay $0x3  }
0x36: {  	p1 =	seq.s32 s10, $0x1;
	s10 =	sld [smem:$0x3FB6];
	_ =	sdelay $0x3  }
0x37: {  	[smem:$0x3FB6] =	sst s10  }
0x38: {  	s10 =	sld [smem:$0x3FB7]  }
0x39: {  	_ = 	snop;
	(pc) =	sbr.ind lr, $3  }
0x3a: {  	_ = 	snop  }
0x3b: {  	_ = 	snop  }
0x3c: {  	p2 =	seq.s32 s10, $0x1;
	s10 =	sld [smem:$0x3FB6]  }
0x3d: {  	_ =	shalt  }
0x3e: {  	_ =	shalt  }
0x3f: {  	_ =	shalt  }
0x40: {  	_ =	shalt  }
0x41: {  	_ =	shalt  }
0x42: {  	_ =	shalt  }
0x43: {  	_ =	shalt  }
0x44: {  	_ =	shalt  }
0x45: {  	_ =	shalt  }
0x46: {  	_ =	shalt  }
0x47: {  	_ =	shalt  }
0x48: {  	_ =	shalt  }
0x49: {  	_ =	shalt  }
0x4a: {  	_ =	shalt  }
0x4b: {  	_ =	shalt  }
0x4c: {  	_ =	shalt  }
0x4d: {  	_ =	shalt  }
0x4e: {  	_ =	shalt  }
0x4f: {  	_ =	shalt  }
0x50: {  	_ =	shalt  }
0x51: {  	_ =	shalt  }
0x52: {  	_ =	shalt  }
0x53: {  	_ =	shalt  }
0x54: {  	_ =	shalt  }
0x55: {  	_ =	shalt  }
0x56: {  	_ =	shalt  }
0x57: {  	_ =	shalt  }
0x58: {  	_ =	shalt  }
0x59: {  	_ =	shalt  }
0x5a: {  	_ =	shalt  }
0x5b: {  	_ =	shalt  }
0x5c: {  	_ =	shalt  }
0x5d: {  	_ =	shalt  }
0x5e: {  	_ =	shalt  }
0x5f: {  	_ =	shalt  }
0x60: {  	_ =	shalt  }
0x61: {  	_ =	shalt  }
0x62: {  	_ =	shalt  }
0x63: {  	_ =	shalt  }
0x64: {  	_ =	shalt  }
0x65: {  	_ =	shalt  }
0x66: {  	_ =	shalt  }
0x67: {  	_ =	shalt  }
0x68: {  	_ =	shalt  }
0x69: {  	_ =	shalt  }
0x6a: {  	_ =	shalt  }
0x6b: {  	_ =	shalt  }
0x6c: {  	_ =	shalt  }
0x6d: {  	_ =	shalt  }
0x6e: {  	_ =	shalt  }
0x6f: {  	_ =	shalt  }
0x70: {  	_ =	shalt  }
0x71: {  	_ =	shalt  }
0x72: {  	_ =	shalt  }
0x73: {  	_ =	shalt  }
0x74: {  	_ =	shalt  }
0x75: {  	_ =	shalt  }
0x76: {  	_ =	shalt  }
0x77: {  	_ =	shalt  }
0x78: {  	_ =	shalt  }
0x79: {  	_ =	shalt  }
0x7a: {  	_ =	shalt  }
0x7b: {  	_ =	shalt  }
0x7c: {  	_ =	shalt  }
0x7d: {  	_ =	shalt  }
0x7e: {  	_ =	shalt  }
0x7f: {  	_ =	shalt  }
0x80: {  	_ =	shalt  }
0x81: {  	_ =	shalt  }
0x82: {  	_ =	shalt  }
0x83: {  	_ =	shalt  }
0x84: {  	_ =	shalt  }
0x85: {  	_ =	shalt  }
0x86: {  	_ =	shalt  }
0x87: {  	_ =	shalt  }
.Lfunc_end0:
.L_simem_size_0:
called_computation_lowered:
.L_overlay_start_0:
0x88: {  	s2 =	sld [smem:$0x3FD9]  }
0x89: {  	s3 =	sld [smem:$0x3FFE];
	_ =	sdelay $0x1  }
0x8a: {  	s1 =	srdreg.scid  }
0x8b: {  	s0 =	sand.u32 $0x1, s1  }
0x8c: {  	s16 =	sshll.u32 s0, $0xA;
	s2 =	sadd.s32 s3, s2  }
0x8d: {  	s2 =	sadd.s32 s2, s16  }
0x8e: {  	[smem:$0x3FC2] =	sst s2  }
0x8f: {  	_ = 	snop  }
0x90: {  	(tm) =	ssettm $0x1  }
0x91: {  	s17 =	sld [smem:$0x3FFB];
	_ =	sdelay $0x3  }
0x92: {  	_ =	strace s17  }
0x93: {  	s2 =	sld [smem:$0x3FFC];
	_ =	sdelay $0x3  }
0x94: {  	_ =	strace s2  }
0x95: {  	s2 =	sld [smem:$0x3FFD];
	_ =	sdelay $0x3  }
0x96: {  	_ =	strace s2  }
0x97: {  	_ =	strace $0x8FFFFFFF  }
0x98: {  	s18 =	sld [smem:$0x3FDB];
	_ =	sdelay $0x1  }
0x99: {  	s19 =	simm.s32 $_scs_section_size  }
0x9a: {  	s4 =	simm.s32 $_size__tile_overlayer_lowered;
	s5 =	simm.s32 $_tile_overlayer_lowered  }
0x9b: {  	s22 =	simm.s32 $0x1BFF;
	s21 =	sshll.u32 s5, $0x1;
	s2 =	sadd.s32 s19, s18  }
0x9c: {  	s6 =	simm.s32 $0x0;
	s20 =	sshll.u32 s4, $0x1;
	s4 =	sadd.s32 s21, s2  }
0x9d: {  	[timem:s6], [sflag:s22] =	dma.local [hbm:s4], s20  }
0x9e: {  	_ =	swait.ge [sflag:s22], s20  }
0x9f: {  	s3 =	ssub.s32 $0x0, s20;
	[sflag:s22] =	ssyncset.done $0x0  }
0xa0: {  	[sflag:s22] =	ssyncadd.s32 s3;
	_ =	sdelay $0x1  }
0xa1: {  	s23 =	simm.s32 $0x1B8B  }
0xa2: {  	_ =	swait.ge [sflag:s23], $0x1  }
0xa3: {  	[sflag:s23] =	ssyncset.done $0x0  }
0xa4: {  	s25 =	simm.s32 $0x1B8E;
	s24 =	sld [smem:$0x3FFE];
	[sflag:s23] =	ssyncadd.s32 $0xFFFFFFFF  }
0xa5: {  	s26 =	simm.s32 $execute0_lowered;
	[smem:$0x3FD2] =	sst s25  }
0xa6: {  	s4 =	sshll.u32 s26, $0x1;
	_ =	strace $0x80000046;
	[dreg:$0x1] =	wrdreg $0xFFFFFFFF  }
0xa7: {  	s28 =	simm.s32 $_size_execute0_lowered;
	s2 =	sadd.s32 s2, s4;
	[dreg:$0x0] =	wrdreg $0x0  }
0xa8: {  	s4 =	sshll.u32 s28, $0x1;
	[dreg:$0x2] =	wrdreg s2  }
0xa9: {  	[dreg:$0x3] =	wrdreg s4  }
0xaa: {  	[dreg:$0x4] =	wrdreg $0xC0  }
0xab: {  	_ =	task [dreg:s6], $0x5FFFF  }
0xac: {  	[dreg:$0x1] =	wrdreg $0xFFFFFFFF  }
0xad: {  	[dreg:$0x0] =	wrdreg $0x60  }
0xae: {  	[dreg:$0x2] =	wrdreg s24  }
0xaf: {  	[dreg:$0x3] =	wrdreg $0x48000  }
0xb0: {  	[dreg:$0x4] =	wrdreg $0x9  }
0xb1: {  	_ =	task.clear_ibuf [dreg:s6], $0x5FFFF;
	_ =	strace $0x90000046  }
0xb2: {  	s29 =	simm.s32 $0x9;
	_ =	strace $0x80000048  }
0xb3: {  	_ =	swait.ge [sflag:s29], $0x1  }
0xb4: {  	[sflag:s29] =	ssyncadd.s32 $0xFFFFFFFF  }
0xb5: {  	_ =	strace $0x90000048  }
0xb6: {  	_ =	sfence  }
0xb7: {  	s30 =	sld [smem:$0x0];
	_ =	sdelay $0x2  }
0xb8: {  	s31 =	sshll.u32 s1, $0xD;
	s1 =	sshrl.u32 s1, $0x2  }
0xb9: {  	s3 =	sand.u32 $0x4000, s31;
	s1 =	sadd.s32 s1, s30  }
0xba: {  	s0 =	sor.u32 s3, s0;
	s1 =	sshll.u32 s1, $0x11  }
0xbb: {  	s0 =	sor.u32 s1, s0  }
0xbc: {  	s0 =	sadd.s32 $0x8F2B, s0  }
0xbd: {  	[sflag:s0] =	ssyncadd.remote.s32 $0x1  }
0xbe: {  	_ =	sfence.sel $0xFFFF  }
0xbf: {  	[dreg:$0x0] =	wrdreg $0xFFFFFFFF;
	(pc) =	sbr.abs _section_cstart, $3  }
0xc0: {  	[dreg:$0x1] =	wrdreg $0xFFFFFFFF  }
0xc1: {  	_ =	task.clear_ibuf [dreg:s6], $0x2FFFF;
	_ =	strace $0x9FFFFFFF  }
0xc2: {  	(tm) =	ssettm $0x7FFFFFFF  }
0xc3: {  	_ =	shalt  }
tec
execute0_lowered:
.L_overlay_start_1:
0x0: {  	(tag) =	ssettag $0x1  }
0x1: {  	s5 =	rddreg [dreg:$0x0]  }
0x2: {  	s0 =	srdreg.scid;
	s2 =	rddreg [dreg:$0x1]  }
0x3: {  	s3 =	simm.s32 $0x0;
	s12 =	simm.s32 $0x3800;
	s4 =	sand.u32 $0x1, s0  }
0x4: {  	s13 =	simm.s32 $0x1;
	s0 =	stileid.u32;
	s7 =	smul.u32 $0x13C000, s4  }
0x5: {  	s14 =	simm.s32 $0x50;
	s1 =	sshll.u32 s4, $0x4;
	s8 =	smul.u32 $0x13C00, s0  }
0x6: {  	s15 =	simm.s32 $0x1000;
	s26 =	smul.u32 $0x4E200, s0;
	s1 =	sor.u32 s0, s1  }
0x7: {  	[smem:$0x7FF] =	sst s3;
	s4 =	ssub.s32 $0x2, s4;
	s6 =	smul.u32 $0x5000, s1  }
0x8: {  	s29 =	sshrl.u32 s4, $0x1;
	s1 =	rddreg [dreg:$0x2];
	s7 =	sadd.s32 s8, s7  }
0x9: {  	_ =	strace $0x80000047;
	s28 =	sshrl.u32 s7, $0x3;
	s6 =	sshrl.u32 s6, $0x3  }
0xa: {  	s30 =	ssub.s32 s4, s29;
	s11 =	sadd.s32 s6, s5;
	s5 =	sadd.s32 s28, s5  }
0xb: {  	s31 =	sshrl.u32 s26, $0x2;
	s6 =	smax.u32 s30, $0x1;
	s4 =	sadd.s32 $0x16400, s5  }
0xc: {  	s5 =	sadd.s32 s31, s2;
	s7 =	sadd.s32 $0x2400, s11;
	s8 =	sadd.s32 $0x2600, s11  }
0xd: {  	v0 =	vimm.f32 $1.000000000e+00;
	v1 =	vimm.f32 $0.0e+00;
	s9 =	sadd.s32 $0x2800, s11;
	s10 =	sadd.s32 $0x2A00, s11;
	s11 =	sadd.s32 $0x2C00, s11  }
.LBB2_1:
0xe: {  	s16 =	simm.s32 $0x0;
	s17 =	simm.s32 $0x200  }
.LBB2_2:
0xf: {  	p0 =	sne.s32 s17, $0x9E00;
	[tilespmem:s16+$0x1070] =	vst v0  }
0x10: {  	[tilespmem:s16+$0x1000] =	vst v0  }
0x11: {  	[tilespmem:s16+$0x1010] =	vst v0  }
.Ltmp0:
0x12: {  	[tilespmem:s16+$0x1020] =	vst v0;
	(pc) =	sbr.rel @p0 .LBB2_2-.Ltmp0, $4  }
0x13: {  	[tilespmem:s16+$0x1030] =	vst v0  }
0x14: {  	[tilespmem:s16+$0x1040] =	vst v0  }
0x15: {  	[tilespmem:s16+$0x1050] =	vst v0  }
0x16: {  	[tilespmem:s16+$0x1060] =	vst v0;
	s16 =	sshra.s32 s17, $0x2;
	s17 =	sadd.s32 $0x200, s17  }
0x17: {  	[tilespmem:s16+$0x1070] =	vst v0  }
0x18: {  	[tilespmem:s16+$0x1000] =	vst v0  }
0x19: {  	[tilespmem:s16+$0x1010] =	vst v0  }
0x1a: {  	[tilespmem:s16+$0x1020] =	vst v0  }
0x1b: {  	[tilespmem:s16+$0x1030] =	vst v0  }
0x1c: {  	[tilespmem:s16+$0x1040] =	vst v0  }
0x1d: {  	[tilespmem:s16+$0x1050] =	vst v0  }
0x1e: {  	[tilespmem:s16+$0x1060] =	vst v0;
	s16 =	simm.s32 $0x0;
	s17 =	simm.s32 $0x200  }
.LBB2_4:
0x1f: {  	p0 =	sne.s32 s17, $0x3000;
	[tilespmem:s16+$0x3870] =	vst v1  }
0x20: {  	[tilespmem:s16+$0x3800] =	vst v1  }
0x21: {  	[tilespmem:s16+$0x3810] =	vst v1  }
.Ltmp1:
0x22: {  	[tilespmem:s16+$0x3820] =	vst v1;
	(pc) =	sbr.rel @p0 .LBB2_4-.Ltmp1, $4  }
0x23: {  	[tilespmem:s16+$0x3830] =	vst v1  }
0x24: {  	[tilespmem:s16+$0x3840] =	vst v1  }
0x25: {  	[tilespmem:s16+$0x3850] =	vst v1  }
0x26: {  	[tilespmem:s16+$0x3860] =	vst v1;
	s16 =	sshra.s32 s17, $0x2;
	s17 =	sadd.s32 $0x200, s17  }
0x27: {  	[tilespmem:s16+$0x3870] =	vst v1  }
0x28: {  	[tilespmem:s16+$0x3800] =	vst v1  }
0x29: {  	[tilespmem:s16+$0x3810] =	vst v1  }
0x2a: {  	[tilespmem:s16+$0x3820] =	vst v1  }
0x2b: {  	[tilespmem:s16+$0x3830] =	vst v1  }
0x2c: {  	[tilespmem:s16+$0x3840] =	vst v1  }
0x2d: {  	[tilespmem:s16+$0x3850] =	vst v1  }
0x2e: {  	[tilespmem:s16+$0x3860] =	vst v1;
	s31 =	sadd.s32 $0x0, s5  }
0x2f: {  	[spmem:s31] =	stream.linear.scatter [tilespmem:s12], [sflag:$0x1], $0xC80, $0x38;
	[tilespmem:$0x18080] =	vst v63  }
0x30: {  	s16 =	simm.s32 $0x3200;
	_ =	swait.ge [sflag:s13], $0xC80  }
.LBB2_6:
0x31: {  	s17 =	sshra.s32 s16, $0x2;
	[sflag:s13] =	ssyncset.done $0x0;
	p0 =	sne.s32 s16, $0x4B000  }
.Ltmp2:
0x32: {  	s17 =	sadd.s32 s17, s5;
	[sflag:s13] =	ssyncadd.s32 $0xFFFFF380;
	(pc) =	sbr.rel @p0 .LBB2_6-.Ltmp2, $3  }
0x33: {  	[spmem:s17] =	stream.linear.scatter [tilespmem:s12], [sflag:$0x1], $0xC80, $0x38;
	[tilespmem:$0x18080] =	vst v63  }
0x34: {  	s16 =	sadd.s32 $0x3200, s16;
	_ =	sdelay $0x1  }
0x35: {  	_ =	swait.ge [sflag:s13], $0xC80  }
0x36: {  	[sflag:s13] =	ssyncset.done $0x0  }
0x37: {  	[sflag:s13] =	ssyncadd.s32 $0xFFFFF380  }
0x38: {  	s16 =	simm.s32 $0x0;
	[bflag:$0x0] =	sbarrier.arrive $0xFFFF  }
0x39: {  	[tilespmem:s16], [sflag:$0x1] =	stream.linear.gather [hbm4b:s7+s16], $0xC80, $0x38;
	[tilespmem:$0x18080] =	vst v63  }
0x3a: {  	_ =	swait.ge [sflag:s13], $0xC80  }
0x3b: {  	[sflag:s13] =	ssyncset.done $0x0  }
0x3c: {  	s31 =	simm.s32 $0x0;
	[sflag:s13] =	ssyncadd.s32 $0xFFFFF380  }
0x3d: {  	[spmem:s2] =	stream.indirect.scatter.add.f32 [tilespmem:s15], [sflag:$0x1], $0x80, s31, s14, $0xb8;
	[tilespmem:$0x18080] =	vst v63  }
0x3e: {  	_ =	swait.ge [sflag:s13], $0x2800  }
0x3f: {  	s16 =	simm.s32 $0x200;
	[sflag:s13] =	ssyncset.done $0x0  }
.LBB2_8:
0x40: {  	s17 =	sshra.s32 s16, $0x2;
	[sflag:s13] =	ssyncadd.s32 $0xFFFFD800;
	p0 =	sne.s32 s16, $0x3000  }
0x41: {  	[spmem:s2] =	stream.indirect.scatter.add.f32 [tilespmem:s15], [sflag:$0x1], $0x80, s17, s14, $0xb8;
	[tilespmem:$0x18080] =	vst v63  }
.Ltmp3:
0x42: {  	_ = 	snop;
	(pc) =	sbr.rel @p0 .LBB2_8-.Ltmp3, $4  }
0x43: {  	_ = 	snop  }
0x44: {  	s16 =	sadd.s32 $0x200, s16  }
0x45: {  	_ =	swait.ge [sflag:s13], $0x2800  }
0x46: {  	[sflag:s13] =	ssyncset.done $0x0  }
0x47: {  	[sflag:s13] =	ssyncadd.s32 $0xFFFFD800;
	s16 =	simm.s32 $0x0  }
0x48: {  	[tilespmem:s16], [sflag:$0x1] =	stream.linear.gather [hbm4b:s8+s16], $0xC80, $0x38;
	[tilespmem:$0x18080] =	vst v63  }
0x49: {  	_ =	swait.ge [sflag:s13], $0xC80  }
0x4a: {  	[sflag:s13] =	ssyncset.done $0x0  }
0x4b: {  	s31 =	simm.s32 $0x0;
	[sflag:s13] =	ssyncadd.s32 $0xFFFFF380  }
0x4c: {  	[spmem:s2] =	stream.indirect.scatter.add.f32 [tilespmem:s15], [sflag:$0x1], $0x80, s31, s14, $0xb8;
	[tilespmem:$0x18080] =	vst v63  }
0x4d: {  	_ =	swait.ge [sflag:s13], $0x2800  }
0x4e: {  	s16 =	simm.s32 $0x200;
	[sflag:s13] =	ssyncset.done $0x0  }
.LBB2_10:
0x4f: {  	s17 =	sshra.s32 s16, $0x2;
	[sflag:s13] =	ssyncadd.s32 $0xFFFFD800;
	p0 =	sne.s32 s16, $0x3000  }
0x50: {  	[spmem:s2] =	stream.indirect.scatter.add.f32 [tilespmem:s15], [sflag:$0x1], $0x80, s17, s14, $0xb8;
	[tilespmem:$0x18080] =	vst v63  }
.Ltmp4:
0x51: {  	_ = 	snop;
	(pc) =	sbr.rel @p0 .LBB2_10-.Ltmp4, $4  }
0x52: {  	_ = 	snop  }
0x53: {  	s16 =	sadd.s32 $0x200, s16  }
0x54: {  	_ =	swait.ge [sflag:s13], $0x2800  }
0x55: {  	[sflag:s13] =	ssyncset.done $0x0  }
0x56: {  	[sflag:s13] =	ssyncadd.s32 $0xFFFFD800;
	s16 =	simm.s32 $0x0  }
0x57: {  	[tilespmem:s16], [sflag:$0x1] =	stream.linear.gather [hbm4b:s9+s16], $0xC80, $0x38;
	[tilespmem:$0x18080] =	vst v63  }
0x58: {  	_ =	swait.ge [sflag:s13], $0xC80  }
0x59: {  	[sflag:s13] =	ssyncset.done $0x0  }
0x5a: {  	s31 =	simm.s32 $0x0;
	[sflag:s13] =	ssyncadd.s32 $0xFFFFF380  }
0x5b: {  	[spmem:s2] =	stream.indirect.scatter.add.f32 [tilespmem:s15], [sflag:$0x1], $0x80, s31, s14, $0xb8;
	[tilespmem:$0x18080] =	vst v63  }
0x5c: {  	_ =	swait.ge [sflag:s13], $0x2800  }
0x5d: {  	s16 =	simm.s32 $0x200;
	[sflag:s13] =	ssyncset.done $0x0  }
.LBB2_12:
0x5e: {  	s17 =	sshra.s32 s16, $0x2;
	[sflag:s13] =	ssyncadd.s32 $0xFFFFD800;
	p0 =	sne.s32 s16, $0x3000  }
0x5f: {  	[spmem:s2] =	stream.indirect.scatter.add.f32 [tilespmem:s15], [sflag:$0x1], $0x80, s17, s14, $0xb8;
	[tilespmem:$0x18080] =	vst v63  }
.Ltmp5:
0x60: {  	_ = 	snop;
	(pc) =	sbr.rel @p0 .LBB2_12-.Ltmp5, $4  }
0x61: {  	_ = 	snop  }
0x62: {  	s16 =	sadd.s32 $0x200, s16  }
0x63: {  	_ =	swait.ge [sflag:s13], $0x2800  }
0x64: {  	[sflag:s13] =	ssyncset.done $0x0  }
0x65: {  	[sflag:s13] =	ssyncadd.s32 $0xFFFFD800;
	s16 =	simm.s32 $0x0  }
0x66: {  	[tilespmem:s16], [sflag:$0x1] =	stream.linear.gather [hbm4b:s10+s16], $0xC80, $0x38;
	[tilespmem:$0x18080] =	vst v63  }
0x67: {  	_ =	swait.ge [sflag:s13], $0xC80  }
0x68: {  	[sflag:s13] =	ssyncset.done $0x0  }
0x69: {  	s31 =	simm.s32 $0x0;
	[sflag:s13] =	ssyncadd.s32 $0xFFFFF380  }
0x6a: {  	[spmem:s2] =	stream.indirect.scatter.add.f32 [tilespmem:s15], [sflag:$0x1], $0x80, s31, s14, $0xb8;
	[tilespmem:$0x18080] =	vst v63  }
0x6b: {  	_ =	swait.ge [sflag:s13], $0x2800  }
0x6c: {  	s16 =	simm.s32 $0x200;
	[sflag:s13] =	ssyncset.done $0x0  }
.LBB2_14:
0x6d: {  	s17 =	sshra.s32 s16, $0x2;
	[sflag:s13] =	ssyncadd.s32 $0xFFFFD800;
	p0 =	sne.s32 s16, $0x3000  }
0x6e: {  	[spmem:s2] =	stream.indirect.scatter.add.f32 [tilespmem:s15], [sflag:$0x1], $0x80, s17, s14, $0xb8;
	[tilespmem:$0x18080] =	vst v63  }
.Ltmp6:
0x6f: {  	_ = 	snop;
	(pc) =	sbr.rel @p0 .LBB2_14-.Ltmp6, $4  }
0x70: {  	_ = 	snop  }
0x71: {  	s16 =	sadd.s32 $0x200, s16  }
0x72: {  	_ =	swait.ge [sflag:s13], $0x2800  }
0x73: {  	[sflag:s13] =	ssyncset.done $0x0  }
0x74: {  	[sflag:s13] =	ssyncadd.s32 $0xFFFFD800;
	s16 =	simm.s32 $0x0  }
0x75: {  	[tilespmem:s16], [sflag:$0x1] =	stream.linear.gather [hbm4b:s11+s16], $0xC80, $0x38;
	[tilespmem:$0x18080] =	vst v63  }
0x76: {  	_ =	swait.ge [sflag:s13], $0xC80  }
0x77: {  	[sflag:s13] =	ssyncset.done $0x0  }
0x78: {  	s31 =	simm.s32 $0x0;
	[sflag:s13] =	ssyncadd.s32 $0xFFFFF380  }
0x79: {  	[spmem:s2] =	stream.indirect.scatter.add.f32 [tilespmem:s15], [sflag:$0x1], $0x80, s31, s14, $0xb8;
	[tilespmem:$0x18080] =	vst v63  }
0x7a: {  	_ =	swait.ge [sflag:s13], $0x2800  }
0x7b: {  	s16 =	simm.s32 $0x200;
	[sflag:s13] =	ssyncset.done $0x0  }
.LBB2_16:
0x7c: {  	s17 =	sshra.s32 s16, $0x2;
	[sflag:s13] =	ssyncadd.s32 $0xFFFFD800;
	p0 =	sne.s32 s16, $0x3000  }
0x7d: {  	[spmem:s2] =	stream.indirect.scatter.add.f32 [tilespmem:s15], [sflag:$0x1], $0x80, s17, s14, $0xb8;
	[tilespmem:$0x18080] =	vst v63  }
.Ltmp7:
0x7e: {  	_ = 	snop;
	(pc) =	sbr.rel @p0 .LBB2_16-.Ltmp7, $4  }
0x7f: {  	_ = 	snop  }
0x80: {  	s16 =	sadd.s32 $0x200, s16  }
0x81: {  	_ =	swait.ge [sflag:s13], $0x2800  }
0x82: {  	[sflag:s13] =	ssyncset.done $0x0  }
0x83: {  	[sflag:s13] =	ssyncadd.s32 $0xFFFFD800;
	s3 =	sadd.s32 $0x1, s3  }
0x84: {  	s16 =	sshll.u32 s0, $0x6;
	s17 =	sshrl.u32 s5, $0x3;
	p0 =	sne.s32 s3, s6  }
.Ltmp8:
0x85: {  	[bflag:$0x0] =	sbarrier.arrive $0xFFFF;
	s16 =	sor.u32 $0x1C01, s16;
	(pc) =	sbr.rel @p0 .LBB2_1-.Ltmp8, $4  }
0x86: {  	[hbm:s4], [sflag:s16] =	dma.local [spmem:s17], $0x2710  }
0x87: {  	_ =	swait.ge [sflag:s13], $0x2710  }
0x88: {  	[sflag:s13] =	ssyncset.done $0x0  }
0x89: {  	[sflag:s13] =	ssyncadd.s32 $0xFFFFD8F0  }
0x8a: {  	_ =	sfence.sel $0x180000  }
0x8b: {  	[bflag:$0x0] =	sbarrier.arrive $0xFFFF  }
0x8c: {  	p0 =	sne.s32 s0, $0x0;
	_ =	strace $0x90000047  }
0x8d: {  	s0 =	sadd.s32 @!p0 $0x100000, s1;
	[bflag:$0x2] =	sbarrier.arrive $0xFFFF  }
0x8e: {  	[sflag:s0] =	ssyncadd.tile.s32 @!p0 $0x1;
	_ =	shalt  }
.Lfunc_end2:
_tile_overlayer_lowered:
.L_overlay_start_2:
0x8f: {  	(tag) =	ssettag $0x2  }
0x90: {  	s0 =	rddreg [dreg:$0x0];
	s2 =	stileid.u32  }
0x91: {  	s1 =	rddreg [dreg:$0x1];
	p0 =	sne.s32 s2, $0x0  }
0x92: {  	s3 =	rddreg [dreg:$0x2];
	[bflag:$0x3] =	sbarrier.arrive $0xFFFF;
	s2 =	simm.s32 @!p0 $0x1C01  }
0x93: {  	[timem:s3], [sflag:s2] =	dma.local @!p0 [hbm:s0], s1  }
0x94: {  	s0 =	simm.s32 @!p0 $0x1  }
0x95: {  	_ =	swait.ge @!p0 [sflag:s0], s1  }
0x96: {  	s1 =	ssub.s32 @!p0 $0x0, s1;
	[sflag:s0] =	ssyncset.done @!p0 $0x0  }
0x97: {  	[sflag:s0] =	ssyncadd.s32 @!p0 s1  }
0x98: {  	[bflag:$0x3] =	sbarrier.arrive $0xFFFF  }
0x99: {  	_ =	shalt  }

</sc_bundles>
